<compile_context>
chip_gen: v7x
topology: tpu7x:2x2x1
jax: 0.10.2.dev20260603
libtpu: 0.0.44.dev20260713+nightly
codegen_flags: <defaults>
</compile_context>

<pallas_src>
import functools

import jax
import jax.numpy as jnp
from jax import lax
from jax.experimental import pallas as pl
from jax.experimental.pallas import tpu as pltpu
from jax.experimental.pallas import tpu_sc as plsc

NS = 16
PAD = 32
CNT = 28

SC_CORES = 2
SC_SUBCORES = 16
NW = SC_CORES * SC_SUBCORES


def _node_body(xt_ref, wtr_ref, a_ref, o_ref):
    xt = xt_ref[...]
    wr = wtr_ref[..., 0] + wtr_ref[..., 1]
    a = a_ref[...]
    cdim0 = (((0,), (0,)), ((), ()))
    xs2_t = lax.dot_general(wr, xt[:NS], cdim0,
                            preferred_element_type=jnp.float32)
    x2_t = jnp.concatenate([xs2_t, xt[NS:]], axis=0)
    y = lax.dot_general(x2_t, a, cdim0,
                        preferred_element_type=jnp.float32)
    bn = y.shape[0]
    o_ref[...] = jnp.concatenate(
        [y, jnp.ones((bn, 1), jnp.float32), jnp.zeros((bn, PAD - CNT - 1), jnp.float32)],
        axis=1)


def _edge_body(ea_ref, es_ref, m1t_ref, b1_ref, m2t_ref, b2_ref, bsht_ref, o_ref):
    h = jnp.maximum(jnp.dot(m1t_ref[...], ea_ref[...],
                            preferred_element_type=jnp.float32) + b1_ref[...], 0.0)
    ew = jnp.dot(m2t_ref[...], h, preferred_element_type=jnp.float32) + b2_ref[...]
    shp = jnp.dot(bsht_ref[...], es_ref[...], preferred_element_type=jnp.float32)
    d = ew * shp
    be = d.shape[1]
    d32 = jnp.concatenate(
        [d, jnp.ones((1, be), jnp.float32), jnp.zeros((PAD - CNT - 1, be), jnp.float32)],
        axis=0)
    o_ref[...] = d32.reshape(PAD // 8, 8, be // 128, 128).transpose(2, 0, 1, 3)


def _combine_body(p_ref, o_ref):
    pb = p_ref[0] + p_ref[1]
    cnt = jnp.maximum(pb[:, CNT:CNT + 1], 1.0)
    o_ref[...] = pb[:, :CNT] / cnt


def _sc_scatter(n_nodes, n_edges):
    K = 128
    ncols = n_edges // K
    cols_base = ncols // NW
    cols_extra = ncols - cols_base * NW
    rows_per_sub = n_nodes // SC_SUBCORES
    ZR = 125
    nz = rows_per_sub // ZR

    mesh = plsc.VectorSubcoreMesh(core_axis_name="c", subcore_axis_name="s",
                                  num_cores=SC_CORES, num_subcores=SC_SUBCORES)

    buf = lambda: [
        pltpu.VMEM((K,), jnp.int32),
        pltpu.VMEM((K,), jnp.int32),
        pltpu.VMEM((PAD * K,), jnp.float32),
        pltpu.VMEM((K, PAD), jnp.float32),
        pltpu.SemaphoreType.DMA,
        pltpu.SemaphoreType.DMA,
        pltpu.SemaphoreType.DMA,
    ]
    scratch = buf() + buf() + [
        pltpu.VMEM((ZR, PAD), jnp.float32),
        pltpu.VMEM_SHARED((n_nodes, PAD), jnp.float32),
    ]

    @functools.partial(
        pl.kernel,
        out_type=jax.ShapeDtypeStruct((SC_CORES, n_nodes, PAD), jnp.float32),
        mesh=mesh,
        scratch_types=scratch,
        compiler_params=pltpu.CompilerParams(use_tc_tiling_on_sc=False,
                                             needs_layout_passes=False),
    )
    def run(src_hbm, dst_hbm, y_hbm, d_hbm, out_hbm,
            si0, di0, dv0, rows0, semio0, semg0, sems0,
            si1, di1, dv1, rows1, semio1, semg1, sems1,
            zbuf, acc):
        c = lax.axis_index("c")
        s = lax.axis_index("s")
        wid = c * SC_SUBCORES + s
        zero16 = jnp.zeros((16,), jnp.float32)

        def zb(i, carry):
            zbuf[i, pl.ds(0, 16)] = zero16
            zbuf[i, pl.ds(16, 16)] = zero16
            return carry
        lax.fori_loop(0, ZR, zb, 0)

        def zc(k, carry):
            pltpu.sync_copy(zbuf, acc.at[pl.ds(s * rows_per_sub + k * ZR, ZR)])
            return carry
        lax.fori_loop(0, nz, zc, 0)
        plsc.subcore_barrier()

        col0 = wid * cols_base + jnp.minimum(wid, cols_extra)
        my_cols = cols_base + jnp.where(wid < cols_extra, 1, 0)

        iota16 = lax.iota(jnp.int32, 16)
        f_lo = iota16
        f_hi = iota16 + 16
        d_lo = iota16 * K
        d_hi = d_lo + 16 * K
        ek = [(iota16 + k) & 15 for k in range(16)]

        def do_mul(rows_, dv_):
            def mulgrp(j, carry2):
                e0 = jnp.full((16,), j * 16, jnp.int32)
                for k in range(16):
                    idx_e = e0 + ek[k]
                    vd0 = plsc.load_gather(dv_, [d_lo + idx_e])
                    vd1 = plsc.load_gather(dv_, [d_hi + idx_e])
                    vy0 = plsc.load_gather(rows_, [idx_e, f_lo])
                    vy1 = plsc.load_gather(rows_, [idx_e, f_hi])
                    plsc.store_scatter(rows_, [idx_e, f_lo], vy0 * vd0)
                    plsc.store_scatter(rows_, [idx_e, f_hi], vy1 * vd1)
                return carry2
            lax.fori_loop(0, K // 16, mulgrp, 0)

        def issue_io(col, si_, di_, dv_, sem_):
            base = col * K
            pltpu.async_copy(src_hbm.at[pl.ds(base, K)], si_, sem_)
            pltpu.async_copy(dst_hbm.at[pl.ds(base, K)], di_, sem_)
            pltpu.async_copy(d_hbm.at[col], dv_, sem_)

        def wait_io(si_, di_, dv_, sem_):
            pltpu.make_async_copy(src_hbm.at[pl.ds(0, K)], si_, sem_).wait()
            pltpu.make_async_copy(dst_hbm.at[pl.ds(0, K)], di_, sem_).wait()
            pltpu.make_async_copy(d_hbm.at[0], dv_, sem_).wait()

        npairs = my_cols // 2
        odd = my_cols - npairs * 2

        issue_io(col0, si0, di0, dv0, semio0)
        issue_io(col0 + 1, si1, di1, dv1, semio1)

        def pair(g, carry):
            c0 = col0 + 2 * g
            wait_io(si0, di0, dv0, semio0)
            g0 = pltpu.async_copy(y_hbm.at[si0], rows0, semg0)
            wait_io(si1, di1, dv1, semio1)
            g1 = pltpu.async_copy(y_hbm.at[si1], rows1, semg1)
            g0.wait()
            do_mul(rows0, dv0)
            pltpu.async_copy(rows0, acc.at[di0], sems0, add=True)
            g1.wait()
            do_mul(rows1, dv1)
            pltpu.async_copy(rows1, acc.at[di1], sems1, add=True)
            pltpu.make_async_copy(rows0, acc.at[di0], sems0).wait()

            @pl.when(2 * g + 2 < my_cols)
            def _():
                issue_io(c0 + 2, si0, di0, dv0, semio0)
            pltpu.make_async_copy(rows1, acc.at[di1], sems1).wait()

            @pl.when(2 * g + 3 < my_cols)
            def _():
                issue_io(c0 + 3, si1, di1, dv1, semio1)
            return carry
        lax.fori_loop(0, npairs, pair, 0)

        @pl.when(odd == 1)
        def _():
            wait_io(si0, di0, dv0, semio0)
            pltpu.async_copy(y_hbm.at[si0], rows0, semg0).wait()
            do_mul(rows0, dv0)
            pltpu.sync_copy(rows0, acc.at[di0], add=True)

        plsc.subcore_barrier()
        pltpu.sync_copy(acc.at[pl.ds(s * rows_per_sub, rows_per_sub)],
                        out_hbm.at[c, pl.ds(s * rows_per_sub, rows_per_sub)])

    return run


def kernel(x, edge_index, edge_attr, edge_sh, Wt_r, Wt_i, M1, b1, M2, b2, A, Bsh):
    n_nodes = x.shape[1]
    n_edges = edge_index.shape[1]
    src = edge_index[0]
    dst = edge_index[1]

    BN = 10000
    x_t = x[0].T
    y_pad = pl.pallas_call(
        _node_body,
        grid=(1,),
        in_specs=[
            pl.BlockSpec(x_t.shape, lambda i: (0, 0)),
            pl.BlockSpec(Wt_r.shape, lambda i: (0, 0, 0)),
            pl.BlockSpec(A.shape, lambda i: (0, 0)),
        ],
        out_specs=pl.BlockSpec((n_nodes, PAD), lambda i: (0, 0)),
        out_shape=jax.ShapeDtypeStruct((n_nodes, PAD), jnp.float32),
    )(x_t, Wt_r, A)

    BE = 32000
    ea_t = edge_attr.T
    es_t = edge_sh.T
    d_pad_t = pl.pallas_call(
        _edge_body,
        grid=(n_edges // BE,),
        in_specs=[
            pl.BlockSpec((ea_t.shape[0], BE), lambda i: (0, i)),
            pl.BlockSpec((es_t.shape[0], BE), lambda i: (0, i)),
            pl.BlockSpec(M1.shape, lambda i: (0, 0)),
            pl.BlockSpec((b1.shape[0], 1), lambda i: (0, 0)),
            pl.BlockSpec((M2.shape[1], M2.shape[0]), lambda i: (0, 0)),
            pl.BlockSpec((b2.shape[0], 1), lambda i: (0, 0)),
            pl.BlockSpec((Bsh.shape[1], Bsh.shape[0]), lambda i: (0, 0)),
        ],
        out_specs=pl.BlockSpec((BE // 128, PAD // 8, 8, 128), lambda i: (i, 0, 0, 0)),
        out_shape=jax.ShapeDtypeStruct((n_edges // 128, PAD // 8, 8, 128),
                                       jnp.float32),
    )(ea_t, es_t, M1.T, b1.reshape(-1, 1), M2.T, b2.reshape(-1, 1), Bsh.T)
    d_lin = d_pad_t.reshape(n_edges // 128, PAD * 128)

    partials = _sc_scatter(n_nodes, n_edges)(src, dst, y_pad, d_lin)

    out = pl.pallas_call(
        _combine_body,
        grid=(n_nodes // BN,),
        in_specs=[pl.BlockSpec((SC_CORES, BN, PAD), lambda i: (0, i, 0))],
        out_specs=pl.BlockSpec((BN, CNT), lambda i: (i, 0)),
        out_shape=jax.ShapeDtypeStruct((n_nodes, CNT), jnp.float32),
    )(partials)

    return out[None]

# --- scband reference (transcript-rebuilt; emitter-appended) ---
"""Pipeline reference for scband-simplified-tensor-product-score-model-68487548502117 (READ-ONLY COPY).

The authoritative reference and input builder live on the scoring server;
editing this copy changes nothing except your own understanding.
"""

import jax, jax.numpy as jnp
import numpy as np

N = 50000
E = 800000
NS = 16
IN_DIM = 28
SH_DIM = 9
NEF = 48
OUT_DIM = 28
MODES = 2


def setup_inputs(seed: int = 0) -> dict:
    key = jax.random.key(seed)
    ks = jax.random.split(key, 12)
    x = jax.random.normal(ks[0], (1, N, IN_DIM), dtype=jnp.float32)
    edge_index = jax.random.randint(ks[1], (2, E), 0, N, dtype=jnp.int32)
    edge_attr = jax.random.normal(ks[2], (E, NEF), dtype=jnp.float32)
    edge_sh = jax.random.normal(ks[3], (E, SH_DIM), dtype=jnp.float32)
    scale = 1.0 / (NS * NS)
    Wt_r = scale * jax.random.uniform(ks[4], (NS, NS, MODES), dtype=jnp.float32)
    Wt_i = scale * jax.random.uniform(ks[5], (NS, NS, MODES), dtype=jnp.float32)
    M1 = 0.1 * jax.random.normal(ks[6], (NEF, NEF), dtype=jnp.float32)
    b1 = jnp.zeros((NEF,), dtype=jnp.float32)
    M2 = 0.1 * jax.random.normal(ks[7], (NEF, OUT_DIM), dtype=jnp.float32)
    b2 = jnp.zeros((OUT_DIM,), dtype=jnp.float32)
    A = 0.1 * jax.random.normal(ks[8], (IN_DIM, OUT_DIM), dtype=jnp.float32)
    Bsh = 0.1 * jax.random.normal(ks[9], (SH_DIM, OUT_DIM), dtype=jnp.float32)
    return {"x": x, "edge_index": edge_index, "edge_attr": edge_attr, "edge_sh": edge_sh,
            "Wt_r": Wt_r, "Wt_i": Wt_i, "M1": M1, "b1": b1, "M2": M2, "b2": b2, "A": A, "Bsh": Bsh}


def reference(x, edge_index, edge_attr, edge_sh, Wt_r, Wt_i, M1, b1, M2, b2, A, Bsh):
    Bsz = x.shape[0]
    n_fft = min(8, Bsz)
    # --- SimplifiedSpectralConv1d on the scalar (l=0) channels: first NS dims ---
    xs = x[:, :, :NS]
    x_ft = jnp.fft.rfft(xs, n=n_fft, axis=0)
    Wt = (Wt_r + 1j * Wt_i).astype(jnp.complex64)
    out_ft = jnp.zeros((x_ft.shape[0], x.shape[1], NS), dtype=jnp.complex64)
    m = min(MODES, x_ft.shape[0])
    prod = jnp.einsum('bni,iom->bno', x_ft[:m], Wt)
    out_ft = out_ft.at[:m].set(prod)
    xs2 = jnp.fft.irfft(out_ft, n=n_fft, axis=0).astype(jnp.float32)
    if xs2.shape[0] < Bsz:
        xs2 = jnp.concatenate([xs2, jnp.zeros((Bsz - xs2.shape[0], xs2.shape[1], xs2.shape[2]), dtype=xs2.dtype)], axis=0)
    xs2 = xs2[:Bsz]
    x2 = jnp.concatenate([xs2, x[:, :, NS:]], axis=-1)
    # --- per-edge weight MLP ---
    h = jnp.maximum(edge_attr @ M1 + b1, 0.0)
    ew = h @ M2 + b2  # [E, OUT_DIM]
    src = edge_index[0]
    dst = edge_index[1]
    outs = []
    for b in range(Bsz):
        xb = x2[b]
        x_src = jnp.take(xb, src, axis=0)  # gather source node features
        # tensor product message: node path (x@A) modulated by spherical-harmonic path and per-edge weights
        msg = (x_src @ A) * (edge_sh @ Bsh) * ew  # [E, OUT_DIM]
        seg = jax.ops.segment_sum(msg, dst, num_segments=N)
        cnt = jax.ops.segment_sum(jnp.ones((E, 1), dtype=jnp.float32), dst, num_segments=N)
        outs.append(seg / jnp.maximum(cnt, 1.0))  # scatter_mean
    return jnp.stack(outs, axis=0)

if __name__ == "__main__":
    import jax
    _d = setup_inputs()
    print(jax.jit(kernel)(*tuple(_d.values())))

</pallas_src>

<mosaic_0001>
#map = affine_map<(d0, d1) -> (0)>
#map1 = affine_map<(d0, d1) -> (0, 0)>
#map2 = affine_map<(d0, d1) -> (0, 0, 0)>
module attributes {stable_mosaic.version = 14 : i64} {
  func.func @run(%arg0: i32, %arg1: i32, %arg2: memref<800000xi32, #tpu.memory_space<hbm>>, %arg3: memref<800000xi32, #tpu.memory_space<hbm>>, %arg4: memref<50000x32xf32, #tpu.memory_space<hbm>>, %arg5: memref<6250x4096xf32, #tpu.memory_space<hbm>>, %arg6: memref<2x50000x32xf32, #tpu.memory_space<hbm>>, %arg7: memref<128xi32, #tpu.memory_space<vmem>>, %arg8: memref<128xi32, #tpu.memory_space<vmem>>, %arg9: memref<4096xf32, #tpu.memory_space<vmem>>, %arg10: memref<128x32xf32, #tpu.memory_space<vmem>>, %arg11: memref<!tpu.dma_semaphore, #tpu.memory_space<semaphore_mem>>, %arg12: memref<!tpu.dma_semaphore, #tpu.memory_space<semaphore_mem>>, %arg13: memref<!tpu.dma_semaphore, #tpu.memory_space<semaphore_mem>>, %arg14: memref<128xi32, #tpu.memory_space<vmem>>, %arg15: memref<128xi32, #tpu.memory_space<vmem>>, %arg16: memref<4096xf32, #tpu.memory_space<vmem>>, %arg17: memref<128x32xf32, #tpu.memory_space<vmem>>, %arg18: memref<!tpu.dma_semaphore, #tpu.memory_space<semaphore_mem>>, %arg19: memref<!tpu.dma_semaphore, #tpu.memory_space<semaphore_mem>>, %arg20: memref<!tpu.dma_semaphore, #tpu.memory_space<semaphore_mem>>, %arg21: memref<125x32xf32, #tpu.memory_space<vmem>>, %arg22: memref<50000x32xf32, #tpu.memory_space<vmem_shared>>) attributes {dimension_semantics = [#tpu.dimension_semantics<core_parallel>, #tpu.dimension_semantics<subcore_parallel>], iteration_bounds = array<i64: 2, 16>, scalar_prefetch = 0 : i64, scratch_operands = 16 : i64, tpu.core_type = #tpu.core_type<sc_vector_subcore>, window_params = [{transform_indices = #map}, {transform_indices = #map}, {transform_indices = #map1}, {transform_indices = #map1}, {transform_indices = #map2}]} {
    %mul3A = arith.constant 16 : i32
    %mul3A_0 = arith.muli %arg0, %mul3A : i32
    %add3A = arith.addi %mul3A_0, %arg1 : i32
    %broadcast_in_dim3A = arith.constant 0.000000e+00 : f32
    %broadcast_in_dim3A_1 = vector.broadcast %broadcast_in_dim3A : f32 to vector<16xf32>
    %scan3A = arith.constant 0 : i32
    %scan3A_2 = arith.constant 0 : i32
    %scan3A_3 = arith.constant 125 : i32
    %scan3A_4 = arith.addi %scan3A_2, %scan3A_3 : i32
    %scan3A_5 = arith.constant 1 : i32
    scf.for %scan3A_188 = %scan3A_2 to %scan3A_4 step %scan3A_5  : i32 {
      %swap3A = arith.index_cast %scan3A_188 : i32 to index
      %swap3A_189 = arith.constant 0 : index
      %swap3A_190 = tpu.vector_load %arg21[%swap3A, %swap3A_189] {strides = array<i32>} : memref<125x32xf32, #tpu.memory_space<vmem>>, vector<16xf32>,
      tpu.vector_store %arg21[%swap3A, %swap3A_189], %broadcast_in_dim3A_1 {strides = array<i32>} : memref<125x32xf32, #tpu.memory_space<vmem>>, vector<16xf32>,
      %swap3A_191 = arith.index_cast %scan3A_188 : i32 to index
      %swap3A_192 = arith.constant 16 : index
      %swap3A_193 = tpu.vector_load %arg21[%swap3A_191, %swap3A_192] {strides = array<i32>} : memref<125x32xf32, #tpu.memory_space<vmem>>, vector<16xf32>,
      tpu.vector_store %arg21[%swap3A_191, %swap3A_192], %broadcast_in_dim3A_1 {strides = array<i32>} : memref<125x32xf32, #tpu.memory_space<vmem>>, vector<16xf32>,
    }
    %scan3A_6 = arith.constant 125 : i32
    %scan3A_7 = arith.constant 0 : i32
    %scan3A_8 = arith.constant 0 : i32
    %scan3A_9 = arith.constant 25 : i32
    %scan3A_10 = arith.addi %scan3A_8, %scan3A_9 : i32
    %scan3A_11 = arith.constant 1 : i32
    scf.for %scan3A_188 = %scan3A_8 to %scan3A_10 step %scan3A_11  : i32 {
      %mul3A_189 = arith.constant 3125 : i32
      %mul3A_190 = arith.muli %arg1, %mul3A_189 : i32
      %mul3A_191 = arith.constant 125 : i32
      %mul3A_192 = arith.muli %scan3A_188, %mul3A_191 : i32
      %add3A_193 = arith.addi %mul3A_190, %mul3A_192 : i32
      "tpu.region"() ({
        %run_scoped3A = tpu.sem_alloc : memref<!tpu.dma_semaphore, #tpu.memory_space<semaphore_mem>>
        %dma_start3A_194 = arith.constant 0 : i32
        %dma_start3A_195 = tpu.memref_slice %arg22[%add3A_193, %dma_start3A_194] : memref<50000x32xf32, #tpu.memory_space<vmem_shared>> -> memref<125x32xf32, #tpu.memory_space<vmem_shared>>
        %dma_start3A_196 = arith.constant 0 : i32
        %dma_start3A_197 = tpu.memref_slice %arg22[%add3A_193, %dma_start3A_196] : memref<50000x32xf32, #tpu.memory_space<vmem_shared>> -> memref<125x32xf32, #tpu.memory_space<vmem_shared>>
        tpu.enqueue_dma source(%arg21 : memref<125x32xf32, #tpu.memory_space<vmem>>) target(%dma_start3A_197 : memref<125x32xf32, #tpu.memory_space<vmem_shared>>) target_semaphore(%run_scoped3A : memref<!tpu.dma_semaphore, #tpu.memory_space<semaphore_mem>>)
        %dma_wait3A = arith.constant 0 : i32
        %dma_wait3A_198 = tpu.memref_slice %arg22[%add3A_193, %dma_wait3A] : memref<50000x32xf32, #tpu.memory_space<vmem_shared>> -> memref<125x32xf32, #tpu.memory_space<vmem_shared>>
        %dma_wait3A_199 = arith.constant 0 : i32
        %dma_wait3A_200 = tpu.memref_slice %arg22[%add3A_193, %dma_wait3A_199] : memref<50000x32xf32, #tpu.memory_space<vmem_shared>> -> memref<125x32xf32, #tpu.memory_space<vmem_shared>>
        tpu.wait_dma2 semaphore(%run_scoped3A : memref<!tpu.dma_semaphore, #tpu.memory_space<semaphore_mem>>) src(%arg21 : memref<125x32xf32, #tpu.memory_space<vmem>>) dst(%dma_wait3A_200 : memref<125x32xf32, #tpu.memory_space<vmem_shared>>)
        tpu.yield
      }) : () -> ()
    }
    %scan3A_12 = arith.constant 25 : i32
    %barrier3A = arith.constant 0 : index
    tpu.barrier barrier_id(%barrier3A)
    %mul3A_13 = arith.constant 195 : i32
    %mul3A_14 = arith.muli %add3A, %mul3A_13 : i32
    %min3A = arith.constant 10 : i32
    %min3A_15 = arith.minsi %add3A, %min3A : i32
    %add3A_16 = arith.addi %mul3A_14, %min3A_15 : i32
    %lt3A = arith.constant 10 : i32
    %lt3A_17 = arith.cmpi slt, %add3A, %lt3A : i32
    %jit3A = arith.constant 1 : i32
    %jit3A_18 = arith.constant 0 : i32
    %select_n3A = arith.select %lt3A_17, %jit3A, %jit3A_18 : i32
    %add3A_19 = arith.constant 195 : i32
    %add3A_20 = arith.addi %add3A_19, %select_n3A : i32
    %iota3A = tpu.iota {dimensions = array<i32: 0>} : vector<16xi32>
    %add3A_21 = arith.constant 16 : i32
    %add3A_22 = vector.broadcast %add3A_21 : i32 to vector<16xi32>
    %add3A_23 = arith.addi %iota3A, %add3A_22 : vector<16xi32>
    %mul3A_24 = arith.constant 128 : i32
    %mul3A_25 = vector.broadcast %mul3A_24 : i32 to vector<16xi32>
    %mul3A_26 = arith.muli %iota3A, %mul3A_25 : vector<16xi32>
    %add3A_27 = arith.constant 2048 : i32
    %add3A_28 = vector.broadcast %add3A_27 : i32 to vector<16xi32>
    %add3A_29 = arith.addi %mul3A_26, %add3A_28 : vector<16xi32>
    %add3A_30 = arith.constant 0 : i32
    %add3A_31 = vector.broadcast %add3A_30 : i32 to vector<16xi32>
    %add3A_32 = arith.addi %iota3A, %add3A_31 : vector<16xi32>
    %and3A = arith.constant 15 : i32
    %and3A_33 = vector.broadcast %and3A : i32 to vector<16xi32>
    %and3A_34 = arith.andi %add3A_32, %and3A_33 : vector<16xi32>
    %add3A_35 = arith.constant 1 : i32
    %add3A_36 = vector.broadcast %add3A_35 : i32 to vector<16xi32>
    %add3A_37 = arith.addi %iota3A, %add3A_36 : vector<16xi32>
    %and3A_38 = arith.constant 15 : i32
    %and3A_39 = vector.broadcast %and3A_38 : i32 to vector<16xi32>
    %and3A_40 = arith.andi %add3A_37, %and3A_39 : vector<16xi32>
    %add3A_41 = arith.constant 2 : i32
    %add3A_42 = vector.broadcast %add3A_41 : i32 to vector<16xi32>
    %add3A_43 = arith.addi %iota3A, %add3A_42 : vector<16xi32>
    %and3A_44 = arith.constant 15 : i32
    %and3A_45 = vector.broadcast %and3A_44 : i32 to vector<16xi32>
    %and3A_46 = arith.andi %add3A_43, %and3A_45 : vector<16xi32>
    %add3A_47 = arith.constant 3 : i32
    %add3A_48 = vector.broadcast %add3A_47 : i32 to vector<16xi32>
    %add3A_49 = arith.addi %iota3A, %add3A_48 : vector<16xi32>
    %and3A_50 = arith.constant 15 : i32
    %and3A_51 = vector.broadcast %and3A_50 : i32 to vector<16xi32>
    %and3A_52 = arith.andi %add3A_49, %and3A_51 : vector<16xi32>
    %add3A_53 = arith.constant 4 : i32
    %add3A_54 = vector.broadcast %add3A_53 : i32 to vector<16xi32>
    %add3A_55 = arith.addi %iota3A, %add3A_54 : vector<16xi32>
    %and3A_56 = arith.constant 15 : i32
    %and3A_57 = vector.broadcast %and3A_56 : i32 to vector<16xi32>
    %and3A_58 = arith.andi %add3A_55, %and3A_57 : vector<16xi32>
    %add3A_59 = arith.constant 5 : i32
    %add3A_60 = vector.broadcast %add3A_59 : i32 to vector<16xi32>
    %add3A_61 = arith.addi %iota3A, %add3A_60 : vector<16xi32>
    %and3A_62 = arith.constant 15 : i32
    %and3A_63 = vector.broadcast %and3A_62 : i32 to vector<16xi32>
    %and3A_64 = arith.andi %add3A_61, %and3A_63 : vector<16xi32>
    %add3A_65 = arith.constant 6 : i32
    %add3A_66 = vector.broadcast %add3A_65 : i32 to vector<16xi32>
    %add3A_67 = arith.addi %iota3A, %add3A_66 : vector<16xi32>
    %and3A_68 = arith.constant 15 : i32
    %and3A_69 = vector.broadcast %and3A_68 : i32 to vector<16xi32>
    %and3A_70 = arith.andi %add3A_67, %and3A_69 : vector<16xi32>
    %add3A_71 = arith.constant 7 : i32
    %add3A_72 = vector.broadcast %add3A_71 : i32 to vector<16xi32>
    %add3A_73 = arith.addi %iota3A, %add3A_72 : vector<16xi32>
    %and3A_74 = arith.constant 15 : i32
    %and3A_75 = vector.broadcast %and3A_74 : i32 to vector<16xi32>
    %and3A_76 = arith.andi %add3A_73, %and3A_75 : vector<16xi32>
    %add3A_77 = arith.constant 8 : i32
    %add3A_78 = vector.broadcast %add3A_77 : i32 to vector<16xi32>
    %add3A_79 = arith.addi %iota3A, %add3A_78 : vector<16xi32>
    %and3A_80 = arith.constant 15 : i32
    %and3A_81 = vector.broadcast %and3A_80 : i32 to vector<16xi32>
    %and3A_82 = arith.andi %add3A_79, %and3A_81 : vector<16xi32>
    %add3A_83 = arith.constant 9 : i32
    %add3A_84 = vector.broadcast %add3A_83 : i32 to vector<16xi32>
    %add3A_85 = arith.addi %iota3A, %add3A_84 : vector<16xi32>
    %and3A_86 = arith.constant 15 : i32
    %and3A_87 = vector.broadcast %and3A_86 : i32 to vector<16xi32>
    %and3A_88 = arith.andi %add3A_85, %and3A_87 : vector<16xi32>
    %add3A_89 = arith.constant 10 : i32
    %add3A_90 = vector.broadcast %add3A_89 : i32 to vector<16xi32>
    %add3A_91 = arith.addi %iota3A, %add3A_90 : vector<16xi32>
    %and3A_92 = arith.constant 15 : i32
    %and3A_93 = vector.broadcast %and3A_92 : i32 to vector<16xi32>
    %and3A_94 = arith.andi %add3A_91, %and3A_93 : vector<16xi32>
    %add3A_95 = arith.constant 11 : i32
    %add3A_96 = vector.broadcast %add3A_95 : i32 to vector<16xi32>
    %add3A_97 = arith.addi %iota3A, %add3A_96 : vector<16xi32>
    %and3A_98 = arith.constant 15 : i32
    %and3A_99 = vector.broadcast %and3A_98 : i32 to vector<16xi32>
    %and3A_100 = arith.andi %add3A_97, %and3A_99 : vector<16xi32>
    %add3A_101 = arith.constant 12 : i32
    %add3A_102 = vector.broadcast %add3A_101 : i32 to vector<16xi32>
    %add3A_103 = arith.addi %iota3A, %add3A_102 : vector<16xi32>
    %and3A_104 = arith.constant 15 : i32
    %and3A_105 = vector.broadcast %and3A_104 : i32 to vector<16xi32>
    %and3A_106 = arith.andi %add3A_103, %and3A_105 : vector<16xi32>
    %add3A_107 = arith.constant 13 : i32
    %add3A_108 = vector.broadcast %add3A_107 : i32 to vector<16xi32>
    %add3A_109 = arith.addi %iota3A, %add3A_108 : vector<16xi32>
    %and3A_110 = arith.constant 15 : i32
    %and3A_111 = vector.broadcast %and3A_110 : i32 to vector<16xi32>
    %and3A_112 = arith.andi %add3A_109, %and3A_111 : vector<16xi32>
    %add3A_113 = arith.constant 14 : i32
    %add3A_114 = vector.broadcast %add3A_113 : i32 to vector<16xi32>
    %add3A_115 = arith.addi %iota3A, %add3A_114 : vector<16xi32>
    %and3A_116 = arith.constant 15 : i32
    %and3A_117 = vector.broadcast %and3A_116 : i32 to vector<16xi32>
    %and3A_118 = arith.andi %add3A_115, %and3A_117 : vector<16xi32>
    %add3A_119 = arith.constant 15 : i32
    %add3A_120 = vector.broadcast %add3A_119 : i32 to vector<16xi32>
    %add3A_121 = arith.addi %iota3A, %add3A_120 : vector<16xi32>
    %and3A_122 = arith.constant 15 : i32
    %and3A_123 = vector.broadcast %and3A_122 : i32 to vector<16xi32>
    %and3A_124 = arith.andi %add3A_121, %and3A_123 : vector<16xi32>
    %jit3A_125 = arith.constant 2 : i32
    %div3A = arith.divsi %add3A_20, %jit3A_125 : i32
    %sign3A = arith.constant 0 : i32
    %sign3A_126 = arith.cmpi sgt, %add3A_20, %sign3A : i32
    %sign3A_127 = arith.extui %sign3A_126 : i1 to i32
    %sign3A_128 = arith.constant 0 : i32
    %sign3A_129 = arith.cmpi slt, %add3A_20, %sign3A_128 : i32
    %sign3A_130 = arith.extui %sign3A_129 : i1 to i32
    %sign3A_131 = arith.subi %sign3A_127, %sign3A_130 : i32
    %sign3A_132 = arith.constant 0 : i32
    %sign3A_133 = arith.cmpi sgt, %jit3A_125, %sign3A_132 : i32
    %sign3A_134 = arith.extui %sign3A_133 : i1 to i32
    %sign3A_135 = arith.constant 0 : i32
    %sign3A_136 = arith.cmpi slt, %jit3A_125, %sign3A_135 : i32
    %sign3A_137 = arith.extui %sign3A_136 : i1 to i32
    %sign3A_138 = arith.subi %sign3A_134, %sign3A_137 : i32
    %ne3A = arith.cmpi ne, %sign3A_131, %sign3A_138 : i32
    %rem3A = arith.remsi %add3A_20, %jit3A_125 : i32
    %ne3A_139 = arith.constant 0 : i32
    %ne3A_140 = arith.cmpi ne, %rem3A, %ne3A_139 : i32
    %and3A_141 = arith.andi %ne3A, %ne3A_140 : i1
    %sub3A = arith.constant 1 : i32
    %sub3A_142 = arith.subi %div3A, %sub3A : i32
    %select_n3A_143 = arith.select %and3A_141, %sub3A_142, %div3A : i32
    %mul3A_144 = arith.constant 2 : i32
    %mul3A_145 = arith.muli %select_n3A_143, %mul3A_144 : i32
    %sub3A_146 = arith.subi %add3A_20, %mul3A_145 : i32
    %mul3A_147 = arith.constant 128 : i32
    %mul3A_148 = arith.muli %add3A_16, %mul3A_147 : i32
    %dma_start3A = tpu.memref_slice %arg2[%mul3A_148] : memref<800000xi32, #tpu.memory_space<hbm>> -> memref<128xi32, #tpu.memory_space<hbm>>
    %dma_start3A_149 = tpu.memref_slice %arg2[%mul3A_148] : memref<800000xi32, #tpu.memory_space<hbm>> -> memref<128xi32, #tpu.memory_space<hbm>>
    tpu.enqueue_dma source(%dma_start3A_149 : memref<128xi32, #tpu.memory_space<hbm>>) target(%arg7 : memref<128xi32, #tpu.memory_space<vmem>>) target_semaphore(%arg11 : memref<!tpu.dma_semaphore, #tpu.memory_space<semaphore_mem>>)
    %dma_start3A_150 = tpu.memref_slice %arg3[%mul3A_148] : memref<800000xi32, #tpu.memory_space<hbm>> -> memref<128xi32, #tpu.memory_space<hbm>>
    %dma_start3A_151 = tpu.memref_slice %arg3[%mul3A_148] : memref<800000xi32, #tpu.memory_space<hbm>> -> memref<128xi32, #tpu.memory_space<hbm>>
    tpu.enqueue_dma source(%dma_start3A_151 : memref<128xi32, #tpu.memory_space<hbm>>) target(%arg8 : memref<128xi32, #tpu.memory_space<vmem>>) target_semaphore(%arg11 : memref<!tpu.dma_semaphore, #tpu.memory_space<semaphore_mem>>)
    %dma_start3A_152 = arith.constant 0 : i32
    %dma_start3A_153 = tpu.memref_slice %arg5[%add3A_16, %dma_start3A_152] : memref<6250x4096xf32, #tpu.memory_space<hbm>> -> memref<1x4096xf32, #tpu.memory_space<hbm>>
    %dma_start3A_154 = tpu.memref_squeeze %dma_start3A_153 : memref<1x4096xf32, #tpu.memory_space<hbm>> -> memref<4096xf32, #tpu.memory_space<hbm>>
    %dma_start3A_155 = arith.constant 0 : i32
    %dma_start3A_156 = tpu.memref_slice %arg5[%add3A_16, %dma_start3A_155] : memref<6250x4096xf32, #tpu.memory_space<hbm>> -> memref<1x4096xf32, #tpu.memory_space<hbm>>
    %dma_start3A_157 = tpu.memref_squeeze %dma_start3A_156 : memref<1x4096xf32, #tpu.memory_space<hbm>> -> memref<4096xf32, #tpu.memory_space<hbm>>
    tpu.enqueue_dma source(%dma_start3A_157 : memref<4096xf32, #tpu.memory_space<hbm>>) target(%arg9 : memref<4096xf32, #tpu.memory_space<vmem>>) target_semaphore(%arg11 : memref<!tpu.dma_semaphore, #tpu.memory_space<semaphore_mem>>)
    %add3A_158 = arith.constant 1 : i32
    %add3A_159 = arith.addi %add3A_16, %add3A_158 : i32
    %mul3A_160 = arith.constant 128 : i32
    %mul3A_161 = arith.muli %add3A_159, %mul3A_160 : i32
    %dma_start3A_162 = tpu.memref_slice %arg2[%mul3A_161] : memref<800000xi32, #tpu.memory_space<hbm>> -> memref<128xi32, #tpu.memory_space<hbm>>
    %dma_start3A_163 = tpu.memref_slice %arg2[%mul3A_161] : memref<800000xi32, #tpu.memory_space<hbm>> -> memref<128xi32, #tpu.memory_space<hbm>>
    tpu.enqueue_dma source(%dma_start3A_163 : memref<128xi32, #tpu.memory_space<hbm>>) target(%arg14 : memref<128xi32, #tpu.memory_space<vmem>>) target_semaphore(%arg18 : memref<!tpu.dma_semaphore, #tpu.memory_space<semaphore_mem>>)
    %dma_start3A_164 = tpu.memref_slice %arg3[%mul3A_161] : memref<800000xi32, #tpu.memory_space<hbm>> -> memref<128xi32, #tpu.memory_space<hbm>>
    %dma_start3A_165 = tpu.memref_slice %arg3[%mul3A_161] : memref<800000xi32, #tpu.memory_space<hbm>> -> memref<128xi32, #tpu.memory_space<hbm>>
    tpu.enqueue_dma source(%dma_start3A_165 : memref<128xi32, #tpu.memory_space<hbm>>) target(%arg15 : memref<128xi32, #tpu.memory_space<vmem>>) target_semaphore(%arg18 : memref<!tpu.dma_semaphore, #tpu.memory_space<semaphore_mem>>)
    %dma_start3A_166 = arith.constant 0 : i32
    %dma_start3A_167 = tpu.memref_slice %arg5[%add3A_159, %dma_start3A_166] : memref<6250x4096xf32, #tpu.memory_space<hbm>> -> memref<1x4096xf32, #tpu.memory_space<hbm>>
    %dma_start3A_168 = tpu.memref_squeeze %dma_start3A_167 : memref<1x4096xf32, #tpu.memory_space<hbm>> -> memref<4096xf32, #tpu.memory_space<hbm>>
    %dma_start3A_169 = arith.constant 0 : i32
    %dma_start3A_170 = tpu.memref_slice %arg5[%add3A_159, %dma_start3A_169] : memref<6250x4096xf32, #tpu.memory_space<hbm>> -> memref<1x4096xf32, #tpu.memory_space<hbm>>
    %dma_start3A_171 = tpu.memref_squeeze %dma_start3A_170 : memref<1x4096xf32, #tpu.memory_space<hbm>> -> memref<4096xf32, #tpu.memory_space<hbm>>
    tpu.enqueue_dma source(%dma_start3A_171 : memref<4096xf32, #tpu.memory_space<hbm>>) target(%arg16 : memref<4096xf32, #tpu.memory_space<vmem>>) target_semaphore(%arg18 : memref<!tpu.dma_semaphore, #tpu.memory_space<semaphore_mem>>)
    %while3A = arith.constant 0 : i32
    %while3A_172 = arith.constant 0 : i32
    %while3A_173 = arith.subi %select_n3A_143, %while3A_172 : i32
    %while3A_174 = arith.addi %while3A_172, %while3A_173 : i32
    %while3A_175 = arith.constant 1 : i32
    %while3A_176 = arith.divsi %while3A_173, %while3A_175 : i32
    %while3A_177 = arith.muli %while3A_176, %while3A_175 : i32
    %while3A_178 = arith.addi %while3A_172, %while3A_177 : i32
    %while3A_179 = arith.constant 1 : i32
    scf.for %while3A_188 = %while3A_172 to %while3A_178 step %while3A_179  : i32 {
      %mul3A_189 = arith.constant 2 : i32
      %mul3A_190 = arith.muli %mul3A_189, %while3A_188 : i32
      %add3A_191 = arith.addi %add3A_16, %mul3A_190 : i32
      %dma_wait3A = arith.constant 0 : i32
      %dma_wait3A_192 = tpu.memref_slice %arg2[%dma_wait3A] : memref<800000xi32, #tpu.memory_space<hbm>> -> memref<128xi32, #tpu.memory_space<hbm>>
      %dma_wait3A_193 = arith.constant 0 : i32
      %dma_wait3A_194 = tpu.memref_slice %arg2[%dma_wait3A_193] : memref<800000xi32, #tpu.memory_space<hbm>> -> memref<128xi32, #tpu.memory_space<hbm>>
      tpu.wait_dma2 semaphore(%arg11 : memref<!tpu.dma_semaphore, #tpu.memory_space<semaphore_mem>>) src(%dma_wait3A_194 : memref<128xi32, #tpu.memory_space<hbm>>) dst(%arg7 : memref<128xi32, #tpu.memory_space<vmem>>)
      %dma_wait3A_195 = arith.constant 0 : i32
      %dma_wait3A_196 = tpu.memref_slice %arg3[%dma_wait3A_195] : memref<800000xi32, #tpu.memory_space<hbm>> -> memref<128xi32, #tpu.memory_space<hbm>>
      %dma_wait3A_197 = arith.constant 0 : i32
      %dma_wait3A_198 = tpu.memref_slice %arg3[%dma_wait3A_197] : memref<800000xi32, #tpu.memory_space<hbm>> -> memref<128xi32, #tpu.memory_space<hbm>>
      tpu.wait_dma2 semaphore(%arg11 : memref<!tpu.dma_semaphore, #tpu.memory_space<semaphore_mem>>) src(%dma_wait3A_198 : memref<128xi32, #tpu.memory_space<hbm>>) dst(%arg8 : memref<128xi32, #tpu.memory_space<vmem>>)
      %dma_wait3A_199 = arith.constant 0 : i32
      %dma_wait3A_200 = arith.constant 0 : i32
      %dma_wait3A_201 = tpu.memref_slice %arg5[%dma_wait3A_199, %dma_wait3A_200] : memref<6250x4096xf32, #tpu.memory_space<hbm>> -> memref<1x4096xf32, #tpu.memory_space<hbm>>
      %dma_wait3A_202 = tpu.memref_squeeze %dma_wait3A_201 : memref<1x4096xf32, #tpu.memory_space<hbm>> -> memref<4096xf32, #tpu.memory_space<hbm>>
      %dma_wait3A_203 = arith.constant 0 : i32
      %dma_wait3A_204 = tpu.memref_slice %arg5[%dma_wait3A_199, %dma_wait3A_203] : memref<6250x4096xf32, #tpu.memory_space<hbm>> -> memref<1x4096xf32, #tpu.memory_space<hbm>>
      %dma_wait3A_205 = tpu.memref_squeeze %dma_wait3A_204 : memref<1x4096xf32, #tpu.memory_space<hbm>> -> memref<4096xf32, #tpu.memory_space<hbm>>
      tpu.wait_dma2 semaphore(%arg11 : memref<!tpu.dma_semaphore, #tpu.memory_space<semaphore_mem>>) src(%dma_wait3A_205 : memref<4096xf32, #tpu.memory_space<hbm>>) dst(%arg9 : memref<4096xf32, #tpu.memory_space<vmem>>)
      %dma_start3A_206 = arith.constant 0 : i32
      %dma_start3A_207 = arith.constant 0 : i32
      %dma_start3A_208 = tpu.memref_slice %arg4[%dma_start3A_206, %dma_start3A_207] : memref<50000x32xf32, #tpu.memory_space<hbm>> -> memref<50000x32xf32, #tpu.memory_space<hbm>>
      tpu.enqueue_indirect_dma source(%dma_start3A_208 : memref<50000x32xf32, #tpu.memory_space<hbm>>) target(%arg10 : memref<128x32xf32, #tpu.memory_space<vmem>>) offsets(%arg7 : memref<128xi32, #tpu.memory_space<vmem>>) semaphore(%arg12 : memref<!tpu.dma_semaphore, #tpu.memory_space<semaphore_mem>>)
      %dma_wait3A_209 = arith.constant 0 : i32
      %dma_wait3A_210 = tpu.memref_slice %arg2[%dma_wait3A_209] : memref<800000xi32, #tpu.memory_space<hbm>> -> memref<128xi32, #tpu.memory_space<hbm>>
      %dma_wait3A_211 = arith.constant 0 : i32
      %dma_wait3A_212 = tpu.memref_slice %arg2[%dma_wait3A_211] : memref<800000xi32, #tpu.memory_space<hbm>> -> memref<128xi32, #tpu.memory_space<hbm>>
      tpu.wait_dma2 semaphore(%arg18 : memref<!tpu.dma_semaphore, #tpu.memory_space<semaphore_mem>>) src(%dma_wait3A_212 : memref<128xi32, #tpu.memory_space<hbm>>) dst(%arg14 : memref<128xi32, #tpu.memory_space<vmem>>)
      %dma_wait3A_213 = arith.constant 0 : i32
      %dma_wait3A_214 = tpu.memref_slice %arg3[%dma_wait3A_213] : memref<800000xi32, #tpu.memory_space<hbm>> -> memref<128xi32, #tpu.memory_space<hbm>>
      %dma_wait3A_215 = arith.constant 0 : i32
      %dma_wait3A_216 = tpu.memref_slice %arg3[%dma_wait3A_215] : memref<800000xi32, #tpu.memory_space<hbm>> -> memref<128xi32, #tpu.memory_space<hbm>>
      tpu.wait_dma2 semaphore(%arg18 : memref<!tpu.dma_semaphore, #tpu.memory_space<semaphore_mem>>) src(%dma_wait3A_216 : memref<128xi32, #tpu.memory_space<hbm>>) dst(%arg15 : memref<128xi32, #tpu.memory_space<vmem>>)
      %dma_wait3A_217 = arith.constant 0 : i32
      %dma_wait3A_218 = arith.constant 0 : i32
      %dma_wait3A_219 = tpu.memref_slice %arg5[%dma_wait3A_217, %dma_wait3A_218] : memref<6250x4096xf32, #tpu.memory_space<hbm>> -> memref<1x4096xf32, #tpu.memory_space<hbm>>
      %dma_wait3A_220 = tpu.memref_squeeze %dma_wait3A_219 : memref<1x4096xf32, #tpu.memory_space<hbm>> -> memref<4096xf32, #tpu.memory_space<hbm>>
      %dma_wait3A_221 = arith.constant 0 : i32
      %dma_wait3A_222 = tpu.memref_slice %arg5[%dma_wait3A_217, %dma_wait3A_221] : memref<6250x4096xf32, #tpu.memory_space<hbm>> -> memref<1x4096xf32, #tpu.memory_space<hbm>>
      %dma_wait3A_223 = tpu.memref_squeeze %dma_wait3A_222 : memref<1x4096xf32, #tpu.memory_space<hbm>> -> memref<4096xf32, #tpu.memory_space<hbm>>
      tpu.wait_dma2 semaphore(%arg18 : memref<!tpu.dma_semaphore, #tpu.memory_space<semaphore_mem>>) src(%dma_wait3A_223 : memref<4096xf32, #tpu.memory_space<hbm>>) dst(%arg16 : memref<4096xf32, #tpu.memory_space<vmem>>)
      %dma_start3A_224 = arith.constant 0 : i32
      %dma_start3A_225 = arith.constant 0 : i32
      %dma_start3A_226 = tpu.memref_slice %arg4[%dma_start3A_224, %dma_start3A_225] : memref<50000x32xf32, #tpu.memory_space<hbm>> -> memref<50000x32xf32, #tpu.memory_space<hbm>>
      tpu.enqueue_indirect_dma source(%dma_start3A_226 : memref<50000x32xf32, #tpu.memory_space<hbm>>) target(%arg17 : memref<128x32xf32, #tpu.memory_space<vmem>>) offsets(%arg14 : memref<128xi32, #tpu.memory_space<vmem>>) semaphore(%arg19 : memref<!tpu.dma_semaphore, #tpu.memory_space<semaphore_mem>>)
      %dma_wait3A_227 = arith.constant 0 : i32
      %dma_wait3A_228 = arith.constant 0 : i32
      %dma_wait3A_229 = tpu.memref_slice %arg4[%dma_wait3A_227, %dma_wait3A_228] : memref<50000x32xf32, #tpu.memory_space<hbm>> -> memref<50000x32xf32, #tpu.memory_space<hbm>>
      tpu.wait_indirect_dma semaphore(%arg12 : memref<!tpu.dma_semaphore, #tpu.memory_space<semaphore_mem>>) src(%dma_wait3A_229 : memref<50000x32xf32, #tpu.memory_space<hbm>>) dst(%arg10 : memref<128x32xf32, #tpu.memory_space<vmem>>)
      %scan3A_230 = arith.constant 0 : i32
      %scan3A_231 = arith.constant 0 : i32
      %scan3A_232 = arith.constant 8 : i32
      %scan3A_233 = arith.addi %scan3A_231, %scan3A_232 : i32
      %scan3A_234 = arith.constant 1 : i32
      scf.for %scan3A_273 = %scan3A_231 to %scan3A_233 step %scan3A_234  : i32 {
        %mul3A_274 = arith.constant 16 : i32
        %mul3A_275 = arith.muli %scan3A_273, %mul3A_274 : i32
        %broadcast_in_dim3A_276 = vector.broadcast %mul3A_275 : i32 to vector<16xi32>
        %add3A_277 = arith.addi %broadcast_in_dim3A_276, %and3A_34 : vector<16xi32>
        %add3A_278 = arith.addi %mul3A_26, %add3A_277 : vector<16xi32>
        %gather3A = tpu.vector_load_idx %arg9[%add3A_278] : memref<4096xf32, #tpu.memory_space<vmem>>[vector<16xi32>], vector<16xf32>,
        %add3A_279 = arith.addi %add3A_29, %add3A_277 : vector<16xi32>
        %gather3A_280 = tpu.vector_load_idx %arg9[%add3A_279] : memref<4096xf32, #tpu.memory_space<vmem>>[vector<16xi32>], vector<16xf32>,
        %gather3A_281 = tpu.vector_load_idx %arg10[%add3A_277, %iota3A] : memref<128x32xf32, #tpu.memory_space<vmem>>[vector<16xi32>, vector<16xi32>], vector<16xf32>,
        %gather3A_282 = tpu.vector_load_idx %arg10[%add3A_277, %add3A_23] : memref<128x32xf32, #tpu.memory_space<vmem>>[vector<16xi32>, vector<16xi32>], vector<16xf32>,
        %mul3A_283 = arith.mulf %gather3A_281, %gather3A : vector<16xf32>
        tpu.vector_store_idx %arg10[%add3A_277, %iota3A], %mul3A_283 : memref<128x32xf32, #tpu.memory_space<vmem>>[vector<16xi32>, vector<16xi32>], vector<16xf32>,
        %mul3A_284 = arith.mulf %gather3A_282, %gather3A_280 : vector<16xf32>
        tpu.vector_store_idx %arg10[%add3A_277, %add3A_23], %mul3A_284 : memref<128x32xf32, #tpu.memory_space<vmem>>[vector<16xi32>, vector<16xi32>], vector<16xf32>,
        %add3A_285 = arith.addi %broadcast_in_dim3A_276, %and3A_40 : vector<16xi32>
        %add3A_286 = arith.addi %mul3A_26, %add3A_285 : vector<16xi32>
        %gather3A_287 = tpu.vector_load_idx %arg9[%add3A_286] : memref<4096xf32, #tpu.memory_space<vmem>>[vector<16xi32>], vector<16xf32>,
        %add3A_288 = arith.addi %add3A_29, %add3A_285 : vector<16xi32>
        %gather3A_289 = tpu.vector_load_idx %arg9[%add3A_288] : memref<4096xf32, #tpu.memory_space<vmem>>[vector<16xi32>], vector<16xf32>,
        %gather3A_290 = tpu.vector_load_idx %arg10[%add3A_285, %iota3A] : memref<128x32xf32, #tpu.memory_space<vmem>>[vector<16xi32>, vector<16xi32>], vector<16xf32>,
        %gather3A_291 = tpu.vector_load_idx %arg10[%add3A_285, %add3A_23] : memref<128x32xf32, #tpu.memory_space<vmem>>[vector<16xi32>, vector<16xi32>], vector<16xf32>,
        %mul3A_292 = arith.mulf %gather3A_290, %gather3A_287 : vector<16xf32>
        tpu.vector_store_idx %arg10[%add3A_285, %iota3A], %mul3A_292 : memref<128x32xf32, #tpu.memory_space<vmem>>[vector<16xi32>, vector<16xi32>], vector<16xf32>,
        %mul3A_293 = arith.mulf %gather3A_291, %gather3A_289 : vector<16xf32>
        tpu.vector_store_idx %arg10[%add3A_285, %add3A_23], %mul3A_293 : memref<128x32xf32, #tpu.memory_space<vmem>>[vector<16xi32>, vector<16xi32>], vector<16xf32>,
        %add3A_294 = arith.addi %broadcast_in_dim3A_276, %and3A_46 : vector<16xi32>
        %add3A_295 = arith.addi %mul3A_26, %add3A_294 : vector<16xi32>
        %gather3A_296 = tpu.vector_load_idx %arg9[%add3A_295] : memref<4096xf32, #tpu.memory_space<vmem>>[vector<16xi32>], vector<16xf32>,
        %add3A_297 = arith.addi %add3A_29, %add3A_294 : vector<16xi32>
        %gather3A_298 = tpu.vector_load_idx %arg9[%add3A_297] : memref<4096xf32, #tpu.memory_space<vmem>>[vector<16xi32>], vector<16xf32>,
        %gather3A_299 = tpu.vector_load_idx %arg10[%add3A_294, %iota3A] : memref<128x32xf32, #tpu.memory_space<vmem>>[vector<16xi32>, vector<16xi32>], vector<16xf32>,
        %gather3A_300 = tpu.vector_load_idx %arg10[%add3A_294, %add3A_23] : memref<128x32xf32, #tpu.memory_space<vmem>>[vector<16xi32>, vector<16xi32>], vector<16xf32>,
        %mul3A_301 = arith.mulf %gather3A_299, %gather3A_296 : vector<16xf32>
        tpu.vector_store_idx %arg10[%add3A_294, %iota3A], %mul3A_301 : memref<128x32xf32, #tpu.memory_space<vmem>>[vector<16xi32>, vector<16xi32>], vector<16xf32>,
        %mul3A_302 = arith.mulf %gather3A_300, %gather3A_298 : vector<16xf32>
        tpu.vector_store_idx %arg10[%add3A_294, %add3A_23], %mul3A_302 : memref<128x32xf32, #tpu.memory_space<vmem>>[vector<16xi32>, vector<16xi32>], vector<16xf32>,
        %add3A_303 = arith.addi %broadcast_in_dim3A_276, %and3A_52 : vector<16xi32>
        %add3A_304 = arith.addi %mul3A_26, %add3A_303 : vector<16xi32>
        %gather3A_305 = tpu.vector_load_idx %arg9[%add3A_304] : memref<4096xf32, #tpu.memory_space<vmem>>[vector<16xi32>], vector<16xf32>,
        %add3A_306 = arith.addi %add3A_29, %add3A_303 : vector<16xi32>
        %gather3A_307 = tpu.vector_load_idx %arg9[%add3A_306] : memref<4096xf32, #tpu.memory_space<vmem>>[vector<16xi32>], vector<16xf32>,
        %gather3A_308 = tpu.vector_load_idx %arg10[%add3A_303, %iota3A] : memref<128x32xf32, #tpu.memory_space<vmem>>[vector<16xi32>, vector<16xi32>], vector<16xf32>,
        %gather3A_309 = tpu.vector_load_idx %arg10[%add3A_303, %add3A_23] : memref<128x32xf32, #tpu.memory_space<vmem>>[vector<16xi32>, vector<16xi32>], vector<16xf32>,
        %mul3A_310 = arith.mulf %gather3A_308, %gather3A_305 : vector<16xf32>
        tpu.vector_store_idx %arg10[%add3A_303, %iota3A], %mul3A_310 : memref<128x32xf32, #tpu.memory_space<vmem>>[vector<16xi32>, vector<16xi32>], vector<16xf32>,
        %mul3A_311 = arith.mulf %gather3A_309, %gather3A_307 : vector<16xf32>
        tpu.vector_store_idx %arg10[%add3A_303, %add3A_23], %mul3A_311 : memref<128x32xf32, #tpu.memory_space<vmem>>[vector<16xi32>, vector<16xi32>], vector<16xf32>,
        %add3A_312 = arith.addi %broadcast_in_dim3A_276, %and3A_58 : vector<16xi32>
        %add3A_313 = arith.addi %mul3A_26, %add3A_312 : vector<16xi32>
        %gather3A_314 = tpu.vector_load_idx %arg9[%add3A_313] : memref<4096xf32, #tpu.memory_space<vmem>>[vector<16xi32>], vector<16xf32>,
        %add3A_315 = arith.addi %add3A_29, %add3A_312 : vector<16xi32>
        %gather3A_316 = tpu.vector_load_idx %arg9[%add3A_315] : memref<4096xf32, #tpu.memory_space<vmem>>[vector<16xi32>], vector<16xf32>,
        %gather3A_317 = tpu.vector_load_idx %arg10[%add3A_312, %iota3A] : memref<128x32xf32, #tpu.memory_space<vmem>>[vector<16xi32>, vector<16xi32>], vector<16xf32>,
        %gather3A_318 = tpu.vector_load_idx %arg10[%add3A_312, %add3A_23] : memref<128x32xf32, #tpu.memory_space<vmem>>[vector<16xi32>, vector<16xi32>], vector<16xf32>,
        %mul3A_319 = arith.mulf %gather3A_317, %gather3A_314 : vector<16xf32>
        tpu.vector_store_idx %arg10[%add3A_312, %iota3A], %mul3A_319 : memref<128x32xf32, #tpu.memory_space<vmem>>[vector<16xi32>, vector<16xi32>], vector<16xf32>,
        %mul3A_320 = arith.mulf %gather3A_318, %gather3A_316 : vector<16xf32>
        tpu.vector_store_idx %arg10[%add3A_312, %add3A_23], %mul3A_320 : memref<128x32xf32, #tpu.memory_space<vmem>>[vector<16xi32>, vector<16xi32>], vector<16xf32>,
        %add3A_321 = arith.addi %broadcast_in_dim3A_276, %and3A_64 : vector<16xi32>
        %add3A_322 = arith.addi %mul3A_26, %add3A_321 : vector<16xi32>
        %gather3A_323 = tpu.vector_load_idx %arg9[%add3A_322] : memref<4096xf32, #tpu.memory_space<vmem>>[vector<16xi32>], vector<16xf32>,
        %add3A_324 = arith.addi %add3A_29, %add3A_321 : vector<16xi32>
        %gather3A_325 = tpu.vector_load_idx %arg9[%add3A_324] : memref<4096xf32, #tpu.memory_space<vmem>>[vector<16xi32>], vector<16xf32>,
        %gather3A_326 = tpu.vector_load_idx %arg10[%add3A_321, %iota3A] : memref<128x32xf32, #tpu.memory_space<vmem>>[vector<16xi32>, vector<16xi32>], vector<16xf32>,
        %gather3A_327 = tpu.vector_load_idx %arg10[%add3A_321, %add3A_23] : memref<128x32xf32, #tpu.memory_space<vmem>>[vector<16xi32>, vector<16xi32>], vector<16xf32>,
        %mul3A_328 = arith.mulf %gather3A_326, %gather3A_323 : vector<16xf32>
        tpu.vector_store_idx %arg10[%add3A_321, %iota3A], %mul3A_328 : memref<128x32xf32, #tpu.memory_space<vmem>>[vector<16xi32>, vector<16xi32>], vector<16xf32>,
        %mul3A_329 = arith.mulf %gather3A_327, %gather3A_325 : vector<16xf32>
        tpu.vector_store_idx %arg10[%add3A_321, %add3A_23], %mul3A_329 : memref<128x32xf32, #tpu.memory_space<vmem>>[vector<16xi32>, vector<16xi32>], vector<16xf32>,
        %add3A_330 = arith.addi %broadcast_in_dim3A_276, %and3A_70 : vector<16xi32>
        %add3A_331 = arith.addi %mul3A_26, %add3A_330 : vector<16xi32>
        %gather3A_332 = tpu.vector_load_idx %arg9[%add3A_331] : memref<4096xf32, #tpu.memory_space<vmem>>[vector<16xi32>], vector<16xf32>,
        %add3A_333 = arith.addi %add3A_29, %add3A_330 : vector<16xi32>
        %gather3A_334 = tpu.vector_load_idx %arg9[%add3A_333] : memref<4096xf32, #tpu.memory_space<vmem>>[vector<16xi32>], vector<16xf32>,
        %gather3A_335 = tpu.vector_load_idx %arg10[%add3A_330, %iota3A] : memref<128x32xf32, #tpu.memory_space<vmem>>[vector<16xi32>, vector<16xi32>], vector<16xf32>,
        %gather3A_336 = tpu.vector_load_idx %arg10[%add3A_330, %add3A_23] : memref<128x32xf32, #tpu.memory_space<vmem>>[vector<16xi32>, vector<16xi32>], vector<16xf32>,
        %mul3A_337 = arith.mulf %gather3A_335, %gather3A_332 : vector<16xf32>
        tpu.vector_store_idx %arg10[%add3A_330, %iota3A], %mul3A_337 : memref<128x32xf32, #tpu.memory_space<vmem>>[vector<16xi32>, vector<16xi32>], vector<16xf32>,
        %mul3A_338 = arith.mulf %gather3A_336, %gather3A_334 : vector<16xf32>
        tpu.vector_store_idx %arg10[%add3A_330, %add3A_23], %mul3A_338 : memref<128x32xf32, #tpu.memory_space<vmem>>[vector<16xi32>, vector<16xi32>], vector<16xf32>,
        %add3A_339 = arith.addi %broadcast_in_dim3A_276, %and3A_76 : vector<16xi32>
        %add3A_340 = arith.addi %mul3A_26, %add3A_339 : vector<16xi32>
        %gather3A_341 = tpu.vector_load_idx %arg9[%add3A_340] : memref<4096xf32, #tpu.memory_space<vmem>>[vector<16xi32>], vector<16xf32>,
        %add3A_342 = arith.addi %add3A_29, %add3A_339 : vector<16xi32>
        %gather3A_343 = tpu.vector_load_idx %arg9[%add3A_342] : memref<4096xf32, #tpu.memory_space<vmem>>[vector<16xi32>], vector<16xf32>,
        %gather3A_344 = tpu.vector_load_idx %arg10[%add3A_339, %iota3A] : memref<128x32xf32, #tpu.memory_space<vmem>>[vector<16xi32>, vector<16xi32>], vector<16xf32>,
        %gather3A_345 = tpu.vector_load_idx %arg10[%add3A_339, %add3A_23] : memref<128x32xf32, #tpu.memory_space<vmem>>[vector<16xi32>, vector<16xi32>], vector<16xf32>,
        %mul3A_346 = arith.mulf %gather3A_344, %gather3A_341 : vector<16xf32>
        tpu.vector_store_idx %arg10[%add3A_339, %iota3A], %mul3A_346 : memref<128x32xf32, #tpu.memory_space<vmem>>[vector<16xi32>, vector<16xi32>], vector<16xf32>,
        %mul3A_347 = arith.mulf %gather3A_345, %gather3A_343 : vector<16xf32>
        tpu.vector_store_idx %arg10[%add3A_339, %add3A_23], %mul3A_347 : memref<128x32xf32, #tpu.memory_space<vmem>>[vector<16xi32>, vector<16xi32>], vector<16xf32>,
        %add3A_348 = arith.addi %broadcast_in_dim3A_276, %and3A_82 : vector<16xi32>
        %add3A_349 = arith.addi %mul3A_26, %add3A_348 : vector<16xi32>
        %gather3A_350 = tpu.vector_load_idx %arg9[%add3A_349] : memref<4096xf32, #tpu.memory_space<vmem>>[vector<16xi32>], vector<16xf32>,
        %add3A_351 = arith.addi %add3A_29, %add3A_348 : vector<16xi32>
        %gather3A_352 = tpu.vector_load_idx %arg9[%add3A_351] : memref<4096xf32, #tpu.memory_space<vmem>>[vector<16xi32>], vector<16xf32>,
        %gather3A_353 = tpu.vector_load_idx %arg10[%add3A_348, %iota3A] : memref<128x32xf32, #tpu.memory_space<vmem>>[vector<16xi32>, vector<16xi32>], vector<16xf32>,
        %gather3A_354 = tpu.vector_load_idx %arg10[%add3A_348, %add3A_23] : memref<128x32xf32, #tpu.memory_space<vmem>>[vector<16xi32>, vector<16xi32>], vector<16xf32>,
        %mul3A_355 = arith.mulf %gather3A_353, %gather3A_350 : vector<16xf32>
        tpu.vector_store_idx %arg10[%add3A_348, %iota3A], %mul3A_355 : memref<128x32xf32, #tpu.memory_space<vmem>>[vector<16xi32>, vector<16xi32>], vector<16xf32>,
        %mul3A_356 = arith.mulf %gather3A_354, %gather3A_352 : vector<16xf32>
        tpu.vector_store_idx %arg10[%add3A_348, %add3A_23], %mul3A_356 : memref<128x32xf32, #tpu.memory_space<vmem>>[vector<16xi32>, vector<16xi32>], vector<16xf32>,
        %add3A_357 = arith.addi %broadcast_in_dim3A_276, %and3A_88 : vector<16xi32>
        %add3A_358 = arith.addi %mul3A_26, %add3A_357 : vector<16xi32>
        %gather3A_359 = tpu.vector_load_idx %arg9[%add3A_358] : memref<4096xf32, #tpu.memory_space<vmem>>[vector<16xi32>], vector<16xf32>,
        %add3A_360 = arith.addi %add3A_29, %add3A_357 : vector<16xi32>
        %gather3A_361 = tpu.vector_load_idx %arg9[%add3A_360] : memref<4096xf32, #tpu.memory_space<vmem>>[vector<16xi32>], vector<16xf32>,
        %gather3A_362 = tpu.vector_load_idx %arg10[%add3A_357, %iota3A] : memref<128x32xf32, #tpu.memory_space<vmem>>[vector<16xi32>, vector<16xi32>], vector<16xf32>,
        %gather3A_363 = tpu.vector_load_idx %arg10[%add3A_357, %add3A_23] : memref<128x32xf32, #tpu.memory_space<vmem>>[vector<16xi32>, vector<16xi32>], vector<16xf32>,
        %mul3A_364 = arith.mulf %gather3A_362, %gather3A_359 : vector<16xf32>
        tpu.vector_store_idx %arg10[%add3A_357, %iota3A], %mul3A_364 : memref<128x32xf32, #tpu.memory_space<vmem>>[vector<16xi32>, vector<16xi32>], vector<16xf32>,
        %mul3A_365 = arith.mulf %gather3A_363, %gather3A_361 : vector<16xf32>
        tpu.vector_store_idx %arg10[%add3A_357, %add3A_23], %mul3A_365 : memref<128x32xf32, #tpu.memory_space<vmem>>[vector<16xi32>, vector<16xi32>], vector<16xf32>,
        %add3A_366 = arith.addi %broadcast_in_dim3A_276, %and3A_94 : vector<16xi32>
        %add3A_367 = arith.addi %mul3A_26, %add3A_366 : vector<16xi32>
        %gather3A_368 = tpu.vector_load_idx %arg9[%add3A_367] : memref<4096xf32, #tpu.memory_space<vmem>>[vector<16xi32>], vector<16xf32>,
        %add3A_369 = arith.addi %add3A_29, %add3A_366 : vector<16xi32>
        %gather3A_370 = tpu.vector_load_idx %arg9[%add3A_369] : memref<4096xf32, #tpu.memory_space<vmem>>[vector<16xi32>], vector<16xf32>,
        %gather3A_371 = tpu.vector_load_idx %arg10[%add3A_366, %iota3A] : memref<128x32xf32, #tpu.memory_space<vmem>>[vector<16xi32>, vector<16xi32>], vector<16xf32>,
        %gather3A_372 = tpu.vector_load_idx %arg10[%add3A_366, %add3A_23] : memref<128x32xf32, #tpu.memory_space<vmem>>[vector<16xi32>, vector<16xi32>], vector<16xf32>,
        %mul3A_373 = arith.mulf %gather3A_371, %gather3A_368 : vector<16xf32>
        tpu.vector_store_idx %arg10[%add3A_366, %iota3A], %mul3A_373 : memref<128x32xf32, #tpu.memory_space<vmem>>[vector<16xi32>, vector<16xi32>], vector<16xf32>,
        %mul3A_374 = arith.mulf %gather3A_372, %gather3A_370 : vector<16xf32>
        tpu.vector_store_idx %arg10[%add3A_366, %add3A_23], %mul3A_374 : memref<128x32xf32, #tpu.memory_space<vmem>>[vector<16xi32>, vector<16xi32>], vector<16xf32>,
        %add3A_375 = arith.addi %broadcast_in_dim3A_276, %and3A_100 : vector<16xi32>
        %add3A_376 = arith.addi %mul3A_26, %add3A_375 : vector<16xi32>
        %gather3A_377 = tpu.vector_load_idx %arg9[%add3A_376] : memref<4096xf32, #tpu.memory_space<vmem>>[vector<16xi32>], vector<16xf32>,
        %add3A_378 = arith.addi %add3A_29, %add3A_375 : vector<16xi32>
        %gather3A_379 = tpu.vector_load_idx %arg9[%add3A_378] : memref<4096xf32, #tpu.memory_space<vmem>>[vector<16xi32>], vector<16xf32>,
        %gather3A_380 = tpu.vector_load_idx %arg10[%add3A_375, %iota3A] : memref<128x32xf32, #tpu.memory_space<vmem>>[vector<16xi32>, vector<16xi32>], vector<16xf32>,
        %gather3A_381 = tpu.vector_load_idx %arg10[%add3A_375, %add3A_23] : memref<128x32xf32, #tpu.memory_space<vmem>>[vector<16xi32>, vector<16xi32>], vector<16xf32>,
        %mul3A_382 = arith.mulf %gather3A_380, %gather3A_377 : vector<16xf32>
        tpu.vector_store_idx %arg10[%add3A_375, %iota3A], %mul3A_382 : memref<128x32xf32, #tpu.memory_space<vmem>>[vector<16xi32>, vector<16xi32>], vector<16xf32>,
        %mul3A_383 = arith.mulf %gather3A_381, %gather3A_379 : vector<16xf32>
        tpu.vector_store_idx %arg10[%add3A_375, %add3A_23], %mul3A_383 : memref<128x32xf32, #tpu.memory_space<vmem>>[vector<16xi32>, vector<16xi32>], vector<16xf32>,
        %add3A_384 = arith.addi %broadcast_in_dim3A_276, %and3A_106 : vector<16xi32>
        %add3A_385 = arith.addi %mul3A_26, %add3A_384 : vector<16xi32>
        %gather3A_386 = tpu.vector_load_idx %arg9[%add3A_385] : memref<4096xf32, #tpu.memory_space<vmem>>[vector<16xi32>], vector<16xf32>,
        %add3A_387 = arith.addi %add3A_29, %add3A_384 : vector<16xi32>
        %gather3A_388 = tpu.vector_load_idx %arg9[%add3A_387] : memref<4096xf32, #tpu.memory_space<vmem>>[vector<16xi32>], vector<16xf32>,
        %gather3A_389 = tpu.vector_load_idx %arg10[%add3A_384, %iota3A] : memref<128x32xf32, #tpu.memory_space<vmem>>[vector<16xi32>, vector<16xi32>], vector<16xf32>,
        %gather3A_390 = tpu.vector_load_idx %arg10[%add3A_384, %add3A_23] : memref<128x32xf32, #tpu.memory_space<vmem>>[vector<16xi32>, vector<16xi32>], vector<16xf32>,
        %mul3A_391 = arith.mulf %gather3A_389, %gather3A_386 : vector<16xf32>
        tpu.vector_store_idx %arg10[%add3A_384, %iota3A], %mul3A_391 : memref<128x32xf32, #tpu.memory_space<vmem>>[vector<16xi32>, vector<16xi32>], vector<16xf32>,
        %mul3A_392 = arith.mulf %gather3A_390, %gather3A_388 : vector<16xf32>
        tpu.vector_store_idx %arg10[%add3A_384, %add3A_23], %mul3A_392 : memref<128x32xf32, #tpu.memory_space<vmem>>[vector<16xi32>, vector<16xi32>], vector<16xf32>,
        %add3A_393 = arith.addi %broadcast_in_dim3A_276, %and3A_112 : vector<16xi32>
        %add3A_394 = arith.addi %mul3A_26, %add3A_393 : vector<16xi32>
        %gather3A_395 = tpu.vector_load_idx %arg9[%add3A_394] : memref<4096xf32, #tpu.memory_space<vmem>>[vector<16xi32>], vector<16xf32>,
        %add3A_396 = arith.addi %add3A_29, %add3A_393 : vector<16xi32>
        %gather3A_397 = tpu.vector_load_idx %arg9[%add3A_396] : memref<4096xf32, #tpu.memory_space<vmem>>[vector<16xi32>], vector<16xf32>,
        %gather3A_398 = tpu.vector_load_idx %arg10[%add3A_393, %iota3A] : memref<128x32xf32, #tpu.memory_space<vmem>>[vector<16xi32>, vector<16xi32>], vector<16xf32>,
        %gather3A_399 = tpu.vector_load_idx %arg10[%add3A_393, %add3A_23] : memref<128x32xf32, #tpu.memory_space<vmem>>[vector<16xi32>, vector<16xi32>], vector<16xf32>,
        %mul3A_400 = arith.mulf %gather3A_398, %gather3A_395 : vector<16xf32>
        tpu.vector_store_idx %arg10[%add3A_393, %iota3A], %mul3A_400 : memref<128x32xf32, #tpu.memory_space<vmem>>[vector<16xi32>, vector<16xi32>], vector<16xf32>,
        %mul3A_401 = arith.mulf %gather3A_399, %gather3A_397 : vector<16xf32>
        tpu.vector_store_idx %arg10[%add3A_393, %add3A_23], %mul3A_401 : memref<128x32xf32, #tpu.memory_space<vmem>>[vector<16xi32>, vector<16xi32>], vector<16xf32>,
        %add3A_402 = arith.addi %broadcast_in_dim3A_276, %and3A_118 : vector<16xi32>
        %add3A_403 = arith.addi %mul3A_26, %add3A_402 : vector<16xi32>
        %gather3A_404 = tpu.vector_load_idx %arg9[%add3A_403] : memref<4096xf32, #tpu.memory_space<vmem>>[vector<16xi32>], vector<16xf32>,
        %add3A_405 = arith.addi %add3A_29, %add3A_402 : vector<16xi32>
        %gather3A_406 = tpu.vector_load_idx %arg9[%add3A_405] : memref<4096xf32, #tpu.memory_space<vmem>>[vector<16xi32>], vector<16xf32>,
        %gather3A_407 = tpu.vector_load_idx %arg10[%add3A_402, %iota3A] : memref<128x32xf32, #tpu.memory_space<vmem>>[vector<16xi32>, vector<16xi32>], vector<16xf32>,
        %gather3A_408 = tpu.vector_load_idx %arg10[%add3A_402, %add3A_23] : memref<128x32xf32, #tpu.memory_space<vmem>>[vector<16xi32>, vector<16xi32>], vector<16xf32>,
        %mul3A_409 = arith.mulf %gather3A_407, %gather3A_404 : vector<16xf32>
        tpu.vector_store_idx %arg10[%add3A_402, %iota3A], %mul3A_409 : memref<128x32xf32, #tpu.memory_space<vmem>>[vector<16xi32>, vector<16xi32>], vector<16xf32>,
        %mul3A_410 = arith.mulf %gather3A_408, %gather3A_406 : vector<16xf32>
        tpu.vector_store_idx %arg10[%add3A_402, %add3A_23], %mul3A_410 : memref<128x32xf32, #tpu.memory_space<vmem>>[vector<16xi32>, vector<16xi32>], vector<16xf32>,
        %add3A_411 = arith.addi %broadcast_in_dim3A_276, %and3A_124 : vector<16xi32>
        %add3A_412 = arith.addi %mul3A_26, %add3A_411 : vector<16xi32>
        %gather3A_413 = tpu.vector_load_idx %arg9[%add3A_412] : memref<4096xf32, #tpu.memory_space<vmem>>[vector<16xi32>], vector<16xf32>,
        %add3A_414 = arith.addi %add3A_29, %add3A_411 : vector<16xi32>
        %gather3A_415 = tpu.vector_load_idx %arg9[%add3A_414] : memref<4096xf32, #tpu.memory_space<vmem>>[vector<16xi32>], vector<16xf32>,
        %gather3A_416 = tpu.vector_load_idx %arg10[%add3A_411, %iota3A] : memref<128x32xf32, #tpu.memory_space<vmem>>[vector<16xi32>, vector<16xi32>], vector<16xf32>,
        %gather3A_417 = tpu.vector_load_idx %arg10[%add3A_411, %add3A_23] : memref<128x32xf32, #tpu.memory_space<vmem>>[vector<16xi32>, vector<16xi32>], vector<16xf32>,
        %mul3A_418 = arith.mulf %gather3A_416, %gather3A_413 : vector<16xf32>
        tpu.vector_store_idx %arg10[%add3A_411, %iota3A], %mul3A_418 : memref<128x32xf32, #tpu.memory_space<vmem>>[vector<16xi32>, vector<16xi32>], vector<16xf32>,
        %mul3A_419 = arith.mulf %gather3A_417, %gather3A_415 : vector<16xf32>
        tpu.vector_store_idx %arg10[%add3A_411, %add3A_23], %mul3A_419 : memref<128x32xf32, #tpu.memory_space<vmem>>[vector<16xi32>, vector<16xi32>], vector<16xf32>,
      }
      %scan3A_235 = arith.constant 8 : i32
      %dma_start3A_236 = arith.constant 0 : i32
      %dma_start3A_237 = arith.constant 0 : i32
      %dma_start3A_238 = tpu.memref_slice %arg22[%dma_start3A_236, %dma_start3A_237] : memref<50000x32xf32, #tpu.memory_space<vmem_shared>> -> memref<50000x32xf32, #tpu.memory_space<vmem_shared>>
      tpu.enqueue_indirect_dma source(%arg10 : memref<128x32xf32, #tpu.memory_space<vmem>>) target(%dma_start3A_238 : memref<50000x32xf32, #tpu.memory_space<vmem_shared>>) offsets(%arg8 : memref<128xi32, #tpu.memory_space<vmem>>) semaphore(%arg13 : memref<!tpu.dma_semaphore, #tpu.memory_space<semaphore_mem>>) {add = true}
      %dma_wait3A_239 = arith.constant 0 : i32
      %dma_wait3A_240 = arith.constant 0 : i32
      %dma_wait3A_241 = tpu.memref_slice %arg4[%dma_wait3A_239, %dma_wait3A_240] : memref<50000x32xf32, #tpu.memory_space<hbm>> -> memref<50000x32xf32, #tpu.memory_space<hbm>>
      tpu.wait_indirect_dma semaphore(%arg19 : memref<!tpu.dma_semaphore, #tpu.memory_space<semaphore_mem>>) src(%dma_wait3A_241 : memref<50000x32xf32, #tpu.memory_space<hbm>>) dst(%arg17 : memref<128x32xf32, #tpu.memory_space<vmem>>)
      %scan3A_242 = arith.constant 0 : i32
      %scan3A_243 = arith.constant 0 : i32
      %scan3A_244 = arith.constant 8 : i32
      %scan3A_245 = arith.addi %scan3A_243, %scan3A_244 : i32
      %scan3A_246 = arith.constant 1 : i32
      scf.for %scan3A_273 = %scan3A_243 to %scan3A_245 step %scan3A_246  : i32 {
        %mul3A_274 = arith.constant 16 : i32
        %mul3A_275 = arith.muli %scan3A_273, %mul3A_274 : i32
        %broadcast_in_dim3A_276 = vector.broadcast %mul3A_275 : i32 to vector<16xi32>
        %add3A_277 = arith.addi %broadcast_in_dim3A_276, %and3A_34 : vector<16xi32>
        %add3A_278 = arith.addi %mul3A_26, %add3A_277 : vector<16xi32>
        %gather3A = tpu.vector_load_idx %arg16[%add3A_278] : memref<4096xf32, #tpu.memory_space<vmem>>[vector<16xi32>], vector<16xf32>,
        %add3A_279 = arith.addi %add3A_29, %add3A_277 : vector<16xi32>
        %gather3A_280 = tpu.vector_load_idx %arg16[%add3A_279] : memref<4096xf32, #tpu.memory_space<vmem>>[vector<16xi32>], vector<16xf32>,
        %gather3A_281 = tpu.vector_load_idx %arg17[%add3A_277, %iota3A] : memref<128x32xf32, #tpu.memory_space<vmem>>[vector<16xi32>, vector<16xi32>], vector<16xf32>,
        %gather3A_282 = tpu.vector_load_idx %arg17[%add3A_277, %add3A_23] : memref<128x32xf32, #tpu.memory_space<vmem>>[vector<16xi32>, vector<16xi32>], vector<16xf32>,
        %mul3A_283 = arith.mulf %gather3A_281, %gather3A : vector<16xf32>
        tpu.vector_store_idx %arg17[%add3A_277, %iota3A], %mul3A_283 : memref<128x32xf32, #tpu.memory_space<vmem>>[vector<16xi32>, vector<16xi32>], vector<16xf32>,
        %mul3A_284 = arith.mulf %gather3A_282, %gather3A_280 : vector<16xf32>
        tpu.vector_store_idx %arg17[%add3A_277, %add3A_23], %mul3A_284 : memref<128x32xf32, #tpu.memory_space<vmem>>[vector<16xi32>, vector<16xi32>], vector<16xf32>,
        %add3A_285 = arith.addi %broadcast_in_dim3A_276, %and3A_40 : vector<16xi32>
        %add3A_286 = arith.addi %mul3A_26, %add3A_285 : vector<16xi32>
        %gather3A_287 = tpu.vector_load_idx %arg16[%add3A_286] : memref<4096xf32, #tpu.memory_space<vmem>>[vector<16xi32>], vector<16xf32>,
        %add3A_288 = arith.addi %add3A_29, %add3A_285 : vector<16xi32>
        %gather3A_289 = tpu.vector_load_idx %arg16[%add3A_288] : memref<4096xf32, #tpu.memory_space<vmem>>[vector<16xi32>], vector<16xf32>,
        %gather3A_290 = tpu.vector_load_idx %arg17[%add3A_285, %iota3A] : memref<128x32xf32, #tpu.memory_space<vmem>>[vector<16xi32>, vector<16xi32>], vector<16xf32>,
        %gather3A_291 = tpu.vector_load_idx %arg17[%add3A_285, %add3A_23] : memref<128x32xf32, #tpu.memory_space<vmem>>[vector<16xi32>, vector<16xi32>], vector<16xf32>,
        %mul3A_292 = arith.mulf %gather3A_290, %gather3A_287 : vector<16xf32>
        tpu.vector_store_idx %arg17[%add3A_285, %iota3A], %mul3A_292 : memref<128x32xf32, #tpu.memory_space<vmem>>[vector<16xi32>, vector<16xi32>], vector<16xf32>,
        %mul3A_293 = arith.mulf %gather3A_291, %gather3A_289 : vector<16xf32>
        tpu.vector_store_idx %arg17[%add3A_285, %add3A_23], %mul3A_293 : memref<128x32xf32, #tpu.memory_space<vmem>>[vector<16xi32>, vector<16xi32>], vector<16xf32>,
        %add3A_294 = arith.addi %broadcast_in_dim3A_276, %and3A_46 : vector<16xi32>
        %add3A_295 = arith.addi %mul3A_26, %add3A_294 : vector<16xi32>
        %gather3A_296 = tpu.vector_load_idx %arg16[%add3A_295] : memref<4096xf32, #tpu.memory_space<vmem>>[vector<16xi32>], vector<16xf32>,
        %add3A_297 = arith.addi %add3A_29, %add3A_294 : vector<16xi32>
        %gather3A_298 = tpu.vector_load_idx %arg16[%add3A_297] : memref<4096xf32, #tpu.memory_space<vmem>>[vector<16xi32>], vector<16xf32>,
        %gather3A_299 = tpu.vector_load_idx %arg17[%add3A_294, %iota3A] : memref<128x32xf32, #tpu.memory_space<vmem>>[vector<16xi32>, vector<16xi32>], vector<16xf32>,
        %gather3A_300 = tpu.vector_load_idx %arg17[%add3A_294, %add3A_23] : memref<128x32xf32, #tpu.memory_space<vmem>>[vector<16xi32>, vector<16xi32>], vector<16xf32>,
        %mul3A_301 = arith.mulf %gather3A_299, %gather3A_296 : vector<16xf32>
        tpu.vector_store_idx %arg17[%add3A_294, %iota3A], %mul3A_301 : memref<128x32xf32, #tpu.memory_space<vmem>>[vector<16xi32>, vector<16xi32>], vector<16xf32>,
        %mul3A_302 = arith.mulf %gather3A_300, %gather3A_298 : vector<16xf32>
        tpu.vector_store_idx %arg17[%add3A_294, %add3A_23], %mul3A_302 : memref<128x32xf32, #tpu.memory_space<vmem>>[vector<16xi32>, vector<16xi32>], vector<16xf32>,
        %add3A_303 = arith.addi %broadcast_in_dim3A_276, %and3A_52 : vector<16xi32>
        %add3A_304 = arith.addi %mul3A_26, %add3A_303 : vector<16xi32>
        %gather3A_305 = tpu.vector_load_idx %arg16[%add3A_304] : memref<4096xf32, #tpu.memory_space<vmem>>[vector<16xi32>], vector<16xf32>,
        %add3A_306 = arith.addi %add3A_29, %add3A_303 : vector<16xi32>
        %gather3A_307 = tpu.vector_load_idx %arg16[%add3A_306] : memref<4096xf32, #tpu.memory_space<vmem>>[vector<16xi32>], vector<16xf32>,
        %gather3A_308 = tpu.vector_load_idx %arg17[%add3A_303, %iota3A] : memref<128x32xf32, #tpu.memory_space<vmem>>[vector<16xi32>, vector<16xi32>], vector<16xf32>,
        %gather3A_309 = tpu.vector_load_idx %arg17[%add3A_303, %add3A_23] : memref<128x32xf32, #tpu.memory_space<vmem>>[vector<16xi32>, vector<16xi32>], vector<16xf32>,
        %mul3A_310 = arith.mulf %gather3A_308, %gather3A_305 : vector<16xf32>
        tpu.vector_store_idx %arg17[%add3A_303, %iota3A], %mul3A_310 : memref<128x32xf32, #tpu.memory_space<vmem>>[vector<16xi32>, vector<16xi32>], vector<16xf32>,
        %mul3A_311 = arith.mulf %gather3A_309, %gather3A_307 : vector<16xf32>
        tpu.vector_store_idx %arg17[%add3A_303, %add3A_23], %mul3A_311 : memref<128x32xf32, #tpu.memory_space<vmem>>[vector<16xi32>, vector<16xi32>], vector<16xf32>,
        %add3A_312 = arith.addi %broadcast_in_dim3A_276, %and3A_58 : vector<16xi32>
        %add3A_313 = arith.addi %mul3A_26, %add3A_312 : vector<16xi32>
        %gather3A_314 = tpu.vector_load_idx %arg16[%add3A_313] : memref<4096xf32, #tpu.memory_space<vmem>>[vector<16xi32>], vector<16xf32>,
        %add3A_315 = arith.addi %add3A_29, %add3A_312 : vector<16xi32>
        %gather3A_316 = tpu.vector_load_idx %arg16[%add3A_315] : memref<4096xf32, #tpu.memory_space<vmem>>[vector<16xi32>], vector<16xf32>,
        %gather3A_317 = tpu.vector_load_idx %arg17[%add3A_312, %iota3A] : memref<128x32xf32, #tpu.memory_space<vmem>>[vector<16xi32>, vector<16xi32>], vector<16xf32>,
        %gather3A_318 = tpu.vector_load_idx %arg17[%add3A_312, %add3A_23] : memref<128x32xf32, #tpu.memory_space<vmem>>[vector<16xi32>, vector<16xi32>], vector<16xf32>,
        %mul3A_319 = arith.mulf %gather3A_317, %gather3A_314 : vector<16xf32>
        tpu.vector_store_idx %arg17[%add3A_312, %iota3A], %mul3A_319 : memref<128x32xf32, #tpu.memory_space<vmem>>[vector<16xi32>, vector<16xi32>], vector<16xf32>,
        %mul3A_320 = arith.mulf %gather3A_318, %gather3A_316 : vector<16xf32>
        tpu.vector_store_idx %arg17[%add3A_312, %add3A_23], %mul3A_320 : memref<128x32xf32, #tpu.memory_space<vmem>>[vector<16xi32>, vector<16xi32>], vector<16xf32>,
        %add3A_321 = arith.addi %broadcast_in_dim3A_276, %and3A_64 : vector<16xi32>
        %add3A_322 = arith.addi %mul3A_26, %add3A_321 : vector<16xi32>
        %gather3A_323 = tpu.vector_load_idx %arg16[%add3A_322] : memref<4096xf32, #tpu.memory_space<vmem>>[vector<16xi32>], vector<16xf32>,
        %add3A_324 = arith.addi %add3A_29, %add3A_321 : vector<16xi32>
        %gather3A_325 = tpu.vector_load_idx %arg16[%add3A_324] : memref<4096xf32, #tpu.memory_space<vmem>>[vector<16xi32>], vector<16xf32>,
        %gather3A_326 = tpu.vector_load_idx %arg17[%add3A_321, %iota3A] : memref<128x32xf32, #tpu.memory_space<vmem>>[vector<16xi32>, vector<16xi32>], vector<16xf32>,
        %gather3A_327 = tpu.vector_load_idx %arg17[%add3A_321, %add3A_23] : memref<128x32xf32, #tpu.memory_space<vmem>>[vector<16xi32>, vector<16xi32>], vector<16xf32>,
        %mul3A_328 = arith.mulf %gather3A_326, %gather3A_323 : vector<16xf32>
        tpu.vector_store_idx %arg17[%add3A_321, %iota3A], %mul3A_328 : memref<128x32xf32, #tpu.memory_space<vmem>>[vector<16xi32>, vector<16xi32>], vector<16xf32>,
        %mul3A_329 = arith.mulf %gather3A_327, %gather3A_325 : vector<16xf32>
        tpu.vector_store_idx %arg17[%add3A_321, %add3A_23], %mul3A_329 : memref<128x32xf32, #tpu.memory_space<vmem>>[vector<16xi32>, vector<16xi32>], vector<16xf32>,
        %add3A_330 = arith.addi %broadcast_in_dim3A_276, %and3A_70 : vector<16xi32>
        %add3A_331 = arith.addi %mul3A_26, %add3A_330 : vector<16xi32>
        %gather3A_332 = tpu.vector_load_idx %arg16[%add3A_331] : memref<4096xf32, #tpu.memory_space<vmem>>[vector<16xi32>], vector<16xf32>,
        %add3A_333 = arith.addi %add3A_29, %add3A_330 : vector<16xi32>
        %gather3A_334 = tpu.vector_load_idx %arg16[%add3A_333] : memref<4096xf32, #tpu.memory_space<vmem>>[vector<16xi32>], vector<16xf32>,
        %gather3A_335 = tpu.vector_load_idx %arg17[%add3A_330, %iota3A] : memref<128x32xf32, #tpu.memory_space<vmem>>[vector<16xi32>, vector<16xi32>], vector<16xf32>,
        %gather3A_336 = tpu.vector_load_idx %arg17[%add3A_330, %add3A_23] : memref<128x32xf32, #tpu.memory_space<vmem>>[vector<16xi32>, vector<16xi32>], vector<16xf32>,
        %mul3A_337 = arith.mulf %gather3A_335, %gather3A_332 : vector<16xf32>
        tpu.vector_store_idx %arg17[%add3A_330, %iota3A], %mul3A_337 : memref<128x32xf32, #tpu.memory_space<vmem>>[vector<16xi32>, vector<16xi32>], vector<16xf32>,
        %mul3A_338 = arith.mulf %gather3A_336, %gather3A_334 : vector<16xf32>
        tpu.vector_store_idx %arg17[%add3A_330, %add3A_23], %mul3A_338 : memref<128x32xf32, #tpu.memory_space<vmem>>[vector<16xi32>, vector<16xi32>], vector<16xf32>,
        %add3A_339 = arith.addi %broadcast_in_dim3A_276, %and3A_76 : vector<16xi32>
        %add3A_340 = arith.addi %mul3A_26, %add3A_339 : vector<16xi32>
        %gather3A_341 = tpu.vector_load_idx %arg16[%add3A_340] : memref<4096xf32, #tpu.memory_space<vmem>>[vector<16xi32>], vector<16xf32>,
        %add3A_342 = arith.addi %add3A_29, %add3A_339 : vector<16xi32>
        %gather3A_343 = tpu.vector_load_idx %arg16[%add3A_342] : memref<4096xf32, #tpu.memory_space<vmem>>[vector<16xi32>], vector<16xf32>,
        %gather3A_344 = tpu.vector_load_idx %arg17[%add3A_339, %iota3A] : memref<128x32xf32, #tpu.memory_space<vmem>>[vector<16xi32>, vector<16xi32>], vector<16xf32>,
        %gather3A_345 = tpu.vector_load_idx %arg17[%add3A_339, %add3A_23] : memref<128x32xf32, #tpu.memory_space<vmem>>[vector<16xi32>, vector<16xi32>], vector<16xf32>,
        %mul3A_346 = arith.mulf %gather3A_344, %gather3A_341 : vector<16xf32>
        tpu.vector_store_idx %arg17[%add3A_339, %iota3A], %mul3A_346 : memref<128x32xf32, #tpu.memory_space<vmem>>[vector<16xi32>, vector<16xi32>], vector<16xf32>,
        %mul3A_347 = arith.mulf %gather3A_345, %gather3A_343 : vector<16xf32>
        tpu.vector_store_idx %arg17[%add3A_339, %add3A_23], %mul3A_347 : memref<128x32xf32, #tpu.memory_space<vmem>>[vector<16xi32>, vector<16xi32>], vector<16xf32>,
        %add3A_348 = arith.addi %broadcast_in_dim3A_276, %and3A_82 : vector<16xi32>
        %add3A_349 = arith.addi %mul3A_26, %add3A_348 : vector<16xi32>
        %gather3A_350 = tpu.vector_load_idx %arg16[%add3A_349] : memref<4096xf32, #tpu.memory_space<vmem>>[vector<16xi32>], vector<16xf32>,
        %add3A_351 = arith.addi %add3A_29, %add3A_348 : vector<16xi32>
        %gather3A_352 = tpu.vector_load_idx %arg16[%add3A_351] : memref<4096xf32, #tpu.memory_space<vmem>>[vector<16xi32>], vector<16xf32>,
        %gather3A_353 = tpu.vector_load_idx %arg17[%add3A_348, %iota3A] : memref<128x32xf32, #tpu.memory_space<vmem>>[vector<16xi32>, vector<16xi32>], vector<16xf32>,
        %gather3A_354 = tpu.vector_load_idx %arg17[%add3A_348, %add3A_23] : memref<128x32xf32, #tpu.memory_space<vmem>>[vector<16xi32>, vector<16xi32>], vector<16xf32>,
        %mul3A_355 = arith.mulf %gather3A_353, %gather3A_350 : vector<16xf32>
        tpu.vector_store_idx %arg17[%add3A_348, %iota3A], %mul3A_355 : memref<128x32xf32, #tpu.memory_space<vmem>>[vector<16xi32>, vector<16xi32>], vector<16xf32>,
        %mul3A_356 = arith.mulf %gather3A_354, %gather3A_352 : vector<16xf32>
        tpu.vector_store_idx %arg17[%add3A_348, %add3A_23], %mul3A_356 : memref<128x32xf32, #tpu.memory_space<vmem>>[vector<16xi32>, vector<16xi32>], vector<16xf32>,
        %add3A_357 = arith.addi %broadcast_in_dim3A_276, %and3A_88 : vector<16xi32>
        %add3A_358 = arith.addi %mul3A_26, %add3A_357 : vector<16xi32>
        %gather3A_359 = tpu.vector_load_idx %arg16[%add3A_358] : memref<4096xf32, #tpu.memory_space<vmem>>[vector<16xi32>], vector<16xf32>,
        %add3A_360 = arith.addi %add3A_29, %add3A_357 : vector<16xi32>
        %gather3A_361 = tpu.vector_load_idx %arg16[%add3A_360] : memref<4096xf32, #tpu.memory_space<vmem>>[vector<16xi32>], vector<16xf32>,
        %gather3A_362 = tpu.vector_load_idx %arg17[%add3A_357, %iota3A] : memref<128x32xf32, #tpu.memory_space<vmem>>[vector<16xi32>, vector<16xi32>], vector<16xf32>,
        %gather3A_363 = tpu.vector_load_idx %arg17[%add3A_357, %add3A_23] : memref<128x32xf32, #tpu.memory_space<vmem>>[vector<16xi32>, vector<16xi32>], vector<16xf32>,
        %mul3A_364 = arith.mulf %gather3A_362, %gather3A_359 : vector<16xf32>
        tpu.vector_store_idx %arg17[%add3A_357, %iota3A], %mul3A_364 : memref<128x32xf32, #tpu.memory_space<vmem>>[vector<16xi32>, vector<16xi32>], vector<16xf32>,
        %mul3A_365 = arith.mulf %gather3A_363, %gather3A_361 : vector<16xf32>
        tpu.vector_store_idx %arg17[%add3A_357, %add3A_23], %mul3A_365 : memref<128x32xf32, #tpu.memory_space<vmem>>[vector<16xi32>, vector<16xi32>], vector<16xf32>,
        %add3A_366 = arith.addi %broadcast_in_dim3A_276, %and3A_94 : vector<16xi32>
        %add3A_367 = arith.addi %mul3A_26, %add3A_366 : vector<16xi32>
        %gather3A_368 = tpu.vector_load_idx %arg16[%add3A_367] : memref<4096xf32, #tpu.memory_space<vmem>>[vector<16xi32>], vector<16xf32>,
        %add3A_369 = arith.addi %add3A_29, %add3A_366 : vector<16xi32>
        %gather3A_370 = tpu.vector_load_idx %arg16[%add3A_369] : memref<4096xf32, #tpu.memory_space<vmem>>[vector<16xi32>], vector<16xf32>,
        %gather3A_371 = tpu.vector_load_idx %arg17[%add3A_366, %iota3A] : memref<128x32xf32, #tpu.memory_space<vmem>>[vector<16xi32>, vector<16xi32>], vector<16xf32>,
        %gather3A_372 = tpu.vector_load_idx %arg17[%add3A_366, %add3A_23] : memref<128x32xf32, #tpu.memory_space<vmem>>[vector<16xi32>, vector<16xi32>], vector<16xf32>,
        %mul3A_373 = arith.mulf %gather3A_371, %gather3A_368 : vector<16xf32>
        tpu.vector_store_idx %arg17[%add3A_366, %iota3A], %mul3A_373 : memref<128x32xf32, #tpu.memory_space<vmem>>[vector<16xi32>, vector<16xi32>], vector<16xf32>,
        %mul3A_374 = arith.mulf %gather3A_372, %gather3A_370 : vector<16xf32>
        tpu.vector_store_idx %arg17[%add3A_366, %add3A_23], %mul3A_374 : memref<128x32xf32, #tpu.memory_space<vmem>>[vector<16xi32>, vector<16xi32>], vector<16xf32>,
        %add3A_375 = arith.addi %broadcast_in_dim3A_276, %and3A_100 : vector<16xi32>
        %add3A_376 = arith.addi %mul3A_26, %add3A_375 : vector<16xi32>
        %gather3A_377 = tpu.vector_load_idx %arg16[%add3A_376] : memref<4096xf32, #tpu.memory_space<vmem>>[vector<16xi32>], vector<16xf32>,
        %add3A_378 = arith.addi %add3A_29, %add3A_375 : vector<16xi32>
        %gather3A_379 = tpu.vector_load_idx %arg16[%add3A_378] : memref<4096xf32, #tpu.memory_space<vmem>>[vector<16xi32>], vector<16xf32>,
        %gather3A_380 = tpu.vector_load_idx %arg17[%add3A_375, %iota3A] : memref<128x32xf32, #tpu.memory_space<vmem>>[vector<16xi32>, vector<16xi32>], vector<16xf32>,
        %gather3A_381 = tpu.vector_load_idx %arg17[%add3A_375, %add3A_23] : memref<128x32xf32, #tpu.memory_space<vmem>>[vector<16xi32>, vector<16xi32>], vector<16xf32>,
        %mul3A_382 = arith.mulf %gather3A_380, %gather3A_377 : vector<16xf32>
        tpu.vector_store_idx %arg17[%add3A_375, %iota3A], %mul3A_382 : memref<128x32xf32, #tpu.memory_space<vmem>>[vector<16xi32>, vector<16xi32>], vector<16xf32>,
        %mul3A_383 = arith.mulf %gather3A_381, %gather3A_379 : vector<16xf32>
        tpu.vector_store_idx %arg17[%add3A_375, %add3A_23], %mul3A_383 : memref<128x32xf32, #tpu.memory_space<vmem>>[vector<16xi32>, vector<16xi32>], vector<16xf32>,
        %add3A_384 = arith.addi %broadcast_in_dim3A_276, %and3A_106 : vector<16xi32>
        %add3A_385 = arith.addi %mul3A_26, %add3A_384 : vector<16xi32>
        %gather3A_386 = tpu.vector_load_idx %arg16[%add3A_385] : memref<4096xf32, #tpu.memory_space<vmem>>[vector<16xi32>], vector<16xf32>,
        %add3A_387 = arith.addi %add3A_29, %add3A_384 : vector<16xi32>
        %gather3A_388 = tpu.vector_load_idx %arg16[%add3A_387] : memref<4096xf32, #tpu.memory_space<vmem>>[vector<16xi32>], vector<16xf32>,
        %gather3A_389 = tpu.vector_load_idx %arg17[%add3A_384, %iota3A] : memref<128x32xf32, #tpu.memory_space<vmem>>[vector<16xi32>, vector<16xi32>], vector<16xf32>,
        %gather3A_390 = tpu.vector_load_idx %arg17[%add3A_384, %add3A_23] : memref<128x32xf32, #tpu.memory_space<vmem>>[vector<16xi32>, vector<16xi32>], vector<16xf32>,
        %mul3A_391 = arith.mulf %gather3A_389, %gather3A_386 : vector<16xf32>
        tpu.vector_store_idx %arg17[%add3A_384, %iota3A], %mul3A_391 : memref<128x32xf32, #tpu.memory_space<vmem>>[vector<16xi32>, vector<16xi32>], vector<16xf32>,
        %mul3A_392 = arith.mulf %gather3A_390, %gather3A_388 : vector<16xf32>
        tpu.vector_store_idx %arg17[%add3A_384, %add3A_23], %mul3A_392 : memref<128x32xf32, #tpu.memory_space<vmem>>[vector<16xi32>, vector<16xi32>], vector<16xf32>,
        %add3A_393 = arith.addi %broadcast_in_dim3A_276, %and3A_112 : vector<16xi32>
        %add3A_394 = arith.addi %mul3A_26, %add3A_393 : vector<16xi32>
        %gather3A_395 = tpu.vector_load_idx %arg16[%add3A_394] : memref<4096xf32, #tpu.memory_space<vmem>>[vector<16xi32>], vector<16xf32>,
        %add3A_396 = arith.addi %add3A_29, %add3A_393 : vector<16xi32>
        %gather3A_397 = tpu.vector_load_idx %arg16[%add3A_396] : memref<4096xf32, #tpu.memory_space<vmem>>[vector<16xi32>], vector<16xf32>,
        %gather3A_398 = tpu.vector_load_idx %arg17[%add3A_393, %iota3A] : memref<128x32xf32, #tpu.memory_space<vmem>>[vector<16xi32>, vector<16xi32>], vector<16xf32>,
        %gather3A_399 = tpu.vector_load_idx %arg17[%add3A_393, %add3A_23] : memref<128x32xf32, #tpu.memory_space<vmem>>[vector<16xi32>, vector<16xi32>], vector<16xf32>,
        %mul3A_400 = arith.mulf %gather3A_398, %gather3A_395 : vector<16xf32>
        tpu.vector_store_idx %arg17[%add3A_393, %iota3A], %mul3A_400 : memref<128x32xf32, #tpu.memory_space<vmem>>[vector<16xi32>, vector<16xi32>], vector<16xf32>,
        %mul3A_401 = arith.mulf %gather3A_399, %gather3A_397 : vector<16xf32>
        tpu.vector_store_idx %arg17[%add3A_393, %add3A_23], %mul3A_401 : memref<128x32xf32, #tpu.memory_space<vmem>>[vector<16xi32>, vector<16xi32>], vector<16xf32>,
        %add3A_402 = arith.addi %broadcast_in_dim3A_276, %and3A_118 : vector<16xi32>
        %add3A_403 = arith.addi %mul3A_26, %add3A_402 : vector<16xi32>
        %gather3A_404 = tpu.vector_load_idx %arg16[%add3A_403] : memref<4096xf32, #tpu.memory_space<vmem>>[vector<16xi32>], vector<16xf32>,
        %add3A_405 = arith.addi %add3A_29, %add3A_402 : vector<16xi32>
        %gather3A_406 = tpu.vector_load_idx %arg16[%add3A_405] : memref<4096xf32, #tpu.memory_space<vmem>>[vector<16xi32>], vector<16xf32>,
        %gather3A_407 = tpu.vector_load_idx %arg17[%add3A_402, %iota3A] : memref<128x32xf32, #tpu.memory_space<vmem>>[vector<16xi32>, vector<16xi32>], vector<16xf32>,
        %gather3A_408 = tpu.vector_load_idx %arg17[%add3A_402, %add3A_23] : memref<128x32xf32, #tpu.memory_space<vmem>>[vector<16xi32>, vector<16xi32>], vector<16xf32>,
        %mul3A_409 = arith.mulf %gather3A_407, %gather3A_404 : vector<16xf32>
        tpu.vector_store_idx %arg17[%add3A_402, %iota3A], %mul3A_409 : memref<128x32xf32, #tpu.memory_space<vmem>>[vector<16xi32>, vector<16xi32>], vector<16xf32>,
        %mul3A_410 = arith.mulf %gather3A_408, %gather3A_406 : vector<16xf32>
        tpu.vector_store_idx %arg17[%add3A_402, %add3A_23], %mul3A_410 : memref<128x32xf32, #tpu.memory_space<vmem>>[vector<16xi32>, vector<16xi32>], vector<16xf32>,
        %add3A_411 = arith.addi %broadcast_in_dim3A_276, %and3A_124 : vector<16xi32>
        %add3A_412 = arith.addi %mul3A_26, %add3A_411 : vector<16xi32>
        %gather3A_413 = tpu.vector_load_idx %arg16[%add3A_412] : memref<4096xf32, #tpu.memory_space<vmem>>[vector<16xi32>], vector<16xf32>,
        %add3A_414 = arith.addi %add3A_29, %add3A_411 : vector<16xi32>
        %gather3A_415 = tpu.vector_load_idx %arg16[%add3A_414] : memref<4096xf32, #tpu.memory_space<vmem>>[vector<16xi32>], vector<16xf32>,
        %gather3A_416 = tpu.vector_load_idx %arg17[%add3A_411, %iota3A] : memref<128x32xf32, #tpu.memory_space<vmem>>[vector<16xi32>, vector<16xi32>], vector<16xf32>,
        %gather3A_417 = tpu.vector_load_idx %arg17[%add3A_411, %add3A_23] : memref<128x32xf32, #tpu.memory_space<vmem>>[vector<16xi32>, vector<16xi32>], vector<16xf32>,
        %mul3A_418 = arith.mulf %gather3A_416, %gather3A_413 : vector<16xf32>
        tpu.vector_store_idx %arg17[%add3A_411, %iota3A], %mul3A_418 : memref<128x32xf32, #tpu.memory_space<vmem>>[vector<16xi32>, vector<16xi32>], vector<16xf32>,
        %mul3A_419 = arith.mulf %gather3A_417, %gather3A_415 : vector<16xf32>
        tpu.vector_store_idx %arg17[%add3A_411, %add3A_23], %mul3A_419 : memref<128x32xf32, #tpu.memory_space<vmem>>[vector<16xi32>, vector<16xi32>], vector<16xf32>,
      }
      %scan3A_247 = arith.constant 8 : i32
      %dma_start3A_248 = arith.constant 0 : i32
      %dma_start3A_249 = arith.constant 0 : i32
      %dma_start3A_250 = tpu.memref_slice %arg22[%dma_start3A_248, %dma_start3A_249] : memref<50000x32xf32, #tpu.memory_space<vmem_shared>> -> memref<50000x32xf32, #tpu.memory_space<vmem_shared>>
      tpu.enqueue_indirect_dma source(%arg17 : memref<128x32xf32, #tpu.memory_space<vmem>>) target(%dma_start3A_250 : memref<50000x32xf32, #tpu.memory_space<vmem_shared>>) offsets(%arg15 : memref<128xi32, #tpu.memory_space<vmem>>) semaphore(%arg20 : memref<!tpu.dma_semaphore, #tpu.memory_space<semaphore_mem>>) {add = true}
      %dma_wait3A_251 = arith.constant 0 : i32
      %dma_wait3A_252 = arith.constant 0 : i32
      %dma_wait3A_253 = tpu.memref_slice %arg22[%dma_wait3A_251, %dma_wait3A_252] : memref<50000x32xf32, #tpu.memory_space<vmem_shared>> -> memref<50000x32xf32, #tpu.memory_space<vmem_shared>>
      tpu.wait_indirect_dma semaphore(%arg13 : memref<!tpu.dma_semaphore, #tpu.memory_space<semaphore_mem>>) src(%arg10 : memref<128x32xf32, #tpu.memory_space<vmem>>) dst(%dma_wait3A_253 : memref<50000x32xf32, #tpu.memory_space<vmem_shared>>)
      %mul3A_254 = arith.constant 2 : i32
      %mul3A_255 = arith.muli %mul3A_254, %while3A_188 : i32
      %add3A_256 = arith.constant 2 : i32
      %add3A_257 = arith.addi %mul3A_255, %add3A_256 : i32
      %lt3A_258 = arith.cmpi slt, %add3A_257, %add3A_20 : i32
      %convert_element_type3A_259 = arith.extui %lt3A_258 : i1 to i32
      %cond3A_260 = arith.constant 0 : i32
      %cond3A_261 = arith.cmpi ne, %convert_element_type3A_259, %cond3A_260 : i32
      scf.if %cond3A_261 {
        %add3A_273 = arith.constant 2 : i32
        %add3A_274 = arith.addi %add3A_191, %add3A_273 : i32
        %mul3A_275 = arith.constant 128 : i32
        %mul3A_276 = arith.muli %add3A_274, %mul3A_275 : i32
        %dma_start3A_277 = tpu.memref_slice %arg2[%mul3A_276] : memref<800000xi32, #tpu.memory_space<hbm>> -> memref<128xi32, #tpu.memory_space<hbm>>
        %dma_start3A_278 = tpu.memref_slice %arg2[%mul3A_276] : memref<800000xi32, #tpu.memory_space<hbm>> -> memref<128xi32, #tpu.memory_space<hbm>>
        tpu.enqueue_dma source(%dma_start3A_278 : memref<128xi32, #tpu.memory_space<hbm>>) target(%arg7 : memref<128xi32, #tpu.memory_space<vmem>>) target_semaphore(%arg11 : memref<!tpu.dma_semaphore, #tpu.memory_space<semaphore_mem>>)
        %dma_start3A_279 = tpu.memref_slice %arg3[%mul3A_276] : memref<800000xi32, #tpu.memory_space<hbm>> -> memref<128xi32, #tpu.memory_space<hbm>>
        %dma_start3A_280 = tpu.memref_slice %arg3[%mul3A_276] : memref<800000xi32, #tpu.memory_space<hbm>> -> memref<128xi32, #tpu.memory_space<hbm>>
        tpu.enqueue_dma source(%dma_start3A_280 : memref<128xi32, #tpu.memory_space<hbm>>) target(%arg8 : memref<128xi32, #tpu.memory_space<vmem>>) target_semaphore(%arg11 : memref<!tpu.dma_semaphore, #tpu.memory_space<semaphore_mem>>)
        %dma_start3A_281 = arith.constant 0 : i32
        %dma_start3A_282 = tpu.memref_slice %arg5[%add3A_274, %dma_start3A_281] : memref<6250x4096xf32, #tpu.memory_space<hbm>> -> memref<1x4096xf32, #tpu.memory_space<hbm>>
        %dma_start3A_283 = tpu.memref_squeeze %dma_start3A_282 : memref<1x4096xf32, #tpu.memory_space<hbm>> -> memref<4096xf32, #tpu.memory_space<hbm>>
        %dma_start3A_284 = arith.constant 0 : i32
        %dma_start3A_285 = tpu.memref_slice %arg5[%add3A_274, %dma_start3A_284] : memref<6250x4096xf32, #tpu.memory_space<hbm>> -> memref<1x4096xf32, #tpu.memory_space<hbm>>
        %dma_start3A_286 = tpu.memref_squeeze %dma_start3A_285 : memref<1x4096xf32, #tpu.memory_space<hbm>> -> memref<4096xf32, #tpu.memory_space<hbm>>
        tpu.enqueue_dma source(%dma_start3A_286 : memref<4096xf32, #tpu.memory_space<hbm>>) target(%arg9 : memref<4096xf32, #tpu.memory_space<vmem>>) target_semaphore(%arg11 : memref<!tpu.dma_semaphore, #tpu.memory_space<semaphore_mem>>)
      } else {
      }
      %dma_wait3A_262 = arith.constant 0 : i32
      %dma_wait3A_263 = arith.constant 0 : i32
      %dma_wait3A_264 = tpu.memref_slice %arg22[%dma_wait3A_262, %dma_wait3A_263] : memref<50000x32xf32, #tpu.memory_space<vmem_shared>> -> memref<50000x32xf32, #tpu.memory_space<vmem_shared>>
      tpu.wait_indirect_dma semaphore(%arg20 : memref<!tpu.dma_semaphore, #tpu.memory_space<semaphore_mem>>) src(%arg17 : memref<128x32xf32, #tpu.memory_space<vmem>>) dst(%dma_wait3A_264 : memref<50000x32xf32, #tpu.memory_space<vmem_shared>>)
      %mul3A_265 = arith.constant 2 : i32
      %mul3A_266 = arith.muli %mul3A_265, %while3A_188 : i32
      %add3A_267 = arith.constant 3 : i32
      %add3A_268 = arith.addi %mul3A_266, %add3A_267 : i32
      %lt3A_269 = arith.cmpi slt, %add3A_268, %add3A_20 : i32
      %convert_element_type3A_270 = arith.extui %lt3A_269 : i1 to i32
      %cond3A_271 = arith.constant 0 : i32
      %cond3A_272 = arith.cmpi ne, %convert_element_type3A_270, %cond3A_271 : i32
      scf.if %cond3A_272 {
        %add3A_273 = arith.constant 3 : i32
        %add3A_274 = arith.addi %add3A_191, %add3A_273 : i32
        %mul3A_275 = arith.constant 128 : i32
        %mul3A_276 = arith.muli %add3A_274, %mul3A_275 : i32
        %dma_start3A_277 = tpu.memref_slice %arg2[%mul3A_276] : memref<800000xi32, #tpu.memory_space<hbm>> -> memref<128xi32, #tpu.memory_space<hbm>>
        %dma_start3A_278 = tpu.memref_slice %arg2[%mul3A_276] : memref<800000xi32, #tpu.memory_space<hbm>> -> memref<128xi32, #tpu.memory_space<hbm>>
        tpu.enqueue_dma source(%dma_start3A_278 : memref<128xi32, #tpu.memory_space<hbm>>) target(%arg14 : memref<128xi32, #tpu.memory_space<vmem>>) target_semaphore(%arg18 : memref<!tpu.dma_semaphore, #tpu.memory_space<semaphore_mem>>)
        %dma_start3A_279 = tpu.memref_slice %arg3[%mul3A_276] : memref<800000xi32, #tpu.memory_space<hbm>> -> memref<128xi32, #tpu.memory_space<hbm>>
        %dma_start3A_280 = tpu.memref_slice %arg3[%mul3A_276] : memref<800000xi32, #tpu.memory_space<hbm>> -> memref<128xi32, #tpu.memory_space<hbm>>
        tpu.enqueue_dma source(%dma_start3A_280 : memref<128xi32, #tpu.memory_space<hbm>>) target(%arg15 : memref<128xi32, #tpu.memory_space<vmem>>) target_semaphore(%arg18 : memref<!tpu.dma_semaphore, #tpu.memory_space<semaphore_mem>>)
        %dma_start3A_281 = arith.constant 0 : i32
        %dma_start3A_282 = tpu.memref_slice %arg5[%add3A_274, %dma_start3A_281] : memref<6250x4096xf32, #tpu.memory_space<hbm>> -> memref<1x4096xf32, #tpu.memory_space<hbm>>
        %dma_start3A_283 = tpu.memref_squeeze %dma_start3A_282 : memref<1x4096xf32, #tpu.memory_space<hbm>> -> memref<4096xf32, #tpu.memory_space<hbm>>
        %dma_start3A_284 = arith.constant 0 : i32
        %dma_start3A_285 = tpu.memref_slice %arg5[%add3A_274, %dma_start3A_284] : memref<6250x4096xf32, #tpu.memory_space<hbm>> -> memref<1x4096xf32, #tpu.memory_space<hbm>>
        %dma_start3A_286 = tpu.memref_squeeze %dma_start3A_285 : memref<1x4096xf32, #tpu.memory_space<hbm>> -> memref<4096xf32, #tpu.memory_space<hbm>>
        tpu.enqueue_dma source(%dma_start3A_286 : memref<4096xf32, #tpu.memory_space<hbm>>) target(%arg16 : memref<4096xf32, #tpu.memory_space<vmem>>) target_semaphore(%arg18 : memref<!tpu.dma_semaphore, #tpu.memory_space<semaphore_mem>>)
      } else {
      }
    }
    %while3A_180 = arith.constant 1 : i32
    scf.for %while3A_188 = %while3A_178 to %while3A_174 step %while3A_180  : i32 {
      %mul3A_189 = arith.constant 2 : i32
      %mul3A_190 = arith.muli %mul3A_189, %while3A_188 : i32
      %add3A_191 = arith.addi %add3A_16, %mul3A_190 : i32
      %dma_wait3A = arith.constant 0 : i32
      %dma_wait3A_192 = tpu.memref_slice %arg2[%dma_wait3A] : memref<800000xi32, #tpu.memory_space<hbm>> -> memref<128xi32, #tpu.memory_space<hbm>>
      %dma_wait3A_193 = arith.constant 0 : i32
      %dma_wait3A_194 = tpu.memref_slice %arg2[%dma_wait3A_193] : memref<800000xi32, #tpu.memory_space<hbm>> -> memref<128xi32, #tpu.memory_space<hbm>>
      tpu.wait_dma2 semaphore(%arg11 : memref<!tpu.dma_semaphore, #tpu.memory_space<semaphore_mem>>) src(%dma_wait3A_194 : memref<128xi32, #tpu.memory_space<hbm>>) dst(%arg7 : memref<128xi32, #tpu.memory_space<vmem>>)
      %dma_wait3A_195 = arith.constant 0 : i32
      %dma_wait3A_196 = tpu.memref_slice %arg3[%dma_wait3A_195] : memref<800000xi32, #tpu.memory_space<hbm>> -> memref<128xi32, #tpu.memory_space<hbm>>
      %dma_wait3A_197 = arith.constant 0 : i32
      %dma_wait3A_198 = tpu.memref_slice %arg3[%dma_wait3A_197] : memref<800000xi32, #tpu.memory_space<hbm>> -> memref<128xi32, #tpu.memory_space<hbm>>
      tpu.wait_dma2 semaphore(%arg11 : memref<!tpu.dma_semaphore, #tpu.memory_space<semaphore_mem>>) src(%dma_wait3A_198 : memref<128xi32, #tpu.memory_space<hbm>>) dst(%arg8 : memref<128xi32, #tpu.memory_space<vmem>>)
      %dma_wait3A_199 = arith.constant 0 : i32
      %dma_wait3A_200 = arith.constant 0 : i32
      %dma_wait3A_201 = tpu.memref_slice %arg5[%dma_wait3A_199, %dma_wait3A_200] : memref<6250x4096xf32, #tpu.memory_space<hbm>> -> memref<1x4096xf32, #tpu.memory_space<hbm>>
      %dma_wait3A_202 = tpu.memref_squeeze %dma_wait3A_201 : memref<1x4096xf32, #tpu.memory_space<hbm>> -> memref<4096xf32, #tpu.memory_space<hbm>>
      %dma_wait3A_203 = arith.constant 0 : i32
      %dma_wait3A_204 = tpu.memref_slice %arg5[%dma_wait3A_199, %dma_wait3A_203] : memref<6250x4096xf32, #tpu.memory_space<hbm>> -> memref<1x4096xf32, #tpu.memory_space<hbm>>
      %dma_wait3A_205 = tpu.memref_squeeze %dma_wait3A_204 : memref<1x4096xf32, #tpu.memory_space<hbm>> -> memref<4096xf32, #tpu.memory_space<hbm>>
      tpu.wait_dma2 semaphore(%arg11 : memref<!tpu.dma_semaphore, #tpu.memory_space<semaphore_mem>>) src(%dma_wait3A_205 : memref<4096xf32, #tpu.memory_space<hbm>>) dst(%arg9 : memref<4096xf32, #tpu.memory_space<vmem>>)
      %dma_start3A_206 = arith.constant 0 : i32
      %dma_start3A_207 = arith.constant 0 : i32
      %dma_start3A_208 = tpu.memref_slice %arg4[%dma_start3A_206, %dma_start3A_207] : memref<50000x32xf32, #tpu.memory_space<hbm>> -> memref<50000x32xf32, #tpu.memory_space<hbm>>
      tpu.enqueue_indirect_dma source(%dma_start3A_208 : memref<50000x32xf32, #tpu.memory_space<hbm>>) target(%arg10 : memref<128x32xf32, #tpu.memory_space<vmem>>) offsets(%arg7 : memref<128xi32, #tpu.memory_space<vmem>>) semaphore(%arg12 : memref<!tpu.dma_semaphore, #tpu.memory_space<semaphore_mem>>)
      %dma_wait3A_209 = arith.constant 0 : i32
      %dma_wait3A_210 = tpu.memref_slice %arg2[%dma_wait3A_209] : memref<800000xi32, #tpu.memory_space<hbm>> -> memref<128xi32, #tpu.memory_space<hbm>>
      %dma_wait3A_211 = arith.constant 0 : i32
      %dma_wait3A_212 = tpu.memref_slice %arg2[%dma_wait3A_211] : memref<800000xi32, #tpu.memory_space<hbm>> -> memref<128xi32, #tpu.memory_space<hbm>>
      tpu.wait_dma2 semaphore(%arg18 : memref<!tpu.dma_semaphore, #tpu.memory_space<semaphore_mem>>) src(%dma_wait3A_212 : memref<128xi32, #tpu.memory_space<hbm>>) dst(%arg14 : memref<128xi32, #tpu.memory_space<vmem>>)
      %dma_wait3A_213 = arith.constant 0 : i32
      %dma_wait3A_214 = tpu.memref_slice %arg3[%dma_wait3A_213] : memref<800000xi32, #tpu.memory_space<hbm>> -> memref<128xi32, #tpu.memory_space<hbm>>
      %dma_wait3A_215 = arith.constant 0 : i32
      %dma_wait3A_216 = tpu.memref_slice %arg3[%dma_wait3A_215] : memref<800000xi32, #tpu.memory_space<hbm>> -> memref<128xi32, #tpu.memory_space<hbm>>
      tpu.wait_dma2 semaphore(%arg18 : memref<!tpu.dma_semaphore, #tpu.memory_space<semaphore_mem>>) src(%dma_wait3A_216 : memref<128xi32, #tpu.memory_space<hbm>>) dst(%arg15 : memref<128xi32, #tpu.memory_space<vmem>>)
      %dma_wait3A_217 = arith.constant 0 : i32
      %dma_wait3A_218 = arith.constant 0 : i32
      %dma_wait3A_219 = tpu.memref_slice %arg5[%dma_wait3A_217, %dma_wait3A_218] : memref<6250x4096xf32, #tpu.memory_space<hbm>> -> memref<1x4096xf32, #tpu.memory_space<hbm>>
      %dma_wait3A_220 = tpu.memref_squeeze %dma_wait3A_219 : memref<1x4096xf32, #tpu.memory_space<hbm>> -> memref<4096xf32, #tpu.memory_space<hbm>>
      %dma_wait3A_221 = arith.constant 0 : i32
      %dma_wait3A_222 = tpu.memref_slice %arg5[%dma_wait3A_217, %dma_wait3A_221] : memref<6250x4096xf32, #tpu.memory_space<hbm>> -> memref<1x4096xf32, #tpu.memory_space<hbm>>
      %dma_wait3A_223 = tpu.memref_squeeze %dma_wait3A_222 : memref<1x4096xf32, #tpu.memory_space<hbm>> -> memref<4096xf32, #tpu.memory_space<hbm>>
      tpu.wait_dma2 semaphore(%arg18 : memref<!tpu.dma_semaphore, #tpu.memory_space<semaphore_mem>>) src(%dma_wait3A_223 : memref<4096xf32, #tpu.memory_space<hbm>>) dst(%arg16 : memref<4096xf32, #tpu.memory_space<vmem>>)
      %dma_start3A_224 = arith.constant 0 : i32
      %dma_start3A_225 = arith.constant 0 : i32
      %dma_start3A_226 = tpu.memref_slice %arg4[%dma_start3A_224, %dma_start3A_225] : memref<50000x32xf32, #tpu.memory_space<hbm>> -> memref<50000x32xf32, #tpu.memory_space<hbm>>
      tpu.enqueue_indirect_dma source(%dma_start3A_226 : memref<50000x32xf32, #tpu.memory_space<hbm>>) target(%arg17 : memref<128x32xf32, #tpu.memory_space<vmem>>) offsets(%arg14 : memref<128xi32, #tpu.memory_space<vmem>>) semaphore(%arg19 : memref<!tpu.dma_semaphore, #tpu.memory_space<semaphore_mem>>)
      %dma_wait3A_227 = arith.constant 0 : i32
      %dma_wait3A_228 = arith.constant 0 : i32
      %dma_wait3A_229 = tpu.memref_slice %arg4[%dma_wait3A_227, %dma_wait3A_228] : memref<50000x32xf32, #tpu.memory_space<hbm>> -> memref<50000x32xf32, #tpu.memory_space<hbm>>
      tpu.wait_indirect_dma semaphore(%arg12 : memref<!tpu.dma_semaphore, #tpu.memory_space<semaphore_mem>>) src(%dma_wait3A_229 : memref<50000x32xf32, #tpu.memory_space<hbm>>) dst(%arg10 : memref<128x32xf32, #tpu.memory_space<vmem>>)
      %scan3A_230 = arith.constant 0 : i32
      %scan3A_231 = arith.constant 0 : i32
      %scan3A_232 = arith.constant 8 : i32
      %scan3A_233 = arith.addi %scan3A_231, %scan3A_232 : i32
      %scan3A_234 = arith.constant 1 : i32
      scf.for %scan3A_273 = %scan3A_231 to %scan3A_233 step %scan3A_234  : i32 {
        %mul3A_274 = arith.constant 16 : i32
        %mul3A_275 = arith.muli %scan3A_273, %mul3A_274 : i32
        %broadcast_in_dim3A_276 = vector.broadcast %mul3A_275 : i32 to vector<16xi32>
        %add3A_277 = arith.addi %broadcast_in_dim3A_276, %and3A_34 : vector<16xi32>
        %add3A_278 = arith.addi %mul3A_26, %add3A_277 : vector<16xi32>
        %gather3A = tpu.vector_load_idx %arg9[%add3A_278] : memref<4096xf32, #tpu.memory_space<vmem>>[vector<16xi32>], vector<16xf32>,
        %add3A_279 = arith.addi %add3A_29, %add3A_277 : vector<16xi32>
        %gather3A_280 = tpu.vector_load_idx %arg9[%add3A_279] : memref<4096xf32, #tpu.memory_space<vmem>>[vector<16xi32>], vector<16xf32>,
        %gather3A_281 = tpu.vector_load_idx %arg10[%add3A_277, %iota3A] : memref<128x32xf32, #tpu.memory_space<vmem>>[vector<16xi32>, vector<16xi32>], vector<16xf32>,
        %gather3A_282 = tpu.vector_load_idx %arg10[%add3A_277, %add3A_23] : memref<128x32xf32, #tpu.memory_space<vmem>>[vector<16xi32>, vector<16xi32>], vector<16xf32>,
        %mul3A_283 = arith.mulf %gather3A_281, %gather3A : vector<16xf32>
        tpu.vector_store_idx %arg10[%add3A_277, %iota3A], %mul3A_283 : memref<128x32xf32, #tpu.memory_space<vmem>>[vector<16xi32>, vector<16xi32>], vector<16xf32>,
        %mul3A_284 = arith.mulf %gather3A_282, %gather3A_280 : vector<16xf32>
        tpu.vector_store_idx %arg10[%add3A_277, %add3A_23], %mul3A_284 : memref<128x32xf32, #tpu.memory_space<vmem>>[vector<16xi32>, vector<16xi32>], vector<16xf32>,
        %add3A_285 = arith.addi %broadcast_in_dim3A_276, %and3A_40 : vector<16xi32>
        %add3A_286 = arith.addi %mul3A_26, %add3A_285 : vector<16xi32>
        %gather3A_287 = tpu.vector_load_idx %arg9[%add3A_286] : memref<4096xf32, #tpu.memory_space<vmem>>[vector<16xi32>], vector<16xf32>,
        %add3A_288 = arith.addi %add3A_29, %add3A_285 : vector<16xi32>
        %gather3A_289 = tpu.vector_load_idx %arg9[%add3A_288] : memref<4096xf32, #tpu.memory_space<vmem>>[vector<16xi32>], vector<16xf32>,
        %gather3A_290 = tpu.vector_load_idx %arg10[%add3A_285, %iota3A] : memref<128x32xf32, #tpu.memory_space<vmem>>[vector<16xi32>, vector<16xi32>], vector<16xf32>,
        %gather3A_291 = tpu.vector_load_idx %arg10[%add3A_285, %add3A_23] : memref<128x32xf32, #tpu.memory_space<vmem>>[vector<16xi32>, vector<16xi32>], vector<16xf32>,
        %mul3A_292 = arith.mulf %gather3A_290, %gather3A_287 : vector<16xf32>
        tpu.vector_store_idx %arg10[%add3A_285, %iota3A], %mul3A_292 : memref<128x32xf32, #tpu.memory_space<vmem>>[vector<16xi32>, vector<16xi32>], vector<16xf32>,
        %mul3A_293 = arith.mulf %gather3A_291, %gather3A_289 : vector<16xf32>
        tpu.vector_store_idx %arg10[%add3A_285, %add3A_23], %mul3A_293 : memref<128x32xf32, #tpu.memory_space<vmem>>[vector<16xi32>, vector<16xi32>], vector<16xf32>,
        %add3A_294 = arith.addi %broadcast_in_dim3A_276, %and3A_46 : vector<16xi32>
        %add3A_295 = arith.addi %mul3A_26, %add3A_294 : vector<16xi32>
        %gather3A_296 = tpu.vector_load_idx %arg9[%add3A_295] : memref<4096xf32, #tpu.memory_space<vmem>>[vector<16xi32>], vector<16xf32>,
        %add3A_297 = arith.addi %add3A_29, %add3A_294 : vector<16xi32>
        %gather3A_298 = tpu.vector_load_idx %arg9[%add3A_297] : memref<4096xf32, #tpu.memory_space<vmem>>[vector<16xi32>], vector<16xf32>,
        %gather3A_299 = tpu.vector_load_idx %arg10[%add3A_294, %iota3A] : memref<128x32xf32, #tpu.memory_space<vmem>>[vector<16xi32>, vector<16xi32>], vector<16xf32>,
        %gather3A_300 = tpu.vector_load_idx %arg10[%add3A_294, %add3A_23] : memref<128x32xf32, #tpu.memory_space<vmem>>[vector<16xi32>, vector<16xi32>], vector<16xf32>,
        %mul3A_301 = arith.mulf %gather3A_299, %gather3A_296 : vector<16xf32>
        tpu.vector_store_idx %arg10[%add3A_294, %iota3A], %mul3A_301 : memref<128x32xf32, #tpu.memory_space<vmem>>[vector<16xi32>, vector<16xi32>], vector<16xf32>,
        %mul3A_302 = arith.mulf %gather3A_300, %gather3A_298 : vector<16xf32>
        tpu.vector_store_idx %arg10[%add3A_294, %add3A_23], %mul3A_302 : memref<128x32xf32, #tpu.memory_space<vmem>>[vector<16xi32>, vector<16xi32>], vector<16xf32>,
        %add3A_303 = arith.addi %broadcast_in_dim3A_276, %and3A_52 : vector<16xi32>
        %add3A_304 = arith.addi %mul3A_26, %add3A_303 : vector<16xi32>
        %gather3A_305 = tpu.vector_load_idx %arg9[%add3A_304] : memref<4096xf32, #tpu.memory_space<vmem>>[vector<16xi32>], vector<16xf32>,
        %add3A_306 = arith.addi %add3A_29, %add3A_303 : vector<16xi32>
        %gather3A_307 = tpu.vector_load_idx %arg9[%add3A_306] : memref<4096xf32, #tpu.memory_space<vmem>>[vector<16xi32>], vector<16xf32>,
        %gather3A_308 = tpu.vector_load_idx %arg10[%add3A_303, %iota3A] : memref<128x32xf32, #tpu.memory_space<vmem>>[vector<16xi32>, vector<16xi32>], vector<16xf32>,
        %gather3A_309 = tpu.vector_load_idx %arg10[%add3A_303, %add3A_23] : memref<128x32xf32, #tpu.memory_space<vmem>>[vector<16xi32>, vector<16xi32>], vector<16xf32>,
        %mul3A_310 = arith.mulf %gather3A_308, %gather3A_305 : vector<16xf32>
        tpu.vector_store_idx %arg10[%add3A_303, %iota3A], %mul3A_310 : memref<128x32xf32, #tpu.memory_space<vmem>>[vector<16xi32>, vector<16xi32>], vector<16xf32>,
        %mul3A_311 = arith.mulf %gather3A_309, %gather3A_307 : vector<16xf32>
        tpu.vector_store_idx %arg10[%add3A_303, %add3A_23], %mul3A_311 : memref<128x32xf32, #tpu.memory_space<vmem>>[vector<16xi32>, vector<16xi32>], vector<16xf32>,
        %add3A_312 = arith.addi %broadcast_in_dim3A_276, %and3A_58 : vector<16xi32>
        %add3A_313 = arith.addi %mul3A_26, %add3A_312 : vector<16xi32>
        %gather3A_314 = tpu.vector_load_idx %arg9[%add3A_313] : memref<4096xf32, #tpu.memory_space<vmem>>[vector<16xi32>], vector<16xf32>,
        %add3A_315 = arith.addi %add3A_29, %add3A_312 : vector<16xi32>
        %gather3A_316 = tpu.vector_load_idx %arg9[%add3A_315] : memref<4096xf32, #tpu.memory_space<vmem>>[vector<16xi32>], vector<16xf32>,
        %gather3A_317 = tpu.vector_load_idx %arg10[%add3A_312, %iota3A] : memref<128x32xf32, #tpu.memory_space<vmem>>[vector<16xi32>, vector<16xi32>], vector<16xf32>,
        %gather3A_318 = tpu.vector_load_idx %arg10[%add3A_312, %add3A_23] : memref<128x32xf32, #tpu.memory_space<vmem>>[vector<16xi32>, vector<16xi32>], vector<16xf32>,
        %mul3A_319 = arith.mulf %gather3A_317, %gather3A_314 : vector<16xf32>
        tpu.vector_store_idx %arg10[%add3A_312, %iota3A], %mul3A_319 : memref<128x32xf32, #tpu.memory_space<vmem>>[vector<16xi32>, vector<16xi32>], vector<16xf32>,
        %mul3A_320 = arith.mulf %gather3A_318, %gather3A_316 : vector<16xf32>
        tpu.vector_store_idx %arg10[%add3A_312, %add3A_23], %mul3A_320 : memref<128x32xf32, #tpu.memory_space<vmem>>[vector<16xi32>, vector<16xi32>], vector<16xf32>,
        %add3A_321 = arith.addi %broadcast_in_dim3A_276, %and3A_64 : vector<16xi32>
        %add3A_322 = arith.addi %mul3A_26, %add3A_321 : vector<16xi32>
        %gather3A_323 = tpu.vector_load_idx %arg9[%add3A_322] : memref<4096xf32, #tpu.memory_space<vmem>>[vector<16xi32>], vector<16xf32>,
        %add3A_324 = arith.addi %add3A_29, %add3A_321 : vector<16xi32>
        %gather3A_325 = tpu.vector_load_idx %arg9[%add3A_324] : memref<4096xf32, #tpu.memory_space<vmem>>[vector<16xi32>], vector<16xf32>,
        %gather3A_326 = tpu.vector_load_idx %arg10[%add3A_321, %iota3A] : memref<128x32xf32, #tpu.memory_space<vmem>>[vector<16xi32>, vector<16xi32>], vector<16xf32>,
        %gather3A_327 = tpu.vector_load_idx %arg10[%add3A_321, %add3A_23] : memref<128x32xf32, #tpu.memory_space<vmem>>[vector<16xi32>, vector<16xi32>], vector<16xf32>,
        %mul3A_328 = arith.mulf %gather3A_326, %gather3A_323 : vector<16xf32>
        tpu.vector_store_idx %arg10[%add3A_321, %iota3A], %mul3A_328 : memref<128x32xf32, #tpu.memory_space<vmem>>[vector<16xi32>, vector<16xi32>], vector<16xf32>,
        %mul3A_329 = arith.mulf %gather3A_327, %gather3A_325 : vector<16xf32>
        tpu.vector_store_idx %arg10[%add3A_321, %add3A_23], %mul3A_329 : memref<128x32xf32, #tpu.memory_space<vmem>>[vector<16xi32>, vector<16xi32>], vector<16xf32>,
        %add3A_330 = arith.addi %broadcast_in_dim3A_276, %and3A_70 : vector<16xi32>
        %add3A_331 = arith.addi %mul3A_26, %add3A_330 : vector<16xi32>
        %gather3A_332 = tpu.vector_load_idx %arg9[%add3A_331] : memref<4096xf32, #tpu.memory_space<vmem>>[vector<16xi32>], vector<16xf32>,
        %add3A_333 = arith.addi %add3A_29, %add3A_330 : vector<16xi32>
        %gather3A_334 = tpu.vector_load_idx %arg9[%add3A_333] : memref<4096xf32, #tpu.memory_space<vmem>>[vector<16xi32>], vector<16xf32>,
        %gather3A_335 = tpu.vector_load_idx %arg10[%add3A_330, %iota3A] : memref<128x32xf32, #tpu.memory_space<vmem>>[vector<16xi32>, vector<16xi32>], vector<16xf32>,
        %gather3A_336 = tpu.vector_load_idx %arg10[%add3A_330, %add3A_23] : memref<128x32xf32, #tpu.memory_space<vmem>>[vector<16xi32>, vector<16xi32>], vector<16xf32>,
        %mul3A_337 = arith.mulf %gather3A_335, %gather3A_332 : vector<16xf32>
        tpu.vector_store_idx %arg10[%add3A_330, %iota3A], %mul3A_337 : memref<128x32xf32, #tpu.memory_space<vmem>>[vector<16xi32>, vector<16xi32>], vector<16xf32>,
        %mul3A_338 = arith.mulf %gather3A_336, %gather3A_334 : vector<16xf32>
        tpu.vector_store_idx %arg10[%add3A_330, %add3A_23], %mul3A_338 : memref<128x32xf32, #tpu.memory_space<vmem>>[vector<16xi32>, vector<16xi32>], vector<16xf32>,
        %add3A_339 = arith.addi %broadcast_in_dim3A_276, %and3A_76 : vector<16xi32>
        %add3A_340 = arith.addi %mul3A_26, %add3A_339 : vector<16xi32>
        %gather3A_341 = tpu.vector_load_idx %arg9[%add3A_340] : memref<4096xf32, #tpu.memory_space<vmem>>[vector<16xi32>], vector<16xf32>,
        %add3A_342 = arith.addi %add3A_29, %add3A_339 : vector<16xi32>
        %gather3A_343 = tpu.vector_load_idx %arg9[%add3A_342] : memref<4096xf32, #tpu.memory_space<vmem>>[vector<16xi32>], vector<16xf32>,
        %gather3A_344 = tpu.vector_load_idx %arg10[%add3A_339, %iota3A] : memref<128x32xf32, #tpu.memory_space<vmem>>[vector<16xi32>, vector<16xi32>], vector<16xf32>,
        %gather3A_345 = tpu.vector_load_idx %arg10[%add3A_339, %add3A_23] : memref<128x32xf32, #tpu.memory_space<vmem>>[vector<16xi32>, vector<16xi32>], vector<16xf32>,
        %mul3A_346 = arith.mulf %gather3A_344, %gather3A_341 : vector<16xf32>
        tpu.vector_store_idx %arg10[%add3A_339, %iota3A], %mul3A_346 : memref<128x32xf32, #tpu.memory_space<vmem>>[vector<16xi32>, vector<16xi32>], vector<16xf32>,
        %mul3A_347 = arith.mulf %gather3A_345, %gather3A_343 : vector<16xf32>
        tpu.vector_store_idx %arg10[%add3A_339, %add3A_23], %mul3A_347 : memref<128x32xf32, #tpu.memory_space<vmem>>[vector<16xi32>, vector<16xi32>], vector<16xf32>,
        %add3A_348 = arith.addi %broadcast_in_dim3A_276, %and3A_82 : vector<16xi32>
        %add3A_349 = arith.addi %mul3A_26, %add3A_348 : vector<16xi32>
        %gather3A_350 = tpu.vector_load_idx %arg9[%add3A_349] : memref<4096xf32, #tpu.memory_space<vmem>>[vector<16xi32>], vector<16xf32>,
        %add3A_351 = arith.addi %add3A_29, %add3A_348 : vector<16xi32>
        %gather3A_352 = tpu.vector_load_idx %arg9[%add3A_351] : memref<4096xf32, #tpu.memory_space<vmem>>[vector<16xi32>], vector<16xf32>,
        %gather3A_353 = tpu.vector_load_idx %arg10[%add3A_348, %iota3A] : memref<128x32xf32, #tpu.memory_space<vmem>>[vector<16xi32>, vector<16xi32>], vector<16xf32>,
        %gather3A_354 = tpu.vector_load_idx %arg10[%add3A_348, %add3A_23] : memref<128x32xf32, #tpu.memory_space<vmem>>[vector<16xi32>, vector<16xi32>], vector<16xf32>,
        %mul3A_355 = arith.mulf %gather3A_353, %gather3A_350 : vector<16xf32>
        tpu.vector_store_idx %arg10[%add3A_348, %iota3A], %mul3A_355 : memref<128x32xf32, #tpu.memory_space<vmem>>[vector<16xi32>, vector<16xi32>], vector<16xf32>,
        %mul3A_356 = arith.mulf %gather3A_354, %gather3A_352 : vector<16xf32>
        tpu.vector_store_idx %arg10[%add3A_348, %add3A_23], %mul3A_356 : memref<128x32xf32, #tpu.memory_space<vmem>>[vector<16xi32>, vector<16xi32>], vector<16xf32>,
        %add3A_357 = arith.addi %broadcast_in_dim3A_276, %and3A_88 : vector<16xi32>
        %add3A_358 = arith.addi %mul3A_26, %add3A_357 : vector<16xi32>
        %gather3A_359 = tpu.vector_load_idx %arg9[%add3A_358] : memref<4096xf32, #tpu.memory_space<vmem>>[vector<16xi32>], vector<16xf32>,
        %add3A_360 = arith.addi %add3A_29, %add3A_357 : vector<16xi32>
        %gather3A_361 = tpu.vector_load_idx %arg9[%add3A_360] : memref<4096xf32, #tpu.memory_space<vmem>>[vector<16xi32>], vector<16xf32>,
        %gather3A_362 = tpu.vector_load_idx %arg10[%add3A_357, %iota3A] : memref<128x32xf32, #tpu.memory_space<vmem>>[vector<16xi32>, vector<16xi32>], vector<16xf32>,
        %gather3A_363 = tpu.vector_load_idx %arg10[%add3A_357, %add3A_23] : memref<128x32xf32, #tpu.memory_space<vmem>>[vector<16xi32>, vector<16xi32>], vector<16xf32>,
        %mul3A_364 = arith.mulf %gather3A_362, %gather3A_359 : vector<16xf32>
        tpu.vector_store_idx %arg10[%add3A_357, %iota3A], %mul3A_364 : memref<128x32xf32, #tpu.memory_space<vmem>>[vector<16xi32>, vector<16xi32>], vector<16xf32>,
        %mul3A_365 = arith.mulf %gather3A_363, %gather3A_361 : vector<16xf32>
        tpu.vector_store_idx %arg10[%add3A_357, %add3A_23], %mul3A_365 : memref<128x32xf32, #tpu.memory_space<vmem>>[vector<16xi32>, vector<16xi32>], vector<16xf32>,
        %add3A_366 = arith.addi %broadcast_in_dim3A_276, %and3A_94 : vector<16xi32>
        %add3A_367 = arith.addi %mul3A_26, %add3A_366 : vector<16xi32>
        %gather3A_368 = tpu.vector_load_idx %arg9[%add3A_367] : memref<4096xf32, #tpu.memory_space<vmem>>[vector<16xi32>], vector<16xf32>,
        %add3A_369 = arith.addi %add3A_29, %add3A_366 : vector<16xi32>
        %gather3A_370 = tpu.vector_load_idx %arg9[%add3A_369] : memref<4096xf32, #tpu.memory_space<vmem>>[vector<16xi32>], vector<16xf32>,
        %gather3A_371 = tpu.vector_load_idx %arg10[%add3A_366, %iota3A] : memref<128x32xf32, #tpu.memory_space<vmem>>[vector<16xi32>, vector<16xi32>], vector<16xf32>,
        %gather3A_372 = tpu.vector_load_idx %arg10[%add3A_366, %add3A_23] : memref<128x32xf32, #tpu.memory_space<vmem>>[vector<16xi32>, vector<16xi32>], vector<16xf32>,
        %mul3A_373 = arith.mulf %gather3A_371, %gather3A_368 : vector<16xf32>
        tpu.vector_store_idx %arg10[%add3A_366, %iota3A], %mul3A_373 : memref<128x32xf32, #tpu.memory_space<vmem>>[vector<16xi32>, vector<16xi32>], vector<16xf32>,
        %mul3A_374 = arith.mulf %gather3A_372, %gather3A_370 : vector<16xf32>
        tpu.vector_store_idx %arg10[%add3A_366, %add3A_23], %mul3A_374 : memref<128x32xf32, #tpu.memory_space<vmem>>[vector<16xi32>, vector<16xi32>], vector<16xf32>,
        %add3A_375 = arith.addi %broadcast_in_dim3A_276, %and3A_100 : vector<16xi32>
        %add3A_376 = arith.addi %mul3A_26, %add3A_375 : vector<16xi32>
        %gather3A_377 = tpu.vector_load_idx %arg9[%add3A_376] : memref<4096xf32, #tpu.memory_space<vmem>>[vector<16xi32>], vector<16xf32>,
        %add3A_378 = arith.addi %add3A_29, %add3A_375 : vector<16xi32>
        %gather3A_379 = tpu.vector_load_idx %arg9[%add3A_378] : memref<4096xf32, #tpu.memory_space<vmem>>[vector<16xi32>], vector<16xf32>,
        %gather3A_380 = tpu.vector_load_idx %arg10[%add3A_375, %iota3A] : memref<128x32xf32, #tpu.memory_space<vmem>>[vector<16xi32>, vector<16xi32>], vector<16xf32>,
        %gather3A_381 = tpu.vector_load_idx %arg10[%add3A_375, %add3A_23] : memref<128x32xf32, #tpu.memory_space<vmem>>[vector<16xi32>, vector<16xi32>], vector<16xf32>,
        %mul3A_382 = arith.mulf %gather3A_380, %gather3A_377 : vector<16xf32>
        tpu.vector_store_idx %arg10[%add3A_375, %iota3A], %mul3A_382 : memref<128x32xf32, #tpu.memory_space<vmem>>[vector<16xi32>, vector<16xi32>], vector<16xf32>,
        %mul3A_383 = arith.mulf %gather3A_381, %gather3A_379 : vector<16xf32>
        tpu.vector_store_idx %arg10[%add3A_375, %add3A_23], %mul3A_383 : memref<128x32xf32, #tpu.memory_space<vmem>>[vector<16xi32>, vector<16xi32>], vector<16xf32>,
        %add3A_384 = arith.addi %broadcast_in_dim3A_276, %and3A_106 : vector<16xi32>
        %add3A_385 = arith.addi %mul3A_26, %add3A_384 : vector<16xi32>
        %gather3A_386 = tpu.vector_load_idx %arg9[%add3A_385] : memref<4096xf32, #tpu.memory_space<vmem>>[vector<16xi32>], vector<16xf32>,
        %add3A_387 = arith.addi %add3A_29, %add3A_384 : vector<16xi32>
        %gather3A_388 = tpu.vector_load_idx %arg9[%add3A_387] : memref<4096xf32, #tpu.memory_space<vmem>>[vector<16xi32>], vector<16xf32>,
        %gather3A_389 = tpu.vector_load_idx %arg10[%add3A_384, %iota3A] : memref<128x32xf32, #tpu.memory_space<vmem>>[vector<16xi32>, vector<16xi32>], vector<16xf32>,
        %gather3A_390 = tpu.vector_load_idx %arg10[%add3A_384, %add3A_23] : memref<128x32xf32, #tpu.memory_space<vmem>>[vector<16xi32>, vector<16xi32>], vector<16xf32>,
        %mul3A_391 = arith.mulf %gather3A_389, %gather3A_386 : vector<16xf32>
        tpu.vector_store_idx %arg10[%add3A_384, %iota3A], %mul3A_391 : memref<128x32xf32, #tpu.memory_space<vmem>>[vector<16xi32>, vector<16xi32>], vector<16xf32>,
        %mul3A_392 = arith.mulf %gather3A_390, %gather3A_388 : vector<16xf32>
        tpu.vector_store_idx %arg10[%add3A_384, %add3A_23], %mul3A_392 : memref<128x32xf32, #tpu.memory_space<vmem>>[vector<16xi32>, vector<16xi32>], vector<16xf32>,
        %add3A_393 = arith.addi %broadcast_in_dim3A_276, %and3A_112 : vector<16xi32>
        %add3A_394 = arith.addi %mul3A_26, %add3A_393 : vector<16xi32>
        %gather3A_395 = tpu.vector_load_idx %arg9[%add3A_394] : memref<4096xf32, #tpu.memory_space<vmem>>[vector<16xi32>], vector<16xf32>,
        %add3A_396 = arith.addi %add3A_29, %add3A_393 : vector<16xi32>
        %gather3A_397 = tpu.vector_load_idx %arg9[%add3A_396] : memref<4096xf32, #tpu.memory_space<vmem>>[vector<16xi32>], vector<16xf32>,
        %gather3A_398 = tpu.vector_load_idx %arg10[%add3A_393, %iota3A] : memref<128x32xf32, #tpu.memory_space<vmem>>[vector<16xi32>, vector<16xi32>], vector<16xf32>,
        %gather3A_399 = tpu.vector_load_idx %arg10[%add3A_393, %add3A_23] : memref<128x32xf32, #tpu.memory_space<vmem>>[vector<16xi32>, vector<16xi32>], vector<16xf32>,
        %mul3A_400 = arith.mulf %gather3A_398, %gather3A_395 : vector<16xf32>
        tpu.vector_store_idx %arg10[%add3A_393, %iota3A], %mul3A_400 : memref<128x32xf32, #tpu.memory_space<vmem>>[vector<16xi32>, vector<16xi32>], vector<16xf32>,
        %mul3A_401 = arith.mulf %gather3A_399, %gather3A_397 : vector<16xf32>
        tpu.vector_store_idx %arg10[%add3A_393, %add3A_23], %mul3A_401 : memref<128x32xf32, #tpu.memory_space<vmem>>[vector<16xi32>, vector<16xi32>], vector<16xf32>,
        %add3A_402 = arith.addi %broadcast_in_dim3A_276, %and3A_118 : vector<16xi32>
        %add3A_403 = arith.addi %mul3A_26, %add3A_402 : vector<16xi32>
        %gather3A_404 = tpu.vector_load_idx %arg9[%add3A_403] : memref<4096xf32, #tpu.memory_space<vmem>>[vector<16xi32>], vector<16xf32>,
        %add3A_405 = arith.addi %add3A_29, %add3A_402 : vector<16xi32>
        %gather3A_406 = tpu.vector_load_idx %arg9[%add3A_405] : memref<4096xf32, #tpu.memory_space<vmem>>[vector<16xi32>], vector<16xf32>,
        %gather3A_407 = tpu.vector_load_idx %arg10[%add3A_402, %iota3A] : memref<128x32xf32, #tpu.memory_space<vmem>>[vector<16xi32>, vector<16xi32>], vector<16xf32>,
        %gather3A_408 = tpu.vector_load_idx %arg10[%add3A_402, %add3A_23] : memref<128x32xf32, #tpu.memory_space<vmem>>[vector<16xi32>, vector<16xi32>], vector<16xf32>,
        %mul3A_409 = arith.mulf %gather3A_407, %gather3A_404 : vector<16xf32>
        tpu.vector_store_idx %arg10[%add3A_402, %iota3A], %mul3A_409 : memref<128x32xf32, #tpu.memory_space<vmem>>[vector<16xi32>, vector<16xi32>], vector<16xf32>,
        %mul3A_410 = arith.mulf %gather3A_408, %gather3A_406 : vector<16xf32>
        tpu.vector_store_idx %arg10[%add3A_402, %add3A_23], %mul3A_410 : memref<128x32xf32, #tpu.memory_space<vmem>>[vector<16xi32>, vector<16xi32>], vector<16xf32>,
        %add3A_411 = arith.addi %broadcast_in_dim3A_276, %and3A_124 : vector<16xi32>
        %add3A_412 = arith.addi %mul3A_26, %add3A_411 : vector<16xi32>
        %gather3A_413 = tpu.vector_load_idx %arg9[%add3A_412] : memref<4096xf32, #tpu.memory_space<vmem>>[vector<16xi32>], vector<16xf32>,
        %add3A_414 = arith.addi %add3A_29, %add3A_411 : vector<16xi32>
        %gather3A_415 = tpu.vector_load_idx %arg9[%add3A_414] : memref<4096xf32, #tpu.memory_space<vmem>>[vector<16xi32>], vector<16xf32>,
        %gather3A_416 = tpu.vector_load_idx %arg10[%add3A_411, %iota3A] : memref<128x32xf32, #tpu.memory_space<vmem>>[vector<16xi32>, vector<16xi32>], vector<16xf32>,
        %gather3A_417 = tpu.vector_load_idx %arg10[%add3A_411, %add3A_23] : memref<128x32xf32, #tpu.memory_space<vmem>>[vector<16xi32>, vector<16xi32>], vector<16xf32>,
        %mul3A_418 = arith.mulf %gather3A_416, %gather3A_413 : vector<16xf32>
        tpu.vector_store_idx %arg10[%add3A_411, %iota3A], %mul3A_418 : memref<128x32xf32, #tpu.memory_space<vmem>>[vector<16xi32>, vector<16xi32>], vector<16xf32>,
        %mul3A_419 = arith.mulf %gather3A_417, %gather3A_415 : vector<16xf32>
        tpu.vector_store_idx %arg10[%add3A_411, %add3A_23], %mul3A_419 : memref<128x32xf32, #tpu.memory_space<vmem>>[vector<16xi32>, vector<16xi32>], vector<16xf32>,
      }
      %scan3A_235 = arith.constant 8 : i32
      %dma_start3A_236 = arith.constant 0 : i32
      %dma_start3A_237 = arith.constant 0 : i32
      %dma_start3A_238 = tpu.memref_slice %arg22[%dma_start3A_236, %dma_start3A_237] : memref<50000x32xf32, #tpu.memory_space<vmem_shared>> -> memref<50000x32xf32, #tpu.memory_space<vmem_shared>>
      tpu.enqueue_indirect_dma source(%arg10 : memref<128x32xf32, #tpu.memory_space<vmem>>) target(%dma_start3A_238 : memref<50000x32xf32, #tpu.memory_space<vmem_shared>>) offsets(%arg8 : memref<128xi32, #tpu.memory_space<vmem>>) semaphore(%arg13 : memref<!tpu.dma_semaphore, #tpu.memory_space<semaphore_mem>>) {add = true}
      %dma_wait3A_239 = arith.constant 0 : i32
      %dma_wait3A_240 = arith.constant 0 : i32
      %dma_wait3A_241 = tpu.memref_slice %arg4[%dma_wait3A_239, %dma_wait3A_240] : memref<50000x32xf32, #tpu.memory_space<hbm>> -> memref<50000x32xf32, #tpu.memory_space<hbm>>
      tpu.wait_indirect_dma semaphore(%arg19 : memref<!tpu.dma_semaphore, #tpu.memory_space<semaphore_mem>>) src(%dma_wait3A_241 : memref<50000x32xf32, #tpu.memory_space<hbm>>) dst(%arg17 : memref<128x32xf32, #tpu.memory_space<vmem>>)
      %scan3A_242 = arith.constant 0 : i32
      %scan3A_243 = arith.constant 0 : i32
      %scan3A_244 = arith.constant 8 : i32
      %scan3A_245 = arith.addi %scan3A_243, %scan3A_244 : i32
      %scan3A_246 = arith.constant 1 : i32
      scf.for %scan3A_273 = %scan3A_243 to %scan3A_245 step %scan3A_246  : i32 {
        %mul3A_274 = arith.constant 16 : i32
        %mul3A_275 = arith.muli %scan3A_273, %mul3A_274 : i32
        %broadcast_in_dim3A_276 = vector.broadcast %mul3A_275 : i32 to vector<16xi32>
        %add3A_277 = arith.addi %broadcast_in_dim3A_276, %and3A_34 : vector<16xi32>
        %add3A_278 = arith.addi %mul3A_26, %add3A_277 : vector<16xi32>
        %gather3A = tpu.vector_load_idx %arg16[%add3A_278] : memref<4096xf32, #tpu.memory_space<vmem>>[vector<16xi32>], vector<16xf32>,
        %add3A_279 = arith.addi %add3A_29, %add3A_277 : vector<16xi32>
        %gather3A_280 = tpu.vector_load_idx %arg16[%add3A_279] : memref<4096xf32, #tpu.memory_space<vmem>>[vector<16xi32>], vector<16xf32>,
        %gather3A_281 = tpu.vector_load_idx %arg17[%add3A_277, %iota3A] : memref<128x32xf32, #tpu.memory_space<vmem>>[vector<16xi32>, vector<16xi32>], vector<16xf32>,
        %gather3A_282 = tpu.vector_load_idx %arg17[%add3A_277, %add3A_23] : memref<128x32xf32, #tpu.memory_space<vmem>>[vector<16xi32>, vector<16xi32>], vector<16xf32>,
        %mul3A_283 = arith.mulf %gather3A_281, %gather3A : vector<16xf32>
        tpu.vector_store_idx %arg17[%add3A_277, %iota3A], %mul3A_283 : memref<128x32xf32, #tpu.memory_space<vmem>>[vector<16xi32>, vector<16xi32>], vector<16xf32>,
        %mul3A_284 = arith.mulf %gather3A_282, %gather3A_280 : vector<16xf32>
        tpu.vector_store_idx %arg17[%add3A_277, %add3A_23], %mul3A_284 : memref<128x32xf32, #tpu.memory_space<vmem>>[vector<16xi32>, vector<16xi32>], vector<16xf32>,
        %add3A_285 = arith.addi %broadcast_in_dim3A_276, %and3A_40 : vector<16xi32>
        %add3A_286 = arith.addi %mul3A_26, %add3A_285 : vector<16xi32>
        %gather3A_287 = tpu.vector_load_idx %arg16[%add3A_286] : memref<4096xf32, #tpu.memory_space<vmem>>[vector<16xi32>], vector<16xf32>,
        %add3A_288 = arith.addi %add3A_29, %add3A_285 : vector<16xi32>
        %gather3A_289 = tpu.vector_load_idx %arg16[%add3A_288] : memref<4096xf32, #tpu.memory_space<vmem>>[vector<16xi32>], vector<16xf32>,
        %gather3A_290 = tpu.vector_load_idx %arg17[%add3A_285, %iota3A] : memref<128x32xf32, #tpu.memory_space<vmem>>[vector<16xi32>, vector<16xi32>], vector<16xf32>,
        %gather3A_291 = tpu.vector_load_idx %arg17[%add3A_285, %add3A_23] : memref<128x32xf32, #tpu.memory_space<vmem>>[vector<16xi32>, vector<16xi32>], vector<16xf32>,
        %mul3A_292 = arith.mulf %gather3A_290, %gather3A_287 : vector<16xf32>
        tpu.vector_store_idx %arg17[%add3A_285, %iota3A], %mul3A_292 : memref<128x32xf32, #tpu.memory_space<vmem>>[vector<16xi32>, vector<16xi32>], vector<16xf32>,
        %mul3A_293 = arith.mulf %gather3A_291, %gather3A_289 : vector<16xf32>
        tpu.vector_store_idx %arg17[%add3A_285, %add3A_23], %mul3A_293 : memref<128x32xf32, #tpu.memory_space<vmem>>[vector<16xi32>, vector<16xi32>], vector<16xf32>,
        %add3A_294 = arith.addi %broadcast_in_dim3A_276, %and3A_46 : vector<16xi32>
        %add3A_295 = arith.addi %mul3A_26, %add3A_294 : vector<16xi32>
        %gather3A_296 = tpu.vector_load_idx %arg16[%add3A_295] : memref<4096xf32, #tpu.memory_space<vmem>>[vector<16xi32>], vector<16xf32>,
        %add3A_297 = arith.addi %add3A_29, %add3A_294 : vector<16xi32>
        %gather3A_298 = tpu.vector_load_idx %arg16[%add3A_297] : memref<4096xf32, #tpu.memory_space<vmem>>[vector<16xi32>], vector<16xf32>,
        %gather3A_299 = tpu.vector_load_idx %arg17[%add3A_294, %iota3A] : memref<128x32xf32, #tpu.memory_space<vmem>>[vector<16xi32>, vector<16xi32>], vector<16xf32>,
        %gather3A_300 = tpu.vector_load_idx %arg17[%add3A_294, %add3A_23] : memref<128x32xf32, #tpu.memory_space<vmem>>[vector<16xi32>, vector<16xi32>], vector<16xf32>,
        %mul3A_301 = arith.mulf %gather3A_299, %gather3A_296 : vector<16xf32>
        tpu.vector_store_idx %arg17[%add3A_294, %iota3A], %mul3A_301 : memref<128x32xf32, #tpu.memory_space<vmem>>[vector<16xi32>, vector<16xi32>], vector<16xf32>,
        %mul3A_302 = arith.mulf %gather3A_300, %gather3A_298 : vector<16xf32>
        tpu.vector_store_idx %arg17[%add3A_294, %add3A_23], %mul3A_302 : memref<128x32xf32, #tpu.memory_space<vmem>>[vector<16xi32>, vector<16xi32>], vector<16xf32>,
        %add3A_303 = arith.addi %broadcast_in_dim3A_276, %and3A_52 : vector<16xi32>
        %add3A_304 = arith.addi %mul3A_26, %add3A_303 : vector<16xi32>
        %gather3A_305 = tpu.vector_load_idx %arg16[%add3A_304] : memref<4096xf32, #tpu.memory_space<vmem>>[vector<16xi32>], vector<16xf32>,
        %add3A_306 = arith.addi %add3A_29, %add3A_303 : vector<16xi32>
        %gather3A_307 = tpu.vector_load_idx %arg16[%add3A_306] : memref<4096xf32, #tpu.memory_space<vmem>>[vector<16xi32>], vector<16xf32>,
        %gather3A_308 = tpu.vector_load_idx %arg17[%add3A_303, %iota3A] : memref<128x32xf32, #tpu.memory_space<vmem>>[vector<16xi32>, vector<16xi32>], vector<16xf32>,
        %gather3A_309 = tpu.vector_load_idx %arg17[%add3A_303, %add3A_23] : memref<128x32xf32, #tpu.memory_space<vmem>>[vector<16xi32>, vector<16xi32>], vector<16xf32>,
        %mul3A_310 = arith.mulf %gather3A_308, %gather3A_305 : vector<16xf32>
        tpu.vector_store_idx %arg17[%add3A_303, %iota3A], %mul3A_310 : memref<128x32xf32, #tpu.memory_space<vmem>>[vector<16xi32>, vector<16xi32>], vector<16xf32>,
        %mul3A_311 = arith.mulf %gather3A_309, %gather3A_307 : vector<16xf32>
        tpu.vector_store_idx %arg17[%add3A_303, %add3A_23], %mul3A_311 : memref<128x32xf32, #tpu.memory_space<vmem>>[vector<16xi32>, vector<16xi32>], vector<16xf32>,
        %add3A_312 = arith.addi %broadcast_in_dim3A_276, %and3A_58 : vector<16xi32>
        %add3A_313 = arith.addi %mul3A_26, %add3A_312 : vector<16xi32>
        %gather3A_314 = tpu.vector_load_idx %arg16[%add3A_313] : memref<4096xf32, #tpu.memory_space<vmem>>[vector<16xi32>], vector<16xf32>,
        %add3A_315 = arith.addi %add3A_29, %add3A_312 : vector<16xi32>
        %gather3A_316 = tpu.vector_load_idx %arg16[%add3A_315] : memref<4096xf32, #tpu.memory_space<vmem>>[vector<16xi32>], vector<16xf32>,
        %gather3A_317 = tpu.vector_load_idx %arg17[%add3A_312, %iota3A] : memref<128x32xf32, #tpu.memory_space<vmem>>[vector<16xi32>, vector<16xi32>], vector<16xf32>,
        %gather3A_318 = tpu.vector_load_idx %arg17[%add3A_312, %add3A_23] : memref<128x32xf32, #tpu.memory_space<vmem>>[vector<16xi32>, vector<16xi32>], vector<16xf32>,
        %mul3A_319 = arith.mulf %gather3A_317, %gather3A_314 : vector<16xf32>
        tpu.vector_store_idx %arg17[%add3A_312, %iota3A], %mul3A_319 : memref<128x32xf32, #tpu.memory_space<vmem>>[vector<16xi32>, vector<16xi32>], vector<16xf32>,
        %mul3A_320 = arith.mulf %gather3A_318, %gather3A_316 : vector<16xf32>
        tpu.vector_store_idx %arg17[%add3A_312, %add3A_23], %mul3A_320 : memref<128x32xf32, #tpu.memory_space<vmem>>[vector<16xi32>, vector<16xi32>], vector<16xf32>,
        %add3A_321 = arith.addi %broadcast_in_dim3A_276, %and3A_64 : vector<16xi32>
        %add3A_322 = arith.addi %mul3A_26, %add3A_321 : vector<16xi32>
        %gather3A_323 = tpu.vector_load_idx %arg16[%add3A_322] : memref<4096xf32, #tpu.memory_space<vmem>>[vector<16xi32>], vector<16xf32>,
        %add3A_324 = arith.addi %add3A_29, %add3A_321 : vector<16xi32>
        %gather3A_325 = tpu.vector_load_idx %arg16[%add3A_324] : memref<4096xf32, #tpu.memory_space<vmem>>[vector<16xi32>], vector<16xf32>,
        %gather3A_326 = tpu.vector_load_idx %arg17[%add3A_321, %iota3A] : memref<128x32xf32, #tpu.memory_space<vmem>>[vector<16xi32>, vector<16xi32>], vector<16xf32>,
        %gather3A_327 = tpu.vector_load_idx %arg17[%add3A_321, %add3A_23] : memref<128x32xf32, #tpu.memory_space<vmem>>[vector<16xi32>, vector<16xi32>], vector<16xf32>,
        %mul3A_328 = arith.mulf %gather3A_326, %gather3A_323 : vector<16xf32>
        tpu.vector_store_idx %arg17[%add3A_321, %iota3A], %mul3A_328 : memref<128x32xf32, #tpu.memory_space<vmem>>[vector<16xi32>, vector<16xi32>], vector<16xf32>,
        %mul3A_329 = arith.mulf %gather3A_327, %gather3A_325 : vector<16xf32>
        tpu.vector_store_idx %arg17[%add3A_321, %add3A_23], %mul3A_329 : memref<128x32xf32, #tpu.memory_space<vmem>>[vector<16xi32>, vector<16xi32>], vector<16xf32>,
        %add3A_330 = arith.addi %broadcast_in_dim3A_276, %and3A_70 : vector<16xi32>
        %add3A_331 = arith.addi %mul3A_26, %add3A_330 : vector<16xi32>
        %gather3A_332 = tpu.vector_load_idx %arg16[%add3A_331] : memref<4096xf32, #tpu.memory_space<vmem>>[vector<16xi32>], vector<16xf32>,
        %add3A_333 = arith.addi %add3A_29, %add3A_330 : vector<16xi32>
        %gather3A_334 = tpu.vector_load_idx %arg16[%add3A_333] : memref<4096xf32, #tpu.memory_space<vmem>>[vector<16xi32>], vector<16xf32>,
        %gather3A_335 = tpu.vector_load_idx %arg17[%add3A_330, %iota3A] : memref<128x32xf32, #tpu.memory_space<vmem>>[vector<16xi32>, vector<16xi32>], vector<16xf32>,
        %gather3A_336 = tpu.vector_load_idx %arg17[%add3A_330, %add3A_23] : memref<128x32xf32, #tpu.memory_space<vmem>>[vector<16xi32>, vector<16xi32>], vector<16xf32>,
        %mul3A_337 = arith.mulf %gather3A_335, %gather3A_332 : vector<16xf32>
        tpu.vector_store_idx %arg17[%add3A_330, %iota3A], %mul3A_337 : memref<128x32xf32, #tpu.memory_space<vmem>>[vector<16xi32>, vector<16xi32>], vector<16xf32>,
        %mul3A_338 = arith.mulf %gather3A_336, %gather3A_334 : vector<16xf32>
        tpu.vector_store_idx %arg17[%add3A_330, %add3A_23], %mul3A_338 : memref<128x32xf32, #tpu.memory_space<vmem>>[vector<16xi32>, vector<16xi32>], vector<16xf32>,
        %add3A_339 = arith.addi %broadcast_in_dim3A_276, %and3A_76 : vector<16xi32>
        %add3A_340 = arith.addi %mul3A_26, %add3A_339 : vector<16xi32>
        %gather3A_341 = tpu.vector_load_idx %arg16[%add3A_340] : memref<4096xf32, #tpu.memory_space<vmem>>[vector<16xi32>], vector<16xf32>,
        %add3A_342 = arith.addi %add3A_29, %add3A_339 : vector<16xi32>
        %gather3A_343 = tpu.vector_load_idx %arg16[%add3A_342] : memref<4096xf32, #tpu.memory_space<vmem>>[vector<16xi32>], vector<16xf32>,
        %gather3A_344 = tpu.vector_load_idx %arg17[%add3A_339, %iota3A] : memref<128x32xf32, #tpu.memory_space<vmem>>[vector<16xi32>, vector<16xi32>], vector<16xf32>,
        %gather3A_345 = tpu.vector_load_idx %arg17[%add3A_339, %add3A_23] : memref<128x32xf32, #tpu.memory_space<vmem>>[vector<16xi32>, vector<16xi32>], vector<16xf32>,
        %mul3A_346 = arith.mulf %gather3A_344, %gather3A_341 : vector<16xf32>
        tpu.vector_store_idx %arg17[%add3A_339, %iota3A], %mul3A_346 : memref<128x32xf32, #tpu.memory_space<vmem>>[vector<16xi32>, vector<16xi32>], vector<16xf32>,
        %mul3A_347 = arith.mulf %gather3A_345, %gather3A_343 : vector<16xf32>
        tpu.vector_store_idx %arg17[%add3A_339, %add3A_23], %mul3A_347 : memref<128x32xf32, #tpu.memory_space<vmem>>[vector<16xi32>, vector<16xi32>], vector<16xf32>,
        %add3A_348 = arith.addi %broadcast_in_dim3A_276, %and3A_82 : vector<16xi32>
        %add3A_349 = arith.addi %mul3A_26, %add3A_348 : vector<16xi32>
        %gather3A_350 = tpu.vector_load_idx %arg16[%add3A_349] : memref<4096xf32, #tpu.memory_space<vmem>>[vector<16xi32>], vector<16xf32>,
        %add3A_351 = arith.addi %add3A_29, %add3A_348 : vector<16xi32>
        %gather3A_352 = tpu.vector_load_idx %arg16[%add3A_351] : memref<4096xf32, #tpu.memory_space<vmem>>[vector<16xi32>], vector<16xf32>,
        %gather3A_353 = tpu.vector_load_idx %arg17[%add3A_348, %iota3A] : memref<128x32xf32, #tpu.memory_space<vmem>>[vector<16xi32>, vector<16xi32>], vector<16xf32>,
        %gather3A_354 = tpu.vector_load_idx %arg17[%add3A_348, %add3A_23] : memref<128x32xf32, #tpu.memory_space<vmem>>[vector<16xi32>, vector<16xi32>], vector<16xf32>,
        %mul3A_355 = arith.mulf %gather3A_353, %gather3A_350 : vector<16xf32>
        tpu.vector_store_idx %arg17[%add3A_348, %iota3A], %mul3A_355 : memref<128x32xf32, #tpu.memory_space<vmem>>[vector<16xi32>, vector<16xi32>], vector<16xf32>,
        %mul3A_356 = arith.mulf %gather3A_354, %gather3A_352 : vector<16xf32>
        tpu.vector_store_idx %arg17[%add3A_348, %add3A_23], %mul3A_356 : memref<128x32xf32, #tpu.memory_space<vmem>>[vector<16xi32>, vector<16xi32>], vector<16xf32>,
        %add3A_357 = arith.addi %broadcast_in_dim3A_276, %and3A_88 : vector<16xi32>
        %add3A_358 = arith.addi %mul3A_26, %add3A_357 : vector<16xi32>
        %gather3A_359 = tpu.vector_load_idx %arg16[%add3A_358] : memref<4096xf32, #tpu.memory_space<vmem>>[vector<16xi32>], vector<16xf32>,
        %add3A_360 = arith.addi %add3A_29, %add3A_357 : vector<16xi32>
        %gather3A_361 = tpu.vector_load_idx %arg16[%add3A_360] : memref<4096xf32, #tpu.memory_space<vmem>>[vector<16xi32>], vector<16xf32>,
        %gather3A_362 = tpu.vector_load_idx %arg17[%add3A_357, %iota3A] : memref<128x32xf32, #tpu.memory_space<vmem>>[vector<16xi32>, vector<16xi32>], vector<16xf32>,
        %gather3A_363 = tpu.vector_load_idx %arg17[%add3A_357, %add3A_23] : memref<128x32xf32, #tpu.memory_space<vmem>>[vector<16xi32>, vector<16xi32>], vector<16xf32>,
        %mul3A_364 = arith.mulf %gather3A_362, %gather3A_359 : vector<16xf32>
        tpu.vector_store_idx %arg17[%add3A_357, %iota3A], %mul3A_364 : memref<128x32xf32, #tpu.memory_space<vmem>>[vector<16xi32>, vector<16xi32>], vector<16xf32>,
        %mul3A_365 = arith.mulf %gather3A_363, %gather3A_361 : vector<16xf32>
        tpu.vector_store_idx %arg17[%add3A_357, %add3A_23], %mul3A_365 : memref<128x32xf32, #tpu.memory_space<vmem>>[vector<16xi32>, vector<16xi32>], vector<16xf32>,
        %add3A_366 = arith.addi %broadcast_in_dim3A_276, %and3A_94 : vector<16xi32>
        %add3A_367 = arith.addi %mul3A_26, %add3A_366 : vector<16xi32>
        %gather3A_368 = tpu.vector_load_idx %arg16[%add3A_367] : memref<4096xf32, #tpu.memory_space<vmem>>[vector<16xi32>], vector<16xf32>,
        %add3A_369 = arith.addi %add3A_29, %add3A_366 : vector<16xi32>
        %gather3A_370 = tpu.vector_load_idx %arg16[%add3A_369] : memref<4096xf32, #tpu.memory_space<vmem>>[vector<16xi32>], vector<16xf32>,
        %gather3A_371 = tpu.vector_load_idx %arg17[%add3A_366, %iota3A] : memref<128x32xf32, #tpu.memory_space<vmem>>[vector<16xi32>, vector<16xi32>], vector<16xf32>,
        %gather3A_372 = tpu.vector_load_idx %arg17[%add3A_366, %add3A_23] : memref<128x32xf32, #tpu.memory_space<vmem>>[vector<16xi32>, vector<16xi32>], vector<16xf32>,
        %mul3A_373 = arith.mulf %gather3A_371, %gather3A_368 : vector<16xf32>
        tpu.vector_store_idx %arg17[%add3A_366, %iota3A], %mul3A_373 : memref<128x32xf32, #tpu.memory_space<vmem>>[vector<16xi32>, vector<16xi32>], vector<16xf32>,
        %mul3A_374 = arith.mulf %gather3A_372, %gather3A_370 : vector<16xf32>
        tpu.vector_store_idx %arg17[%add3A_366, %add3A_23], %mul3A_374 : memref<128x32xf32, #tpu.memory_space<vmem>>[vector<16xi32>, vector<16xi32>], vector<16xf32>,
        %add3A_375 = arith.addi %broadcast_in_dim3A_276, %and3A_100 : vector<16xi32>
        %add3A_376 = arith.addi %mul3A_26, %add3A_375 : vector<16xi32>
        %gather3A_377 = tpu.vector_load_idx %arg16[%add3A_376] : memref<4096xf32, #tpu.memory_space<vmem>>[vector<16xi32>], vector<16xf32>,
        %add3A_378 = arith.addi %add3A_29, %add3A_375 : vector<16xi32>
        %gather3A_379 = tpu.vector_load_idx %arg16[%add3A_378] : memref<4096xf32, #tpu.memory_space<vmem>>[vector<16xi32>], vector<16xf32>,
        %gather3A_380 = tpu.vector_load_idx %arg17[%add3A_375, %iota3A] : memref<128x32xf32, #tpu.memory_space<vmem>>[vector<16xi32>, vector<16xi32>], vector<16xf32>,
        %gather3A_381 = tpu.vector_load_idx %arg17[%add3A_375, %add3A_23] : memref<128x32xf32, #tpu.memory_space<vmem>>[vector<16xi32>, vector<16xi32>], vector<16xf32>,
        %mul3A_382 = arith.mulf %gather3A_380, %gather3A_377 : vector<16xf32>
        tpu.vector_store_idx %arg17[%add3A_375, %iota3A], %mul3A_382 : memref<128x32xf32, #tpu.memory_space<vmem>>[vector<16xi32>, vector<16xi32>], vector<16xf32>,
        %mul3A_383 = arith.mulf %gather3A_381, %gather3A_379 : vector<16xf32>
        tpu.vector_store_idx %arg17[%add3A_375, %add3A_23], %mul3A_383 : memref<128x32xf32, #tpu.memory_space<vmem>>[vector<16xi32>, vector<16xi32>], vector<16xf32>,
        %add3A_384 = arith.addi %broadcast_in_dim3A_276, %and3A_106 : vector<16xi32>
        %add3A_385 = arith.addi %mul3A_26, %add3A_384 : vector<16xi32>
        %gather3A_386 = tpu.vector_load_idx %arg16[%add3A_385] : memref<4096xf32, #tpu.memory_space<vmem>>[vector<16xi32>], vector<16xf32>,
        %add3A_387 = arith.addi %add3A_29, %add3A_384 : vector<16xi32>
        %gather3A_388 = tpu.vector_load_idx %arg16[%add3A_387] : memref<4096xf32, #tpu.memory_space<vmem>>[vector<16xi32>], vector<16xf32>,
        %gather3A_389 = tpu.vector_load_idx %arg17[%add3A_384, %iota3A] : memref<128x32xf32, #tpu.memory_space<vmem>>[vector<16xi32>, vector<16xi32>], vector<16xf32>,
        %gather3A_390 = tpu.vector_load_idx %arg17[%add3A_384, %add3A_23] : memref<128x32xf32, #tpu.memory_space<vmem>>[vector<16xi32>, vector<16xi32>], vector<16xf32>,
        %mul3A_391 = arith.mulf %gather3A_389, %gather3A_386 : vector<16xf32>
        tpu.vector_store_idx %arg17[%add3A_384, %iota3A], %mul3A_391 : memref<128x32xf32, #tpu.memory_space<vmem>>[vector<16xi32>, vector<16xi32>], vector<16xf32>,
        %mul3A_392 = arith.mulf %gather3A_390, %gather3A_388 : vector<16xf32>
        tpu.vector_store_idx %arg17[%add3A_384, %add3A_23], %mul3A_392 : memref<128x32xf32, #tpu.memory_space<vmem>>[vector<16xi32>, vector<16xi32>], vector<16xf32>,
        %add3A_393 = arith.addi %broadcast_in_dim3A_276, %and3A_112 : vector<16xi32>
        %add3A_394 = arith.addi %mul3A_26, %add3A_393 : vector<16xi32>
        %gather3A_395 = tpu.vector_load_idx %arg16[%add3A_394] : memref<4096xf32, #tpu.memory_space<vmem>>[vector<16xi32>], vector<16xf32>,
        %add3A_396 = arith.addi %add3A_29, %add3A_393 : vector<16xi32>
        %gather3A_397 = tpu.vector_load_idx %arg16[%add3A_396] : memref<4096xf32, #tpu.memory_space<vmem>>[vector<16xi32>], vector<16xf32>,
        %gather3A_398 = tpu.vector_load_idx %arg17[%add3A_393, %iota3A] : memref<128x32xf32, #tpu.memory_space<vmem>>[vector<16xi32>, vector<16xi32>], vector<16xf32>,
        %gather3A_399 = tpu.vector_load_idx %arg17[%add3A_393, %add3A_23] : memref<128x32xf32, #tpu.memory_space<vmem>>[vector<16xi32>, vector<16xi32>], vector<16xf32>,
        %mul3A_400 = arith.mulf %gather3A_398, %gather3A_395 : vector<16xf32>
        tpu.vector_store_idx %arg17[%add3A_393, %iota3A], %mul3A_400 : memref<128x32xf32, #tpu.memory_space<vmem>>[vector<16xi32>, vector<16xi32>], vector<16xf32>,
        %mul3A_401 = arith.mulf %gather3A_399, %gather3A_397 : vector<16xf32>
        tpu.vector_store_idx %arg17[%add3A_393, %add3A_23], %mul3A_401 : memref<128x32xf32, #tpu.memory_space<vmem>>[vector<16xi32>, vector<16xi32>], vector<16xf32>,
        %add3A_402 = arith.addi %broadcast_in_dim3A_276, %and3A_118 : vector<16xi32>
        %add3A_403 = arith.addi %mul3A_26, %add3A_402 : vector<16xi32>
        %gather3A_404 = tpu.vector_load_idx %arg16[%add3A_403] : memref<4096xf32, #tpu.memory_space<vmem>>[vector<16xi32>], vector<16xf32>,
        %add3A_405 = arith.addi %add3A_29, %add3A_402 : vector<16xi32>
        %gather3A_406 = tpu.vector_load_idx %arg16[%add3A_405] : memref<4096xf32, #tpu.memory_space<vmem>>[vector<16xi32>], vector<16xf32>,
        %gather3A_407 = tpu.vector_load_idx %arg17[%add3A_402, %iota3A] : memref<128x32xf32, #tpu.memory_space<vmem>>[vector<16xi32>, vector<16xi32>], vector<16xf32>,
        %gather3A_408 = tpu.vector_load_idx %arg17[%add3A_402, %add3A_23] : memref<128x32xf32, #tpu.memory_space<vmem>>[vector<16xi32>, vector<16xi32>], vector<16xf32>,
        %mul3A_409 = arith.mulf %gather3A_407, %gather3A_404 : vector<16xf32>
        tpu.vector_store_idx %arg17[%add3A_402, %iota3A], %mul3A_409 : memref<128x32xf32, #tpu.memory_space<vmem>>[vector<16xi32>, vector<16xi32>], vector<16xf32>,
        %mul3A_410 = arith.mulf %gather3A_408, %gather3A_406 : vector<16xf32>
        tpu.vector_store_idx %arg17[%add3A_402, %add3A_23], %mul3A_410 : memref<128x32xf32, #tpu.memory_space<vmem>>[vector<16xi32>, vector<16xi32>], vector<16xf32>,
        %add3A_411 = arith.addi %broadcast_in_dim3A_276, %and3A_124 : vector<16xi32>
        %add3A_412 = arith.addi %mul3A_26, %add3A_411 : vector<16xi32>
        %gather3A_413 = tpu.vector_load_idx %arg16[%add3A_412] : memref<4096xf32, #tpu.memory_space<vmem>>[vector<16xi32>], vector<16xf32>,
        %add3A_414 = arith.addi %add3A_29, %add3A_411 : vector<16xi32>
        %gather3A_415 = tpu.vector_load_idx %arg16[%add3A_414] : memref<4096xf32, #tpu.memory_space<vmem>>[vector<16xi32>], vector<16xf32>,
        %gather3A_416 = tpu.vector_load_idx %arg17[%add3A_411, %iota3A] : memref<128x32xf32, #tpu.memory_space<vmem>>[vector<16xi32>, vector<16xi32>], vector<16xf32>,
        %gather3A_417 = tpu.vector_load_idx %arg17[%add3A_411, %add3A_23] : memref<128x32xf32, #tpu.memory_space<vmem>>[vector<16xi32>, vector<16xi32>], vector<16xf32>,
        %mul3A_418 = arith.mulf %gather3A_416, %gather3A_413 : vector<16xf32>
        tpu.vector_store_idx %arg17[%add3A_411, %iota3A], %mul3A_418 : memref<128x32xf32, #tpu.memory_space<vmem>>[vector<16xi32>, vector<16xi32>], vector<16xf32>,
        %mul3A_419 = arith.mulf %gather3A_417, %gather3A_415 : vector<16xf32>
        tpu.vector_store_idx %arg17[%add3A_411, %add3A_23], %mul3A_419 : memref<128x32xf32, #tpu.memory_space<vmem>>[vector<16xi32>, vector<16xi32>], vector<16xf32>,
      }
      %scan3A_247 = arith.constant 8 : i32
      %dma_start3A_248 = arith.constant 0 : i32
      %dma_start3A_249 = arith.constant 0 : i32
      %dma_start3A_250 = tpu.memref_slice %arg22[%dma_start3A_248, %dma_start3A_249] : memref<50000x32xf32, #tpu.memory_space<vmem_shared>> -> memref<50000x32xf32, #tpu.memory_space<vmem_shared>>
      tpu.enqueue_indirect_dma source(%arg17 : memref<128x32xf32, #tpu.memory_space<vmem>>) target(%dma_start3A_250 : memref<50000x32xf32, #tpu.memory_space<vmem_shared>>) offsets(%arg15 : memref<128xi32, #tpu.memory_space<vmem>>) semaphore(%arg20 : memref<!tpu.dma_semaphore, #tpu.memory_space<semaphore_mem>>) {add = true}
      %dma_wait3A_251 = arith.constant 0 : i32
      %dma_wait3A_252 = arith.constant 0 : i32
      %dma_wait3A_253 = tpu.memref_slice %arg22[%dma_wait3A_251, %dma_wait3A_252] : memref<50000x32xf32, #tpu.memory_space<vmem_shared>> -> memref<50000x32xf32, #tpu.memory_space<vmem_shared>>
      tpu.wait_indirect_dma semaphore(%arg13 : memref<!tpu.dma_semaphore, #tpu.memory_space<semaphore_mem>>) src(%arg10 : memref<128x32xf32, #tpu.memory_space<vmem>>) dst(%dma_wait3A_253 : memref<50000x32xf32, #tpu.memory_space<vmem_shared>>)
      %mul3A_254 = arith.constant 2 : i32
      %mul3A_255 = arith.muli %mul3A_254, %while3A_188 : i32
      %add3A_256 = arith.constant 2 : i32
      %add3A_257 = arith.addi %mul3A_255, %add3A_256 : i32
      %lt3A_258 = arith.cmpi slt, %add3A_257, %add3A_20 : i32
      %convert_element_type3A_259 = arith.extui %lt3A_258 : i1 to i32
      %cond3A_260 = arith.constant 0 : i32
      %cond3A_261 = arith.cmpi ne, %convert_element_type3A_259, %cond3A_260 : i32
      scf.if %cond3A_261 {
        %add3A_273 = arith.constant 2 : i32
        %add3A_274 = arith.addi %add3A_191, %add3A_273 : i32
        %mul3A_275 = arith.constant 128 : i32
        %mul3A_276 = arith.muli %add3A_274, %mul3A_275 : i32
        %dma_start3A_277 = tpu.memref_slice %arg2[%mul3A_276] : memref<800000xi32, #tpu.memory_space<hbm>> -> memref<128xi32, #tpu.memory_space<hbm>>
        %dma_start3A_278 = tpu.memref_slice %arg2[%mul3A_276] : memref<800000xi32, #tpu.memory_space<hbm>> -> memref<128xi32, #tpu.memory_space<hbm>>
        tpu.enqueue_dma source(%dma_start3A_278 : memref<128xi32, #tpu.memory_space<hbm>>) target(%arg7 : memref<128xi32, #tpu.memory_space<vmem>>) target_semaphore(%arg11 : memref<!tpu.dma_semaphore, #tpu.memory_space<semaphore_mem>>)
        %dma_start3A_279 = tpu.memref_slice %arg3[%mul3A_276] : memref<800000xi32, #tpu.memory_space<hbm>> -> memref<128xi32, #tpu.memory_space<hbm>>
        %dma_start3A_280 = tpu.memref_slice %arg3[%mul3A_276] : memref<800000xi32, #tpu.memory_space<hbm>> -> memref<128xi32, #tpu.memory_space<hbm>>
        tpu.enqueue_dma source(%dma_start3A_280 : memref<128xi32, #tpu.memory_space<hbm>>) target(%arg8 : memref<128xi32, #tpu.memory_space<vmem>>) target_semaphore(%arg11 : memref<!tpu.dma_semaphore, #tpu.memory_space<semaphore_mem>>)
        %dma_start3A_281 = arith.constant 0 : i32
        %dma_start3A_282 = tpu.memref_slice %arg5[%add3A_274, %dma_start3A_281] : memref<6250x4096xf32, #tpu.memory_space<hbm>> -> memref<1x4096xf32, #tpu.memory_space<hbm>>
        %dma_start3A_283 = tpu.memref_squeeze %dma_start3A_282 : memref<1x4096xf32, #tpu.memory_space<hbm>> -> memref<4096xf32, #tpu.memory_space<hbm>>
        %dma_start3A_284 = arith.constant 0 : i32
        %dma_start3A_285 = tpu.memref_slice %arg5[%add3A_274, %dma_start3A_284] : memref<6250x4096xf32, #tpu.memory_space<hbm>> -> memref<1x4096xf32, #tpu.memory_space<hbm>>
        %dma_start3A_286 = tpu.memref_squeeze %dma_start3A_285 : memref<1x4096xf32, #tpu.memory_space<hbm>> -> memref<4096xf32, #tpu.memory_space<hbm>>
        tpu.enqueue_dma source(%dma_start3A_286 : memref<4096xf32, #tpu.memory_space<hbm>>) target(%arg9 : memref<4096xf32, #tpu.memory_space<vmem>>) target_semaphore(%arg11 : memref<!tpu.dma_semaphore, #tpu.memory_space<semaphore_mem>>)
      } else {
      }
      %dma_wait3A_262 = arith.constant 0 : i32
      %dma_wait3A_263 = arith.constant 0 : i32
      %dma_wait3A_264 = tpu.memref_slice %arg22[%dma_wait3A_262, %dma_wait3A_263] : memref<50000x32xf32, #tpu.memory_space<vmem_shared>> -> memref<50000x32xf32, #tpu.memory_space<vmem_shared>>
      tpu.wait_indirect_dma semaphore(%arg20 : memref<!tpu.dma_semaphore, #tpu.memory_space<semaphore_mem>>) src(%arg17 : memref<128x32xf32, #tpu.memory_space<vmem>>) dst(%dma_wait3A_264 : memref<50000x32xf32, #tpu.memory_space<vmem_shared>>)
      %mul3A_265 = arith.constant 2 : i32
      %mul3A_266 = arith.muli %mul3A_265, %while3A_188 : i32
      %add3A_267 = arith.constant 3 : i32
      %add3A_268 = arith.addi %mul3A_266, %add3A_267 : i32
      %lt3A_269 = arith.cmpi slt, %add3A_268, %add3A_20 : i32
      %convert_element_type3A_270 = arith.extui %lt3A_269 : i1 to i32
      %cond3A_271 = arith.constant 0 : i32
      %cond3A_272 = arith.cmpi ne, %convert_element_type3A_270, %cond3A_271 : i32
      scf.if %cond3A_272 {
        %add3A_273 = arith.constant 3 : i32
        %add3A_274 = arith.addi %add3A_191, %add3A_273 : i32
        %mul3A_275 = arith.constant 128 : i32
        %mul3A_276 = arith.muli %add3A_274, %mul3A_275 : i32
        %dma_start3A_277 = tpu.memref_slice %arg2[%mul3A_276] : memref<800000xi32, #tpu.memory_space<hbm>> -> memref<128xi32, #tpu.memory_space<hbm>>
        %dma_start3A_278 = tpu.memref_slice %arg2[%mul3A_276] : memref<800000xi32, #tpu.memory_space<hbm>> -> memref<128xi32, #tpu.memory_space<hbm>>
        tpu.enqueue_dma source(%dma_start3A_278 : memref<128xi32, #tpu.memory_space<hbm>>) target(%arg14 : memref<128xi32, #tpu.memory_space<vmem>>) target_semaphore(%arg18 : memref<!tpu.dma_semaphore, #tpu.memory_space<semaphore_mem>>)
        %dma_start3A_279 = tpu.memref_slice %arg3[%mul3A_276] : memref<800000xi32, #tpu.memory_space<hbm>> -> memref<128xi32, #tpu.memory_space<hbm>>
        %dma_start3A_280 = tpu.memref_slice %arg3[%mul3A_276] : memref<800000xi32, #tpu.memory_space<hbm>> -> memref<128xi32, #tpu.memory_space<hbm>>
        tpu.enqueue_dma source(%dma_start3A_280 : memref<128xi32, #tpu.memory_space<hbm>>) target(%arg15 : memref<128xi32, #tpu.memory_space<vmem>>) target_semaphore(%arg18 : memref<!tpu.dma_semaphore, #tpu.memory_space<semaphore_mem>>)
        %dma_start3A_281 = arith.constant 0 : i32
        %dma_start3A_282 = tpu.memref_slice %arg5[%add3A_274, %dma_start3A_281] : memref<6250x4096xf32, #tpu.memory_space<hbm>> -> memref<1x4096xf32, #tpu.memory_space<hbm>>
        %dma_start3A_283 = tpu.memref_squeeze %dma_start3A_282 : memref<1x4096xf32, #tpu.memory_space<hbm>> -> memref<4096xf32, #tpu.memory_space<hbm>>
        %dma_start3A_284 = arith.constant 0 : i32
        %dma_start3A_285 = tpu.memref_slice %arg5[%add3A_274, %dma_start3A_284] : memref<6250x4096xf32, #tpu.memory_space<hbm>> -> memref<1x4096xf32, #tpu.memory_space<hbm>>
        %dma_start3A_286 = tpu.memref_squeeze %dma_start3A_285 : memref<1x4096xf32, #tpu.memory_space<hbm>> -> memref<4096xf32, #tpu.memory_space<hbm>>
        tpu.enqueue_dma source(%dma_start3A_286 : memref<4096xf32, #tpu.memory_space<hbm>>) target(%arg16 : memref<4096xf32, #tpu.memory_space<vmem>>) target_semaphore(%arg18 : memref<!tpu.dma_semaphore, #tpu.memory_space<semaphore_mem>>)
      } else {
      }
    }
    %eq3A = arith.constant 1 : i32
    %eq3A_181 = arith.cmpi eq, %sub3A_146, %eq3A : i32
    %convert_element_type3A = arith.extui %eq3A_181 : i1 to i32
    %cond3A = arith.constant 0 : i32
    %cond3A_182 = arith.cmpi ne, %convert_element_type3A, %cond3A : i32
    scf.if %cond3A_182 {
      %dma_wait3A = arith.constant 0 : i32
      %dma_wait3A_188 = tpu.memref_slice %arg2[%dma_wait3A] : memref<800000xi32, #tpu.memory_space<hbm>> -> memref<128xi32, #tpu.memory_space<hbm>>
      %dma_wait3A_189 = arith.constant 0 : i32
      %dma_wait3A_190 = tpu.memref_slice %arg2[%dma_wait3A_189] : memref<800000xi32, #tpu.memory_space<hbm>> -> memref<128xi32, #tpu.memory_space<hbm>>
      tpu.wait_dma2 semaphore(%arg11 : memref<!tpu.dma_semaphore, #tpu.memory_space<semaphore_mem>>) src(%dma_wait3A_190 : memref<128xi32, #tpu.memory_space<hbm>>) dst(%arg7 : memref<128xi32, #tpu.memory_space<vmem>>)
      %dma_wait3A_191 = arith.constant 0 : i32
      %dma_wait3A_192 = tpu.memref_slice %arg3[%dma_wait3A_191] : memref<800000xi32, #tpu.memory_space<hbm>> -> memref<128xi32, #tpu.memory_space<hbm>>
      %dma_wait3A_193 = arith.constant 0 : i32
      %dma_wait3A_194 = tpu.memref_slice %arg3[%dma_wait3A_193] : memref<800000xi32, #tpu.memory_space<hbm>> -> memref<128xi32, #tpu.memory_space<hbm>>
      tpu.wait_dma2 semaphore(%arg11 : memref<!tpu.dma_semaphore, #tpu.memory_space<semaphore_mem>>) src(%dma_wait3A_194 : memref<128xi32, #tpu.memory_space<hbm>>) dst(%arg8 : memref<128xi32, #tpu.memory_space<vmem>>)
      %dma_wait3A_195 = arith.constant 0 : i32
      %dma_wait3A_196 = arith.constant 0 : i32
      %dma_wait3A_197 = tpu.memref_slice %arg5[%dma_wait3A_195, %dma_wait3A_196] : memref<6250x4096xf32, #tpu.memory_space<hbm>> -> memref<1x4096xf32, #tpu.memory_space<hbm>>
      %dma_wait3A_198 = tpu.memref_squeeze %dma_wait3A_197 : memref<1x4096xf32, #tpu.memory_space<hbm>> -> memref<4096xf32, #tpu.memory_space<hbm>>
      %dma_wait3A_199 = arith.constant 0 : i32
      %dma_wait3A_200 = tpu.memref_slice %arg5[%dma_wait3A_195, %dma_wait3A_199] : memref<6250x4096xf32, #tpu.memory_space<hbm>> -> memref<1x4096xf32, #tpu.memory_space<hbm>>
      %dma_wait3A_201 = tpu.memref_squeeze %dma_wait3A_200 : memref<1x4096xf32, #tpu.memory_space<hbm>> -> memref<4096xf32, #tpu.memory_space<hbm>>
      tpu.wait_dma2 semaphore(%arg11 : memref<!tpu.dma_semaphore, #tpu.memory_space<semaphore_mem>>) src(%dma_wait3A_201 : memref<4096xf32, #tpu.memory_space<hbm>>) dst(%arg9 : memref<4096xf32, #tpu.memory_space<vmem>>)
      %dma_start3A_202 = arith.constant 0 : i32
      %dma_start3A_203 = arith.constant 0 : i32
      %dma_start3A_204 = tpu.memref_slice %arg4[%dma_start3A_202, %dma_start3A_203] : memref<50000x32xf32, #tpu.memory_space<hbm>> -> memref<50000x32xf32, #tpu.memory_space<hbm>>
      tpu.enqueue_indirect_dma source(%dma_start3A_204 : memref<50000x32xf32, #tpu.memory_space<hbm>>) target(%arg10 : memref<128x32xf32, #tpu.memory_space<vmem>>) offsets(%arg7 : memref<128xi32, #tpu.memory_space<vmem>>) semaphore(%arg12 : memref<!tpu.dma_semaphore, #tpu.memory_space<semaphore_mem>>)
      %dma_wait3A_205 = arith.constant 0 : i32
      %dma_wait3A_206 = arith.constant 0 : i32
      %dma_wait3A_207 = tpu.memref_slice %arg4[%dma_wait3A_205, %dma_wait3A_206] : memref<50000x32xf32, #tpu.memory_space<hbm>> -> memref<50000x32xf32, #tpu.memory_space<hbm>>
      tpu.wait_indirect_dma semaphore(%arg12 : memref<!tpu.dma_semaphore, #tpu.memory_space<semaphore_mem>>) src(%dma_wait3A_207 : memref<50000x32xf32, #tpu.memory_space<hbm>>) dst(%arg10 : memref<128x32xf32, #tpu.memory_space<vmem>>)
      %scan3A_208 = arith.constant 0 : i32
      %scan3A_209 = arith.constant 0 : i32
      %scan3A_210 = arith.constant 8 : i32
      %scan3A_211 = arith.addi %scan3A_209, %scan3A_210 : i32
      %scan3A_212 = arith.constant 1 : i32
      scf.for %scan3A_214 = %scan3A_209 to %scan3A_211 step %scan3A_212  : i32 {
        %mul3A_215 = arith.constant 16 : i32
        %mul3A_216 = arith.muli %scan3A_214, %mul3A_215 : i32
        %broadcast_in_dim3A_217 = vector.broadcast %mul3A_216 : i32 to vector<16xi32>
        %add3A_218 = arith.addi %broadcast_in_dim3A_217, %and3A_34 : vector<16xi32>
        %add3A_219 = arith.addi %mul3A_26, %add3A_218 : vector<16xi32>
        %gather3A = tpu.vector_load_idx %arg9[%add3A_219] : memref<4096xf32, #tpu.memory_space<vmem>>[vector<16xi32>], vector<16xf32>,
        %add3A_220 = arith.addi %add3A_29, %add3A_218 : vector<16xi32>
        %gather3A_221 = tpu.vector_load_idx %arg9[%add3A_220] : memref<4096xf32, #tpu.memory_space<vmem>>[vector<16xi32>], vector<16xf32>,
        %gather3A_222 = tpu.vector_load_idx %arg10[%add3A_218, %iota3A] : memref<128x32xf32, #tpu.memory_space<vmem>>[vector<16xi32>, vector<16xi32>], vector<16xf32>,
        %gather3A_223 = tpu.vector_load_idx %arg10[%add3A_218, %add3A_23] : memref<128x32xf32, #tpu.memory_space<vmem>>[vector<16xi32>, vector<16xi32>], vector<16xf32>,
        %mul3A_224 = arith.mulf %gather3A_222, %gather3A : vector<16xf32>
        tpu.vector_store_idx %arg10[%add3A_218, %iota3A], %mul3A_224 : memref<128x32xf32, #tpu.memory_space<vmem>>[vector<16xi32>, vector<16xi32>], vector<16xf32>,
        %mul3A_225 = arith.mulf %gather3A_223, %gather3A_221 : vector<16xf32>
        tpu.vector_store_idx %arg10[%add3A_218, %add3A_23], %mul3A_225 : memref<128x32xf32, #tpu.memory_space<vmem>>[vector<16xi32>, vector<16xi32>], vector<16xf32>,
        %add3A_226 = arith.addi %broadcast_in_dim3A_217, %and3A_40 : vector<16xi32>
        %add3A_227 = arith.addi %mul3A_26, %add3A_226 : vector<16xi32>
        %gather3A_228 = tpu.vector_load_idx %arg9[%add3A_227] : memref<4096xf32, #tpu.memory_space<vmem>>[vector<16xi32>], vector<16xf32>,
        %add3A_229 = arith.addi %add3A_29, %add3A_226 : vector<16xi32>
        %gather3A_230 = tpu.vector_load_idx %arg9[%add3A_229] : memref<4096xf32, #tpu.memory_space<vmem>>[vector<16xi32>], vector<16xf32>,
        %gather3A_231 = tpu.vector_load_idx %arg10[%add3A_226, %iota3A] : memref<128x32xf32, #tpu.memory_space<vmem>>[vector<16xi32>, vector<16xi32>], vector<16xf32>,
        %gather3A_232 = tpu.vector_load_idx %arg10[%add3A_226, %add3A_23] : memref<128x32xf32, #tpu.memory_space<vmem>>[vector<16xi32>, vector<16xi32>], vector<16xf32>,
        %mul3A_233 = arith.mulf %gather3A_231, %gather3A_228 : vector<16xf32>
        tpu.vector_store_idx %arg10[%add3A_226, %iota3A], %mul3A_233 : memref<128x32xf32, #tpu.memory_space<vmem>>[vector<16xi32>, vector<16xi32>], vector<16xf32>,
        %mul3A_234 = arith.mulf %gather3A_232, %gather3A_230 : vector<16xf32>
        tpu.vector_store_idx %arg10[%add3A_226, %add3A_23], %mul3A_234 : memref<128x32xf32, #tpu.memory_space<vmem>>[vector<16xi32>, vector<16xi32>], vector<16xf32>,
        %add3A_235 = arith.addi %broadcast_in_dim3A_217, %and3A_46 : vector<16xi32>
        %add3A_236 = arith.addi %mul3A_26, %add3A_235 : vector<16xi32>
        %gather3A_237 = tpu.vector_load_idx %arg9[%add3A_236] : memref<4096xf32, #tpu.memory_space<vmem>>[vector<16xi32>], vector<16xf32>,
        %add3A_238 = arith.addi %add3A_29, %add3A_235 : vector<16xi32>
        %gather3A_239 = tpu.vector_load_idx %arg9[%add3A_238] : memref<4096xf32, #tpu.memory_space<vmem>>[vector<16xi32>], vector<16xf32>,
        %gather3A_240 = tpu.vector_load_idx %arg10[%add3A_235, %iota3A] : memref<128x32xf32, #tpu.memory_space<vmem>>[vector<16xi32>, vector<16xi32>], vector<16xf32>,
        %gather3A_241 = tpu.vector_load_idx %arg10[%add3A_235, %add3A_23] : memref<128x32xf32, #tpu.memory_space<vmem>>[vector<16xi32>, vector<16xi32>], vector<16xf32>,
        %mul3A_242 = arith.mulf %gather3A_240, %gather3A_237 : vector<16xf32>
        tpu.vector_store_idx %arg10[%add3A_235, %iota3A], %mul3A_242 : memref<128x32xf32, #tpu.memory_space<vmem>>[vector<16xi32>, vector<16xi32>], vector<16xf32>,
        %mul3A_243 = arith.mulf %gather3A_241, %gather3A_239 : vector<16xf32>
        tpu.vector_store_idx %arg10[%add3A_235, %add3A_23], %mul3A_243 : memref<128x32xf32, #tpu.memory_space<vmem>>[vector<16xi32>, vector<16xi32>], vector<16xf32>,
        %add3A_244 = arith.addi %broadcast_in_dim3A_217, %and3A_52 : vector<16xi32>
        %add3A_245 = arith.addi %mul3A_26, %add3A_244 : vector<16xi32>
        %gather3A_246 = tpu.vector_load_idx %arg9[%add3A_245] : memref<4096xf32, #tpu.memory_space<vmem>>[vector<16xi32>], vector<16xf32>,
        %add3A_247 = arith.addi %add3A_29, %add3A_244 : vector<16xi32>
        %gather3A_248 = tpu.vector_load_idx %arg9[%add3A_247] : memref<4096xf32, #tpu.memory_space<vmem>>[vector<16xi32>], vector<16xf32>,
        %gather3A_249 = tpu.vector_load_idx %arg10[%add3A_244, %iota3A] : memref<128x32xf32, #tpu.memory_space<vmem>>[vector<16xi32>, vector<16xi32>], vector<16xf32>,
        %gather3A_250 = tpu.vector_load_idx %arg10[%add3A_244, %add3A_23] : memref<128x32xf32, #tpu.memory_space<vmem>>[vector<16xi32>, vector<16xi32>], vector<16xf32>,
        %mul3A_251 = arith.mulf %gather3A_249, %gather3A_246 : vector<16xf32>
        tpu.vector_store_idx %arg10[%add3A_244, %iota3A], %mul3A_251 : memref<128x32xf32, #tpu.memory_space<vmem>>[vector<16xi32>, vector<16xi32>], vector<16xf32>,
        %mul3A_252 = arith.mulf %gather3A_250, %gather3A_248 : vector<16xf32>
        tpu.vector_store_idx %arg10[%add3A_244, %add3A_23], %mul3A_252 : memref<128x32xf32, #tpu.memory_space<vmem>>[vector<16xi32>, vector<16xi32>], vector<16xf32>,
        %add3A_253 = arith.addi %broadcast_in_dim3A_217, %and3A_58 : vector<16xi32>
        %add3A_254 = arith.addi %mul3A_26, %add3A_253 : vector<16xi32>
        %gather3A_255 = tpu.vector_load_idx %arg9[%add3A_254] : memref<4096xf32, #tpu.memory_space<vmem>>[vector<16xi32>], vector<16xf32>,
        %add3A_256 = arith.addi %add3A_29, %add3A_253 : vector<16xi32>
        %gather3A_257 = tpu.vector_load_idx %arg9[%add3A_256] : memref<4096xf32, #tpu.memory_space<vmem>>[vector<16xi32>], vector<16xf32>,
        %gather3A_258 = tpu.vector_load_idx %arg10[%add3A_253, %iota3A] : memref<128x32xf32, #tpu.memory_space<vmem>>[vector<16xi32>, vector<16xi32>], vector<16xf32>,
        %gather3A_259 = tpu.vector_load_idx %arg10[%add3A_253, %add3A_23] : memref<128x32xf32, #tpu.memory_space<vmem>>[vector<16xi32>, vector<16xi32>], vector<16xf32>,
        %mul3A_260 = arith.mulf %gather3A_258, %gather3A_255 : vector<16xf32>
        tpu.vector_store_idx %arg10[%add3A_253, %iota3A], %mul3A_260 : memref<128x32xf32, #tpu.memory_space<vmem>>[vector<16xi32>, vector<16xi32>], vector<16xf32>,
        %mul3A_261 = arith.mulf %gather3A_259, %gather3A_257 : vector<16xf32>
        tpu.vector_store_idx %arg10[%add3A_253, %add3A_23], %mul3A_261 : memref<128x32xf32, #tpu.memory_space<vmem>>[vector<16xi32>, vector<16xi32>], vector<16xf32>,
        %add3A_262 = arith.addi %broadcast_in_dim3A_217, %and3A_64 : vector<16xi32>
        %add3A_263 = arith.addi %mul3A_26, %add3A_262 : vector<16xi32>
        %gather3A_264 = tpu.vector_load_idx %arg9[%add3A_263] : memref<4096xf32, #tpu.memory_space<vmem>>[vector<16xi32>], vector<16xf32>,
        %add3A_265 = arith.addi %add3A_29, %add3A_262 : vector<16xi32>
        %gather3A_266 = tpu.vector_load_idx %arg9[%add3A_265] : memref<4096xf32, #tpu.memory_space<vmem>>[vector<16xi32>], vector<16xf32>,
        %gather3A_267 = tpu.vector_load_idx %arg10[%add3A_262, %iota3A] : memref<128x32xf32, #tpu.memory_space<vmem>>[vector<16xi32>, vector<16xi32>], vector<16xf32>,
        %gather3A_268 = tpu.vector_load_idx %arg10[%add3A_262, %add3A_23] : memref<128x32xf32, #tpu.memory_space<vmem>>[vector<16xi32>, vector<16xi32>], vector<16xf32>,
        %mul3A_269 = arith.mulf %gather3A_267, %gather3A_264 : vector<16xf32>
        tpu.vector_store_idx %arg10[%add3A_262, %iota3A], %mul3A_269 : memref<128x32xf32, #tpu.memory_space<vmem>>[vector<16xi32>, vector<16xi32>], vector<16xf32>,
        %mul3A_270 = arith.mulf %gather3A_268, %gather3A_266 : vector<16xf32>
        tpu.vector_store_idx %arg10[%add3A_262, %add3A_23], %mul3A_270 : memref<128x32xf32, #tpu.memory_space<vmem>>[vector<16xi32>, vector<16xi32>], vector<16xf32>,
        %add3A_271 = arith.addi %broadcast_in_dim3A_217, %and3A_70 : vector<16xi32>
        %add3A_272 = arith.addi %mul3A_26, %add3A_271 : vector<16xi32>
        %gather3A_273 = tpu.vector_load_idx %arg9[%add3A_272] : memref<4096xf32, #tpu.memory_space<vmem>>[vector<16xi32>], vector<16xf32>,
        %add3A_274 = arith.addi %add3A_29, %add3A_271 : vector<16xi32>
        %gather3A_275 = tpu.vector_load_idx %arg9[%add3A_274] : memref<4096xf32, #tpu.memory_space<vmem>>[vector<16xi32>], vector<16xf32>,
        %gather3A_276 = tpu.vector_load_idx %arg10[%add3A_271, %iota3A] : memref<128x32xf32, #tpu.memory_space<vmem>>[vector<16xi32>, vector<16xi32>], vector<16xf32>,
        %gather3A_277 = tpu.vector_load_idx %arg10[%add3A_271, %add3A_23] : memref<128x32xf32, #tpu.memory_space<vmem>>[vector<16xi32>, vector<16xi32>], vector<16xf32>,
        %mul3A_278 = arith.mulf %gather3A_276, %gather3A_273 : vector<16xf32>
        tpu.vector_store_idx %arg10[%add3A_271, %iota3A], %mul3A_278 : memref<128x32xf32, #tpu.memory_space<vmem>>[vector<16xi32>, vector<16xi32>], vector<16xf32>,
        %mul3A_279 = arith.mulf %gather3A_277, %gather3A_275 : vector<16xf32>
        tpu.vector_store_idx %arg10[%add3A_271, %add3A_23], %mul3A_279 : memref<128x32xf32, #tpu.memory_space<vmem>>[vector<16xi32>, vector<16xi32>], vector<16xf32>,
        %add3A_280 = arith.addi %broadcast_in_dim3A_217, %and3A_76 : vector<16xi32>
        %add3A_281 = arith.addi %mul3A_26, %add3A_280 : vector<16xi32>
        %gather3A_282 = tpu.vector_load_idx %arg9[%add3A_281] : memref<4096xf32, #tpu.memory_space<vmem>>[vector<16xi32>], vector<16xf32>,
        %add3A_283 = arith.addi %add3A_29, %add3A_280 : vector<16xi32>
        %gather3A_284 = tpu.vector_load_idx %arg9[%add3A_283] : memref<4096xf32, #tpu.memory_space<vmem>>[vector<16xi32>], vector<16xf32>,
        %gather3A_285 = tpu.vector_load_idx %arg10[%add3A_280, %iota3A] : memref<128x32xf32, #tpu.memory_space<vmem>>[vector<16xi32>, vector<16xi32>], vector<16xf32>,
        %gather3A_286 = tpu.vector_load_idx %arg10[%add3A_280, %add3A_23] : memref<128x32xf32, #tpu.memory_space<vmem>>[vector<16xi32>, vector<16xi32>], vector<16xf32>,
        %mul3A_287 = arith.mulf %gather3A_285, %gather3A_282 : vector<16xf32>
        tpu.vector_store_idx %arg10[%add3A_280, %iota3A], %mul3A_287 : memref<128x32xf32, #tpu.memory_space<vmem>>[vector<16xi32>, vector<16xi32>], vector<16xf32>,
        %mul3A_288 = arith.mulf %gather3A_286, %gather3A_284 : vector<16xf32>
        tpu.vector_store_idx %arg10[%add3A_280, %add3A_23], %mul3A_288 : memref<128x32xf32, #tpu.memory_space<vmem>>[vector<16xi32>, vector<16xi32>], vector<16xf32>,
        %add3A_289 = arith.addi %broadcast_in_dim3A_217, %and3A_82 : vector<16xi32>
        %add3A_290 = arith.addi %mul3A_26, %add3A_289 : vector<16xi32>
        %gather3A_291 = tpu.vector_load_idx %arg9[%add3A_290] : memref<4096xf32, #tpu.memory_space<vmem>>[vector<16xi32>], vector<16xf32>,
        %add3A_292 = arith.addi %add3A_29, %add3A_289 : vector<16xi32>
        %gather3A_293 = tpu.vector_load_idx %arg9[%add3A_292] : memref<4096xf32, #tpu.memory_space<vmem>>[vector<16xi32>], vector<16xf32>,
        %gather3A_294 = tpu.vector_load_idx %arg10[%add3A_289, %iota3A] : memref<128x32xf32, #tpu.memory_space<vmem>>[vector<16xi32>, vector<16xi32>], vector<16xf32>,
        %gather3A_295 = tpu.vector_load_idx %arg10[%add3A_289, %add3A_23] : memref<128x32xf32, #tpu.memory_space<vmem>>[vector<16xi32>, vector<16xi32>], vector<16xf32>,
        %mul3A_296 = arith.mulf %gather3A_294, %gather3A_291 : vector<16xf32>
        tpu.vector_store_idx %arg10[%add3A_289, %iota3A], %mul3A_296 : memref<128x32xf32, #tpu.memory_space<vmem>>[vector<16xi32>, vector<16xi32>], vector<16xf32>,
        %mul3A_297 = arith.mulf %gather3A_295, %gather3A_293 : vector<16xf32>
        tpu.vector_store_idx %arg10[%add3A_289, %add3A_23], %mul3A_297 : memref<128x32xf32, #tpu.memory_space<vmem>>[vector<16xi32>, vector<16xi32>], vector<16xf32>,
        %add3A_298 = arith.addi %broadcast_in_dim3A_217, %and3A_88 : vector<16xi32>
        %add3A_299 = arith.addi %mul3A_26, %add3A_298 : vector<16xi32>
        %gather3A_300 = tpu.vector_load_idx %arg9[%add3A_299] : memref<4096xf32, #tpu.memory_space<vmem>>[vector<16xi32>], vector<16xf32>,
        %add3A_301 = arith.addi %add3A_29, %add3A_298 : vector<16xi32>
        %gather3A_302 = tpu.vector_load_idx %arg9[%add3A_301] : memref<4096xf32, #tpu.memory_space<vmem>>[vector<16xi32>], vector<16xf32>,
        %gather3A_303 = tpu.vector_load_idx %arg10[%add3A_298, %iota3A] : memref<128x32xf32, #tpu.memory_space<vmem>>[vector<16xi32>, vector<16xi32>], vector<16xf32>,
        %gather3A_304 = tpu.vector_load_idx %arg10[%add3A_298, %add3A_23] : memref<128x32xf32, #tpu.memory_space<vmem>>[vector<16xi32>, vector<16xi32>], vector<16xf32>,
        %mul3A_305 = arith.mulf %gather3A_303, %gather3A_300 : vector<16xf32>
        tpu.vector_store_idx %arg10[%add3A_298, %iota3A], %mul3A_305 : memref<128x32xf32, #tpu.memory_space<vmem>>[vector<16xi32>, vector<16xi32>], vector<16xf32>,
        %mul3A_306 = arith.mulf %gather3A_304, %gather3A_302 : vector<16xf32>
        tpu.vector_store_idx %arg10[%add3A_298, %add3A_23], %mul3A_306 : memref<128x32xf32, #tpu.memory_space<vmem>>[vector<16xi32>, vector<16xi32>], vector<16xf32>,
        %add3A_307 = arith.addi %broadcast_in_dim3A_217, %and3A_94 : vector<16xi32>
        %add3A_308 = arith.addi %mul3A_26, %add3A_307 : vector<16xi32>
        %gather3A_309 = tpu.vector_load_idx %arg9[%add3A_308] : memref<4096xf32, #tpu.memory_space<vmem>>[vector<16xi32>], vector<16xf32>,
        %add3A_310 = arith.addi %add3A_29, %add3A_307 : vector<16xi32>
        %gather3A_311 = tpu.vector_load_idx %arg9[%add3A_310] : memref<4096xf32, #tpu.memory_space<vmem>>[vector<16xi32>], vector<16xf32>,
        %gather3A_312 = tpu.vector_load_idx %arg10[%add3A_307, %iota3A] : memref<128x32xf32, #tpu.memory_space<vmem>>[vector<16xi32>, vector<16xi32>], vector<16xf32>,
        %gather3A_313 = tpu.vector_load_idx %arg10[%add3A_307, %add3A_23] : memref<128x32xf32, #tpu.memory_space<vmem>>[vector<16xi32>, vector<16xi32>], vector<16xf32>,
        %mul3A_314 = arith.mulf %gather3A_312, %gather3A_309 : vector<16xf32>
        tpu.vector_store_idx %arg10[%add3A_307, %iota3A], %mul3A_314 : memref<128x32xf32, #tpu.memory_space<vmem>>[vector<16xi32>, vector<16xi32>], vector<16xf32>,
        %mul3A_315 = arith.mulf %gather3A_313, %gather3A_311 : vector<16xf32>
        tpu.vector_store_idx %arg10[%add3A_307, %add3A_23], %mul3A_315 : memref<128x32xf32, #tpu.memory_space<vmem>>[vector<16xi32>, vector<16xi32>], vector<16xf32>,
        %add3A_316 = arith.addi %broadcast_in_dim3A_217, %and3A_100 : vector<16xi32>
        %add3A_317 = arith.addi %mul3A_26, %add3A_316 : vector<16xi32>
        %gather3A_318 = tpu.vector_load_idx %arg9[%add3A_317] : memref<4096xf32, #tpu.memory_space<vmem>>[vector<16xi32>], vector<16xf32>,
        %add3A_319 = arith.addi %add3A_29, %add3A_316 : vector<16xi32>
        %gather3A_320 = tpu.vector_load_idx %arg9[%add3A_319] : memref<4096xf32, #tpu.memory_space<vmem>>[vector<16xi32>], vector<16xf32>,
        %gather3A_321 = tpu.vector_load_idx %arg10[%add3A_316, %iota3A] : memref<128x32xf32, #tpu.memory_space<vmem>>[vector<16xi32>, vector<16xi32>], vector<16xf32>,
        %gather3A_322 = tpu.vector_load_idx %arg10[%add3A_316, %add3A_23] : memref<128x32xf32, #tpu.memory_space<vmem>>[vector<16xi32>, vector<16xi32>], vector<16xf32>,
        %mul3A_323 = arith.mulf %gather3A_321, %gather3A_318 : vector<16xf32>
        tpu.vector_store_idx %arg10[%add3A_316, %iota3A], %mul3A_323 : memref<128x32xf32, #tpu.memory_space<vmem>>[vector<16xi32>, vector<16xi32>], vector<16xf32>,
        %mul3A_324 = arith.mulf %gather3A_322, %gather3A_320 : vector<16xf32>
        tpu.vector_store_idx %arg10[%add3A_316, %add3A_23], %mul3A_324 : memref<128x32xf32, #tpu.memory_space<vmem>>[vector<16xi32>, vector<16xi32>], vector<16xf32>,
        %add3A_325 = arith.addi %broadcast_in_dim3A_217, %and3A_106 : vector<16xi32>
        %add3A_326 = arith.addi %mul3A_26, %add3A_325 : vector<16xi32>
        %gather3A_327 = tpu.vector_load_idx %arg9[%add3A_326] : memref<4096xf32, #tpu.memory_space<vmem>>[vector<16xi32>], vector<16xf32>,
        %add3A_328 = arith.addi %add3A_29, %add3A_325 : vector<16xi32>
        %gather3A_329 = tpu.vector_load_idx %arg9[%add3A_328] : memref<4096xf32, #tpu.memory_space<vmem>>[vector<16xi32>], vector<16xf32>,
        %gather3A_330 = tpu.vector_load_idx %arg10[%add3A_325, %iota3A] : memref<128x32xf32, #tpu.memory_space<vmem>>[vector<16xi32>, vector<16xi32>], vector<16xf32>,
        %gather3A_331 = tpu.vector_load_idx %arg10[%add3A_325, %add3A_23] : memref<128x32xf32, #tpu.memory_space<vmem>>[vector<16xi32>, vector<16xi32>], vector<16xf32>,
        %mul3A_332 = arith.mulf %gather3A_330, %gather3A_327 : vector<16xf32>
        tpu.vector_store_idx %arg10[%add3A_325, %iota3A], %mul3A_332 : memref<128x32xf32, #tpu.memory_space<vmem>>[vector<16xi32>, vector<16xi32>], vector<16xf32>,
        %mul3A_333 = arith.mulf %gather3A_331, %gather3A_329 : vector<16xf32>
        tpu.vector_store_idx %arg10[%add3A_325, %add3A_23], %mul3A_333 : memref<128x32xf32, #tpu.memory_space<vmem>>[vector<16xi32>, vector<16xi32>], vector<16xf32>,
        %add3A_334 = arith.addi %broadcast_in_dim3A_217, %and3A_112 : vector<16xi32>
        %add3A_335 = arith.addi %mul3A_26, %add3A_334 : vector<16xi32>
        %gather3A_336 = tpu.vector_load_idx %arg9[%add3A_335] : memref<4096xf32, #tpu.memory_space<vmem>>[vector<16xi32>], vector<16xf32>,
        %add3A_337 = arith.addi %add3A_29, %add3A_334 : vector<16xi32>
        %gather3A_338 = tpu.vector_load_idx %arg9[%add3A_337] : memref<4096xf32, #tpu.memory_space<vmem>>[vector<16xi32>], vector<16xf32>,
        %gather3A_339 = tpu.vector_load_idx %arg10[%add3A_334, %iota3A] : memref<128x32xf32, #tpu.memory_space<vmem>>[vector<16xi32>, vector<16xi32>], vector<16xf32>,
        %gather3A_340 = tpu.vector_load_idx %arg10[%add3A_334, %add3A_23] : memref<128x32xf32, #tpu.memory_space<vmem>>[vector<16xi32>, vector<16xi32>], vector<16xf32>,
        %mul3A_341 = arith.mulf %gather3A_339, %gather3A_336 : vector<16xf32>
        tpu.vector_store_idx %arg10[%add3A_334, %iota3A], %mul3A_341 : memref<128x32xf32, #tpu.memory_space<vmem>>[vector<16xi32>, vector<16xi32>], vector<16xf32>,
        %mul3A_342 = arith.mulf %gather3A_340, %gather3A_338 : vector<16xf32>
        tpu.vector_store_idx %arg10[%add3A_334, %add3A_23], %mul3A_342 : memref<128x32xf32, #tpu.memory_space<vmem>>[vector<16xi32>, vector<16xi32>], vector<16xf32>,
        %add3A_343 = arith.addi %broadcast_in_dim3A_217, %and3A_118 : vector<16xi32>
        %add3A_344 = arith.addi %mul3A_26, %add3A_343 : vector<16xi32>
        %gather3A_345 = tpu.vector_load_idx %arg9[%add3A_344] : memref<4096xf32, #tpu.memory_space<vmem>>[vector<16xi32>], vector<16xf32>,
        %add3A_346 = arith.addi %add3A_29, %add3A_343 : vector<16xi32>
        %gather3A_347 = tpu.vector_load_idx %arg9[%add3A_346] : memref<4096xf32, #tpu.memory_space<vmem>>[vector<16xi32>], vector<16xf32>,
        %gather3A_348 = tpu.vector_load_idx %arg10[%add3A_343, %iota3A] : memref<128x32xf32, #tpu.memory_space<vmem>>[vector<16xi32>, vector<16xi32>], vector<16xf32>,
        %gather3A_349 = tpu.vector_load_idx %arg10[%add3A_343, %add3A_23] : memref<128x32xf32, #tpu.memory_space<vmem>>[vector<16xi32>, vector<16xi32>], vector<16xf32>,
        %mul3A_350 = arith.mulf %gather3A_348, %gather3A_345 : vector<16xf32>
        tpu.vector_store_idx %arg10[%add3A_343, %iota3A], %mul3A_350 : memref<128x32xf32, #tpu.memory_space<vmem>>[vector<16xi32>, vector<16xi32>], vector<16xf32>,
        %mul3A_351 = arith.mulf %gather3A_349, %gather3A_347 : vector<16xf32>
        tpu.vector_store_idx %arg10[%add3A_343, %add3A_23], %mul3A_351 : memref<128x32xf32, #tpu.memory_space<vmem>>[vector<16xi32>, vector<16xi32>], vector<16xf32>,
        %add3A_352 = arith.addi %broadcast_in_dim3A_217, %and3A_124 : vector<16xi32>
        %add3A_353 = arith.addi %mul3A_26, %add3A_352 : vector<16xi32>
        %gather3A_354 = tpu.vector_load_idx %arg9[%add3A_353] : memref<4096xf32, #tpu.memory_space<vmem>>[vector<16xi32>], vector<16xf32>,
        %add3A_355 = arith.addi %add3A_29, %add3A_352 : vector<16xi32>
        %gather3A_356 = tpu.vector_load_idx %arg9[%add3A_355] : memref<4096xf32, #tpu.memory_space<vmem>>[vector<16xi32>], vector<16xf32>,
        %gather3A_357 = tpu.vector_load_idx %arg10[%add3A_352, %iota3A] : memref<128x32xf32, #tpu.memory_space<vmem>>[vector<16xi32>, vector<16xi32>], vector<16xf32>,
        %gather3A_358 = tpu.vector_load_idx %arg10[%add3A_352, %add3A_23] : memref<128x32xf32, #tpu.memory_space<vmem>>[vector<16xi32>, vector<16xi32>], vector<16xf32>,
        %mul3A_359 = arith.mulf %gather3A_357, %gather3A_354 : vector<16xf32>
        tpu.vector_store_idx %arg10[%add3A_352, %iota3A], %mul3A_359 : memref<128x32xf32, #tpu.memory_space<vmem>>[vector<16xi32>, vector<16xi32>], vector<16xf32>,
        %mul3A_360 = arith.mulf %gather3A_358, %gather3A_356 : vector<16xf32>
        tpu.vector_store_idx %arg10[%add3A_352, %add3A_23], %mul3A_360 : memref<128x32xf32, #tpu.memory_space<vmem>>[vector<16xi32>, vector<16xi32>], vector<16xf32>,
      }
      %scan3A_213 = arith.constant 8 : i32
      "tpu.region"() ({
        %run_scoped3A = tpu.sem_alloc : memref<!tpu.dma_semaphore, #tpu.memory_space<semaphore_mem>>
        %dma_start3A_214 = arith.constant 0 : i32
        %dma_start3A_215 = arith.constant 0 : i32
        %dma_start3A_216 = tpu.memref_slice %arg22[%dma_start3A_214, %dma_start3A_215] : memref<50000x32xf32, #tpu.memory_space<vmem_shared>> -> memref<50000x32xf32, #tpu.memory_space<vmem_shared>>
        tpu.enqueue_indirect_dma source(%arg10 : memref<128x32xf32, #tpu.memory_space<vmem>>) target(%dma_start3A_216 : memref<50000x32xf32, #tpu.memory_space<vmem_shared>>) offsets(%arg8 : memref<128xi32, #tpu.memory_space<vmem>>) semaphore(%run_scoped3A : memref<!tpu.dma_semaphore, #tpu.memory_space<semaphore_mem>>) {add = true}
        %dma_wait3A_217 = arith.constant 0 : i32
        %dma_wait3A_218 = arith.constant 0 : i32
        %dma_wait3A_219 = tpu.memref_slice %arg22[%dma_wait3A_217, %dma_wait3A_218] : memref<50000x32xf32, #tpu.memory_space<vmem_shared>> -> memref<50000x32xf32, #tpu.memory_space<vmem_shared>>
        tpu.wait_indirect_dma semaphore(%run_scoped3A : memref<!tpu.dma_semaphore, #tpu.memory_space<semaphore_mem>>) src(%arg10 : memref<128x32xf32, #tpu.memory_space<vmem>>) dst(%dma_wait3A_219 : memref<50000x32xf32, #tpu.memory_space<vmem_shared>>)
        tpu.yield
      }) : () -> ()
    } else {
    }
    %barrier3A_183 = arith.constant 0 : index
    tpu.barrier barrier_id(%barrier3A_183)
    %mul3A_184 = arith.constant 3125 : i32
    %mul3A_185 = arith.muli %arg1, %mul3A_184 : i32
    %mul3A_186 = arith.constant 3125 : i32
    %mul3A_187 = arith.muli %arg1, %mul3A_186 : i32
    "tpu.region"() ({
      %run_scoped3A = tpu.sem_alloc : memref<!tpu.dma_semaphore, #tpu.memory_space<semaphore_mem>>
      %dma_start3A_188 = arith.constant 0 : i32
      %dma_start3A_189 = tpu.memref_slice %arg6[%arg0, %mul3A_187, %dma_start3A_188] : memref<2x50000x32xf32, #tpu.memory_space<hbm>> -> memref<1x3125x32xf32, #tpu.memory_space<hbm>>
      %dma_start3A_190 = tpu.memref_squeeze %dma_start3A_189 : memref<1x3125x32xf32, #tpu.memory_space<hbm>> -> memref<3125x32xf32, #tpu.memory_space<hbm>>
      %dma_start3A_191 = arith.constant 0 : i32
      %dma_start3A_192 = tpu.memref_slice %arg22[%mul3A_185, %dma_start3A_191] : memref<50000x32xf32, #tpu.memory_space<vmem_shared>> -> memref<3125x32xf32, #tpu.memory_space<vmem_shared>>
      tpu.enqueue_dma source(%dma_start3A_192 : memref<3125x32xf32, #tpu.memory_space<vmem_shared>>) target(%dma_start3A_190 : memref<3125x32xf32, #tpu.memory_space<hbm>>) target_semaphore(%run_scoped3A : memref<!tpu.dma_semaphore, #tpu.memory_space<semaphore_mem>>)
      %dma_wait3A = arith.constant 0 : i32
      %dma_wait3A_193 = tpu.memref_slice %arg6[%arg0, %mul3A_187, %dma_wait3A] : memref<2x50000x32xf32, #tpu.memory_space<hbm>> -> memref<1x3125x32xf32, #tpu.memory_space<hbm>>
      %dma_wait3A_194 = tpu.memref_squeeze %dma_wait3A_193 : memref<1x3125x32xf32, #tpu.memory_space<hbm>> -> memref<3125x32xf32, #tpu.memory_space<hbm>>
      %dma_wait3A_195 = arith.constant 0 : i32
      %dma_wait3A_196 = tpu.memref_slice %arg22[%mul3A_185, %dma_wait3A_195] : memref<50000x32xf32, #tpu.memory_space<vmem_shared>> -> memref<3125x32xf32, #tpu.memory_space<vmem_shared>>
      tpu.wait_dma2 semaphore(%run_scoped3A : memref<!tpu.dma_semaphore, #tpu.memory_space<semaphore_mem>>) src(%dma_wait3A_196 : memref<3125x32xf32, #tpu.memory_space<vmem_shared>>) dst(%dma_wait3A_194 : memref<3125x32xf32, #tpu.memory_space<hbm>>)
      tpu.yield
    }) : () -> ()
    return
  }
}

module attributes {stable_mosaic.version = 14 : i64} {
  func.func @_node_body(%arg0: i32, %arg1: memref<28x50000xf32, #tpu.memory_space<vmem>>, %arg2: memref<16x16x2xf32, #tpu.memory_space<vmem>>, %arg3: memref<28x28xf32, #tpu.memory_space<vmem>>, %arg4: memref<50000x32xf32, #tpu.memory_space<vmem>>) attributes {dimension_semantics = [#tpu.dimension_semantics<arbitrary>], iteration_bounds = array<i64: 1>, scalar_prefetch = 0 : i64, scratch_operands = 0 : i64, tpu.core_type = #tpu.core_type<tc>, window_params = [{pipeline_mode = #tpu.pipeline_mode<synchronous>, transform_indices = @transform_0, window_bounds = array<i64: 28, 50000>}, {pipeline_mode = #tpu.pipeline_mode<synchronous>, transform_indices = @transform_1, window_bounds = array<i64: 16, 16, 2>}, {pipeline_mode = #tpu.pipeline_mode<synchronous>, transform_indices = @transform_2, window_bounds = array<i64: 28, 28>}, {pipeline_mode = #tpu.pipeline_mode<synchronous>, transform_indices = @transform_3, window_bounds = array<i64: 50000, 32>}]} {
    %get3A = arith.constant 0 : index
    %get3A_0 = arith.constant 0 : index
    %get3A_1 = vector.load %arg1[%get3A, %get3A_0] : memref<28x50000xf32, #tpu.memory_space<vmem>>, vector<28x50000xf32>
    %get3A_2 = arith.constant 0 : index
    %get3A_3 = arith.constant 0 : index
    %get3A_4 = arith.constant 0 : index
    %get3A_5 = vector.load %arg2[%get3A_2, %get3A_3, %get3A_4] : memref<16x16x2xf32, #tpu.memory_space<vmem>>, vector<16x16x1xf32>
    %get3A_6 = vector.shape_cast %get3A_5 : vector<16x16x1xf32> to vector<16x16xf32>
    %get3A_7 = arith.constant 0 : index
    %get3A_8 = arith.constant 0 : index
    %get3A_9 = arith.constant 1 : index
    %get3A_10 = vector.load %arg2[%get3A_7, %get3A_8, %get3A_9] : memref<16x16x2xf32, #tpu.memory_space<vmem>>, vector<16x16x1xf32>
    %get3A_11 = vector.shape_cast %get3A_10 : vector<16x16x1xf32> to vector<16x16xf32>
    %add3A = arith.addf %get3A_6, %get3A_11 : vector<16x16xf32>
    %get3A_12 = arith.constant 0 : index
    %get3A_13 = arith.constant 0 : index
    %get3A_14 = vector.load %arg3[%get3A_12, %get3A_13] : memref<28x28xf32, #tpu.memory_space<vmem>>, vector<28x28xf32>
    %slice3A = vector.extract_strided_slice %get3A_1 {offsets = [0, 0], sizes = [16, 50000], strides = [1, 1]} : vector<28x50000xf32> to vector<16x50000xf32>
    %dot_general3A = arith.constant dense<0.000000e+00> : vector<16x50000xf32>
    %dot_general3A_15 = tpu.matmul %add3A, %slice3A, %dot_general3A {dimension_numbers = #tpu.dot_dimension_numbers<[0], [0], [1], [1], [0, 1, 1, 1], [], []>, transpose_lhs_hint = false} : vector<16x16xf32>, vector<16x50000xf32>, vector<16x50000xf32> -> vector<16x50000xf32>
    %slice3A_16 = vector.extract_strided_slice %get3A_1 {offsets = [16, 0], sizes = [12, 50000], strides = [1, 1]} : vector<28x50000xf32> to vector<12x50000xf32>
    %concatenate3A = tpu.concatenate %dot_general3A_15, %slice3A_16 in 0 : vector<16x50000xf32>, vector<12x50000xf32> -> vector<28x50000xf32>
    %dot_general3A_17 = arith.constant dense<0.000000e+00> : vector<50000x28xf32>
    %dot_general3A_18 = tpu.matmul %concatenate3A, %get3A_14, %dot_general3A_17 {dimension_numbers = #tpu.dot_dimension_numbers<[0], [0], [1], [1], [0, 1, 1, 1], [], []>, transpose_lhs_hint = false} : vector<28x50000xf32>, vector<28x28xf32>, vector<50000x28xf32> -> vector<50000x28xf32>
    %broadcast_in_dim3A = arith.constant 1.000000e+00 : f32
    %broadcast_in_dim3A_19 = vector.broadcast %broadcast_in_dim3A : f32 to vector<50000x1xf32>
    %broadcast_in_dim3A_20 = arith.constant 0.000000e+00 : f32
    %broadcast_in_dim3A_21 = vector.broadcast %broadcast_in_dim3A_20 : f32 to vector<50000x3xf32>
    %concatenate3A_22 = tpu.concatenate %dot_general3A_18, %broadcast_in_dim3A_19, %broadcast_in_dim3A_21 in 1 : vector<50000x28xf32>, vector<50000x1xf32>, vector<50000x3xf32> -> vector<50000x32xf32>
    %swap3A = arith.constant 0 : index
    %swap3A_23 = arith.constant 0 : index
    %swap3A_24 = vector.load %arg4[%swap3A, %swap3A_23] : memref<50000x32xf32, #tpu.memory_space<vmem>>, vector<50000x32xf32>
    tpu.vector_store %arg4[%swap3A, %swap3A_23], %concatenate3A_22 {strides = array<i32>} : memref<50000x32xf32, #tpu.memory_space<vmem>>, vector<50000x32xf32>,
    return
  }
  func.func @transform_0(%arg0: i32) -> (i32, i32) {
    %c0_i32 = arith.constant 0 : i32
    %c0_i32_0 = arith.constant 0 : i32
    %c0_i32_1 = arith.constant 0 : i32
    return %c0_i32, %c0_i32_0 : i32, i32
  }
  func.func @transform_1(%arg0: i32) -> (i32, i32, i32) {
    %c0_i32 = arith.constant 0 : i32
    %c0_i32_0 = arith.constant 0 : i32
    %c0_i32_1 = arith.constant 0 : i32
    %c0_i32_2 = arith.constant 0 : i32
    return %c0_i32, %c0_i32_0, %c0_i32_1 : i32, i32, i32
  }
  func.func @transform_2(%arg0: i32) -> (i32, i32) {
    %c0_i32 = arith.constant 0 : i32
    %c0_i32_0 = arith.constant 0 : i32
    %c0_i32_1 = arith.constant 0 : i32
    return %c0_i32, %c0_i32_0 : i32, i32
  }
  func.func @transform_3(%arg0: i32) -> (i32, i32) {
    %c0_i32 = arith.constant 0 : i32
    %c0_i32_0 = arith.constant 0 : i32
    %c0_i32_1 = arith.constant 0 : i32
    return %c0_i32, %c0_i32_0 : i32, i32
  }
}

module attributes {stable_mosaic.version = 14 : i64} {
  func.func @_edge_body(%arg0: i32, %arg1: memref<48x32000xf32, #tpu.memory_space<vmem>>, %arg2: memref<9x32000xf32, #tpu.memory_space<vmem>>, %arg3: memref<48x48xf32, #tpu.memory_space<vmem>>, %arg4: memref<48x1xf32, #tpu.memory_space<vmem>>, %arg5: memref<28x48xf32, #tpu.memory_space<vmem>>, %arg6: memref<28x1xf32, #tpu.memory_space<vmem>>, %arg7: memref<28x9xf32, #tpu.memory_space<vmem>>, %arg8: memref<250x4x8x128xf32, #tpu.memory_space<vmem>>) attributes {dimension_semantics = [#tpu.dimension_semantics<arbitrary>], iteration_bounds = array<i64: 25>, scalar_prefetch = 0 : i64, scratch_operands = 0 : i64, tpu.core_type = #tpu.core_type<tc>, window_params = [{transform_indices = @transform_0, window_bounds = array<i64: 48, 32000>}, {transform_indices = @transform_1, window_bounds = array<i64: 9, 32000>}, {pipeline_mode = #tpu.pipeline_mode<synchronous>, transform_indices = @transform_2, window_bounds = array<i64: 48, 48>}, {pipeline_mode = #tpu.pipeline_mode<synchronous>, transform_indices = @transform_3, window_bounds = array<i64: 48, 1>}, {pipeline_mode = #tpu.pipeline_mode<synchronous>, transform_indices = @transform_4, window_bounds = array<i64: 28, 48>}, {pipeline_mode = #tpu.pipeline_mode<synchronous>, transform_indices = @transform_5, window_bounds = array<i64: 28, 1>}, {pipeline_mode = #tpu.pipeline_mode<synchronous>, transform_indices = @transform_6, window_bounds = array<i64: 28, 9>}, {transform_indices = @transform_7, window_bounds = array<i64: 250, 4, 8, 128>}]} {
    %get3A = arith.constant 0 : index
    %get3A_0 = arith.constant 0 : index
    %get3A_1 = vector.load %arg3[%get3A, %get3A_0] : memref<48x48xf32, #tpu.memory_space<vmem>>, vector<48x48xf32>
    %get3A_2 = arith.constant 0 : index
    %get3A_3 = arith.constant 0 : index
    %get3A_4 = vector.load %arg1[%get3A_2, %get3A_3] : memref<48x32000xf32, #tpu.memory_space<vmem>>, vector<48x32000xf32>
    %dot_general3A = arith.constant dense<0.000000e+00> : vector<48x32000xf32>
    %dot_general3A_5 = tpu.matmul %get3A_1, %get3A_4, %dot_general3A {dimension_numbers = #tpu.dot_dimension_numbers<[1], [0], [0], [1], [0, 0, 1, 1], [], []>, transpose_lhs_hint = false} : vector<48x48xf32>, vector<48x32000xf32>, vector<48x32000xf32> -> vector<48x32000xf32>
    %get3A_6 = arith.constant 0 : index
    %get3A_7 = arith.constant 0 : index
    %get3A_8 = vector.load %arg4[%get3A_6, %get3A_7] : memref<48x1xf32, #tpu.memory_space<vmem>>, vector<48x1xf32>
    %add3A = vector.broadcast %get3A_8 : vector<48x1xf32> to vector<48x32000xf32>
    %add3A_9 = arith.addf %dot_general3A_5, %add3A : vector<48x32000xf32>
    %max3A = arith.constant 0.000000e+00 : f32
    %max3A_10 = vector.broadcast %max3A : f32 to vector<48x32000xf32>
    %max3A_11 = arith.maximumf %add3A_9, %max3A_10 : vector<48x32000xf32>
    %get3A_12 = arith.constant 0 : index
    %get3A_13 = arith.constant 0 : index
    %get3A_14 = vector.load %arg5[%get3A_12, %get3A_13] : memref<28x48xf32, #tpu.memory_space<vmem>>, vector<28x48xf32>
    %dot_general3A_15 = arith.constant dense<0.000000e+00> : vector<28x32000xf32>
    %dot_general3A_16 = tpu.matmul %get3A_14, %max3A_11, %dot_general3A_15 {dimension_numbers = #tpu.dot_dimension_numbers<[1], [0], [0], [1], [0, 0, 1, 1], [], []>, transpose_lhs_hint = false} : vector<28x48xf32>, vector<48x32000xf32>, vector<28x32000xf32> -> vector<28x32000xf32>
    %get3A_17 = arith.constant 0 : index
    %get3A_18 = arith.constant 0 : index
    %get3A_19 = vector.load %arg6[%get3A_17, %get3A_18] : memref<28x1xf32, #tpu.memory_space<vmem>>, vector<28x1xf32>
    %add3A_20 = vector.broadcast %get3A_19 : vector<28x1xf32> to vector<28x32000xf32>
    %add3A_21 = arith.addf %dot_general3A_16, %add3A_20 : vector<28x32000xf32>
    %get3A_22 = arith.constant 0 : index
    %get3A_23 = arith.constant 0 : index
    %get3A_24 = vector.load %arg7[%get3A_22, %get3A_23] : memref<28x9xf32, #tpu.memory_space<vmem>>, vector<28x9xf32>
    %get3A_25 = arith.constant 0 : index
    %get3A_26 = arith.constant 0 : index
    %get3A_27 = vector.load %arg2[%get3A_25, %get3A_26] : memref<9x32000xf32, #tpu.memory_space<vmem>>, vector<9x32000xf32>
    %dot_general3A_28 = arith.constant dense<0.000000e+00> : vector<28x32000xf32>
    %dot_general3A_29 = tpu.matmul %get3A_24, %get3A_27, %dot_general3A_28 {dimension_numbers = #tpu.dot_dimension_numbers<[1], [0], [0], [1], [0, 0, 1, 1], [], []>, transpose_lhs_hint = false} : vector<28x9xf32>, vector<9x32000xf32>, vector<28x32000xf32> -> vector<28x32000xf32>
    %mul3A = arith.mulf %add3A_21, %dot_general3A_29 : vector<28x32000xf32>
    %broadcast_in_dim3A = arith.constant 1.000000e+00 : f32
    %broadcast_in_dim3A_30 = vector.broadcast %broadcast_in_dim3A : f32 to vector<1x32000xf32>
    %broadcast_in_dim3A_31 = arith.constant 0.000000e+00 : f32
    %broadcast_in_dim3A_32 = vector.broadcast %broadcast_in_dim3A_31 : f32 to vector<3x32000xf32>
    %concatenate3A = tpu.concatenate %mul3A, %broadcast_in_dim3A_30, %broadcast_in_dim3A_32 in 0 : vector<28x32000xf32>, vector<1x32000xf32>, vector<3x32000xf32> -> vector<32x32000xf32>
    %reshape3A = vector.shape_cast %concatenate3A : vector<32x32000xf32> to vector<4x8x250x128xf32>
    %transpose3A = tpu.transpose %reshape3A, [2, 0, 1, 3] : vector<4x8x250x128xf32> -> vector<250x4x8x128xf32>
    %swap3A = arith.constant 0 : index
    %swap3A_33 = arith.constant 0 : index
    %swap3A_34 = arith.constant 0 : index
    %swap3A_35 = arith.constant 0 : index
    %swap3A_36 = vector.load %arg8[%swap3A, %swap3A_33, %swap3A_34, %swap3A_35] : memref<250x4x8x128xf32, #tpu.memory_space<vmem>>, vector<250x4x8x128xf32>
    tpu.vector_store %arg8[%swap3A, %swap3A_33, %swap3A_34, %swap3A_35], %transpose3A {strides = array<i32>} : memref<250x4x8x128xf32, #tpu.memory_space<vmem>>, vector<250x4x8x128xf32>,
    return
  }
  func.func @transform_0(%arg0: i32) -> (i32, i32) {
    %c0_i32 = arith.constant 0 : i32
    %c0_i32_0 = arith.constant 0 : i32
    return %c0_i32, %arg0 : i32, i32
  }
  func.func @transform_1(%arg0: i32) -> (i32, i32) {
    %c0_i32 = arith.constant 0 : i32
    %c0_i32_0 = arith.constant 0 : i32
    return %c0_i32, %arg0 : i32, i32
  }
  func.func @transform_2(%arg0: i32) -> (i32, i32) {
    %c0_i32 = arith.constant 0 : i32
    %c0_i32_0 = arith.constant 0 : i32
    %c0_i32_1 = arith.constant 0 : i32
    return %c0_i32, %c0_i32_0 : i32, i32
  }
  func.func @transform_3(%arg0: i32) -> (i32, i32) {
    %c0_i32 = arith.constant 0 : i32
    %c0_i32_0 = arith.constant 0 : i32
    %c0_i32_1 = arith.constant 0 : i32
    return %c0_i32, %c0_i32_0 : i32, i32
  }
  func.func @transform_4(%arg0: i32) -> (i32, i32) {
    %c0_i32 = arith.constant 0 : i32
    %c0_i32_0 = arith.constant 0 : i32
    %c0_i32_1 = arith.constant 0 : i32
    return %c0_i32, %c0_i32_0 : i32, i32
  }
  func.func @transform_5(%arg0: i32) -> (i32, i32) {
    %c0_i32 = arith.constant 0 : i32
    %c0_i32_0 = arith.constant 0 : i32
    %c0_i32_1 = arith.constant 0 : i32
    return %c0_i32, %c0_i32_0 : i32, i32
  }
  func.func @transform_6(%arg0: i32) -> (i32, i32) {
    %c0_i32 = arith.constant 0 : i32
    %c0_i32_0 = arith.constant 0 : i32
    %c0_i32_1 = arith.constant 0 : i32
    return %c0_i32, %c0_i32_0 : i32, i32
  }
  func.func @transform_7(%arg0: i32) -> (i32, i32, i32, i32) {
    %c0_i32 = arith.constant 0 : i32
    %c0_i32_0 = arith.constant 0 : i32
    %c0_i32_1 = arith.constant 0 : i32
    %c0_i32_2 = arith.constant 0 : i32
    return %arg0, %c0_i32, %c0_i32_0, %c0_i32_1 : i32, i32, i32, i32
  }
}

module attributes {stable_mosaic.version = 14 : i64} {
  func.func @_combine_body(%arg0: i32, %arg1: memref<2x10000x32xf32, #tpu.memory_space<vmem>>, %arg2: memref<10000x28xf32, #tpu.memory_space<vmem>>) attributes {dimension_semantics = [#tpu.dimension_semantics<arbitrary>], iteration_bounds = array<i64: 5>, scalar_prefetch = 0 : i64, scratch_operands = 0 : i64, tpu.core_type = #tpu.core_type<tc>, window_params = [{transform_indices = @transform_0, window_bounds = array<i64: 2, 10000, 32>}, {transform_indices = @transform_1, window_bounds = array<i64: 10000, 28>}]} {
    %get3A = arith.constant 0 : index
    %get3A_0 = arith.constant 0 : index
    %get3A_1 = arith.constant 0 : index
    %get3A_2 = vector.load %arg1[%get3A, %get3A_0, %get3A_1] : memref<2x10000x32xf32, #tpu.memory_space<vmem>>, vector<1x10000x32xf32>
    %get3A_3 = vector.shape_cast %get3A_2 : vector<1x10000x32xf32> to vector<10000x32xf32>
    %get3A_4 = arith.constant 1 : index
    %get3A_5 = arith.constant 0 : index
    %get3A_6 = arith.constant 0 : index
    %get3A_7 = vector.load %arg1[%get3A_4, %get3A_5, %get3A_6] : memref<2x10000x32xf32, #tpu.memory_space<vmem>>, vector<1x10000x32xf32>
    %get3A_8 = vector.shape_cast %get3A_7 : vector<1x10000x32xf32> to vector<10000x32xf32>
    %add3A = arith.addf %get3A_3, %get3A_8 : vector<10000x32xf32>
    %slice3A = vector.extract_strided_slice %add3A {offsets = [0, 28], sizes = [10000, 1], strides = [1, 1]} : vector<10000x32xf32> to vector<10000x1xf32>
    %max3A = arith.constant 1.000000e+00 : f32
    %max3A_9 = vector.broadcast %max3A : f32 to vector<10000x1xf32>
    %max3A_10 = arith.maximumf %slice3A, %max3A_9 : vector<10000x1xf32>
    %slice3A_11 = vector.extract_strided_slice %add3A {offsets = [0, 0], sizes = [10000, 28], strides = [1, 1]} : vector<10000x32xf32> to vector<10000x28xf32>
    %div3A = vector.broadcast %max3A_10 : vector<10000x1xf32> to vector<10000x28xf32>
    %div3A_12 = arith.divf %slice3A_11, %div3A : vector<10000x28xf32>
    %swap3A = arith.constant 0 : index
    %swap3A_13 = arith.constant 0 : index
    %swap3A_14 = vector.load %arg2[%swap3A, %swap3A_13] : memref<10000x28xf32, #tpu.memory_space<vmem>>, vector<10000x28xf32>
    tpu.vector_store %arg2[%swap3A, %swap3A_13], %div3A_12 {strides = array<i32>} : memref<10000x28xf32, #tpu.memory_space<vmem>>, vector<10000x28xf32>,
    return
  }
  func.func @transform_0(%arg0: i32) -> (i32, i32, i32) {
    %c0_i32 = arith.constant 0 : i32
    %c0_i32_0 = arith.constant 0 : i32
    %c0_i32_1 = arith.constant 0 : i32
    return %c0_i32, %arg0, %c0_i32_0 : i32, i32, i32
  }
  func.func @transform_1(%arg0: i32) -> (i32, i32) {
    %c0_i32 = arith.constant 0 : i32
    %c0_i32_0 = arith.constant 0 : i32
    return %arg0, %c0_i32 : i32, i32
  }
}

</mosaic_0001>

<sc_bundles>
// kernel: kernel.6.cloned.1.call-start
scs
__scs_entry_jumppad:
0x0: {  	(pc) =	sbr.rel $0x88, $3  }
0x1: {  	(tag) =	ssettag $0x0;
	lr =	simm.s32 $0x1  }
0x2: {  	[smem:$0x3F96] =	sst lr;
	_ =	strace $0xD0000000  }
0x3: {  	_ = 	snop  }
0x4: {  	_ = 	snop  }
0x5: {  	_ = 	snop  }
0x6: {  	_ = 	snop  }
0x7: {  	_ = 	snop  }
__scs_overlays_trampoline_lowered:
0x8: {  	[smem:$0x3FA5] =	sst s0  }
0x9: {  	[smem:$0x3FA6] =	sst s1  }
0xa: {  	[smem:$0x3FA7] =	sst s2  }
0xb: {  	[smem:$0x3FA8] =	sst s3  }
0xc: {  	[smem:$0x3FA9] =	sst s4  }
0xd: {  	[smem:$0x3FAA] =	sst s5  }
0xe: {  	[smem:$0x3FAB] =	sst s6  }
0xf: {  	[smem:$0x3FAC] =	sst s7  }
0x10: {  	[smem:$0x3FAD] =	sst s8  }
0x11: {  	[smem:$0x3FAE] =	sst s9;
	s0 =	simm.s32 @!p0 $0x0  }
0x12: {  	s1 =	sld [smem:$0x3F94];
	s0 =	simm.s32 @p0 $0x1  }
0x13: {  	[smem:$0x3FAF] =	sst s0;
	s0 =	simm.s32 @!p1 $0x0  }
0x14: {  	s2 =	sld [smem:$0x3F93];
	s0 =	simm.s32 @p1 $0x1  }
0x15: {  	[smem:$0x3FB0] =	sst s0;
	s0 =	simm.s32 @!p2 $0x0  }
0x16: {  	s3 =	sld [smem:$0x3FDB];
	s0 =	simm.s32 @p2 $0x1  }
0x17: {  	s4 =	simm.s32 $0x1BF5;
	[smem:$0x3FB2] =	sst s0  }
0x18: {  	s0 =	sld [smem:$0x3F95];
	_ =	swait.ge [sflag:s4], $0x0  }
0x19: {  	s7 =	sld [smem:$0x3F96]  }
0x1a: {  	s8 =	sadd.s32 $0xFFFFE003, lr  }
0x1b: {  	s9 =	sadd.s32 $0xFFFFFEF7, lr;
	s5 =	simm.s32 $0xFFFFFFFF;
	p2 =	slt.u32 s8, $0xFFFFF086  }
0x1c: {  	p1 =	slt.u32 s9, $0xF7A;
	s5 =	simm.s32 @!p2 $0x0  }
0x1d: {  	s5 =	simm.s32 @p1 $0x1;
	p0 =	seq.s32 s7, s2  }
0x1e: {  	s7 =	smul.u32 @!p0 $0xF7A, s2;
	p2 =	seq.s32 @!p0 s5, $0x0  }
0x1f: {  	s9 =	smul.u32 $0xF7A, s1;
	s8 =	simm.s32 @!p0 $0x1BF5;
	p2 =	por !p2, p0  }
0x20: {  	[sflag:s8] =	ssyncset.s32 @!p0 $0xFFFFF086;
	s6 =	sadd.s32 @!p0 s3, s7;
	s7 =	simm.s32 @!p0 $0x108  }
0x21: {  	s3 =	sadd.s32 s3, s9;
	s6 =	sadd.s32 @!p0 $0x88, s6;
	s7 =	simm.s32 @p2 $0x1082  }
0x22: {  	[simem:s7], [sflag:s8] =	dma.local @!p0 [hbm:s6], $0xF7A  }
0x23: {  	s9 =	sor.u32 $0xD0000000, s2;
	s6 =	simm.s32 $0x108;
	_ =	swait.ge @!p0 [sflag:s8], $0x0  }
0x24: {  	s3 =	sadd.s32 $0x88, s3;
	s6 =	simm.s32 @!p1 $0x1082;
	[sflag:s4] =	ssyncset.s32 $0xFFFFF086  }
0x25: {  	[simem:s6], [sflag:s4] =	dma.local [hbm:s3], $0xF7A  }
0x26: {  	[smem:$0x3F96] =	sst s1;
	(tag) =	ssettag s2;
	_ =	strace s9  }
0x27: {  	s1 =	sld [smem:$0x3FA6]  }
0x28: {  	s2 =	sld [smem:$0x3FA7]  }
0x29: {  	s4 =	sld [smem:$0x3FA9]  }
0x2a: {  	p0 =	seq.s32 s5, $0x0;
	s5 =	sld [smem:$0x3FAA]  }
0x2b: {  	s6 =	sld [smem:$0x3FAB]  }
0x2c: {  	s7 =	sld [smem:$0x3FAC]  }
0x2d: {  	s3 =	simm.s32 $0x108;
	s8 =	sld [smem:$0x3FAD]  }
0x2e: {  	s3 =	simm.s32 @!p0 $0x1082;
	s9 =	sld [smem:$0x3FAE]  }
0x2f: {  	lr =	sadd.s32 s0, s3;
	s0 =	sld [smem:$0x3FA5]  }
0x30: {  	s3 =	sld [smem:$0x3FA8]  }
0x31: {  	[smem:$0x3FB1] =	sst s10  }
0x32: {  	s10 =	sld [smem:$0x3FAF];
	_ =	sdelay $0x3  }
0x33: {  	p0 =	seq.s32 s10, $0x1;
	s10 =	sld [smem:$0x3FB1];
	_ =	sdelay $0x3  }
0x34: {  	[smem:$0x3FB1] =	sst s10  }
0x35: {  	s10 =	sld [smem:$0x3FB0];
	_ =	sdelay $0x3  }
0x36: {  	p1 =	seq.s32 s10, $0x1;
	s10 =	sld [smem:$0x3FB1];
	_ =	sdelay $0x3  }
0x37: {  	[smem:$0x3FB1] =	sst s10  }
0x38: {  	s10 =	sld [smem:$0x3FB2]  }
0x39: {  	_ = 	snop;
	(pc) =	sbr.ind lr, $3  }
0x3a: {  	_ = 	snop  }
0x3b: {  	_ = 	snop  }
0x3c: {  	p2 =	seq.s32 s10, $0x1;
	s10 =	sld [smem:$0x3FB1]  }
0x3d: {  	_ =	shalt  }
0x3e: {  	_ =	shalt  }
0x3f: {  	_ =	shalt  }
0x40: {  	_ =	shalt  }
0x41: {  	_ =	shalt  }
0x42: {  	_ =	shalt  }
0x43: {  	_ =	shalt  }
0x44: {  	_ =	shalt  }
0x45: {  	_ =	shalt  }
0x46: {  	_ =	shalt  }
0x47: {  	_ =	shalt  }
0x48: {  	_ =	shalt  }
0x49: {  	_ =	shalt  }
0x4a: {  	_ =	shalt  }
0x4b: {  	_ =	shalt  }
0x4c: {  	_ =	shalt  }
0x4d: {  	_ =	shalt  }
0x4e: {  	_ =	shalt  }
0x4f: {  	_ =	shalt  }
0x50: {  	_ =	shalt  }
0x51: {  	_ =	shalt  }
0x52: {  	_ =	shalt  }
0x53: {  	_ =	shalt  }
0x54: {  	_ =	shalt  }
0x55: {  	_ =	shalt  }
0x56: {  	_ =	shalt  }
0x57: {  	_ =	shalt  }
0x58: {  	_ =	shalt  }
0x59: {  	_ =	shalt  }
0x5a: {  	_ =	shalt  }
0x5b: {  	_ =	shalt  }
0x5c: {  	_ =	shalt  }
0x5d: {  	_ =	shalt  }
0x5e: {  	_ =	shalt  }
0x5f: {  	_ =	shalt  }
0x60: {  	_ =	shalt  }
0x61: {  	_ =	shalt  }
0x62: {  	_ =	shalt  }
0x63: {  	_ =	shalt  }
0x64: {  	_ =	shalt  }
0x65: {  	_ =	shalt  }
0x66: {  	_ =	shalt  }
0x67: {  	_ =	shalt  }
0x68: {  	_ =	shalt  }
0x69: {  	_ =	shalt  }
0x6a: {  	_ =	shalt  }
0x6b: {  	_ =	shalt  }
0x6c: {  	_ =	shalt  }
0x6d: {  	_ =	shalt  }
0x6e: {  	_ =	shalt  }
0x6f: {  	_ =	shalt  }
0x70: {  	_ =	shalt  }
0x71: {  	_ =	shalt  }
0x72: {  	_ =	shalt  }
0x73: {  	_ =	shalt  }
0x74: {  	_ =	shalt  }
0x75: {  	_ =	shalt  }
0x76: {  	_ =	shalt  }
0x77: {  	_ =	shalt  }
0x78: {  	_ =	shalt  }
0x79: {  	_ =	shalt  }
0x7a: {  	_ =	shalt  }
0x7b: {  	_ =	shalt  }
0x7c: {  	_ =	shalt  }
0x7d: {  	_ =	shalt  }
0x7e: {  	_ =	shalt  }
0x7f: {  	_ =	shalt  }
0x80: {  	_ =	shalt  }
0x81: {  	_ =	shalt  }
0x82: {  	_ =	shalt  }
0x83: {  	_ =	shalt  }
0x84: {  	_ =	shalt  }
0x85: {  	_ =	shalt  }
0x86: {  	_ =	shalt  }
0x87: {  	_ =	shalt  }
.Lfunc_end0:
.L_simem_size_0:
called_computation_lowered:
.L_overlay_start_0:
0x88: {  	s2 =	sld [smem:$0x3FD9]  }
0x89: {  	s3 =	sld [smem:$0x3FFE];
	_ =	sdelay $0x1  }
0x8a: {  	s1 =	srdreg.scid  }
0x8b: {  	s0 =	sand.u32 $0x1, s1  }
0x8c: {  	s17 =	sshll.u32 s0, $0xA;
	s2 =	sadd.s32 s3, s2  }
0x8d: {  	s2 =	sadd.s32 s2, s17  }
0x8e: {  	[smem:$0x3FBD] =	sst s2  }
0x8f: {  	_ = 	snop  }
0x90: {  	s2 =	sld [smem:$0x3FD0];
	(tm) =	ssettm $0x1  }
0x91: {  	s18 =	sld [smem:$0x3FFB];
	_ =	sdelay $0x3  }
0x92: {  	_ =	strace s18  }
0x93: {  	s3 =	sld [smem:$0x3FFC];
	_ =	sdelay $0x3  }
0x94: {  	_ =	strace s3  }
0x95: {  	s3 =	sld [smem:$0x3FFD];
	_ =	sdelay $0x3  }
0x96: {  	_ =	strace s3  }
0x97: {  	_ =	strace $0x8FFFFFFF  }
0x98: {  	s19 =	sld [smem:$0x3FDB];
	_ =	sdelay $0x1  }
0x99: {  	s4 =	simm.s32 $_scs_section_size  }
0x9a: {  	s5 =	simm.s32 $_size__tile_overlayer_lowered;
	s6 =	simm.s32 $_tile_overlayer_lowered  }
0x9b: {  	s22 =	simm.s32 $0x1BFF;
	s21 =	sshll.u32 s6, $0x1;
	s3 =	sadd.s32 s4, s19  }
0x9c: {  	s7 =	simm.s32 $0x0;
	s20 =	sshll.u32 s5, $0x1;
	s5 =	sadd.s32 s21, s3  }
0x9d: {  	[timem:s7], [sflag:s22] =	dma.local [hbm:s5], s20  }
0x9e: {  	_ =	swait.ge [sflag:s22], s20  }
0x9f: {  	s4 =	ssub.s32 $0x0, s20;
	[sflag:s22] =	ssyncset.done $0x0  }
0xa0: {  	[sflag:s22] =	ssyncadd.s32 s4;
	_ =	sdelay $0x1  }
0xa1: {  	s23 =	simm.s32 $0x1B8B  }
0xa2: {  	_ =	swait.ge [sflag:s23], $0x1  }
0xa3: {  	[sflag:s23] =	ssyncset.done $0x0  }
0xa4: {  	s25 =	simm.s32 $0x1B8E;
	s24 =	sld [smem:$0x3FFE];
	[sflag:s23] =	ssyncadd.s32 $0xFFFFFFFF  }
0xa5: {  	s26 =	simm.s32 $execute0_lowered;
	[smem:$0x3FD2] =	sst s25  }
0xa6: {  	s5 =	sshll.u32 s26, $0x1;
	_ =	strace $0x80000046;
	[dreg:$0x1] =	wrdreg $0xFFFFFFFF  }
0xa7: {  	s28 =	simm.s32 $_size_execute0_lowered;
	s3 =	sadd.s32 s3, s5;
	[dreg:$0x0] =	wrdreg $0x0  }
0xa8: {  	s5 =	sshll.u32 s28, $0x1;
	[dreg:$0x2] =	wrdreg s3  }
0xa9: {  	[dreg:$0x3] =	wrdreg s5  }
0xaa: {  	[dreg:$0x4] =	wrdreg $0xC0  }
0xab: {  	_ =	task [dreg:s7], $0x5FFFF  }
0xac: {  	[dreg:$0x1] =	wrdreg $0xFFFFFFFF  }
0xad: {  	[dreg:$0x0] =	wrdreg $0x60  }
0xae: {  	[dreg:$0x2] =	wrdreg s24  }
0xaf: {  	[dreg:$0x3] =	wrdreg s2  }
0xb0: {  	[dreg:$0x4] =	wrdreg $0x51A00  }
0xb1: {  	[dreg:$0x5] =	wrdreg $0x9  }
0xb2: {  	_ =	task.clear_ibuf [dreg:s7], $0x6FFFF;
	_ =	strace $0x90000046  }
0xb3: {  	s29 =	simm.s32 $0x9;
	_ =	strace $0x80000048  }
0xb4: {  	_ =	swait.ge [sflag:s29], $0x1  }
0xb5: {  	[sflag:s29] =	ssyncadd.s32 $0xFFFFFFFF  }
0xb6: {  	_ =	strace $0x90000048  }
0xb7: {  	_ =	sfence  }
0xb8: {  	s30 =	sld [smem:$0x0];
	_ =	sdelay $0x2  }
0xb9: {  	s31 =	sshll.u32 s1, $0xD;
	s1 =	sshrl.u32 s1, $0x2  }
0xba: {  	s3 =	sand.u32 $0x4000, s31;
	s1 =	sadd.s32 s1, s30  }
0xbb: {  	s0 =	sor.u32 s3, s0;
	s1 =	sshll.u32 s1, $0x11  }
0xbc: {  	s0 =	sor.u32 s1, s0  }
0xbd: {  	s0 =	sadd.s32 $0x8F2B, s0  }
0xbe: {  	[sflag:s0] =	ssyncadd.remote.s32 $0x1  }
0xbf: {  	_ =	sfence.sel $0xFFFF  }
0xc0: {  	[dreg:$0x0] =	wrdreg $0xFFFFFFFF;
	(pc) =	sbr.abs _section_cstart, $3  }
0xc1: {  	[dreg:$0x1] =	wrdreg $0xFFFFFFFF  }
0xc2: {  	_ =	task.clear_ibuf [dreg:s7], $0x2FFFF;
	_ =	strace $0x9FFFFFFF  }
0xc3: {  	(tm) =	ssettm $0x7FFFFFFF  }
tec
execute0_lowered:
.L_overlay_start_1:
0x0: {  	(tag) =	ssettag $0x1  }
0x1: {  	v0 =	vimm.s32 $0x60402000  }
0x2: {  	v1 =	vimm.s32 $0xE0C0A080;
	vm5 =	vcmask $0x1F10;
	v12 =	vimm.s32 $0x100  }
0x3: {  	vm9 =	vcmask $0x704;
	vm8 =	vcmask $0xB08;
	vm7 =	vcmask $0xF0C  }
0x4: {  	vm6 =	vcmask $0x1310;
	vm4 =	vcmask $0x1714;
	v4 =	vimm.s32 $0x160  }
0x5: {  	vm3 =	vcmask $0x1B18;
	vm2 =	vcmask $0x1F1C;
	vm0 =	vcmask $0x1F14  }
0x6: {  	v6 =	vimm.s32 $0xC0A080E0;
	v7 =	vimm.s32 $0x1C0;
	vm10 =	vcmask $0x300  }
0x7: {  	vm1 =	vcmask $0x1304;
	vm11 =	vcmask $0x2314;
	v9 =	vimm.s32 $0x20006040  }
0x8: {  	vm14 =	vcmask $0x1708;
	vm13 =	vcmask $0x2718;
	vm15 =	vcmask $0x1B0C  }
0x9: {  	vm12 =	vcmask $0x2F20;
	v17 =	vimm.s32 $0x80604020;
	v19 =	vimm.s32 $0xF82  }
0xa: {  	v20 =	vimm.s32 $0x783;
	v21 =	vimm.s32 $0xF83;
	v22 =	vimm.s32 $0x784  }
0xb: {  	v23 =	vimm.s32 $0xF84;
	v24 =	vimm.s32 $0x785;
	v25 =	vimm.s32 $0xF85  }
0xc: {  	v26 =	vimm.s32 $0x786;
	v27 =	vimm.s32 $0xF86;
	v28 =	vimm.s32 $0x787  }
0xd: {  	v29 =	vimm.s32 $0xF87;
	v30 =	vimm.s32 $0x788;
	v31 =	vimm.s32 $0xF88  }
0xe: {  	v32 =	vimm.s32 $0x789;
	v33 =	vimm.s32 $0xF89;
	v34 =	vimm.s32 $0x78A  }
0xf: {  	v35 =	vimm.s32 $0xF8A;
	v36 =	vimm.s32 $0x78B;
	v37 =	vimm.s32 $0xF8B  }
0x10: {  	v38 =	vimm.s32 $0x78C;
	v39 =	vimm.s32 $0xF8C;
	v40 =	vimm.s32 $0x78D  }
0x11: {  	v41 =	vimm.s32 $0xF8D;
	v42 =	vimm.s32 $0x78E;
	v43 =	vimm.s32 $0xF8E  }
0x12: {  	v44 =	vimm.s32 $0xC0A08060;
	v0 =	vunpack.c.0.s8.s32 v0;
	v1 =	vunpack.c.0.s8.s32 v1  }
0x13: {  	v5 =	vsel vm9, $0x180, v4;
	v6 =	vunpack.c.0.s8.s32 v6;
	v7 =	vsel vm10, $0x1E0, v7  }
0x14: {  	v4 =	vsel vm10, $0x180, v4;
	v17 =	vunpack.c.0.s8.s32 v17;
	v19 =	vsel vm10, $0x803, v19  }
0x15: {  	v20 =	vsel vm10, $0x4, v20;
	v21 =	vsel vm10, $0x804, v21;
	v22 =	vsel vm10, $0x5, v22  }
0x16: {  	v23 =	vsel vm10, $0x805, v23;
	v24 =	vsel vm10, $0x6, v24;
	v25 =	vsel vm10, $0x806, v25  }
0x17: {  	v26 =	vsel vm10, $0x7, v26;
	v27 =	vsel vm10, $0x807, v27;
	v28 =	vsel vm10, $0x8, v28  }
0x18: {  	v29 =	vsel vm10, $0x808, v29;
	v30 =	vsel vm10, $0x9, v30;
	v31 =	vsel vm10, $0x809, v31  }
0x19: {  	v32 =	vsel vm10, $0xA, v32;
	v33 =	vsel vm10, $0x80A, v33;
	v34 =	vsel vm10, $0xB, v34  }
0x1a: {  	v35 =	vsel vm10, $0x80B, v35;
	v36 =	vsel vm10, $0xC, v36;
	v37 =	vsel vm10, $0x80C, v37  }
0x1b: {  	v38 =	vsel vm10, $0xD, v38;
	v39 =	vsel vm10, $0x80D, v39;
	v40 =	vsel vm10, $0xE, v40  }
0x1c: {  	v41 =	vsel vm10, $0x80E, v41;
	v42 =	vsel vm10, $0xF, v42;
	v43 =	vsel vm10, $0x80F, v43  }
0x1d: {  	v44 =	vunpack.c.0.s8.s32 v44;
	v5 =	vsel vm8, $0x1A0, v5;
	v4 =	vsel vm9, $0x1A0, v4  }
0x1e: {  	v19 =	vsel vm9, $0x884, v19;
	v20 =	vsel vm9, $0x85, v20;
	v21 =	vsel vm9, $0x885, v21  }
0x1f: {  	v22 =	vsel vm9, $0x86, v22;
	v23 =	vsel vm9, $0x886, v23;
	v24 =	vsel vm9, $0x87, v24  }
0x20: {  	v25 =	vsel vm9, $0x887, v25;
	v26 =	vsel vm9, $0x88, v26;
	v27 =	vsel vm9, $0x888, v27  }
0x21: {  	v28 =	vsel vm9, $0x89, v28;
	v29 =	vsel vm9, $0x889, v29;
	v30 =	vsel vm9, $0x8A, v30  }
0x22: {  	v31 =	vsel vm9, $0x88A, v31;
	v32 =	vsel vm9, $0x8B, v32;
	v33 =	vsel vm9, $0x88B, v33  }
0x23: {  	v34 =	vsel vm9, $0x8C, v34;
	v35 =	vsel vm9, $0x88C, v35;
	v36 =	vsel vm9, $0x8D, v36  }
0x24: {  	v37 =	vsel vm9, $0x88D, v37;
	v38 =	vsel vm9, $0x8E, v38;
	v39 =	vsel vm9, $0x88E, v39  }
0x25: {  	v40 =	vsel vm9, $0x8F, v40;
	v41 =	vsel vm9, $0x88F, v41;
	v42 =	vsel vm9, $0x80, v42  }
0x26: {  	v43 =	vsel vm9, $0x880, v43;
	v2 =	vand.u32 $0xFF, v0;
	v8 =	vand.u32 $0xFF, v1  }
0x27: {  	v19 =	vsel vm8, $0x905, v19;
	v20 =	vsel vm8, $0x106, v20;
	v21 =	vsel vm8, $0x906, v21  }
0x28: {  	v22 =	vsel vm8, $0x107, v22;
	v23 =	vsel vm8, $0x907, v23;
	v24 =	vsel vm8, $0x108, v24  }
0x29: {  	v25 =	vsel vm8, $0x908, v25;
	v26 =	vsel vm8, $0x109, v26;
	v27 =	vsel vm8, $0x909, v27  }
0x2a: {  	v28 =	vsel vm8, $0x10A, v28;
	v29 =	vsel vm8, $0x90A, v29;
	v30 =	vsel vm8, $0x10B, v30  }
0x2b: {  	v31 =	vsel vm8, $0x90B, v31;
	v32 =	vsel vm8, $0x10C, v32;
	v33 =	vsel vm8, $0x90C, v33  }
0x2c: {  	v34 =	vsel vm8, $0x10D, v34;
	v35 =	vsel vm8, $0x90D, v35;
	v36 =	vsel vm8, $0x10E, v36  }
0x2d: {  	v37 =	vsel vm8, $0x90E, v37;
	v38 =	vsel vm8, $0x10F, v38;
	v39 =	vsel vm8, $0x90F, v39  }
0x2e: {  	v40 =	vsel vm8, $0x100, v40;
	v41 =	vsel vm8, $0x900, v41;
	v42 =	vsel vm8, $0x101, v42  }
0x2f: {  	v43 =	vsel vm8, $0x901, v43;
	v44 =	vand.u32 $0xFF, v44;
	v1 =	vsel vm5, v8, v2  }
0x30: {  	v19 =	vsel vm7, $0x986, v19;
	v20 =	vsel vm7, $0x187, v20;
	v21 =	vsel vm7, $0x987, v21  }
0x31: {  	v22 =	vsel vm7, $0x188, v22;
	v23 =	vsel vm7, $0x988, v23;
	v24 =	vsel vm7, $0x189, v24  }
0x32: {  	v25 =	vsel vm7, $0x989, v25;
	v26 =	vsel vm7, $0x18A, v26;
	v27 =	vsel vm7, $0x98A, v27  }
0x33: {  	v28 =	vsel vm7, $0x18B, v28;
	v29 =	vsel vm7, $0x98B, v29;
	v30 =	vsel vm7, $0x18C, v30  }
0x34: {  	v31 =	vsel vm7, $0x98C, v31;
	v32 =	vsel vm7, $0x18D, v32;
	v33 =	vsel vm7, $0x98D, v33  }
0x35: {  	v34 =	vsel vm7, $0x18E, v34;
	v35 =	vsel vm7, $0x98E, v35;
	v36 =	vsel vm7, $0x18F, v36  }
0x36: {  	v37 =	vsel vm7, $0x98F, v37;
	v38 =	vsel vm7, $0x180, v38;
	v39 =	vsel vm7, $0x980, v39  }
0x37: {  	v40 =	vsel vm7, $0x181, v40;
	v41 =	vsel vm7, $0x981, v41;
	v42 =	vsel vm7, $0x182, v42  }
0x38: {  	v43 =	vsel vm7, $0x982, v43;
	v44 =	vsel vm6, $0xE0, v44;
	[tilespmem:$0x1FDF0] =	vst v1;
	v1 =	vimm.s32 $0x180  }
0x39: {  	v19 =	vsel vm6, $0xA07, v19;
	v20 =	vsel vm6, $0x208, v20;
	v21 =	vsel vm6, $0xA08, v21  }
0x3a: {  	v22 =	vsel vm6, $0x209, v22;
	v23 =	vsel vm6, $0xA09, v23;
	v24 =	vsel vm6, $0x20A, v24  }
0x3b: {  	v25 =	vsel vm6, $0xA0A, v25;
	v26 =	vsel vm6, $0x20B, v26;
	v27 =	vsel vm6, $0xA0B, v27  }
0x3c: {  	v28 =	vsel vm6, $0x20C, v28;
	v29 =	vsel vm6, $0xA0C, v29;
	v30 =	vsel vm6, $0x20D, v30  }
0x3d: {  	v31 =	vsel vm6, $0xA0D, v31;
	v32 =	vsel vm6, $0x20E, v32;
	v33 =	vsel vm6, $0xA0E, v33  }
0x3e: {  	v34 =	vsel vm6, $0x20F, v34;
	v35 =	vsel vm6, $0xA0F, v35;
	v36 =	vsel vm6, $0x200, v36  }
0x3f: {  	v37 =	vsel vm6, $0xA00, v37;
	v38 =	vsel vm6, $0x201, v38;
	v39 =	vsel vm6, $0xA01, v39  }
0x40: {  	v40 =	vsel vm6, $0x202, v40;
	v41 =	vsel vm6, $0xA02, v41;
	v42 =	vsel vm6, $0x203, v42  }
0x41: {  	v43 =	vsel vm6, $0xA03, v43;
	v44 =	vsel vm4, $0x100, v44;
	v3 =	vsel vm9, $0x1A0, v1  }
0x42: {  	v1 =	vsel vm10, $0x1A0, v1;
	v19 =	vsel vm4, $0xA88, v19;
	v20 =	vsel vm4, $0x289, v20  }
0x43: {  	v21 =	vsel vm4, $0xA89, v21;
	v22 =	vsel vm4, $0x28A, v22;
	v23 =	vsel vm4, $0xA8A, v23  }
0x44: {  	v24 =	vsel vm4, $0x28B, v24;
	v25 =	vsel vm4, $0xA8B, v25;
	v26 =	vsel vm4, $0x28C, v26  }
0x45: {  	v27 =	vsel vm4, $0xA8C, v27;
	v28 =	vsel vm4, $0x28D, v28;
	v29 =	vsel vm4, $0xA8D, v29  }
0x46: {  	v30 =	vsel vm4, $0x28E, v30;
	v31 =	vsel vm4, $0xA8E, v31;
	v32 =	vsel vm4, $0x28F, v32  }
0x47: {  	v33 =	vsel vm4, $0xA8F, v33;
	v34 =	vsel vm4, $0x280, v34;
	v35 =	vsel vm4, $0xA80, v35  }
0x48: {  	v36 =	vsel vm4, $0x281, v36;
	v37 =	vsel vm4, $0xA81, v37;
	v38 =	vsel vm4, $0x282, v38  }
0x49: {  	v39 =	vsel vm4, $0xA82, v39;
	v40 =	vsel vm4, $0x283, v40;
	v41 =	vsel vm4, $0xA83, v41  }
0x4a: {  	v42 =	vsel vm4, $0x284, v42;
	v43 =	vsel vm4, $0xA84, v43;
	v44 =	vsel vm3, $0x120, v44  }
0x4b: {  	v3 =	vsel vm8, $0x1C0, v3;
	v1 =	vsel vm9, $0x1C0, v1;
	v19 =	vsel vm3, $0xB09, v19  }
0x4c: {  	v20 =	vsel vm3, $0x30A, v20;
	v21 =	vsel vm3, $0xB0A, v21;
	v22 =	vsel vm3, $0x30B, v22  }
0x4d: {  	v23 =	vsel vm3, $0xB0B, v23;
	v24 =	vsel vm3, $0x30C, v24;
	v25 =	vsel vm3, $0xB0C, v25  }
0x4e: {  	v26 =	vsel vm3, $0x30D, v26;
	v27 =	vsel vm3, $0xB0D, v27;
	v28 =	vsel vm3, $0x30E, v28  }
0x4f: {  	v29 =	vsel vm3, $0xB0E, v29;
	v30 =	vsel vm3, $0x30F, v30;
	v31 =	vsel vm3, $0xB0F, v31  }
0x50: {  	v32 =	vsel vm3, $0x300, v32;
	v33 =	vsel vm3, $0xB00, v33;
	v34 =	vsel vm3, $0x301, v34  }
0x51: {  	v35 =	vsel vm3, $0xB01, v35;
	v36 =	vsel vm3, $0x302, v36;
	v37 =	vsel vm3, $0xB02, v37  }
0x52: {  	v38 =	vsel vm3, $0x303, v38;
	v39 =	vsel vm3, $0xB03, v39;
	v40 =	vsel vm3, $0x304, v40  }
0x53: {  	v41 =	vsel vm3, $0xB04, v41;
	v42 =	vsel vm3, $0x305, v42;
	v43 =	vsel vm3, $0xB05, v43  }
0x54: {  	v3 =	vsel vm7, $0x1E0, v3;
	v1 =	vsel vm8, $0x1E0, v1;
	v52 =	vsel vm2, $0x382, v34  }
0x55: {  	v53 =	vsel vm2, $0xB82, v35;
	v54 =	vsel vm2, $0x383, v36;
	v55 =	vsel vm2, $0xB83, v37  }
0x56: {  	v56 =	vsel vm2, $0x384, v38;
	v57 =	vsel vm2, $0xB84, v39;
	v0 =	vsel vm5, v0, v3  }
0x57: {  	v3 =	vimm.s32 $0x40200000;
	[tilespmem:$0x1FE10] =	vst v0;
	v0 =	vsel vm7, $0x1C0, v5;
	v5 =	vimm.s32 $0x40200060  }
0x58: {  	v58 =	vsel vm2, $0x385, v40;
	v3 =	vunpack.c.0.s8.s32 v3;
	v5 =	vunpack.c.0.s8.s32 v5  }
0x59: {  	v59 =	vsel vm2, $0xB85, v41;
	v60 =	vsel vm2, $0x386, v42;
	v0 =	vsel vm6, $0x1E0, v0  }
0x5a: {  	v61 =	vsel vm2, $0xB86, v43;
	v0 =	vsel vm0, v3, v0;
	v5 =	vand.u32 $0xFF, v5  }
0x5b: {  	v3 =	vand.u32 $0xFF, v6;
	v6 =	vimm.s32 $0x1A0;
	[tilespmem:$0x1FE30] =	vst v0;
	v0 =	vsel vm1, v5, v7  }
0x5c: {  	v7 =	vsel vm11, v3, v0;
	v0 =	vsel vm10, $0x1C0, v6;
	v6 =	vunpack.c.0.s8.s32 v9  }
0x5d: {  	vm0 =	vcmask $0x2B28;
	vm1 =	vcmask $0x2724;
	v9 =	vimm.s32 $0xA080E0C0  }
0x5e: {  	v10 =	vand.u32 $0xFF, v6;
	v6 =	vunpack.c.0.s8.s32 v9;
	v9 =	vimm.s32 $0x604020  }
0x5f: {  	v0 =	vsel vm9, $0x1E0, v0;
	v7 =	vsel vm1, $0x100, v7;
	v9 =	vunpack.c.0.s8.s32 v9  }
0x60: {  	v7 =	vsel vm0, $0x120, v7;
	v0 =	vsel vm14, v10, v0;
	vm14 =	vcmask $0xF00  }
0x61: {  	v11 =	vand.u32 $0xFF, v6;
	v6 =	vimm.s32 $0x80E0C0A0;
	v13 =	vand.u32 $0xFF, v9  }
0x62: {  	v9 =	vunpack.c.0.s8.s32 v6;
	v6 =	vsel vm13, v11, v0;
	v0 =	vsel vm8, $0x1C0, v4  }
0x63: {  	v4 =	vimm.s32 $0x140;
	v1 =	vsel vm15, v13, v1;
	v0 =	vsel vm7, $0x1E0, v0  }
0x64: {  	vm15 =	vcmask $0x1B10;
	v6 =	vsel vm0, $0x100, v6;
	v14 =	vand.u32 $0xFF, v9  }
0x65: {  	v0 =	vsel vm5, v2, v0;
	v2 =	vsel vm10, $0x160, v4;
	vm5 =	vcmask $0x2B1C  }
0x66: {  	v4 =	vsel vm12, v8, v0;
	v0 =	vsel vm9, $0x180, v2;
	v2 =	vimm.s32 $0x120  }
0x67: {  	vm12 =	vcmask $0x3324;
	v8 =	vsel vm6, $0x100, v8;
	v0 =	vsel vm8, $0x1A0, v0  }
0x68: {  	v9 =	vsel vm10, $0x140, v2;
	v2 =	vsel vm5, v14, v1;
	v8 =	vsel vm4, $0x120, v8  }
0x69: {  	v0 =	vsel vm7, $0x1C0, v0;
	v1 =	vsel vm9, $0x160, v9;
	v9 =	vsel vm10, $0x120, v12  }
0x6a: {  	v12 =	vsel vm9, $0x120, v12;
	v8 =	vsel vm3, $0x140, v8;
	v0 =	vsel vm6, $0x1E0, v0  }
0x6b: {  	v1 =	vsel vm8, $0x180, v1;
	v9 =	vsel vm9, $0x140, v9;
	v12 =	vsel vm8, $0x140, v12  }
0x6c: {  	v0 =	vsel vm11, v5, v0;
	v1 =	vsel vm7, $0x1A0, v1;
	v9 =	vsel vm8, $0x160, v9  }
0x6d: {  	vm11 =	vcmask $0x3728;
	v12 =	vsel vm7, $0x160, v12;
	v1 =	vsel vm6, $0x1C0, v1  }
0x6e: {  	v3 =	vsel vm12, v3, v0;
	v12 =	vsel vm6, $0x180, v12;
	v0 =	vsel vm4, $0x1E0, v1  }
0x6f: {  	v1 =	vsel vm7, $0x180, v9;
	v9 =	vimm.s32 $0xC0;
	v12 =	vsel vm4, $0x1A0, v12  }
0x70: {  	v0 =	vsel vm13, v10, v0;
	v1 =	vsel vm6, $0x1A0, v1;
	v15 =	vsel vm10, $0xE0, v9  }
0x71: {  	vm13 =	vcmask $0xB00;
	v12 =	vsel vm3, $0x1C0, v12;
	v1 =	vsel vm4, $0x1C0, v1  }
0x72: {  	v62 =	vsel vm11, v11, v0;
	v11 =	vimm.s32 $0xA0;
	v0 =	vsel vm3, $0x1E0, v1  }
0x73: {  	v1 =	vsel vm9, $0x100, v15;
	v15 =	vimm.s32 $0xE0C0A0;
	v11 =	vsel vm10, $0xC0, v11  }
0x74: {  	v1 =	vsel vm8, $0x120, v1;
	v15 =	vunpack.c.0.s8.s32 v15;
	v0 =	vsel vm5, v13, v0  }
0x75: {  	v11 =	vsel vm9, $0xE0, v11;
	vm5 =	vcmask $0x2320;
	v1 =	vsel vm7, $0x140, v1  }
0x76: {  	v11 =	vsel vm8, $0x100, v11;
	v34 =	vsel vm5, $0x404, v54;
	v35 =	vsel vm5, $0xC04, v55  }
0x77: {  	v36 =	vsel vm5, $0x405, v56;
	v37 =	vsel vm5, $0xC05, v57;
	v38 =	vsel vm5, $0x406, v58  }
0x78: {  	v39 =	vsel vm5, $0xC06, v59;
	v40 =	vsel vm5, $0x407, v60;
	v41 =	vsel vm5, $0xC07, v61  }
0x79: {  	v1 =	vsel vm6, $0x160, v1;
	v15 =	vand.u32 $0xFF, v15;
	v11 =	vsel vm7, $0x120, v11  }
0x7a: {  	v34 =	vsel vm1, $0x485, v34;
	v35 =	vsel vm1, $0xC85, v35;
	v36 =	vsel vm1, $0x486, v36  }
0x7b: {  	v37 =	vsel vm1, $0xC86, v37;
	v38 =	vsel vm1, $0x487, v38;
	v40 =	vsel vm1, $0x488, v40  }
0x7c: {  	v1 =	vsel vm4, $0x180, v1;
	v16 =	vnsel vm13, $0x80, v15;
	v11 =	vsel vm6, $0x140, v11  }
0x7d: {  	v34 =	vsel vm0, $0x506, v34;
	v35 =	vsel vm0, $0xD06, v35;
	v36 =	vsel vm0, $0x507, v36  }
0x7e: {  	v37 =	vsel vm0, $0xD07, v37;
	v38 =	vsel vm0, $0x508, v38;
	v40 =	vsel vm0, $0x509, v40  }
0x7f: {  	vm13 =	vcmask $0x3330;
	v1 =	vsel vm3, $0x1A0, v1;
	v16 =	vsel vm7, $0x100, v16  }
0x80: {  	v11 =	vsel vm4, $0x160, v11;
	v4 =	vsel vm13, $0x100, v4;
	v16 =	vsel vm6, $0x120, v16  }
0x81: {  	v1 =	vsel vm2, $0x1C0, v1;
	v11 =	vsel vm3, $0x180, v11;
	v16 =	vsel vm4, $0x140, v16  }
0x82: {  	v1 =	vsel vm5, $0x1E0, v1;
	v11 =	vsel vm2, $0x1A0, v11;
	v16 =	vsel vm3, $0x160, v16  }
0x83: {  	v5 =	vsel vm12, v5, v1;
	v1 =	vsel vm5, $0x1C0, v11;
	vm12 =	vcmask $0x3B2C  }
0x84: {  	v11 =	vsel vm2, $0x180, v16;
	v1 =	vsel vm1, $0x1E0, v1;
	v16 =	vimm.s32 $0xA0806040  }
0x85: {  	v0 =	vsel vm12, v14, v0;
	v14 =	vand.u32 $0xFF, v17;
	v17 =	vimm.s32 $0xF81  }
0x86: {  	v11 =	vsel vm5, $0x1A0, v11;
	v16 =	vunpack.c.0.s8.s32 v16;
	v9 =	vsel vm11, v10, v1  }
0x87: {  	[tilespmem:$0x1FD80] =	vst v0;
	v17 =	vsel vm10, $0x802, v17;
	v0 =	vsel vm2, $0x1E0, v12;
	v11 =	vsel vm1, $0x1C0, v11  }
0x88: {  	v17 =	vsel vm9, $0x883, v17;
	[tilespmem:$0x1FE00] =	vst v0;
	v0 =	vsel vm2, $0x160, v8;
	v18 =	vsel vm0, $0x1E0, v11  }
0x89: {  	v10 =	vand.u32 $0xFF, v16;
	v16 =	vimm.s32 $0x781;
	v17 =	vsel vm8, $0x904, v17  }
0x8a: {  	[tilespmem:$0x1FE20] =	vst v0;
	v0 =	vsel vm2, $0x140, v44;
	v1 =	vsel vm12, v13, v18;
	v13 =	vnsel vm14, $0x20, v10  }
0x8b: {  	v10 =	vnsel vm14, $0x0, v14;
	v14 =	vimm.s32 $0x780;
	v16 =	vsel vm10, $0x2, v16  }
0x8c: {  	v18 =	vimm.s32 $0x782;
	v17 =	vsel vm7, $0x985, v17;
	vm12 =	vcmask $0x2F2C  }
0x8d: {  	vm14 =	vcmask $0x3734;
	v10 =	vsel vm15, v15, v10;
	v15 =	vimm.s32 $0xF80  }
0x8e: {  	v14 =	vsel vm10, $0x1, v14;
	v18 =	vsel vm10, $0x3, v18;
	v16 =	vsel vm9, $0x83, v16  }
0x8f: {  	v13 =	vsel vm6, $0xC0, v13;
	v17 =	vsel vm6, $0xA06, v17;
	v7 =	vsel vm12, $0x140, v7  }
0x90: {  	v6 =	vsel vm12, $0x120, v6;
	v63 =	vsel vm12, $0x100, v2;
	v34 =	vsel vm12, $0x587, v34  }
0x91: {  	v35 =	vsel vm12, $0xD87, v35;
	v36 =	vsel vm12, $0x588, v36;
	v37 =	vsel vm12, $0xD88, v37  }
0x92: {  	v38 =	vsel vm12, $0x589, v38;
	v40 =	vsel vm12, $0x58A, v40;
	v2 =	vlaneseq.u32  }
0x93: {  	v43 =	vsel vm14, $0x120, v4;
	v44 =	vsel vm14, $0x100, v3;
	v51 =	vsel vm14, $0x80, v5  }
0x94: {  	vm15 =	vcmask $0x3B38;
	v15 =	vsel vm10, $0x801, v15;
	v14 =	vsel vm9, $0x82, v14  }
0x95: {  	v18 =	vsel vm9, $0x84, v18;
	v16 =	vsel vm8, $0x104, v16;
	v13 =	vsel vm4, $0xE0, v13  }
0x96: {  	v17 =	vsel vm4, $0xA87, v17;
	v10 =	vsel vm2, $0x100, v10;
	v7 =	vsel vm13, $0x160, v7  }
0x97: {  	v6 =	vsel vm13, $0x140, v6;
	v42 =	vsel vm13, $0x120, v63;
	v34 =	vsel vm13, $0x608, v34  }
0x98: {  	v35 =	vsel vm13, $0xE08, v35;
	v36 =	vsel vm13, $0x609, v36;
	v37 =	vsel vm13, $0xE09, v37  }
0x99: {  	v38 =	vsel vm13, $0x60A, v38;
	v40 =	vsel vm13, $0x60B, v40;
	v15 =	vsel vm9, $0x882, v15  }
0x9a: {  	v14 =	vsel vm8, $0x103, v14;
	v18 =	vsel vm8, $0x105, v18;
	v16 =	vsel vm7, $0x185, v16  }
0x9b: {  	v13 =	vsel vm3, $0x100, v13;
	v17 =	vsel vm3, $0xB08, v17;
	v10 =	vsel vm5, $0x120, v10  }
0x9c: {  	v7 =	vsel vm14, $0x180, v7;
	v6 =	vsel vm14, $0x160, v6;
	v42 =	vsel vm14, $0x140, v42  }
0x9d: {  	v11 =	vsel vm14, $0xE8A, v37;
	v15 =	vsel vm8, $0x903, v15;
	v14 =	vsel vm7, $0x184, v14  }
0x9e: {  	v18 =	vsel vm7, $0x186, v18;
	v16 =	vsel vm6, $0x206, v16;
	v8 =	vsel vm2, $0x120, v13  }
0x9f: {  	v10 =	vsel vm1, $0x140, v10;
	v15 =	vsel vm7, $0x984, v15;
	v14 =	vsel vm6, $0x205, v14  }
0xa0: {  	v18 =	vsel vm6, $0x207, v18;
	v16 =	vsel vm4, $0x287, v16;
	v8 =	vsel vm5, $0x140, v8  }
0xa1: {  	v10 =	vsel vm0, $0x160, v10;
	v15 =	vsel vm6, $0xA05, v15;
	v14 =	vsel vm4, $0x286, v14  }
0xa2: {  	v18 =	vsel vm4, $0x288, v18;
	v16 =	vsel vm3, $0x308, v16;
	v8 =	vsel vm1, $0x160, v8  }
0xa3: {  	v10 =	vsel vm12, $0x180, v10;
	v15 =	vsel vm4, $0xA86, v15;
	v14 =	vsel vm3, $0x307, v14  }
0xa4: {  	v18 =	vsel vm3, $0x309, v18;
	v8 =	vsel vm0, $0x180, v8;
	v10 =	vsel vm13, $0x1A0, v10  }
0xa5: {  	v15 =	vsel vm3, $0xB07, v15;
	v12 =	vsel vm2, $0x388, v14;
	v14 =	vsel vm2, $0x389, v16  }
0xa6: {  	v16 =	vsel vm2, $0x38A, v18;
	v18 =	vsel vm2, $0x38B, v20;
	v20 =	vsel vm2, $0x38C, v22  }
0xa7: {  	v22 =	vsel vm2, $0x38D, v24;
	v24 =	vsel vm2, $0x38E, v26;
	v26 =	vsel vm2, $0x38F, v28  }
0xa8: {  	v28 =	vsel vm2, $0x380, v30;
	v30 =	vsel vm2, $0x381, v32;
	v32 =	vsel vm5, $0x403, v52  }
0xa9: {  	v8 =	vsel vm12, $0x1A0, v8;
	v13 =	vsel vm2, $0xB88, v15;
	v15 =	vsel vm2, $0xB89, v17  }
0xaa: {  	v17 =	vsel vm2, $0xB8A, v19;
	v19 =	vsel vm2, $0xB8B, v21;
	v21 =	vsel vm2, $0xB8C, v23  }
0xab: {  	v23 =	vsel vm2, $0xB8D, v25;
	v25 =	vsel vm2, $0xB8E, v27;
	v27 =	vsel vm2, $0xB8F, v29  }
0xac: {  	v29 =	vsel vm2, $0xB80, v31;
	v31 =	vsel vm2, $0xB81, v33;
	v12 =	vsel vm5, $0x409, v12  }
0xad: {  	v14 =	vsel vm5, $0x40A, v14;
	v16 =	vsel vm5, $0x40B, v16;
	v18 =	vsel vm5, $0x40C, v18  }
0xae: {  	v20 =	vsel vm5, $0x40D, v20;
	v22 =	vsel vm5, $0x40E, v22;
	v24 =	vsel vm5, $0x40F, v24  }
0xaf: {  	v26 =	vsel vm5, $0x400, v26;
	v28 =	vsel vm5, $0x401, v28;
	v30 =	vsel vm5, $0x402, v30  }
0xb0: {  	v33 =	vsel vm5, $0xC03, v53;
	v32 =	vsel vm1, $0x484, v32;
	v8 =	vsel vm13, $0x1C0, v8  }
0xb1: {  	v53 =	vsel vm14, $0x1C0, v10;
	v13 =	vsel vm5, $0xC09, v13;
	v15 =	vsel vm5, $0xC0A, v15  }
0xb2: {  	v17 =	vsel vm5, $0xC0B, v17;
	v19 =	vsel vm5, $0xC0C, v19;
	v21 =	vsel vm5, $0xC0D, v21  }
0xb3: {  	v23 =	vsel vm5, $0xC0E, v23;
	v25 =	vsel vm5, $0xC0F, v25;
	v27 =	vsel vm5, $0xC00, v27  }
0xb4: {  	v29 =	vsel vm5, $0xC01, v29;
	v31 =	vsel vm5, $0xC02, v31;
	v12 =	vsel vm1, $0x48A, v12  }
0xb5: {  	v14 =	vsel vm1, $0x48B, v14;
	v16 =	vsel vm1, $0x48C, v16;
	v18 =	vsel vm1, $0x48D, v18  }
0xb6: {  	v20 =	vsel vm1, $0x48E, v20;
	v22 =	vsel vm1, $0x48F, v22;
	v24 =	vsel vm1, $0x480, v24  }
0xb7: {  	v26 =	vsel vm1, $0x481, v26;
	v28 =	vsel vm1, $0x482, v28;
	v30 =	vsel vm1, $0x483, v30  }
0xb8: {  	v33 =	vsel vm1, $0xC84, v33;
	v32 =	vsel vm0, $0x505, v32;
	v52 =	vsel vm14, $0x1E0, v8  }
0xb9: {  	v8 =	vsel vm14, $0x689, v34;
	v34 =	vsel vm14, $0x68A, v36;
	v13 =	vsel vm1, $0xC8A, v13  }
0xba: {  	v15 =	vsel vm1, $0xC8B, v15;
	v17 =	vsel vm1, $0xC8C, v17;
	v19 =	vsel vm1, $0xC8D, v19  }
0xbb: {  	v21 =	vsel vm1, $0xC8E, v21;
	v23 =	vsel vm1, $0xC8F, v23;
	v25 =	vsel vm1, $0xC80, v25  }
0xbc: {  	v27 =	vsel vm1, $0xC81, v27;
	v29 =	vsel vm1, $0xC82, v29;
	v31 =	vsel vm1, $0xC83, v31  }
0xbd: {  	v12 =	vsel vm0, $0x50B, v12;
	v14 =	vsel vm0, $0x50C, v14;
	v16 =	vsel vm0, $0x50D, v16  }
0xbe: {  	v18 =	vsel vm0, $0x50E, v18;
	v20 =	vsel vm0, $0x50F, v20;
	v22 =	vsel vm0, $0x500, v22  }
0xbf: {  	v24 =	vsel vm0, $0x501, v24;
	v26 =	vsel vm0, $0x502, v26;
	v28 =	vsel vm0, $0x503, v28  }
0xc0: {  	v30 =	vsel vm0, $0x504, v30;
	v33 =	vsel vm0, $0xD05, v33;
	v32 =	vsel vm12, $0x586, v32  }
0xc1: {  	v13 =	vsel vm0, $0xD0B, v13;
	v15 =	vsel vm0, $0xD0C, v15;
	v17 =	vsel vm0, $0xD0D, v17  }
0xc2: {  	v19 =	vsel vm0, $0xD0E, v19;
	v21 =	vsel vm0, $0xD0F, v21;
	v23 =	vsel vm0, $0xD00, v23  }
0xc3: {  	v25 =	vsel vm0, $0xD01, v25;
	v27 =	vsel vm0, $0xD02, v27;
	v29 =	vsel vm0, $0xD03, v29  }
0xc4: {  	v31 =	vsel vm0, $0xD04, v31;
	v12 =	vsel vm12, $0x58C, v12;
	v14 =	vsel vm12, $0x58D, v14  }
0xc5: {  	v16 =	vsel vm12, $0x58E, v16;
	v18 =	vsel vm12, $0x58F, v18;
	v20 =	vsel vm12, $0x580, v20  }
0xc6: {  	v22 =	vsel vm12, $0x581, v22;
	v24 =	vsel vm12, $0x582, v24;
	v26 =	vsel vm12, $0x583, v26  }
0xc7: {  	v28 =	vsel vm12, $0x584, v28;
	v30 =	vsel vm12, $0x585, v30;
	v33 =	vsel vm12, $0xD86, v33  }
0xc8: {  	v32 =	vsel vm13, $0x607, v32;
	v13 =	vsel vm12, $0xD8C, v13;
	v15 =	vsel vm12, $0xD8D, v15  }
0xc9: {  	v17 =	vsel vm12, $0xD8E, v17;
	v19 =	vsel vm12, $0xD8F, v19;
	v21 =	vsel vm12, $0xD80, v21  }
0xca: {  	v23 =	vsel vm12, $0xD81, v23;
	v25 =	vsel vm12, $0xD82, v25;
	v27 =	vsel vm12, $0xD83, v27  }
0xcb: {  	v29 =	vsel vm12, $0xD84, v29;
	v31 =	vsel vm12, $0xD85, v31;
	v12 =	vsel vm13, $0x60D, v12  }
0xcc: {  	v14 =	vsel vm13, $0x60E, v14;
	v16 =	vsel vm13, $0x60F, v16;
	v18 =	vsel vm13, $0x600, v18  }
0xcd: {  	v20 =	vsel vm13, $0x601, v20;
	v22 =	vsel vm13, $0x602, v22;
	v24 =	vsel vm13, $0x603, v24  }
0xce: {  	s3 =	rddreg [dreg:$0x0];
	[tilespmem:$0x1FE40] =	vst v0;
	v26 =	vsel vm13, $0x604, v26;
	v28 =	vsel vm13, $0x605, v28;
	v30 =	vsel vm13, $0x606, v30  }
0xcf: {  	s0 =	rddreg [dreg:$0x1];
	s16 =	simm.s32 $0x0;
	[tilespmem:$0x1FD90] =	vst v1;
	v33 =	vsel vm13, $0xE07, v33;
	v3 =	vsel vm14, $0x688, v32;
	v0 =	vsel vm14, $0x687, v30  }
0xd0: {  	[smem:$0x7FF] =	sst s16;
	v21 =	vsel vm13, $0xE01, v21;
	v23 =	vsel vm13, $0xE02, v23;
	v25 =	vsel vm13, $0xE03, v25;
	[tilespmem:$0x1FDA0] =	vst v0  }
0xd1: {  	s2 =	rddreg [dreg:$0x2];
	v54 =	vsel vm14, $0x68E, v12;
	v46 =	vsel vm14, $0xE83, v23;
	v23 =	vsel vm15, $0x1E0, v53;
	_ =	strace $0x80000047;
	[tilespmem:$0x1FDB0] =	vst v11  }
0xd2: {  	v56 =	vsel vm14, $0x68F, v14;
	v58 =	vsel vm14, $0x680, v16;
	v14 =	vsel vm15, $0x1A0, v7;
	[tilespmem:$0x1FE80] =	vst v23  }
0xd3: {  	v1 =	vsel vm14, $0x682, v20;
	v20 =	vsel vm15, $0x140, v43;
	v43 =	vsel vm15, $0x70F, v54;
	[tilespmem:$0x1FE90] =	vst v14  }
0xd4: {  	v49 =	vsel vm14, $0x685, v26;
	v48 =	vsel vm14, $0xE84, v25;
	v25 =	vsel vm15, $0x0, v52;
	[tilespmem:$0x1FEC0] =	vst v43  }
0xd5: {  	v5 =	vsel vm14, $0x686, v28;
	v4 =	vsel vm14, $0xE88, v33;
	v26 =	vsel vm15, $0x700, v56;
	[tilespmem:$0x1FEF0] =	vst v25  }
0xd6: {  	v12 =	vsel vm14, $0xE89, v35;
	v63 =	vsel vm14, $0xE82, v21;
	v28 =	vsel vm15, $0x701, v58;
	[tilespmem:$0x1FF00] =	vst v26  }
0xd7: {  	s1 =	srdreg.scid;
	s4 =	stileid.u32;
	s11 =	simm.s32 $0xC4;
	v21 =	vsel vm15, $0x80, v9;
	v9 =	vsel vm15, $0xF09, v4;
	v4 =	vsel vm15, $0xF0A, v12;
	[tilespmem:$0x1FF10] =	vst v28  }
0xd8: {  	s8 =	sand.u32 $0x1, s1;
	s28 =	smul.u32 $0x186A0, s4;
	v13 =	vsel vm13, $0xE0D, v13;
	v19 =	vsel vm13, $0xE00, v19;
	v32 =	vsel vm15, $0x703, v1;
	[tilespmem:$0x1FF50] =	vst v4;
	v1 =	vld [tilespmem:$0x1FDA0]  }
0xd9: {  	s7 =	smul.u32 $0x186A00, s8;
	v15 =	vsel vm13, $0xE0E, v15;
	v61 =	vsel vm14, $0xE81, v19;
	v19 =	vsel vm15, $0x160, v42;
	[tilespmem:$0x1FF70] =	vst v9  }
0xda: {  	s29 =	simm.s32 $0x2200;
	s31 =	simm.s32 $0x1100;
	v17 =	vsel vm13, $0xE0F, v17;
	v31 =	vsel vm13, $0xE06, v31;
	v60 =	vsel vm14, $0x681, v18;
	[tilespmem:$0x1FFB0] =	vst v19  }
0xdb: {  	s9 =	sadd.s32 s28, s7;
	s7 =	sadd.s32 $0x10D400, s3;
	v45 =	vsel vm14, $0x683, v22;
	v18 =	vsel vm15, $0x120, v44;
	v11 =	vsel vm14, $0x68B, v38;
	[tilespmem:$0x1FFC0] =	vst v20  }
0xdc: {  	s30 =	simm.s32 $0x1;
	s5 =	sadd.s32 $0x800, s3;
	s10 =	sshll.u32 s8, $0x4;
	[tilespmem:$0x1FDC0] =	vst v11;
	v11 =	vsel vm14, $0x68C, v40;
	v40 =	vsel vm15, $0x707, v5;
	v5 =	vsel vm15, $0x709, v3;
	v3 =	vld [tilespmem:$0x1FE00]  }
0xdd: {  	s25 =	smul.u32 $0x61A80, s4;
	s8 =	ssub.s32 $0x2, s8;
	s15 =	sor.u32 s4, s10;
	v47 =	vsel vm14, $0x684, v24;
	v22 =	vsel vm15, $0x100, v62;
	[tilespmem:$0x1FFD0] =	vst v18;
	v62 =	vsel vm15, $0x708, v1;
	v1 =	vld [tilespmem:$0x1FDF0]  }
0xde: {  	s6 =	sadd.s32 $0xDC600, s3;
	s12 =	sshrl.u32 s8, $0x1;
	s10 =	smul.u32 $0xC3, s15;
	v24 =	vsel vm15, $0xA0, v51;
	v0 =	vsel vm14, $0xE87, v31;
	v58 =	vmul.u32 $0x20, v2;
	[tilespmem:$0x1FFE0] =	vst v21  }
0xdf: {  	s1 =	sadd.s32 s28, s2;
	p0 =	slt.u32 s15, $0xA;
	s12 =	ssub.s32 s8, s12;
	v27 =	vsel vm13, $0xE04, v27;
	v55 =	vsel vm14, $0xE8E, v13;
	v7 =	vsel vm15, $0xF08, v0;
	[tilespmem:$0x1FFF0] =	vst v24;
	v0 =	vld [tilespmem:$0x1FDB0]  }
0xe0: {  	s28 =	sshrl.u32 s25, $0x2;
	s1 =	sshrl.u32 s1, $0x3;
	s9 =	sshrl.u32 s9, $0x3;
	v57 =	vsel vm14, $0xE8F, v15;
	v50 =	vsel vm14, $0xE85, v27;
	v27 =	vsel vm15, $0xF0F, v55;
	[tilespmem:$0x1FEB0] =	vst v58  }
0xe1: {  	s11 =	simm.s32 @!p0 $0xC3;
	s26 =	smax.u32 s12, $0x1;
	s20 =	sadd.s32 s28, s2;
	v29 =	vsel vm13, $0xE05, v29;
	v59 =	vsel vm14, $0xE80, v17;
	v55 =	vsel vm15, $0xF00, v57;
	[tilespmem:$0x1FED0] =	vst v27  }
0xe2: {  	s12 =	simm.s32 $0x3;
	s3 =	sadd.s32 s9, s3;
	s9 =	smin.u32 s15, $0xA;
	[tilespmem:$0x1FDE0] =	vst v11;
	v11 =	vsel vm15, $0x180, v6;
	v6 =	vsel vm15, $0x70B, v34;
	v34 =	vcombine.low v3, v1;
	v1 =	vld [tilespmem:$0x1FE10]  }
0xe3: {  	s17 =	sand.u32 $0x1, s11;
	s18 =	sadd.s32 $0xFFFFFFFE, s11;
	s19 =	sadd.s32 $0xFFFFFFFD, s11;
	v10 =	vsel vm14, $0xE86, v29;
	v29 =	vsel vm15, $0xF01, v59;
	[tilespmem:$0x1FEE0] =	vst v55;
	v3 =	vld [tilespmem:$0x1FE20]  }
0xe4: {  	s8 =	sadd.s32 s9, s10;
	s9 =	sshrl.u32 s11, $0x1;
	s3 =	sadd.s32 $0x19000, s3;
	v37 =	vsel vm15, $0xF07, v10;
	v10 =	vsel vm15, $0x70A, v8;
	[tilespmem:$0x1FF20] =	vst v29;
	v8 =	vsel vm15, $0xF0B, v0;
	v0 =	vld [tilespmem:$0x1FDC0]  }
0xe5: {  	p0 =	seq.s32 s17, $0x0;
	s13 =	sshll.u32 s8, $0x4;
	s14 =	sadd.s32 $0x1, s8;
	v39 =	vsel vm1, $0xC87, v39;
	v13 =	vmul.u32 $0x81, v2;
	[tilespmem:$0x1FF60] =	vst v10  }
0xe6: {  	s15 =	sadd.s32 s5, s13;
	s21 =	sshll.u32 s14, $0x4;
	s14 =	sshll.u32 s14, $0x9;
	v41 =	vsel vm1, $0xC88, v41;
	v39 =	vsel vm0, $0xD08, v39;
	[tilespmem:$0x1FF90] =	vst v7  }
0xe7: {  	s13 =	sadd.s32 s0, s13;
	s14 =	sand.u32 $0x1FFFFE00, s14;
	v41 =	vsel vm0, $0xD09, v41;
	v39 =	vsel vm12, $0xD89, v39;
	[dreg:$0x5] =	wrdreg s15;
	v12 =	vld [tilespmem:$0x1FE40];
	[tilespmem:$0x1FFA0] =	vst v13  }
0xe8: {  	s10 =	simm.s32 $0x2;
	s24 =	sadd.s32 s7, s14;
	v41 =	vsel vm12, $0xD8A, v41;
	v39 =	vsel vm13, $0xE0A, v39;
	[dreg:$0x6] =	wrdreg s13;
	[tilespmem:$0x1FF80] =	vst v5;
	v1 =	vcombine.low v3, v1;
	v3 =	vld [tilespmem:$0x1FE30]  }
0xe9: {  	s11 =	simm.s32 $0x5;
	s22 =	sshll.u32 s8, $0x9;
	v41 =	vsel vm13, $0xE0B, v41;
	v39 =	vsel vm14, $0xE8B, v39;
	[dreg:$0xa] =	wrdreg s24;
	[tilespmem:$0x1FEA0] =	vst v11;
	v0 =	vsel vm15, $0x70C, v0  }
0xea: {  	v41 =	vsel vm14, $0xE8C, v41;
	v44 =	vsel vm15, $0xF0C, v39;
	s13 =	sand.u32 $0x1FFFFFF0, s21;
	s15 =	sadd.s32 s7, s22;
	[dreg:$0xb] =	wrdreg s3;
	[tilespmem:$0x1FDD0] =	vst v0;
	v0 =	vld [tilespmem:$0x1FDE0]  }
.Ltmp0:
0xeb: {  	v16 =	vsel vm15, $0x702, v60;
	v30 =	vsel vm15, $0x704, v45;
	v36 =	vsel vm15, $0x705, v47;
	[dreg:$0xc] =	wrdreg s26;
	s21 =	simm.s32 $0x4200;
	[tilespmem:$0x1FF40] =	vst v6;
	(pc) =	sbr.rel .LBB2_1-.Ltmp0, $4  }
0xec: {  	v31 =	vsel vm15, $0xF02, v61;
	v33 =	vsel vm15, $0xF03, v63;
	v17 =	vsel vm15, $0xF04, v46;
	s22 =	simm.s32 $0x7;
	s24 =	simm.s32 $0x100;
	[dreg:$0xd] =	wrdreg s1;
	[tilespmem:$0x1FF30] =	vst v8  }
0xed: {  	v35 =	vsel vm15, $0xF05, v48;
	v38 =	vsel vm15, $0x706, v49;
	s1 =	simm.s32 $0x4;
	[dreg:$0x7] =	wrdreg s15;
	s23 =	sadd.s32 s5, s13;
	[tilespmem:$0x1FE50] =	vst v34;
	v3 =	vcombine.low v12, v3  }
0xee: {  	v15 =	vsel vm15, $0xF06, v50;
	v61 =	vsel vm15, $0xF0D, v41;
	s3 =	simm.s32 $0x3200;
	v50 =	vor.u32 $0x10, v2;
	s13 =	sadd.s32 s0, s13;
	[dreg:$0x8] =	wrdreg s23;
	[tilespmem:$0x1FE60] =	vst v1  }
0xef: {  	v63 =	vor.u32 $0x800, v13;
	[dreg:$0x9] =	wrdreg s13;
	s23 =	simm.s32 $0x80;
	s13 =	simm.s32 $0x6;
	v60 =	vsel vm15, $0x70D, v0;
	v0 =	vimm.f32 $0.0e+00;
	[tilespmem:$0x1FE70] =	vst v3  }
.LBB2_15:
0xf0: {  	s4 =	stileid.u32;
	[bflag:$0x0] =	sbarrier.arrive $0xFFFF  }
0xf1: {  	s4 =	sshll.u32 s4, $0x6;
	s14 =	rddreg [dreg:$0xb]  }
0xf2: {  	s15 =	rddreg [dreg:$0xd];
	s4 =	sor.u32 $0x1C07, s4  }
0xf3: {  	[hbm:s14], [sflag:s4] =	dma.local [spmem:s15], $0x30D4  }
0xf4: {  	_ =	swait.ge [sflag:s22], $0x30D4  }
0xf5: {  	s16 =	sadd.s32 $0x1, s16;
	s28 =	rddreg [dreg:$0xc]  }
0xf6: {  	p1 =	sne.s32 s16, s28  }
.Ltmp1:
0xf7: {  	_ = 	snop;
	(pc) =	sbr.rel @!p1 .LBB2_16-.Ltmp1, $3  }
0xf8: {  	_ =	sdelay $0x1  }
0xf9: {  	[sflag:s22] =	ssyncset.done $0x0  }
0xfa: {  	v0 =	vimm.f32 $0.0e+00;
	[sflag:s22] =	ssyncadd.s32 $0xFFFFCF2C  }
.LBB2_1:
0xfb: {  	s14 =	simm.s32 $0x0  }
.LBB2_2:
0xfc: {  	p1 =	sne.s32 s14, $0x3E00  }
.Ltmp2:
0xfd: {  	_ = 	snop;
	(pc) =	sbr.rel @p1 .LBB2_2-.Ltmp2, $4  }
0xfe: {  	_ = 	snop  }
0xff: {  	s15 =	sshra.s32 s14, $0x2  }
0x100: {  	[tilespmem:s15+$0x4200] =	vst v0  }
0x101: {  	s14 =	sadd.s32 $0x80, s14;
	[tilespmem:s15+$0x4210] =	vst v0  }
0x102: {  	[dreg:$0x4] =	wrdreg s16;
	s14 =	sadd.s32 $0x0, s20  }
0x103: {  	[spmem:s14] =	stream.linear.scatter [tilespmem:s21], [sflag:$0x7], $0xFA0, $0x38;
	[tilespmem:$0x1D840] =	vst v63  }
0x104: {  	_ =	swait.ge [sflag:s22], $0xFA0  }
0x105: {  	s14 =	simm.s32 $0x3E80;
	v12 =	vld [tilespmem:$0x1FD90]  }
.LBB2_4:
0x106: {  	s15 =	sshra.s32 s14, $0x2;
	[sflag:s22] =	ssyncset.done $0x0;
	p1 =	sne.s32 s14, $0x5DC00  }
.Ltmp3:
0x107: {  	s15 =	sadd.s32 s15, s20;
	[sflag:s22] =	ssyncadd.s32 $0xFFFFF060;
	(pc) =	sbr.rel @p1 .LBB2_4-.Ltmp3, $3  }
0x108: {  	[spmem:s15] =	stream.linear.scatter [tilespmem:s21], [sflag:$0x7], $0xFA0, $0x38;
	[tilespmem:$0x1D840] =	vst v63  }
0x109: {  	s14 =	sadd.s32 $0x3E80, s14;
	_ =	sdelay $0x1  }
0x10a: {  	_ =	swait.ge [sflag:s22], $0xFA0  }
0x10b: {  	[sflag:s22] =	ssyncset.done $0x0  }
0x10c: {  	[sflag:s22] =	ssyncadd.s32 $0xFFFFF060  }
0x10d: {  	[bflag:$0x0] =	sbarrier.arrive $0xFFFF  }
0x10e: {  	s14 =	simm.s32 $0x0;
	s4 =	rddreg [dreg:$0x5]  }
0x10f: {  	[tilespmem:s14], [sflag:$0x1] =	stream.linear.gather [hbm4b:s4+s14], $0x80, $0x38;
	[tilespmem:$0x1D840] =	vst v63  }
0x110: {  	s15 =	rddreg [dreg:$0x6]  }
0x111: {  	[tilespmem:s23], [sflag:$0x1] =	stream.linear.gather [hbm4b:s15+s14], $0x80, $0x38;
	[tilespmem:$0x1D840] =	vst v63  }
0x112: {  	s16 =	rddreg [dreg:$0x7]  }
0x113: {  	[tilespmem:s24], [sflag:$0x1] =	stream.linear.gather [hbm4b:s16+s14], $0x1000, $0x38;
	[tilespmem:$0x1D840] =	vst v63  }
0x114: {  	s17 =	rddreg [dreg:$0x8];
	s15 =	simm.s32 $0x2100  }
0x115: {  	[tilespmem:s15], [sflag:$0x4] =	stream.linear.gather [hbm4b:s17+s14], $0x80, $0x38;
	[tilespmem:$0x1D840] =	vst v63  }
0x116: {  	s26 =	simm.s32 $0x2180;
	s25 =	rddreg [dreg:$0x9]  }
0x117: {  	[tilespmem:s26], [sflag:$0x4] =	stream.linear.gather [hbm4b:s25+s14], $0x80, $0x38;
	[tilespmem:$0x1D840] =	vst v63  }
0x118: {  	s28 =	rddreg [dreg:$0xa];
	s15 =	simm.s32 $0x0  }
0x119: {  	v0 =	vmov v27;
	v27 =	vmov v55;
	[tilespmem:s29], [sflag:$0x4] =	stream.linear.gather [hbm4b:s28+s14], $0x1000, $0x38;
	[tilespmem:$0x1D840] =	vst v63  }
.LBB2_6:
0x11a: {  	_ =	swait.ge [sflag:s30], $0x80  }
0x11b: {  	[sflag:s30] =	ssyncset.done $0x0  }
0x11c: {  	[sflag:s30] =	ssyncadd.s32 $0xFFFFFF80  }
0x11d: {  	_ =	swait.ge [sflag:s30], $0x80  }
0x11e: {  	[sflag:s30] =	ssyncset.done $0x0  }
0x11f: {  	[sflag:s30] =	ssyncadd.s32 $0xFFFFFF80  }
0x120: {  	_ =	swait.ge [sflag:s30], $0x1000  }
0x121: {  	[sflag:s30] =	ssyncset.done $0x0  }
0x122: {  	[sflag:s30] =	ssyncadd.s32 $0xFFFFF000  }
0x123: {  	[tilespmem:s31], [sflag:$0x2] =	stream.indirect.gather [hbm4b:s6+s23], $0x20, s14, s23, $0xb8;
	[tilespmem:$0x1D840] =	vst v63  }
0x124: {  	_ =	swait.ge [sflag:s1], $0x80  }
0x125: {  	[sflag:s1] =	ssyncset.done $0x0  }
0x126: {  	[sflag:s1] =	ssyncadd.s32 $0xFFFFFF80  }
0x127: {  	_ =	swait.ge [sflag:s1], $0x80  }
0x128: {  	[sflag:s1] =	ssyncset.done $0x0  }
0x129: {  	[sflag:s1] =	ssyncadd.s32 $0xFFFFFF80  }
0x12a: {  	_ =	swait.ge [sflag:s1], $0x1000  }
0x12b: {  	v51 =	vmov s14;
	[sflag:s1] =	ssyncset.done $0x0  }
0x12c: {  	v52 =	vor.u32 s14, v63;
	s4 =	simm.s32 $0x2100;
	v51 =	vshll.u32 v51, $0x5;
	[sflag:s1] =	ssyncadd.s32 $0xFFFFF000  }
0x12d: {  	v53 =	vor.u32 s14, v13;
	v54 =	vor.u32 v58, v51;
	[tilespmem:s3], [sflag:$0x5] =	stream.indirect.gather [hbm4b:s6+s23], $0x20, s4, s23, $0xb8;
	[tilespmem:$0x1D840] =	vst v63  }
0x12e: {  	v55 =	vor.u32 v2, v54;
	_ =	swait.ge [sflag:s10], $0x1000  }
0x12f: {  	v54 =	vor.u32 v50, v54;
	[sflag:s10] =	ssyncset.done $0x0  }
0x130: {  	[sflag:s10] =	ssyncadd.s32 $0xFFFFF000  }
0x131: {  	v52 =	vld.idx.msk [tilespmem:v52+s24+$0x0], $0xffff  }
0x132: {  	v53 =	vld.idx.msk [tilespmem:v53+s24+$0x0], $0xffff  }
0x133: {  	v56 =	vld.idx.msk [tilespmem:v55+s31+$0x0], $0xffff  }
0x134: {  	v57 =	vld.idx.msk [tilespmem:v54+s31+$0x0], $0xffff;
	_ =	sdelay $0x1  }
0x135: {  	v39 =	vor.u32 v23, v51  }
0x136: {  	v59 =	vor.u32 v50, v39  }
0x137: {  	v41 =	vor.u32 s14, v43;
	v53 =	vmul.f32 v56, v53  }
0x138: {  	v42 =	vor.u32 v2, v39;
	v52 =	vmul.f32 v57, v52  }
0x139: {  	v45 =	vor.u32 s14, v0;
	[tilespmem:v55+s31+$0x0] =	vst.idx.msk $0xffff, v53  }
0x13a: {  	[tilespmem:v54+s31+$0x0] =	vst.idx.msk $0xffff, v52  }
0x13b: {  	v52 =	vld.idx.msk [tilespmem:v59+s31+$0x0], $0xffff  }
0x13c: {  	v53 =	vld.idx.msk [tilespmem:v41+s24+$0x0], $0xffff  }
0x13d: {  	v54 =	vld.idx.msk [tilespmem:v42+s31+$0x0], $0xffff  }
0x13e: {  	v55 =	vld.idx.msk [tilespmem:v45+s24+$0x0], $0xffff;
	_ =	sdelay $0x2  }
0x13f: {  	v47 =	vor.u32 s14, v27;
	v46 =	vor.u32 v25, v51  }
0x140: {  	v48 =	vor.u32 v2, v46;
	v53 =	vmul.f32 v54, v53  }
0x141: {  	v49 =	vor.u32 s14, v26;
	v52 =	vmul.f32 v52, v55  }
0x142: {  	v56 =	vor.u32 v50, v46;
	[tilespmem:v42+s31+$0x0] =	vst.idx.msk $0xffff, v53  }
0x143: {  	[tilespmem:v59+s31+$0x0] =	vst.idx.msk $0xffff, v52  }
0x144: {  	v52 =	vld.idx.msk [tilespmem:v47+s24+$0x0], $0xffff  }
0x145: {  	v53 =	vld.idx.msk [tilespmem:v48+s31+$0x0], $0xffff  }
0x146: {  	v55 =	vld.idx.msk [tilespmem:v49+s24+$0x0], $0xffff  }
0x147: {  	v57 =	vld.idx.msk [tilespmem:v56+s31+$0x0], $0xffff;
	_ =	sdelay $0x1  }
0x148: {  	v39 =	vor.u32 v3, v51  }
0x149: {  	v59 =	vor.u32 v50, v39  }
0x14a: {  	v41 =	vor.u32 v2, v39;
	v53 =	vmul.f32 v53, v55  }
0x14b: {  	v42 =	vor.u32 s14, v28;
	v52 =	vmul.f32 v57, v52  }
0x14c: {  	v45 =	vor.u32 s14, v29;
	[tilespmem:v48+s31+$0x0] =	vst.idx.msk $0xffff, v53  }
0x14d: {  	[tilespmem:v56+s31+$0x0] =	vst.idx.msk $0xffff, v52  }
0x14e: {  	v52 =	vld.idx.msk [tilespmem:v59+s31+$0x0], $0xffff  }
0x14f: {  	v54 =	vld.idx.msk [tilespmem:v41+s31+$0x0], $0xffff  }
0x150: {  	v56 =	vld.idx.msk [tilespmem:v42+s24+$0x0], $0xffff  }
0x151: {  	v53 =	vld.idx.msk [tilespmem:v45+s24+$0x0], $0xffff;
	_ =	sdelay $0x2  }
0x152: {  	v46 =	vor.u32 v1, v51;
	v47 =	vor.u32 s14, v31  }
0x153: {  	v48 =	vor.u32 v2, v46;
	v54 =	vmul.f32 v54, v56  }
0x154: {  	v49 =	vor.u32 s14, v16;
	v52 =	vmul.f32 v52, v53  }
0x155: {  	v39 =	vor.u32 v50, v46;
	[tilespmem:v41+s31+$0x0] =	vst.idx.msk $0xffff, v54  }
0x156: {  	[tilespmem:v59+s31+$0x0] =	vst.idx.msk $0xffff, v52  }
0x157: {  	v52 =	vld.idx.msk [tilespmem:v47+s24+$0x0], $0xffff  }
0x158: {  	v55 =	vld.idx.msk [tilespmem:v48+s31+$0x0], $0xffff  }
0x159: {  	v53 =	vld.idx.msk [tilespmem:v49+s24+$0x0], $0xffff  }
0x15a: {  	v57 =	vld.idx.msk [tilespmem:v39+s31+$0x0], $0xffff;
	_ =	sdelay $0x2  }
0x15b: {  	v42 =	vor.u32 s14, v33;
	v41 =	vor.u32 v12, v51  }
0x15c: {  	v45 =	vor.u32 v2, v41;
	v53 =	vmul.f32 v55, v53  }
0x15d: {  	v46 =	vor.u32 s14, v32;
	v52 =	vmul.f32 v57, v52  }
0x15e: {  	v47 =	vor.u32 v50, v41;
	[tilespmem:v48+s31+$0x0] =	vst.idx.msk $0xffff, v53  }
0x15f: {  	[tilespmem:v39+s31+$0x0] =	vst.idx.msk $0xffff, v52  }
0x160: {  	v52 =	vld.idx.msk [tilespmem:v42+s24+$0x0], $0xffff  }
0x161: {  	v54 =	vld.idx.msk [tilespmem:v45+s31+$0x0], $0xffff  }
0x162: {  	v56 =	vld.idx.msk [tilespmem:v46+s24+$0x0], $0xffff  }
0x163: {  	v48 =	vld.idx.msk [tilespmem:v47+s31+$0x0], $0xffff;
	_ =	sdelay $0x1  }
0x164: {  	v23 =	vmov v21  }
0x165: {  	v49 =	vor.u32 v23, v51;
	v39 =	vor.u32 s14, v17  }
0x166: {  	v41 =	vor.u32 v2, v49;
	v54 =	vmul.f32 v54, v56  }
0x167: {  	v42 =	vor.u32 s14, v30;
	v52 =	vmul.f32 v48, v52  }
0x168: {  	[tilespmem:v45+s31+$0x0] =	vst.idx.msk $0xffff, v54;
	v45 =	vor.u32 v50, v49  }
0x169: {  	[tilespmem:v47+s31+$0x0] =	vst.idx.msk $0xffff, v52  }
0x16a: {  	v52 =	vld.idx.msk [tilespmem:v39+s24+$0x0], $0xffff  }
0x16b: {  	v53 =	vld.idx.msk [tilespmem:v41+s31+$0x0], $0xffff  }
0x16c: {  	v55 =	vld.idx.msk [tilespmem:v42+s24+$0x0], $0xffff  }
0x16d: {  	v46 =	vld.idx.msk [tilespmem:v45+s31+$0x0], $0xffff;
	_ =	sdelay $0x1  }
0x16e: {  	v47 =	vor.u32 v24, v51  }
0x16f: {  	v59 =	vor.u32 v50, v47  }
0x170: {  	v48 =	vor.u32 v2, v47;
	v53 =	vmul.f32 v53, v55  }
0x171: {  	v49 =	vor.u32 s14, v36;
	v52 =	vmul.f32 v46, v52  }
0x172: {  	v39 =	vor.u32 s14, v35;
	[tilespmem:v41+s31+$0x0] =	vst.idx.msk $0xffff, v53  }
0x173: {  	[tilespmem:v45+s31+$0x0] =	vst.idx.msk $0xffff, v52  }
0x174: {  	v52 =	vld.idx.msk [tilespmem:v59+s31+$0x0], $0xffff  }
0x175: {  	v54 =	vld.idx.msk [tilespmem:v48+s31+$0x0], $0xffff  }
0x176: {  	v56 =	vld.idx.msk [tilespmem:v49+s24+$0x0], $0xffff  }
0x177: {  	v53 =	vld.idx.msk [tilespmem:v39+s24+$0x0], $0xffff;
	_ =	sdelay $0x2  }
0x178: {  	v42 =	vor.u32 s14, v15;
	v41 =	vor.u32 v34, v51  }
0x179: {  	v45 =	vor.u32 v2, v41;
	v54 =	vmul.f32 v54, v56  }
0x17a: {  	v46 =	vor.u32 s14, v38;
	v52 =	vmul.f32 v52, v53  }
0x17b: {  	v47 =	vor.u32 v50, v41;
	[tilespmem:v48+s31+$0x0] =	vst.idx.msk $0xffff, v54  }
0x17c: {  	v34 =	vmovc v32;
	v32 =	vmov v29;
	v29 =	vmov v27;
	v27 =	vmov v0;
	v0 =	vld [tilespmem:$0x1FD80];
	[tilespmem:v59+s31+$0x0] =	vst.idx.msk $0xffff, v52  }
0x17d: {  	v52 =	vld.idx.msk [tilespmem:v42+s24+$0x0], $0xffff  }
0x17e: {  	v55 =	vld.idx.msk [tilespmem:v45+s31+$0x0], $0xffff  }
0x17f: {  	v53 =	vld.idx.msk [tilespmem:v46+s24+$0x0], $0xffff  }
0x180: {  	v57 =	vld.idx.msk [tilespmem:v47+s31+$0x0], $0xffff;
	_ =	sdelay $0x2  }
0x181: {  	v49 =	vor.u32 s14, v37;
	v48 =	vor.u32 v0, v51  }
0x182: {  	v39 =	vor.u32 v2, v48;
	v53 =	vmul.f32 v55, v53  }
0x183: {  	v41 =	vor.u32 s14, v40;
	v52 =	vmul.f32 v57, v52  }
0x184: {  	v42 =	vor.u32 v50, v48;
	[tilespmem:v45+s31+$0x0] =	vst.idx.msk $0xffff, v53  }
0x185: {  	[tilespmem:v47+s31+$0x0] =	vst.idx.msk $0xffff, v52  }
0x186: {  	v52 =	vld.idx.msk [tilespmem:v49+s24+$0x0], $0xffff  }
0x187: {  	v54 =	vld.idx.msk [tilespmem:v39+s31+$0x0], $0xffff  }
0x188: {  	v56 =	vld.idx.msk [tilespmem:v41+s24+$0x0], $0xffff  }
0x189: {  	v45 =	vld.idx.msk [tilespmem:v42+s31+$0x0], $0xffff;
	_ =	sdelay $0x2  }
0x18a: {  	v46 =	vor.u32 v22, v51;
	v47 =	vor.u32 s14, v7  }
0x18b: {  	v48 =	vor.u32 v2, v46;
	v54 =	vmul.f32 v54, v56  }
0x18c: {  	v49 =	vor.u32 s14, v62;
	v52 =	vmul.f32 v45, v52  }
0x18d: {  	[tilespmem:v39+s31+$0x0] =	vst.idx.msk $0xffff, v54;
	v39 =	vor.u32 v50, v46  }
0x18e: {  	[tilespmem:v42+s31+$0x0] =	vst.idx.msk $0xffff, v52  }
0x18f: {  	v52 =	vld.idx.msk [tilespmem:v47+s24+$0x0], $0xffff  }
0x190: {  	v53 =	vld.idx.msk [tilespmem:v48+s31+$0x0], $0xffff  }
0x191: {  	v55 =	vld.idx.msk [tilespmem:v49+s24+$0x0], $0xffff  }
0x192: {  	v41 =	vld.idx.msk [tilespmem:v39+s31+$0x0], $0xffff  }
0x193: {  	v21 =	vmov v18  }
0x194: {  	v42 =	vor.u32 v21, v51  }
0x195: {  	v59 =	vor.u32 v50, v42  }
0x196: {  	v45 =	vor.u32 v2, v42;
	v53 =	vmul.f32 v53, v55  }
0x197: {  	v46 =	vor.u32 s14, v5;
	v52 =	vmul.f32 v41, v52  }
0x198: {  	v47 =	vor.u32 s14, v9;
	[tilespmem:v48+s31+$0x0] =	vst.idx.msk $0xffff, v53  }
0x199: {  	[tilespmem:v39+s31+$0x0] =	vst.idx.msk $0xffff, v52  }
0x19a: {  	v52 =	vld.idx.msk [tilespmem:v59+s31+$0x0], $0xffff  }
0x19b: {  	v54 =	vld.idx.msk [tilespmem:v45+s31+$0x0], $0xffff  }
0x19c: {  	v56 =	vld.idx.msk [tilespmem:v46+s24+$0x0], $0xffff  }
0x19d: {  	v53 =	vld.idx.msk [tilespmem:v47+s24+$0x0], $0xffff;
	_ =	sdelay $0x2  }
0x19e: {  	v49 =	vor.u32 s14, v4;
	v48 =	vor.u32 v20, v51  }
0x19f: {  	v39 =	vor.u32 v2, v48;
	v54 =	vmul.f32 v54, v56  }
0x1a0: {  	v41 =	vor.u32 s14, v10;
	v52 =	vmul.f32 v52, v53  }
0x1a1: {  	v42 =	vor.u32 v50, v48;
	[tilespmem:v45+s31+$0x0] =	vst.idx.msk $0xffff, v54  }
0x1a2: {  	[tilespmem:v59+s31+$0x0] =	vst.idx.msk $0xffff, v52  }
0x1a3: {  	v52 =	vld.idx.msk [tilespmem:v49+s24+$0x0], $0xffff  }
0x1a4: {  	v54 =	vld.idx.msk [tilespmem:v39+s31+$0x0], $0xffff  }
0x1a5: {  	v53 =	vld.idx.msk [tilespmem:v41+s24+$0x0], $0xffff  }
0x1a6: {  	v57 =	vld.idx.msk [tilespmem:v42+s31+$0x0], $0xffff;
	_ =	sdelay $0x3  }
0x1a7: {  	v18 =	vmov v11;
	v46 =	vor.u32 s14, v8;
	v53 =	vmul.f32 v54, v53  }
0x1a8: {  	v11 =	vmovc v13;
	v13 =	vmovc v8;
	v47 =	vor.u32 s14, v6;
	v45 =	vor.u32 v19, v51;
	v52 =	vmul.f32 v57, v52  }
0x1a9: {  	v1 =	vmovc v36;
	v36 =	vmov v30;
	v30 =	vmov v16;
	v54 =	vor.u32 v2, v45;
	[tilespmem:v39+s31+$0x0] =	vst.idx.msk $0xffff, v53  }
0x1aa: {  	v0 =	vmovc v31;
	v31 =	vmov v28;
	[tilespmem:v42+s31+$0x0] =	vst.idx.msk $0xffff, v52;
	v52 =	vor.u32 v18, v51;
	v18 =	vmov v19  }
0x1ab: {  	v19 =	vmovc v20;
	v20 =	vmovc v21;
	v21 =	vmov v22;
	v22 =	vmov v24;
	v24 =	vmov v23;
	v23 =	vld [tilespmem:$0x1FDD0]  }
0x1ac: {  	v28 =	vmovc v26;
	v26 =	vmovc v43;
	v43 =	vmov v7;
	v16 =	vmov v0;
	v41 =	vmov v37;
	v55 =	vld.idx.msk [tilespmem:v46+s24+$0x0], $0xffff  }
0x1ad: {  	v37 =	vmovc v6;
	v53 =	vor.u32 v50, v45;
	v39 =	vmovc v38;
	v38 =	vmov v35;
	v35 =	vmov v17;
	v57 =	vld.idx.msk [tilespmem:v47+s24+$0x0], $0xffff  }
0x1ae: {  	s17 =	simm.s32 $0x10;
	s16 =	simm.s32 $0x0;
	v17 =	vmovc v1;
	v45 =	vmovc v4;
	v51 =	vor.u32 v14, v51;
	v42 =	vmov v62;
	v14 =	vmov v5;
	v56 =	vld.idx.msk [tilespmem:v54+s31+$0x0], $0xffff  }
.LBB2_7:
0x1af: {  	_ =	sdelay $0x3  }
0x1b0: {  	v58 =	vld.idx.msk [tilespmem:v53+s31+$0x0], $0xffff;
	_ =	sdelay $0x2  }
0x1b1: {  	v59 =	vor.u32 s16, v44  }
0x1b2: {  	v47 =	vor.u32 v2, v52;
	v56 =	vmul.f32 v56, v57  }
0x1b3: {  	v49 =	vor.u32 s16, v23;
	v55 =	vmul.f32 v58, v55  }
0x1b4: {  	v62 =	vor.u32 v50, v52;
	[tilespmem:v54+s31+$0x0] =	vst.idx.msk $0xffff, v56  }
0x1b5: {  	[tilespmem:v53+s31+$0x0] =	vst.idx.msk $0xffff, v55  }
0x1b6: {  	v53 =	vld.idx.msk [tilespmem:v59+s24+$0x0], $0xffff  }
0x1b7: {  	v54 =	vld.idx.msk [tilespmem:v47+s31+$0x0], $0xffff  }
0x1b8: {  	v55 =	vld.idx.msk [tilespmem:v49+s24+$0x0], $0xffff  }
0x1b9: {  	v56 =	vld.idx.msk [tilespmem:v62+s31+$0x0], $0xffff;
	_ =	sdelay $0x1  }
0x1ba: {  	v0 =	vld [tilespmem:$0x1FEB0]  }
0x1bb: {  	s25 =	smov.u32 s17;
	v4 =	vor.u32 s16, v60;
	v58 =	vor.u32 v50, v51  }
0x1bc: {  	v5 =	vor.u32 s16, v61;
	s16 =	smov.u32 s25;
	v51 =	vor.u32 v2, v51;
	v54 =	vmul.f32 v54, v55  }
0x1bd: {  	v6 =	vmov s16;
	v53 =	vmul.f32 v56, v53  }
0x1be: {  	v46 =	vmov v63;
	v57 =	vor.u32 s16, v63;
	v63 =	vshll.u32 v6, $0x5;
	[tilespmem:v47+s31+$0x0] =	vst.idx.msk $0xffff, v54  }
0x1bf: {  	v7 =	vor.u32 v0, v63;
	v0 =	vld [tilespmem:$0x1FE80];
	[tilespmem:v62+s31+$0x0] =	vst.idx.msk $0xffff, v53  }
0x1c0: {  	v52 =	vld.idx.msk [tilespmem:v58+s31+$0x0], $0xffff  }
0x1c1: {  	v53 =	vld.idx.msk [tilespmem:v51+s31+$0x0], $0xffff  }
0x1c2: {  	v55 =	vld.idx.msk [tilespmem:v4+s24+$0x0], $0xffff  }
0x1c3: {  	v54 =	vld.idx.msk [tilespmem:v5+s24+$0x0], $0xffff;
	_ =	sdelay $0x1  }
0x1c4: {  	v8 =	vld [tilespmem:$0x1FEA0];
	_ =	sdelay $0x1  }
0x1c5: {  	v3 =	vld [tilespmem:$0x1FE70];
	v53 =	vmul.f32 v53, v55  }
0x1c6: {  	v49 =	vmov v44;
	v44 =	vor.u32 v0, v63;
	v5 =	vld [tilespmem:$0x1FE60];
	v52 =	vmul.f32 v52, v54  }
0x1c7: {  	v0 =	vor.u32 v2, v7;
	v4 =	vor.u32 v50, v7;
	v7 =	vld [tilespmem:$0x1FE50];
	[tilespmem:v51+s31+$0x0] =	vst.idx.msk $0xffff, v53  }
0x1c8: {  	v62 =	vor.u32 s16, v11;
	[tilespmem:v58+s31+$0x0] =	vst.idx.msk $0xffff, v52;
	v52 =	vor.u32 v8, v63;
	v8 =	vld [tilespmem:$0x1FE90]  }
0x1c9: {  	v6 =	vld.idx.msk [tilespmem:v57+s24+$0x0], $0xffff  }
0x1ca: {  	v57 =	vld [tilespmem:$0x1FD80]  }
0x1cb: {  	v1 =	vor.u32 v25, v63;
	v3 =	vor.u32 v3, v63  }
0x1cc: {  	v48 =	vmovc v60;
	v60 =	vor.u32 v24, v63;
	v59 =	vor.u32 v22, v63;
	v56 =	vor.u32 v21, v63  }
0x1cd: {  	v47 =	vmov v61;
	v61 =	vor.u32 v12, v63;
	v5 =	vor.u32 v5, v63;
	v62 =	vld.idx.msk [tilespmem:v62+s24+$0x0], $0xffff  }
0x1ce: {  	v55 =	vor.u32 v20, v63;
	v54 =	vor.u32 v19, v63;
	v58 =	vor.u32 v7, v63;
	v7 =	vld.idx.msk [tilespmem:v0+s31+$0x0], $0xffff  }
0x1cf: {  	v53 =	vor.u32 v18, v63;
	v51 =	vor.u32 v8, v63;
	v57 =	vor.u32 v57, v63;
	v63 =	vld.idx.msk [tilespmem:v4+s31+$0x0], $0xffff;
	_ =	sdelay $0x2  }
0x1d0: {  	v8 =	vor.u32 v50, v44  }
0x1d1: {  	v44 =	vor.u32 v2, v44;
	v7 =	vmul.f32 v7, v62  }
0x1d2: {  	v6 =	vmul.f32 v63, v6;
	v63 =	vor.u32 s16, v26  }
0x1d3: {  	v62 =	vor.u32 s16, v27;
	[tilespmem:v0+s31+$0x0] =	vst.idx.msk $0xffff, v7  }
0x1d4: {  	[tilespmem:v4+s31+$0x0] =	vst.idx.msk $0xffff, v6  }
0x1d5: {  	v0 =	vld.idx.msk [tilespmem:v8+s31+$0x0], $0xffff  }
0x1d6: {  	v7 =	vld.idx.msk [tilespmem:v44+s31+$0x0], $0xffff  }
0x1d7: {  	v6 =	vld.idx.msk [tilespmem:v63+s24+$0x0], $0xffff  }
0x1d8: {  	v4 =	vld.idx.msk [tilespmem:v62+s24+$0x0], $0xffff;
	_ =	sdelay $0x2  }
0x1d9: {  	v62 =	vor.u32 s16, v29  }
0x1da: {  	v6 =	vmul.f32 v7, v6;
	v7 =	vor.u32 v2, v1  }
0x1db: {  	v0 =	vmul.f32 v0, v4;
	v1 =	vor.u32 v50, v1  }
0x1dc: {  	[tilespmem:v44+s31+$0x0] =	vst.idx.msk $0xffff, v6;
	v6 =	vor.u32 s16, v28  }
0x1dd: {  	[tilespmem:v8+s31+$0x0] =	vst.idx.msk $0xffff, v0  }
0x1de: {  	v0 =	vld.idx.msk [tilespmem:v62+s24+$0x0], $0xffff  }
0x1df: {  	v62 =	vld.idx.msk [tilespmem:v7+s31+$0x0], $0xffff  }
0x1e0: {  	v8 =	vld.idx.msk [tilespmem:v1+s31+$0x0], $0xffff  }
0x1e1: {  	v6 =	vld.idx.msk [tilespmem:v6+s24+$0x0], $0xffff;
	_ =	sdelay $0x3  }
0x1e2: {  	v0 =	vmul.f32 v8, v0;
	v8 =	vor.u32 v50, v3  }
0x1e3: {  	v3 =	vor.u32 v2, v3;
	v4 =	vmul.f32 v62, v6  }
0x1e4: {  	v6 =	vor.u32 s16, v31  }
0x1e5: {  	v62 =	vor.u32 s16, v32;
	[tilespmem:v7+s31+$0x0] =	vst.idx.msk $0xffff, v4  }
0x1e6: {  	[tilespmem:v1+s31+$0x0] =	vst.idx.msk $0xffff, v0  }
0x1e7: {  	v0 =	vld.idx.msk [tilespmem:v8+s31+$0x0], $0xffff  }
0x1e8: {  	v1 =	vld.idx.msk [tilespmem:v3+s31+$0x0], $0xffff  }
0x1e9: {  	v6 =	vld.idx.msk [tilespmem:v6+s24+$0x0], $0xffff  }
0x1ea: {  	v4 =	vld.idx.msk [tilespmem:v62+s24+$0x0], $0xffff;
	_ =	sdelay $0x2  }
0x1eb: {  	v7 =	vor.u32 s16, v16  }
0x1ec: {  	v62 =	vor.u32 s16, v30;
	v1 =	vmul.f32 v1, v6  }
0x1ed: {  	v6 =	vor.u32 v2, v5;
	v0 =	vmul.f32 v0, v4  }
0x1ee: {  	[tilespmem:v3+s31+$0x0] =	vst.idx.msk $0xffff, v1;
	v1 =	vor.u32 v50, v5  }
0x1ef: {  	[tilespmem:v8+s31+$0x0] =	vst.idx.msk $0xffff, v0  }
0x1f0: {  	v0 =	vld.idx.msk [tilespmem:v7+s24+$0x0], $0xffff  }
0x1f1: {  	v4 =	vld.idx.msk [tilespmem:v62+s24+$0x0], $0xffff  }
0x1f2: {  	v3 =	vld.idx.msk [tilespmem:v6+s31+$0x0], $0xffff  }
0x1f3: {  	v5 =	vld.idx.msk [tilespmem:v1+s31+$0x0], $0xffff;
	_ =	sdelay $0x2  }
0x1f4: {  	v7 =	vor.u32 s16, v33  }
0x1f5: {  	v3 =	vmul.f32 v3, v4;
	v4 =	vor.u32 v2, v61  }
0x1f6: {  	v0 =	vmul.f32 v5, v0;
	v5 =	vor.u32 s16, v34  }
0x1f7: {  	[tilespmem:v6+s31+$0x0] =	vst.idx.msk $0xffff, v3;
	v3 =	vor.u32 v50, v61  }
0x1f8: {  	[tilespmem:v1+s31+$0x0] =	vst.idx.msk $0xffff, v0  }
0x1f9: {  	v0 =	vld.idx.msk [tilespmem:v7+s24+$0x0], $0xffff  }
0x1fa: {  	v1 =	vld.idx.msk [tilespmem:v4+s31+$0x0], $0xffff  }
0x1fb: {  	v5 =	vld.idx.msk [tilespmem:v5+s24+$0x0], $0xffff  }
0x1fc: {  	v6 =	vld.idx.msk [tilespmem:v3+s31+$0x0], $0xffff;
	_ =	sdelay $0x2  }
0x1fd: {  	v7 =	vor.u32 s16, v35  }
0x1fe: {  	v1 =	vmul.f32 v1, v5;
	v5 =	vor.u32 v2, v60  }
0x1ff: {  	v0 =	vmul.f32 v6, v0;
	v6 =	vor.u32 s16, v36  }
0x200: {  	[tilespmem:v4+s31+$0x0] =	vst.idx.msk $0xffff, v1;
	v1 =	vor.u32 v50, v60  }
0x201: {  	[tilespmem:v3+s31+$0x0] =	vst.idx.msk $0xffff, v0  }
0x202: {  	v0 =	vld.idx.msk [tilespmem:v7+s24+$0x0], $0xffff  }
0x203: {  	v3 =	vld.idx.msk [tilespmem:v5+s31+$0x0], $0xffff  }
0x204: {  	v4 =	vld.idx.msk [tilespmem:v6+s24+$0x0], $0xffff  }
0x205: {  	v62 =	vld.idx.msk [tilespmem:v1+s31+$0x0], $0xffff;
	_ =	sdelay $0x2  }
0x206: {  	v7 =	vor.u32 v50, v59  }
0x207: {  	v3 =	vmul.f32 v3, v4;
	v4 =	vor.u32 v2, v59  }
0x208: {  	v59 =	vor.u32 s16, v17;
	v0 =	vmul.f32 v62, v0  }
0x209: {  	[tilespmem:v5+s31+$0x0] =	vst.idx.msk $0xffff, v3;
	v3 =	vor.u32 s16, v38  }
0x20a: {  	[tilespmem:v1+s31+$0x0] =	vst.idx.msk $0xffff, v0  }
0x20b: {  	v0 =	vld.idx.msk [tilespmem:v7+s31+$0x0], $0xffff  }
0x20c: {  	v1 =	vld.idx.msk [tilespmem:v4+s31+$0x0], $0xffff  }
0x20d: {  	v5 =	vld.idx.msk [tilespmem:v59+s24+$0x0], $0xffff  }
0x20e: {  	v3 =	vld.idx.msk [tilespmem:v3+s24+$0x0], $0xffff;
	_ =	sdelay $0x2  }
0x20f: {  	v62 =	vor.u32 s16, v15  }
0x210: {  	v1 =	vmul.f32 v1, v5;
	v5 =	vor.u32 v2, v58  }
0x211: {  	v0 =	vmul.f32 v0, v3;
	v3 =	vor.u32 s16, v39  }
0x212: {  	[tilespmem:v4+s31+$0x0] =	vst.idx.msk $0xffff, v1;
	v1 =	vor.u32 v50, v58  }
0x213: {  	[tilespmem:v7+s31+$0x0] =	vst.idx.msk $0xffff, v0  }
0x214: {  	v0 =	vld.idx.msk [tilespmem:v62+s24+$0x0], $0xffff  }
0x215: {  	v4 =	vld.idx.msk [tilespmem:v5+s31+$0x0], $0xffff  }
0x216: {  	v3 =	vld.idx.msk [tilespmem:v3+s24+$0x0], $0xffff  }
0x217: {  	v59 =	vld.idx.msk [tilespmem:v1+s31+$0x0], $0xffff;
	_ =	sdelay $0x2  }
0x218: {  	v62 =	vor.u32 s16, v41  }
0x219: {  	v58 =	vor.u32 s16, v40;
	v3 =	vmul.f32 v4, v3  }
0x21a: {  	v4 =	vor.u32 v2, v57;
	v0 =	vmul.f32 v59, v0  }
0x21b: {  	[tilespmem:v5+s31+$0x0] =	vst.idx.msk $0xffff, v3;
	v3 =	vor.u32 v50, v57  }
0x21c: {  	[tilespmem:v1+s31+$0x0] =	vst.idx.msk $0xffff, v0  }
0x21d: {  	v0 =	vld.idx.msk [tilespmem:v62+s24+$0x0], $0xffff  }
0x21e: {  	v5 =	vld.idx.msk [tilespmem:v58+s24+$0x0], $0xffff  }
0x21f: {  	v1 =	vld.idx.msk [tilespmem:v4+s31+$0x0], $0xffff  }
0x220: {  	v59 =	vld.idx.msk [tilespmem:v3+s31+$0x0], $0xffff;
	_ =	sdelay $0x2  }
0x221: {  	v62 =	vor.u32 s16, v43  }
0x222: {  	v1 =	vmul.f32 v1, v5;
	v5 =	vor.u32 v2, v56  }
0x223: {  	v57 =	vor.u32 s16, v42;
	v0 =	vmul.f32 v59, v0  }
0x224: {  	[tilespmem:v4+s31+$0x0] =	vst.idx.msk $0xffff, v1;
	v1 =	vor.u32 v50, v56  }
0x225: {  	[tilespmem:v3+s31+$0x0] =	vst.idx.msk $0xffff, v0  }
0x226: {  	v0 =	vld.idx.msk [tilespmem:v62+s24+$0x0], $0xffff  }
0x227: {  	v3 =	vld.idx.msk [tilespmem:v5+s31+$0x0], $0xffff  }
0x228: {  	v4 =	vld.idx.msk [tilespmem:v57+s24+$0x0], $0xffff  }
0x229: {  	v58 =	vld.idx.msk [tilespmem:v1+s31+$0x0], $0xffff;
	_ =	sdelay $0x2  }
0x22a: {  	v59 =	vor.u32 v50, v55  }
0x22b: {  	v62 =	vor.u32 v2, v55;
	v3 =	vmul.f32 v3, v4  }
0x22c: {  	v55 =	vor.u32 s16, v14;
	v0 =	vmul.f32 v58, v0  }
0x22d: {  	[tilespmem:v5+s31+$0x0] =	vst.idx.msk $0xffff, v3;
	v3 =	vor.u32 s16, v9  }
0x22e: {  	[tilespmem:v1+s31+$0x0] =	vst.idx.msk $0xffff, v0  }
0x22f: {  	v0 =	vld.idx.msk [tilespmem:v59+s31+$0x0], $0xffff  }
0x230: {  	v1 =	vld.idx.msk [tilespmem:v62+s31+$0x0], $0xffff  }
0x231: {  	v5 =	vld.idx.msk [tilespmem:v55+s24+$0x0], $0xffff  }
0x232: {  	v3 =	vld.idx.msk [tilespmem:v3+s24+$0x0], $0xffff;
	_ =	sdelay $0x2  }
0x233: {  	v56 =	vor.u32 s16, v45  }
0x234: {  	v57 =	vor.u32 v2, v54;
	v1 =	vmul.f32 v1, v5  }
0x235: {  	v0 =	vmul.f32 v0, v3;
	v3 =	vor.u32 s16, v10  }
0x236: {  	[tilespmem:v62+s31+$0x0] =	vst.idx.msk $0xffff, v1;
	v1 =	vor.u32 v50, v54  }
0x237: {  	[tilespmem:v59+s31+$0x0] =	vst.idx.msk $0xffff, v0  }
0x238: {  	v0 =	vld.idx.msk [tilespmem:v56+s24+$0x0], $0xffff  }
0x239: {  	v4 =	vld.idx.msk [tilespmem:v57+s31+$0x0], $0xffff  }
0x23a: {  	v3 =	vld.idx.msk [tilespmem:v3+s24+$0x0], $0xffff  }
0x23b: {  	v58 =	vld.idx.msk [tilespmem:v1+s31+$0x0], $0xffff;
	_ =	sdelay $0x2  }
0x23c: {  	v59 =	vor.u32 s16, v13  }
0x23d: {  	v54 =	vor.u32 v2, v53;
	v3 =	vmul.f32 v4, v3  }
0x23e: {  	p1 =	sne.s32 s17, $0x70;
	v62 =	vor.u32 s16, v37;
	v0 =	vmul.f32 v58, v0  }
.Ltmp4:
0x23f: {  	[tilespmem:v57+s31+$0x0] =	vst.idx.msk $0xffff, v3;
	(pc) =	sbr.rel @p1 .LBB2_7-.Ltmp4, $4  }
0x240: {  	[tilespmem:v1+s31+$0x0] =	vst.idx.msk $0xffff, v0  }
0x241: {  	v55 =	vld.idx.msk [tilespmem:v59+s24+$0x0], $0xffff  }
0x242: {  	v56 =	vld.idx.msk [tilespmem:v54+s31+$0x0], $0xffff  }
0x243: {  	s17 =	sadd.s32 $0x10, s17;
	v63 =	vmovc v46;
	v44 =	vmovc v49;
	v61 =	vmov v47;
	v60 =	vmov v48;
	v53 =	vor.u32 v50, v53;
	v57 =	vld.idx.msk [tilespmem:v62+s24+$0x0], $0xffff  }
0x244: {  	_ =	sdelay $0x3  }
0x245: {  	v0 =	vld.idx.msk [tilespmem:v53+s31+$0x0], $0xffff;
	_ =	sdelay $0x2  }
0x246: {  	v1 =	vor.u32 s16, v44  }
0x247: {  	v4 =	vor.u32 v2, v52;
	v3 =	vmul.f32 v56, v57  }
0x248: {  	v5 =	vor.u32 s16, v23;
	v0 =	vmul.f32 v0, v55  }
0x249: {  	[tilespmem:v54+s31+$0x0] =	vst.idx.msk $0xffff, v3;
	v3 =	vor.u32 v50, v52  }
0x24a: {  	[tilespmem:v53+s31+$0x0] =	vst.idx.msk $0xffff, v0  }
0x24b: {  	v0 =	vld.idx.msk [tilespmem:v1+s24+$0x0], $0xffff  }
0x24c: {  	v1 =	vld.idx.msk [tilespmem:v4+s31+$0x0], $0xffff  }
0x24d: {  	v5 =	vld.idx.msk [tilespmem:v5+s24+$0x0], $0xffff  }
0x24e: {  	v6 =	vld.idx.msk [tilespmem:v3+s31+$0x0], $0xffff;
	_ =	sdelay $0x2  }
0x24f: {  	v54 =	vor.u32 v2, v51  }
0x250: {  	v55 =	vor.u32 s16, v60;
	v1 =	vmul.f32 v1, v5  }
0x251: {  	v7 =	vor.u32 v50, v51;
	v0 =	vmul.f32 v6, v0  }
0x252: {  	v8 =	vor.u32 s16, v61;
	[tilespmem:v4+s31+$0x0] =	vst.idx.msk $0xffff, v1  }
0x253: {  	[tilespmem:v3+s31+$0x0] =	vst.idx.msk $0xffff, v0  }
0x254: {  	v1 =	vld.idx.msk [tilespmem:v54+s31+$0x0], $0xffff  }
0x255: {  	v3 =	vld.idx.msk [tilespmem:v55+s24+$0x0], $0xffff  }
0x256: {  	v0 =	vld.idx.msk [tilespmem:v7+s31+$0x0], $0xffff  }
0x257: {  	v4 =	vld.idx.msk [tilespmem:v8+s24+$0x0], $0xffff;
	_ =	sdelay $0x2  }
0x258: {  	v1 =	vmul.f32 v1, v3;
	v3 =	vld [tilespmem:$0x1FEB0];
	_ =	sdelay $0x1  }
0x259: {  	s16 =	simm.s32 $0x0;
	v0 =	vmul.f32 v0, v4  }
0x25a: {  	[tilespmem:v54+s31+$0x0] =	vst.idx.msk $0xffff, v1;
	v1 =	vmov s16  }
0x25b: {  	[tilespmem:v7+s31+$0x0] =	vst.idx.msk $0xffff, v0;
	v0 =	vor.u32 s16, v63;
	v51 =	vshll.u32 v1, $0x5  }
0x25c: {  	v1 =	vor.u32 s16, v11;
	[spmem:s2] =	stream.indirect.scatter.add.f32 [tilespmem:s31], [sflag:$0x3], $0x20, s23, s23, $0xb8;
	v3 =	vor.u32 v3, v51;
	[tilespmem:$0x1D840] =	vst v63  }
0x25d: {  	_ =	swait.ge [sflag:s11], $0x1000;
	v56 =	vor.u32 v2, v3  }
0x25e: {  	[sflag:s11] =	ssyncset.done $0x0;
	v3 =	vor.u32 v50, v3  }
0x25f: {  	v59 =	vld [tilespmem:$0x1FE80];
	[sflag:s11] =	ssyncadd.s32 $0xFFFFF000  }
0x260: {  	v0 =	vld.idx.msk [tilespmem:v0+s29+$0x0], $0xffff  }
0x261: {  	v1 =	vld.idx.msk [tilespmem:v1+s29+$0x0], $0xffff  }
0x262: {  	v57 =	vld.idx.msk [tilespmem:v56+s3+$0x0], $0xffff  }
0x263: {  	v58 =	vld.idx.msk [tilespmem:v3+s3+$0x0], $0xffff;
	_ =	sdelay $0x1  }
0x264: {  	v7 =	vor.u32 v59, v51  }
0x265: {  	v8 =	vor.u32 v50, v7  }
0x266: {  	v62 =	vor.u32 s16, v26;
	v1 =	vmul.f32 v57, v1  }
0x267: {  	v52 =	vor.u32 v2, v7;
	v0 =	vmul.f32 v58, v0  }
0x268: {  	v53 =	vor.u32 s16, v27;
	[tilespmem:v56+s3+$0x0] =	vst.idx.msk $0xffff, v1  }
0x269: {  	[tilespmem:v3+s3+$0x0] =	vst.idx.msk $0xffff, v0  }
0x26a: {  	v0 =	vld.idx.msk [tilespmem:v8+s3+$0x0], $0xffff  }
0x26b: {  	v1 =	vld.idx.msk [tilespmem:v62+s29+$0x0], $0xffff  }
0x26c: {  	v3 =	vld.idx.msk [tilespmem:v52+s3+$0x0], $0xffff  }
0x26d: {  	v4 =	vld.idx.msk [tilespmem:v53+s29+$0x0], $0xffff;
	_ =	sdelay $0x2  }
0x26e: {  	v55 =	vor.u32 s16, v29  }
0x26f: {  	v54 =	vor.u32 v25, v51;
	v56 =	vor.u32 s16, v28;
	v1 =	vmul.f32 v3, v1  }
0x270: {  	v3 =	vor.u32 v2, v54;
	v0 =	vmul.f32 v0, v4  }
0x271: {  	v5 =	vor.u32 v50, v54;
	[tilespmem:v52+s3+$0x0] =	vst.idx.msk $0xffff, v1  }
0x272: {  	v57 =	vld [tilespmem:$0x1FE70];
	[tilespmem:v8+s3+$0x0] =	vst.idx.msk $0xffff, v0  }
0x273: {  	v0 =	vld.idx.msk [tilespmem:v55+s29+$0x0], $0xffff  }
0x274: {  	v4 =	vld.idx.msk [tilespmem:v56+s29+$0x0], $0xffff  }
0x275: {  	v1 =	vld.idx.msk [tilespmem:v3+s3+$0x0], $0xffff  }
0x276: {  	v6 =	vld.idx.msk [tilespmem:v5+s3+$0x0], $0xffff;
	_ =	sdelay $0x1  }
0x277: {  	v7 =	vor.u32 v57, v51  }
0x278: {  	v8 =	vor.u32 v50, v7  }
0x279: {  	v58 =	vor.u32 v2, v7;
	v1 =	vmul.f32 v1, v4  }
0x27a: {  	v59 =	vor.u32 s16, v31;
	v0 =	vmul.f32 v6, v0  }
0x27b: {  	[tilespmem:v3+s3+$0x0] =	vst.idx.msk $0xffff, v1;
	v1 =	vor.u32 s16, v32  }
0x27c: {  	v62 =	vld [tilespmem:$0x1FE60];
	[tilespmem:v5+s3+$0x0] =	vst.idx.msk $0xffff, v0  }
0x27d: {  	v0 =	vld.idx.msk [tilespmem:v8+s3+$0x0], $0xffff  }
0x27e: {  	v3 =	vld.idx.msk [tilespmem:v58+s3+$0x0], $0xffff  }
0x27f: {  	v5 =	vld.idx.msk [tilespmem:v59+s29+$0x0], $0xffff  }
0x280: {  	v1 =	vld.idx.msk [tilespmem:v1+s29+$0x0], $0xffff;
	_ =	sdelay $0x2  }
0x281: {  	v27 =	vmovc v29;
	v29 =	vmov v32;
	v6 =	vor.u32 v62, v51;
	v32 =	vor.u32 s16, v16  }
0x282: {  	v52 =	vor.u32 v2, v6;
	v3 =	vmul.f32 v3, v5  }
0x283: {  	v0 =	vmul.f32 v0, v1;
	v1 =	vor.u32 s16, v30  }
0x284: {  	[tilespmem:v58+s3+$0x0] =	vst.idx.msk $0xffff, v3;
	v3 =	vor.u32 v50, v6  }
0x285: {  	[tilespmem:v8+s3+$0x0] =	vst.idx.msk $0xffff, v0  }
0x286: {  	v0 =	vld.idx.msk [tilespmem:v32+s29+$0x0], $0xffff  }
0x287: {  	v4 =	vld.idx.msk [tilespmem:v52+s3+$0x0], $0xffff  }
0x288: {  	v1 =	vld.idx.msk [tilespmem:v1+s29+$0x0], $0xffff  }
0x289: {  	v6 =	vld.idx.msk [tilespmem:v3+s3+$0x0], $0xffff;
	_ =	sdelay $0x2  }
0x28a: {  	v53 =	vor.u32 v12, v51;
	v8 =	vor.u32 s16, v33  }
0x28b: {  	v54 =	vor.u32 v2, v53;
	v1 =	vmul.f32 v4, v1  }
0x28c: {  	v55 =	vor.u32 s16, v34;
	v0 =	vmul.f32 v6, v0  }
0x28d: {  	[tilespmem:v52+s3+$0x0] =	vst.idx.msk $0xffff, v1;
	v1 =	vor.u32 v50, v53  }
0x28e: {  	[tilespmem:v3+s3+$0x0] =	vst.idx.msk $0xffff, v0  }
0x28f: {  	v0 =	vld.idx.msk [tilespmem:v8+s29+$0x0], $0xffff  }
0x290: {  	v3 =	vld.idx.msk [tilespmem:v54+s3+$0x0], $0xffff  }
0x291: {  	v5 =	vld.idx.msk [tilespmem:v55+s29+$0x0], $0xffff  }
0x292: {  	v56 =	vld.idx.msk [tilespmem:v1+s3+$0x0], $0xffff;
	_ =	sdelay $0x2  }
0x293: {  	v57 =	vor.u32 v24, v51;
	v8 =	vor.u32 s16, v35  }
0x294: {  	v58 =	vor.u32 v2, v57;
	v3 =	vmul.f32 v3, v5  }
0x295: {  	v59 =	vor.u32 s16, v36;
	v0 =	vmul.f32 v56, v0  }
0x296: {  	[tilespmem:v54+s3+$0x0] =	vst.idx.msk $0xffff, v3;
	v3 =	vor.u32 v50, v57  }
0x297: {  	[tilespmem:v1+s3+$0x0] =	vst.idx.msk $0xffff, v0  }
0x298: {  	v0 =	vld.idx.msk [tilespmem:v8+s29+$0x0], $0xffff  }
0x299: {  	v1 =	vld.idx.msk [tilespmem:v58+s3+$0x0], $0xffff  }
0x29a: {  	v4 =	vld.idx.msk [tilespmem:v59+s29+$0x0], $0xffff  }
0x29b: {  	v62 =	vld.idx.msk [tilespmem:v3+s3+$0x0], $0xffff;
	_ =	sdelay $0x1  }
0x29c: {  	v32 =	vmov v34;
	v34 =	vmov v36;
	v36 =	vor.u32 v22, v51  }
0x29d: {  	v8 =	vor.u32 v50, v36  }
0x29e: {  	v52 =	vor.u32 v2, v36;
	v1 =	vmul.f32 v1, v4  }
0x29f: {  	v53 =	vor.u32 s16, v17;
	v0 =	vmul.f32 v62, v0  }
0x2a0: {  	[tilespmem:v58+s3+$0x0] =	vst.idx.msk $0xffff, v1;
	v1 =	vor.u32 s16, v38  }
0x2a1: {  	v54 =	vld [tilespmem:$0x1FE50];
	[tilespmem:v3+s3+$0x0] =	vst.idx.msk $0xffff, v0  }
0x2a2: {  	v0 =	vld.idx.msk [tilespmem:v8+s3+$0x0], $0xffff  }
0x2a3: {  	v3 =	vld.idx.msk [tilespmem:v52+s3+$0x0], $0xffff  }
0x2a4: {  	v5 =	vld.idx.msk [tilespmem:v53+s29+$0x0], $0xffff  }
0x2a5: {  	v1 =	vld.idx.msk [tilespmem:v1+s29+$0x0], $0xffff;
	_ =	sdelay $0x2  }
0x2a6: {  	v55 =	vor.u32 s16, v15;
	v6 =	vor.u32 v54, v51  }
0x2a7: {  	v56 =	vor.u32 v2, v6;
	v3 =	vmul.f32 v3, v5  }
0x2a8: {  	v0 =	vmul.f32 v0, v1;
	v1 =	vor.u32 s16, v39  }
0x2a9: {  	[tilespmem:v52+s3+$0x0] =	vst.idx.msk $0xffff, v3;
	v3 =	vor.u32 v50, v6  }
0x2aa: {  	v11 =	vld [tilespmem:$0x1FD80];
	[tilespmem:v8+s3+$0x0] =	vst.idx.msk $0xffff, v0  }
0x2ab: {  	v0 =	vld.idx.msk [tilespmem:v55+s29+$0x0], $0xffff  }
0x2ac: {  	v4 =	vld.idx.msk [tilespmem:v56+s3+$0x0], $0xffff  }
0x2ad: {  	v1 =	vld.idx.msk [tilespmem:v1+s29+$0x0], $0xffff  }
0x2ae: {  	v6 =	vld.idx.msk [tilespmem:v3+s3+$0x0], $0xffff;
	_ =	sdelay $0x2  }
0x2af: {  	v57 =	vor.u32 v11, v51;
	v8 =	vor.u32 s16, v41  }
0x2b0: {  	v58 =	vor.u32 v2, v57;
	v1 =	vmul.f32 v4, v1  }
0x2b1: {  	v59 =	vor.u32 s16, v40;
	v0 =	vmul.f32 v6, v0  }
0x2b2: {  	[tilespmem:v56+s3+$0x0] =	vst.idx.msk $0xffff, v1;
	v1 =	vor.u32 v50, v57  }
0x2b3: {  	[tilespmem:v3+s3+$0x0] =	vst.idx.msk $0xffff, v0  }
0x2b4: {  	v0 =	vld.idx.msk [tilespmem:v8+s29+$0x0], $0xffff  }
0x2b5: {  	v3 =	vld.idx.msk [tilespmem:v58+s3+$0x0], $0xffff  }
0x2b6: {  	v5 =	vld.idx.msk [tilespmem:v59+s29+$0x0], $0xffff  }
0x2b7: {  	v62 =	vld.idx.msk [tilespmem:v1+s3+$0x0], $0xffff;
	_ =	sdelay $0x1  }
0x2b8: {  	v26 =	vmov v28;
	v28 =	vmov v31  }
0x2b9: {  	v31 =	vmovc v16;
	v16 =	vmovc v38;
	v38 =	vmov v39;
	v39 =	vor.u32 v21, v51;
	v8 =	vor.u32 s16, v43  }
0x2ba: {  	v43 =	vor.u32 v2, v39;
	v3 =	vmul.f32 v3, v5  }
0x2bb: {  	v52 =	vor.u32 s16, v42;
	v0 =	vmul.f32 v62, v0  }
0x2bc: {  	[tilespmem:v58+s3+$0x0] =	vst.idx.msk $0xffff, v3;
	v3 =	vor.u32 v50, v39  }
0x2bd: {  	[tilespmem:v1+s3+$0x0] =	vst.idx.msk $0xffff, v0  }
0x2be: {  	v0 =	vld.idx.msk [tilespmem:v8+s29+$0x0], $0xffff  }
0x2bf: {  	v1 =	vld.idx.msk [tilespmem:v43+s3+$0x0], $0xffff  }
0x2c0: {  	v4 =	vld.idx.msk [tilespmem:v52+s29+$0x0], $0xffff  }
0x2c1: {  	v53 =	vld.idx.msk [tilespmem:v3+s3+$0x0], $0xffff;
	_ =	sdelay $0x1  }
0x2c2: {  	v54 =	vor.u32 v20, v51  }
0x2c3: {  	v8 =	vor.u32 v50, v54  }
0x2c4: {  	v55 =	vor.u32 v2, v54;
	v1 =	vmul.f32 v1, v4  }
0x2c5: {  	v56 =	vor.u32 s16, v14;
	v0 =	vmul.f32 v53, v0  }
0x2c6: {  	[tilespmem:v43+s3+$0x0] =	vst.idx.msk $0xffff, v1;
	v1 =	vor.u32 s16, v9  }
0x2c7: {  	[tilespmem:v3+s3+$0x0] =	vst.idx.msk $0xffff, v0  }
0x2c8: {  	v0 =	vld.idx.msk [tilespmem:v8+s3+$0x0], $0xffff  }
0x2c9: {  	v3 =	vld.idx.msk [tilespmem:v55+s3+$0x0], $0xffff  }
0x2ca: {  	v5 =	vld.idx.msk [tilespmem:v56+s29+$0x0], $0xffff  }
0x2cb: {  	v1 =	vld.idx.msk [tilespmem:v1+s29+$0x0], $0xffff;
	_ =	sdelay $0x2  }
0x2cc: {  	v57 =	vor.u32 v19, v51;
	v62 =	vor.u32 s16, v45  }
0x2cd: {  	v25 =	vld [tilespmem:$0x1FED0];
	v39 =	vor.u32 v2, v57;
	v3 =	vmul.f32 v3, v5  }
0x2ce: {  	v24 =	vld [tilespmem:$0x1FEC0];
	v0 =	vmul.f32 v0, v1;
	v1 =	vor.u32 s16, v10  }
0x2cf: {  	v22 =	vld [tilespmem:$0x1FEF0];
	[tilespmem:v55+s3+$0x0] =	vst.idx.msk $0xffff, v3;
	v3 =	vor.u32 v50, v57  }
0x2d0: {  	v36 =	vmov v17;
	v17 =	vmov v15;
	v15 =	vld [tilespmem:$0x1FEA0];
	[tilespmem:v8+s3+$0x0] =	vst.idx.msk $0xffff, v0  }
0x2d1: {  	v0 =	vld.idx.msk [tilespmem:v62+s29+$0x0], $0xffff  }
0x2d2: {  	v4 =	vld.idx.msk [tilespmem:v39+s3+$0x0], $0xffff  }
0x2d3: {  	v1 =	vld.idx.msk [tilespmem:v1+s29+$0x0], $0xffff  }
0x2d4: {  	v6 =	vld.idx.msk [tilespmem:v3+s3+$0x0], $0xffff  }
0x2d5: {  	v12 =	vmov v21;
	v21 =	vld [tilespmem:$0x1FFE0]  }
0x2d6: {  	v14 =	vld [tilespmem:$0x1FE90]  }
0x2d7: {  	v59 =	vmov v20;
	v20 =	vld [tilespmem:$0x1FFF0];
	v43 =	vor.u32 v18, v51;
	v8 =	vor.u32 s16, v13  }
0x2d8: {  	v58 =	vmovc v19;
	v19 =	vmov v12;
	v12 =	vld [tilespmem:$0x1FD90];
	v54 =	vor.u32 v2, v43;
	v1 =	vmul.f32 v4, v1  }
0x2d9: {  	v45 =	vor.u32 s16, v37;
	v53 =	vor.u32 v50, v43;
	v43 =	vld [tilespmem:$0x1FE80];
	v0 =	vmul.f32 v6, v0  }
0x2da: {  	v13 =	vld [tilespmem:$0x1FFA0];
	[tilespmem:v39+s3+$0x0] =	vst.idx.msk $0xffff, v1  }
0x2db: {  	v39 =	vmov v17;
	v17 =	vmov v58;
	v58 =	vld [tilespmem:$0x1FEB0];
	[tilespmem:v3+s3+$0x0] =	vst.idx.msk $0xffff, v0  }
0x2dc: {  	v55 =	vld.idx.msk [tilespmem:v8+s29+$0x0], $0xffff  }
0x2dd: {  	v37 =	vmov v16;
	v62 =	vmov v18;
	v56 =	vld.idx.msk [tilespmem:v54+s3+$0x0], $0xffff  }
0x2de: {  	s17 =	simm.s32 $0x10;
	v52 =	vor.u32 v15, v51;
	v51 =	vor.u32 v14, v51;
	v18 =	vmovc v59;
	v16 =	vmov v62;
	v57 =	vld.idx.msk [tilespmem:v45+s29+$0x0], $0xffff  }
.LBB2_9:
0x2df: {  	_ =	sdelay $0x3  }
0x2e0: {  	v0 =	vld.idx.msk [tilespmem:v53+s3+$0x0], $0xffff;
	_ =	sdelay $0x2  }
0x2e1: {  	v1 =	vor.u32 s16, v44  }
0x2e2: {  	v4 =	vor.u32 v2, v52;
	v3 =	vmul.f32 v56, v57  }
0x2e3: {  	v5 =	vor.u32 s16, v23;
	v0 =	vmul.f32 v0, v55  }
0x2e4: {  	[tilespmem:v54+s3+$0x0] =	vst.idx.msk $0xffff, v3;
	v3 =	vor.u32 v50, v52  }
0x2e5: {  	[tilespmem:v53+s3+$0x0] =	vst.idx.msk $0xffff, v0  }
0x2e6: {  	v0 =	vld.idx.msk [tilespmem:v1+s29+$0x0], $0xffff  }
0x2e7: {  	v1 =	vld.idx.msk [tilespmem:v4+s3+$0x0], $0xffff  }
0x2e8: {  	v5 =	vld.idx.msk [tilespmem:v5+s29+$0x0], $0xffff  }
0x2e9: {  	v6 =	vld.idx.msk [tilespmem:v3+s3+$0x0], $0xffff;
	_ =	sdelay $0x2  }
0x2ea: {  	v7 =	vor.u32 v50, v51  }
0x2eb: {  	v55 =	vor.u32 v2, v51;
	v1 =	vmul.f32 v1, v5  }
0x2ec: {  	v8 =	vor.u32 s16, v61;
	v0 =	vmul.f32 v6, v0  }
0x2ed: {  	v56 =	vor.u32 s16, v60;
	[tilespmem:v4+s3+$0x0] =	vst.idx.msk $0xffff, v1  }
0x2ee: {  	[tilespmem:v3+s3+$0x0] =	vst.idx.msk $0xffff, v0  }
0x2ef: {  	v0 =	vld.idx.msk [tilespmem:v7+s3+$0x0], $0xffff  }
0x2f0: {  	v1 =	vld.idx.msk [tilespmem:v55+s3+$0x0], $0xffff  }
0x2f1: {  	v3 =	vld.idx.msk [tilespmem:v8+s29+$0x0], $0xffff  }
0x2f2: {  	v4 =	vld.idx.msk [tilespmem:v56+s29+$0x0], $0xffff  }
0x2f3: {  	s25 =	smov.u32 s17  }
0x2f4: {  	s16 =	smov.u32 s25  }
0x2f5: {  	v57 =	vmov s16  }
0x2f6: {  	v9 =	vld [tilespmem:$0x1FE70];
	v59 =	vor.u32 s16, v63;
	v6 =	vshll.u32 v57, $0x5  }
0x2f7: {  	v10 =	vld [tilespmem:$0x1FE60];
	v0 =	vmul.f32 v0, v3;
	v3 =	vor.u32 v58, v6;
	v1 =	vmul.f32 v1, v4  }
0x2f8: {  	v4 =	vor.u32 v2, v3  }
0x2f9: {  	v8 =	vor.u32 s16, v13;
	[tilespmem:v55+s3+$0x0] =	vst.idx.msk $0xffff, v1;
	v1 =	vld [tilespmem:$0x1FE50]  }
0x2fa: {  	v62 =	vor.u32 v43, v6;
	v3 =	vor.u32 v50, v3  }
0x2fb: {  	v45 =	vmov v58;
	v63 =	vor.u32 v22, v6;
	v9 =	vor.u32 v9, v6;
	[tilespmem:v7+s3+$0x0] =	vst.idx.msk $0xffff, v0  }
0x2fc: {  	v10 =	vor.u32 v10, v6;
	v61 =	vor.u32 v12, v6;
	v60 =	vor.u32 v21, v6;
	v0 =	vld.idx.msk [tilespmem:v59+s29+$0x0], $0xffff  }
0x2fd: {  	v57 =	vor.u32 v11, v6;
	v54 =	vor.u32 v17, v6;
	v53 =	vor.u32 v16, v6;
	v5 =	vld.idx.msk [tilespmem:v4+s3+$0x0], $0xffff  }
0x2fe: {  	v52 =	vor.u32 v15, v6;
	v51 =	vor.u32 v14, v6;
	v58 =	vor.u32 v1, v6;
	v1 =	vld.idx.msk [tilespmem:v8+s29+$0x0], $0xffff  }
0x2ff: {  	v56 =	vor.u32 v19, v6;
	v55 =	vor.u32 v18, v6;
	v59 =	vor.u32 v20, v6;
	v6 =	vld.idx.msk [tilespmem:v3+s3+$0x0], $0xffff;
	_ =	sdelay $0x2  }
0x300: {  	v7 =	vor.u32 v50, v62  }
0x301: {  	v8 =	vor.u32 v2, v62;
	v1 =	vmul.f32 v5, v1  }
0x302: {  	v5 =	vor.u32 s16, v25;
	v0 =	vmul.f32 v6, v0  }
0x303: {  	v6 =	vor.u32 s16, v24;
	[tilespmem:v4+s3+$0x0] =	vst.idx.msk $0xffff, v1  }
0x304: {  	[tilespmem:v3+s3+$0x0] =	vst.idx.msk $0xffff, v0  }
0x305: {  	v0 =	vld.idx.msk [tilespmem:v7+s3+$0x0], $0xffff  }
0x306: {  	v4 =	vld.idx.msk [tilespmem:v8+s3+$0x0], $0xffff  }
0x307: {  	v1 =	vld.idx.msk [tilespmem:v5+s29+$0x0], $0xffff  }
0x308: {  	v3 =	vld.idx.msk [tilespmem:v6+s29+$0x0], $0xffff;
	_ =	sdelay $0x3  }
0x309: {  	v5 =	vor.u32 v50, v63  }
0x30a: {  	v0 =	vmul.f32 v0, v1;
	v1 =	vor.u32 s16, v27;
	v3 =	vmul.f32 v4, v3  }
0x30b: {  	v4 =	vor.u32 v2, v63  }
0x30c: {  	[tilespmem:v8+s3+$0x0] =	vst.idx.msk $0xffff, v3;
	v3 =	vor.u32 s16, v26  }
0x30d: {  	[tilespmem:v7+s3+$0x0] =	vst.idx.msk $0xffff, v0  }
0x30e: {  	v62 =	vld.idx.msk [tilespmem:v5+s3+$0x0], $0xffff  }
0x30f: {  	v0 =	vld.idx.msk [tilespmem:v1+s29+$0x0], $0xffff  }
0x310: {  	v1 =	vld.idx.msk [tilespmem:v4+s3+$0x0], $0xffff  }
0x311: {  	v3 =	vld.idx.msk [tilespmem:v3+s29+$0x0], $0xffff;
	_ =	sdelay $0x3  }
0x312: {  	v6 =	vor.u32 v50, v9  }
0x313: {  	v0 =	vmul.f32 v62, v0;
	v62 =	vor.u32 s16, v28;
	v1 =	vmul.f32 v1, v3  }
0x314: {  	v3 =	vor.u32 v2, v9  }
0x315: {  	[tilespmem:v4+s3+$0x0] =	vst.idx.msk $0xffff, v1;
	v1 =	vor.u32 s16, v29  }
0x316: {  	[tilespmem:v5+s3+$0x0] =	vst.idx.msk $0xffff, v0  }
0x317: {  	v0 =	vld.idx.msk [tilespmem:v6+s3+$0x0], $0xffff  }
0x318: {  	v5 =	vld.idx.msk [tilespmem:v62+s29+$0x0], $0xffff  }
0x319: {  	v4 =	vld.idx.msk [tilespmem:v3+s3+$0x0], $0xffff  }
0x31a: {  	v1 =	vld.idx.msk [tilespmem:v1+s29+$0x0], $0xffff;
	_ =	sdelay $0x2  }
0x31b: {  	v7 =	vor.u32 s16, v31  }
0x31c: {  	v62 =	vor.u32 v2, v10;
	v4 =	vmul.f32 v4, v5  }
0x31d: {  	v0 =	vmul.f32 v0, v1;
	v1 =	vor.u32 s16, v30  }
0x31e: {  	[tilespmem:v3+s3+$0x0] =	vst.idx.msk $0xffff, v4;
	v3 =	vor.u32 v50, v10  }
0x31f: {  	[tilespmem:v6+s3+$0x0] =	vst.idx.msk $0xffff, v0  }
0x320: {  	v0 =	vld.idx.msk [tilespmem:v7+s29+$0x0], $0xffff  }
0x321: {  	v4 =	vld.idx.msk [tilespmem:v62+s3+$0x0], $0xffff  }
0x322: {  	v1 =	vld.idx.msk [tilespmem:v1+s29+$0x0], $0xffff  }
0x323: {  	v6 =	vld.idx.msk [tilespmem:v3+s3+$0x0], $0xffff;
	_ =	sdelay $0x2  }
0x324: {  	v7 =	vor.u32 s16, v33  }
0x325: {  	v1 =	vmul.f32 v4, v1;
	v4 =	vor.u32 v2, v61  }
0x326: {  	v0 =	vmul.f32 v6, v0;
	v6 =	vor.u32 s16, v32  }
0x327: {  	[tilespmem:v62+s3+$0x0] =	vst.idx.msk $0xffff, v1;
	v1 =	vor.u32 v50, v61  }
0x328: {  	[tilespmem:v3+s3+$0x0] =	vst.idx.msk $0xffff, v0  }
0x329: {  	v0 =	vld.idx.msk [tilespmem:v7+s29+$0x0], $0xffff  }
0x32a: {  	v3 =	vld.idx.msk [tilespmem:v4+s3+$0x0], $0xffff  }
0x32b: {  	v5 =	vld.idx.msk [tilespmem:v6+s29+$0x0], $0xffff  }
0x32c: {  	v62 =	vld.idx.msk [tilespmem:v1+s3+$0x0], $0xffff;
	_ =	sdelay $0x2  }
0x32d: {  	v7 =	vor.u32 s16, v35  }
0x32e: {  	v3 =	vmul.f32 v3, v5;
	v5 =	vor.u32 v2, v60  }
0x32f: {  	v6 =	vor.u32 s16, v34;
	v0 =	vmul.f32 v62, v0  }
0x330: {  	[tilespmem:v4+s3+$0x0] =	vst.idx.msk $0xffff, v3;
	v3 =	vor.u32 v50, v60  }
0x331: {  	[tilespmem:v1+s3+$0x0] =	vst.idx.msk $0xffff, v0  }
0x332: {  	v0 =	vld.idx.msk [tilespmem:v7+s29+$0x0], $0xffff  }
0x333: {  	v1 =	vld.idx.msk [tilespmem:v5+s3+$0x0], $0xffff  }
0x334: {  	v4 =	vld.idx.msk [tilespmem:v6+s29+$0x0], $0xffff  }
0x335: {  	v62 =	vld.idx.msk [tilespmem:v3+s3+$0x0], $0xffff;
	_ =	sdelay $0x2  }
0x336: {  	v7 =	vor.u32 v50, v59  }
0x337: {  	v1 =	vmul.f32 v1, v4;
	v4 =	vor.u32 v2, v59  }
0x338: {  	v59 =	vor.u32 s16, v36;
	v0 =	vmul.f32 v62, v0  }
0x339: {  	[tilespmem:v5+s3+$0x0] =	vst.idx.msk $0xffff, v1;
	v1 =	vor.u32 s16, v37  }
0x33a: {  	[tilespmem:v3+s3+$0x0] =	vst.idx.msk $0xffff, v0  }
0x33b: {  	v0 =	vld.idx.msk [tilespmem:v7+s3+$0x0], $0xffff  }
0x33c: {  	v3 =	vld.idx.msk [tilespmem:v4+s3+$0x0], $0xffff  }
0x33d: {  	v5 =	vld.idx.msk [tilespmem:v59+s29+$0x0], $0xffff  }
0x33e: {  	v1 =	vld.idx.msk [tilespmem:v1+s29+$0x0], $0xffff;
	_ =	sdelay $0x2  }
0x33f: {  	v62 =	vor.u32 s16, v39  }
0x340: {  	v3 =	vmul.f32 v3, v5;
	v5 =	vor.u32 v2, v58  }
0x341: {  	v0 =	vmul.f32 v0, v1;
	v1 =	vor.u32 s16, v38  }
0x342: {  	[tilespmem:v4+s3+$0x0] =	vst.idx.msk $0xffff, v3;
	v3 =	vor.u32 v50, v58  }
0x343: {  	[tilespmem:v7+s3+$0x0] =	vst.idx.msk $0xffff, v0  }
0x344: {  	v0 =	vld.idx.msk [tilespmem:v62+s29+$0x0], $0xffff  }
0x345: {  	v4 =	vld.idx.msk [tilespmem:v5+s3+$0x0], $0xffff  }
0x346: {  	v1 =	vld.idx.msk [tilespmem:v1+s29+$0x0], $0xffff  }
0x347: {  	v62 =	vld.idx.msk [tilespmem:v3+s3+$0x0], $0xffff;
	_ =	sdelay $0x3  }
0x348: {  	v1 =	vmul.f32 v4, v1;
	v4 =	vor.u32 v2, v57  }
0x349: {  	v0 =	vmul.f32 v62, v0;
	v62 =	vor.u32 s16, v40  }
0x34a: {  	v59 =	vor.u32 s16, v41  }
0x34b: {  	[tilespmem:v5+s3+$0x0] =	vst.idx.msk $0xffff, v1;
	v1 =	vor.u32 v50, v57  }
0x34c: {  	[tilespmem:v3+s3+$0x0] =	vst.idx.msk $0xffff, v0  }
0x34d: {  	v3 =	vld.idx.msk [tilespmem:v4+s3+$0x0], $0xffff  }
0x34e: {  	v5 =	vld.idx.msk [tilespmem:v62+s29+$0x0], $0xffff  }
0x34f: {  	v0 =	vld.idx.msk [tilespmem:v59+s29+$0x0], $0xffff  }
0x350: {  	v57 =	vld.idx.msk [tilespmem:v1+s3+$0x0], $0xffff;
	_ =	sdelay $0x2  }
0x351: {  	v3 =	vmul.f32 v3, v5;
	v5 =	vor.u32 v2, v56  }
0x352: {  	v59 =	vld [tilespmem:$0x1FF90];
	v62 =	vor.u32 s16, v42  }
0x353: {  	v0 =	vmul.f32 v57, v0  }
0x354: {  	[tilespmem:v4+s3+$0x0] =	vst.idx.msk $0xffff, v3  }
0x355: {  	[tilespmem:v1+s3+$0x0] =	vst.idx.msk $0xffff, v0  }
0x356: {  	v1 =	vld.idx.msk [tilespmem:v5+s3+$0x0], $0xffff  }
0x357: {  	v7 =	vor.u32 s16, v59;
	v4 =	vld.idx.msk [tilespmem:v62+s29+$0x0], $0xffff  }
0x358: {  	v3 =	vor.u32 v50, v56;
	_ =	sdelay $0x3  }
0x359: {  	v0 =	vld.idx.msk [tilespmem:v7+s29+$0x0], $0xffff;
	v1 =	vmul.f32 v1, v4  }
0x35a: {  	v57 =	vld.idx.msk [tilespmem:v3+s3+$0x0], $0xffff  }
0x35b: {  	[tilespmem:v5+s3+$0x0] =	vst.idx.msk $0xffff, v1;
	v1 =	vld [tilespmem:$0x1FF70];
	_ =	sdelay $0x3  }
0x35c: {  	v59 =	vor.u32 v50, v55;
	v62 =	vor.u32 v2, v55;
	v55 =	vld [tilespmem:$0x1FF80]  }
0x35d: {  	v1 =	vor.u32 s16, v1  }
0x35e: {  	v0 =	vmul.f32 v57, v0;
	_ =	sdelay $0x1  }
0x35f: {  	[tilespmem:v3+s3+$0x0] =	vst.idx.msk $0xffff, v0  }
0x360: {  	v6 =	vor.u32 s16, v55;
	v0 =	vld.idx.msk [tilespmem:v59+s3+$0x0], $0xffff  }
0x361: {  	v1 =	vld.idx.msk [tilespmem:v1+s29+$0x0], $0xffff;
	_ =	sdelay $0x1  }
0x362: {  	v56 =	vld [tilespmem:$0x1FF50]  }
0x363: {  	v3 =	vld.idx.msk [tilespmem:v62+s3+$0x0], $0xffff  }
0x364: {  	v5 =	vld.idx.msk [tilespmem:v6+s29+$0x0], $0xffff  }
0x365: {  	v0 =	vmul.f32 v0, v1;
	v1 =	vld [tilespmem:$0x1FF60];
	_ =	sdelay $0x2  }
0x366: {  	v6 =	vor.u32 s16, v56  }
0x367: {  	v3 =	vmul.f32 v3, v5;
	v5 =	vor.u32 v2, v54  }
0x368: {  	v1 =	vor.u32 s16, v1  }
0x369: {  	[tilespmem:v62+s3+$0x0] =	vst.idx.msk $0xffff, v3;
	v3 =	vor.u32 v50, v54;
	v62 =	vld [tilespmem:$0x1FF40]  }
0x36a: {  	[tilespmem:v59+s3+$0x0] =	vst.idx.msk $0xffff, v0;
	v59 =	vld [tilespmem:$0x1FF30]  }
0x36b: {  	v0 =	vld.idx.msk [tilespmem:v6+s29+$0x0], $0xffff  }
0x36c: {  	v4 =	vld.idx.msk [tilespmem:v5+s3+$0x0], $0xffff  }
0x36d: {  	v1 =	vld.idx.msk [tilespmem:v1+s29+$0x0], $0xffff  }
0x36e: {  	v57 =	vld.idx.msk [tilespmem:v3+s3+$0x0], $0xffff;
	_ =	sdelay $0x2  }
0x36f: {  	v7 =	vor.u32 s16, v59  }
0x370: {  	v54 =	vor.u32 v2, v53;
	v1 =	vmul.f32 v4, v1  }
0x371: {  	p1 =	sne.s32 s17, $0x70;
	v0 =	vmul.f32 v57, v0;
	v4 =	vor.u32 s16, v62  }
.Ltmp5:
0x372: {  	[tilespmem:v5+s3+$0x0] =	vst.idx.msk $0xffff, v1;
	(pc) =	sbr.rel @p1 .LBB2_9-.Ltmp5, $4  }
0x373: {  	[tilespmem:v3+s3+$0x0] =	vst.idx.msk $0xffff, v0  }
0x374: {  	v55 =	vld.idx.msk [tilespmem:v7+s29+$0x0], $0xffff  }
0x375: {  	v44 =	vmov v49;
	v56 =	vld.idx.msk [tilespmem:v54+s3+$0x0], $0xffff  }
0x376: {  	s17 =	sadd.s32 $0x10, s17;
	v63 =	vmovc v46;
	v61 =	vmovc v47;
	v60 =	vmov v48;
	v58 =	vmov v45;
	v53 =	vor.u32 v50, v53;
	v57 =	vld.idx.msk [tilespmem:v4+s29+$0x0], $0xffff  }
0x377: {  	_ =	sdelay $0x3  }
0x378: {  	v0 =	vld.idx.msk [tilespmem:v53+s3+$0x0], $0xffff;
	_ =	sdelay $0x2  }
0x379: {  	v1 =	vor.u32 s16, v44  }
0x37a: {  	v4 =	vor.u32 v2, v52;
	v3 =	vmul.f32 v56, v57  }
0x37b: {  	v5 =	vor.u32 s16, v23;
	v0 =	vmul.f32 v0, v55  }
0x37c: {  	[tilespmem:v54+s3+$0x0] =	vst.idx.msk $0xffff, v3;
	v3 =	vor.u32 v50, v52  }
0x37d: {  	[tilespmem:v53+s3+$0x0] =	vst.idx.msk $0xffff, v0  }
0x37e: {  	v0 =	vld.idx.msk [tilespmem:v1+s29+$0x0], $0xffff  }
0x37f: {  	v1 =	vld.idx.msk [tilespmem:v4+s3+$0x0], $0xffff  }
0x380: {  	v5 =	vld.idx.msk [tilespmem:v5+s29+$0x0], $0xffff  }
0x381: {  	v6 =	vld.idx.msk [tilespmem:v3+s3+$0x0], $0xffff;
	_ =	sdelay $0x2  }
0x382: {  	v7 =	vor.u32 v50, v51  }
0x383: {  	v1 =	vmul.f32 v1, v5;
	v5 =	vor.u32 v2, v51  }
0x384: {  	v0 =	vmul.f32 v6, v0;
	v6 =	vor.u32 s16, v60  }
0x385: {  	v8 =	vor.u32 s16, v61;
	[tilespmem:v4+s3+$0x0] =	vst.idx.msk $0xffff, v1  }
0x386: {  	[tilespmem:v3+s3+$0x0] =	vst.idx.msk $0xffff, v0  }
0x387: {  	v0 =	vld.idx.msk [tilespmem:v7+s3+$0x0], $0xffff  }
0x388: {  	v1 =	vld.idx.msk [tilespmem:v5+s3+$0x0], $0xffff  }
0x389: {  	v3 =	vld.idx.msk [tilespmem:v6+s29+$0x0], $0xffff  }
0x38a: {  	v4 =	vld.idx.msk [tilespmem:v8+s29+$0x0], $0xffff;
	_ =	sdelay $0x3  }
0x38b: {  	v1 =	vmul.f32 v1, v3  }
0x38c: {  	s16 =	sshll.u32 s15, $0x1;
	v0 =	vmul.f32 v0, v4  }
0x38d: {  	s17 =	sadd.s32 s8, s16;
	p1 =	sge.u32 s16, s18;
	[tilespmem:v5+s3+$0x0] =	vst.idx.msk $0xffff, v1  }
0x38e: {  	s4 =	simm.s32 $0x2180;
	s25 =	sadd.s32 @!p1 $0x2, s17;
	[tilespmem:v7+s3+$0x0] =	vst.idx.msk $0xffff, v0  }
0x38f: {  	[spmem:s2] =	stream.indirect.scatter.add.f32 [tilespmem:s3], [sflag:$0x6], $0x20, s4, s23, $0xb8;
	[tilespmem:$0x1D840] =	vst v63  }
0x390: {  	s4 =	sshll.u32 @!p1 s25, $0x4;
	_ =	swait.ge [sflag:s12], $0x1000  }
0x391: {  	s4 =	sand.u32 @!p1 $0x1FFFFFF0, s4;
	[sflag:s12] =	ssyncset.done $0x0  }
0x392: {  	s28 =	simm.s32 @!p1 $0x0;
	s26 =	sadd.s32 @!p1 s5, s4;
	[sflag:s12] =	ssyncadd.s32 $0xFFFFF000  }
0x393: {  	[tilespmem:s28], [sflag:$0x1] =	stream.linear.gather @!p1 [hbm4b:s26+s28], $0x80, $0x38;
	[tilespmem:$0x1D840] =	vst v63  }
0x394: {  	s4 =	sadd.s32 @!p1 s0, s4;
	s26 =	simm.s32 @!p1 $0x80  }
0x395: {  	[tilespmem:s26], [sflag:$0x1] =	stream.linear.gather @!p1 [hbm4b:s4+s28], $0x80, $0x38;
	[tilespmem:$0x1D840] =	vst v63  }
0x396: {  	s4 =	sshll.u32 @!p1 s25, $0x9  }
0x397: {  	s4 =	sand.u32 @!p1 $0x1FFFFE00, s4  }
0x398: {  	s25 =	simm.s32 @!p1 $0x100;
	s4 =	sadd.s32 @!p1 s7, s4  }
0x399: {  	[tilespmem:s25], [sflag:$0x1] =	stream.linear.gather @!p1 [hbm4b:s4+s28], $0x1000, $0x38;
	[tilespmem:$0x1D840] =	vst v63  }
0x39a: {  	p1 =	sge.u32 s16, s19  }
0x39b: {  	s4 =	sadd.s32 @!p1 $0x3, s17  }
0x39c: {  	_ =	swait.ge [sflag:s13], $0x1000;
	s25 =	simm.s32 @!p1 $0x0;
	s16 =	sshll.u32 @!p1 s4, $0x4  }
0x39d: {  	s26 =	simm.s32 @!p1 $0x2100;
	[sflag:s13] =	ssyncset.done $0x0;
	s16 =	sand.u32 @!p1 $0x1FFFFFF0, s16  }
0x39e: {  	s4 =	sshll.u32 @!p1 s4, $0x9;
	[sflag:s13] =	ssyncadd.s32 $0xFFFFF000;
	s17 =	sadd.s32 @!p1 s5, s16  }
0x39f: {  	[tilespmem:s26], [sflag:$0x4] =	stream.linear.gather @!p1 [hbm4b:s17+s25], $0x80, $0x38;
	[tilespmem:$0x1D840] =	vst v63  }
0x3a0: {  	v7 =	vld [tilespmem:$0x1FF90];
	s4 =	sand.u32 @!p1 $0x1FFFFE00, s4;
	s16 =	sadd.s32 @!p1 s0, s16;
	s17 =	simm.s32 @!p1 $0x2180  }
0x3a1: {  	v5 =	vld [tilespmem:$0x1FF80];
	[tilespmem:s17], [sflag:$0x4] =	stream.linear.gather @!p1 [hbm4b:s16+s25], $0x80, $0x38  }
0x3a2: {  	s15 =	sadd.s32 $0x1, s15;
	v9 =	vld [tilespmem:$0x1FF70];
	s4 =	sadd.s32 @!p1 s7, s4;
	s16 =	simm.s32 @!p1 $0x2200  }
0x3a3: {  	v10 =	vld [tilespmem:$0x1FF60];
	[tilespmem:s16], [sflag:$0x4] =	stream.linear.gather @!p1 [hbm4b:s4+s25], $0x1000, $0x38  }
0x3a4: {  	v4 =	vld [tilespmem:$0x1FF50];
	p1 =	sne.s32 s15, s9  }
.Ltmp6:
0x3a5: {  	v6 =	vld [tilespmem:$0x1FF40];
	(pc) =	sbr.rel @p1 .LBB2_6-.Ltmp6, $4  }
0x3a6: {  	v11 =	vmovc v15;
	v23 =	vmov v43;
	v43 =	vmov v24;
	v0 =	vmov v19;
	v8 =	vld [tilespmem:$0x1FF30]  }
0x3a7: {  	v15 =	vmovc v39;
	v19 =	vmovc v16;
	v16 =	vmov v30;
	v30 =	vmov v34;
	v1 =	vmov v20;
	v34 =	vld [tilespmem:$0x1FE50]  }
0x3a8: {  	v62 =	vmovc v42;
	v3 =	vmovc v22;
	v20 =	vmov v17;
	v22 =	vmov v0;
	v24 =	vmov v1;
	v1 =	vld [tilespmem:$0x1FE60]  }
0x3a9: {  	v17 =	vmovc v35;
	v35 =	vmovc v37;
	v37 =	vmov v41;
	v0 =	vmov v25;
	v25 =	vmov v3;
	v3 =	vld [tilespmem:$0x1FE70]  }
.Ltmp7:
0x3aa: {  	(pc) =	sbr.rel @p0 .LBB2_15-.Ltmp7, $2  }
0x3ab: {  	_ =	sdelay $0x2  }
0x3ac: {  	v55 =	vmov v27;
	v27 =	vmov v0;
	s16 =	rddreg [dreg:$0x4]  }
0x3ad: {  	_ =	swait.ge [sflag:s30], $0x80  }
0x3ae: {  	[sflag:s30] =	ssyncset.done $0x0  }
0x3af: {  	[sflag:s30] =	ssyncadd.s32 $0xFFFFFF80  }
0x3b0: {  	_ =	swait.ge [sflag:s30], $0x80  }
0x3b1: {  	[sflag:s30] =	ssyncset.done $0x0  }
0x3b2: {  	[sflag:s30] =	ssyncadd.s32 $0xFFFFFF80  }
0x3b3: {  	s14 =	simm.s32 $0x0;
	_ =	swait.ge [sflag:s30], $0x1000  }
0x3b4: {  	v0 =	vmov s14;
	[sflag:s30] =	ssyncset.done $0x0  }
0x3b5: {  	v52 =	vmov v1;
	v1 =	vor.u32 s14, v63;
	v51 =	vshll.u32 v0, $0x5;
	[sflag:s30] =	ssyncadd.s32 $0xFFFFF000  }
0x3b6: {  	v0 =	vor.u32 s14, v13;
	v53 =	vmov v3;
	v3 =	vor.u32 v58, v51;
	[tilespmem:s31], [sflag:$0x2] =	stream.indirect.gather [hbm4b:s6+s23], $0x20, s14, s23, $0xb8;
	[tilespmem:$0x1D840] =	vst v63  }
0x3b7: {  	v56 =	vor.u32 v2, v3;
	_ =	swait.ge [sflag:s10], $0x1000  }
0x3b8: {  	v3 =	vor.u32 v50, v3;
	[sflag:s10] =	ssyncset.done $0x0  }
0x3b9: {  	[sflag:s10] =	ssyncadd.s32 $0xFFFFF000  }
0x3ba: {  	v1 =	vld.idx.msk [tilespmem:v1+s24+$0x0], $0xffff  }
0x3bb: {  	v0 =	vld.idx.msk [tilespmem:v0+s24+$0x0], $0xffff  }
0x3bc: {  	v5 =	vld.idx.msk [tilespmem:v56+s31+$0x0], $0xffff  }
0x3bd: {  	v6 =	vld.idx.msk [tilespmem:v3+s31+$0x0], $0xffff;
	_ =	sdelay $0x1  }
0x3be: {  	v18 =	vmov v36;
	v36 =	vor.u32 v23, v51  }
0x3bf: {  	v14 =	vmovc v25;
	v25 =	vmovc v43;
	v11 =	vmov v32;
	v32 =	vmov v8;
	v8 =	vor.u32 v50, v36  }
0x3c0: {  	v19 =	vmov v38;
	v38 =	vor.u32 s14, v25;
	v0 =	vmul.f32 v5, v0  }
0x3c1: {  	v39 =	vor.u32 v2, v36;
	v1 =	vmul.f32 v6, v1  }
0x3c2: {  	v41 =	vor.u32 s14, v27;
	[tilespmem:v56+s31+$0x0] =	vst.idx.msk $0xffff, v0  }
0x3c3: {  	[tilespmem:v3+s31+$0x0] =	vst.idx.msk $0xffff, v1  }
0x3c4: {  	v0 =	vld.idx.msk [tilespmem:v8+s31+$0x0], $0xffff  }
0x3c5: {  	v1 =	vld.idx.msk [tilespmem:v38+s24+$0x0], $0xffff  }
0x3c6: {  	v3 =	vld.idx.msk [tilespmem:v39+s31+$0x0], $0xffff  }
0x3c7: {  	v59 =	vmov v31;
	v31 =	vmov v10;
	v10 =	vmov v4;
	v4 =	vld.idx.msk [tilespmem:v41+s24+$0x0], $0xffff;
	_ =	sdelay $0x2  }
0x3c8: {  	v54 =	vor.u32 s14, v55  }
0x3c9: {  	v55 =	vor.u32 s14, v26;
	v42 =	vor.u32 v14, v51;
	v1 =	vmul.f32 v3, v1  }
0x3ca: {  	v3 =	vor.u32 v2, v42;
	v0 =	vmul.f32 v0, v4  }
0x3cb: {  	v5 =	vor.u32 v50, v42;
	[tilespmem:v39+s31+$0x0] =	vst.idx.msk $0xffff, v1  }
0x3cc: {  	[tilespmem:v8+s31+$0x0] =	vst.idx.msk $0xffff, v0  }
0x3cd: {  	v0 =	vld.idx.msk [tilespmem:v54+s24+$0x0], $0xffff  }
0x3ce: {  	v4 =	vld.idx.msk [tilespmem:v55+s24+$0x0], $0xffff  }
0x3cf: {  	v1 =	vld.idx.msk [tilespmem:v3+s31+$0x0], $0xffff  }
0x3d0: {  	v6 =	vld.idx.msk [tilespmem:v5+s31+$0x0], $0xffff;
	_ =	sdelay $0x1  }
0x3d1: {  	v56 =	vor.u32 v53, v51  }
0x3d2: {  	v8 =	vor.u32 v50, v56  }
0x3d3: {  	v43 =	vmov v35;
	v35 =	vor.u32 v2, v56;
	v1 =	vmul.f32 v1, v4  }
0x3d4: {  	v39 =	vor.u32 s14, v28;
	v0 =	vmul.f32 v6, v0  }
0x3d5: {  	[tilespmem:v3+s31+$0x0] =	vst.idx.msk $0xffff, v1;
	v1 =	vor.u32 s14, v29  }
0x3d6: {  	[tilespmem:v5+s31+$0x0] =	vst.idx.msk $0xffff, v0  }
0x3d7: {  	v0 =	vld.idx.msk [tilespmem:v8+s31+$0x0], $0xffff  }
0x3d8: {  	v3 =	vld.idx.msk [tilespmem:v35+s31+$0x0], $0xffff  }
0x3d9: {  	v5 =	vld.idx.msk [tilespmem:v39+s24+$0x0], $0xffff  }
0x3da: {  	v1 =	vld.idx.msk [tilespmem:v1+s24+$0x0], $0xffff;
	_ =	sdelay $0x2  }
0x3db: {  	v41 =	vor.u32 v52, v51;
	v42 =	vor.u32 s14, v59  }
0x3dc: {  	v27 =	vmov v52;
	v52 =	vor.u32 v2, v41;
	v3 =	vmul.f32 v3, v5  }
0x3dd: {  	v0 =	vmul.f32 v0, v1;
	v1 =	vor.u32 s14, v16  }
0x3de: {  	[tilespmem:v35+s31+$0x0] =	vst.idx.msk $0xffff, v3;
	v3 =	vor.u32 v50, v41  }
0x3df: {  	v53 =	vld [tilespmem:$0x1FD90];
	[tilespmem:v8+s31+$0x0] =	vst.idx.msk $0xffff, v0  }
0x3e0: {  	v0 =	vld.idx.msk [tilespmem:v42+s24+$0x0], $0xffff  }
0x3e1: {  	v4 =	vld.idx.msk [tilespmem:v52+s31+$0x0], $0xffff  }
0x3e2: {  	v1 =	vld.idx.msk [tilespmem:v1+s24+$0x0], $0xffff  }
0x3e3: {  	v6 =	vld.idx.msk [tilespmem:v3+s31+$0x0], $0xffff;
	_ =	sdelay $0x1  }
0x3e4: {  	v57 =	vmov v22  }
0x3e5: {  	v22 =	vmovc v24;
	v24 =	vmovc v21;
	v21 =	vmov v7;
	v7 =	vor.u32 v53, v51;
	v8 =	vor.u32 s14, v33  }
0x3e6: {  	v54 =	vor.u32 v2, v7;
	v1 =	vmul.f32 v4, v1  }
0x3e7: {  	v55 =	vor.u32 s14, v11;
	v0 =	vmul.f32 v6, v0  }
0x3e8: {  	[tilespmem:v52+s31+$0x0] =	vst.idx.msk $0xffff, v1;
	v1 =	vor.u32 v50, v7  }
0x3e9: {  	[tilespmem:v3+s31+$0x0] =	vst.idx.msk $0xffff, v0  }
0x3ea: {  	v0 =	vld.idx.msk [tilespmem:v8+s24+$0x0], $0xffff  }
0x3eb: {  	v3 =	vld.idx.msk [tilespmem:v54+s31+$0x0], $0xffff  }
0x3ec: {  	v5 =	vld.idx.msk [tilespmem:v55+s24+$0x0], $0xffff  }
0x3ed: {  	v56 =	vld.idx.msk [tilespmem:v1+s31+$0x0], $0xffff;
	_ =	sdelay $0x2  }
0x3ee: {  	v28 =	vmov v33;
	v33 =	vor.u32 v24, v51;
	v8 =	vor.u32 s14, v17  }
0x3ef: {  	v35 =	vor.u32 v2, v33;
	v3 =	vmul.f32 v3, v5  }
0x3f0: {  	v52 =	vor.u32 s14, v30;
	v0 =	vmul.f32 v56, v0  }
0x3f1: {  	[tilespmem:v54+s31+$0x0] =	vst.idx.msk $0xffff, v3;
	v3 =	vor.u32 v50, v33  }
0x3f2: {  	[tilespmem:v1+s31+$0x0] =	vst.idx.msk $0xffff, v0  }
0x3f3: {  	v0 =	vld.idx.msk [tilespmem:v8+s24+$0x0], $0xffff  }
0x3f4: {  	v1 =	vld.idx.msk [tilespmem:v35+s31+$0x0], $0xffff  }
0x3f5: {  	v4 =	vld.idx.msk [tilespmem:v52+s24+$0x0], $0xffff  }
0x3f6: {  	v36 =	vmov v59;
	v59 =	vmov v34;
	v34 =	vmov v53;
	v53 =	vld.idx.msk [tilespmem:v3+s31+$0x0], $0xffff;
	_ =	sdelay $0x1  }
0x3f7: {  	v54 =	vor.u32 v22, v51  }
0x3f8: {  	v8 =	vor.u32 v50, v54  }
0x3f9: {  	v55 =	vor.u32 v2, v54;
	v1 =	vmul.f32 v1, v4  }
0x3fa: {  	v56 =	vor.u32 s14, v18;
	v0 =	vmul.f32 v53, v0  }
0x3fb: {  	[tilespmem:v35+s31+$0x0] =	vst.idx.msk $0xffff, v1;
	v1 =	vor.u32 s14, v43  }
0x3fc: {  	[tilespmem:v3+s31+$0x0] =	vst.idx.msk $0xffff, v0  }
0x3fd: {  	v0 =	vld.idx.msk [tilespmem:v8+s31+$0x0], $0xffff  }
0x3fe: {  	v3 =	vld.idx.msk [tilespmem:v55+s31+$0x0], $0xffff  }
0x3ff: {  	v5 =	vld.idx.msk [tilespmem:v56+s24+$0x0], $0xffff  }
0x400: {  	v1 =	vld.idx.msk [tilespmem:v1+s24+$0x0], $0xffff;
	_ =	sdelay $0x2  }
0x401: {  	v33 =	vor.u32 v59, v51;
	v35 =	vor.u32 s14, v15  }
0x402: {  	v52 =	vor.u32 v2, v33;
	v3 =	vmul.f32 v3, v5  }
0x403: {  	v0 =	vmul.f32 v0, v1;
	v1 =	vor.u32 s14, v19  }
0x404: {  	[tilespmem:v55+s31+$0x0] =	vst.idx.msk $0xffff, v3;
	v3 =	vor.u32 v50, v33  }
0x405: {  	v38 =	vmov v11;
	v11 =	vld [tilespmem:$0x1FD80];
	[tilespmem:v8+s31+$0x0] =	vst.idx.msk $0xffff, v0  }
0x406: {  	v0 =	vld.idx.msk [tilespmem:v35+s24+$0x0], $0xffff  }
0x407: {  	v4 =	vld.idx.msk [tilespmem:v52+s31+$0x0], $0xffff  }
0x408: {  	v1 =	vld.idx.msk [tilespmem:v1+s24+$0x0], $0xffff  }
0x409: {  	v6 =	vld.idx.msk [tilespmem:v3+s31+$0x0], $0xffff;
	_ =	sdelay $0x2  }
0x40a: {  	v53 =	vor.u32 v11, v51;
	v8 =	vor.u32 s14, v37  }
0x40b: {  	v54 =	vor.u32 v2, v53;
	v1 =	vmul.f32 v4, v1  }
0x40c: {  	v55 =	vor.u32 s14, v40;
	v0 =	vmul.f32 v6, v0  }
0x40d: {  	[tilespmem:v52+s31+$0x0] =	vst.idx.msk $0xffff, v1;
	v1 =	vor.u32 v50, v53  }
0x40e: {  	[tilespmem:v3+s31+$0x0] =	vst.idx.msk $0xffff, v0  }
0x40f: {  	v0 =	vld.idx.msk [tilespmem:v8+s24+$0x0], $0xffff  }
0x410: {  	v3 =	vld.idx.msk [tilespmem:v54+s31+$0x0], $0xffff  }
0x411: {  	v5 =	vld.idx.msk [tilespmem:v55+s24+$0x0], $0xffff  }
0x412: {  	v56 =	vld.idx.msk [tilespmem:v1+s31+$0x0], $0xffff;
	_ =	sdelay $0x2  }
0x413: {  	v25 =	vmovc v24;
	v24 =	vmovc v22;
	v22 =	vmov v57;
	v57 =	vor.u32 v57, v51;
	v8 =	vor.u32 s14, v21  }
0x414: {  	v59 =	vor.u32 v2, v57;
	v3 =	vmul.f32 v3, v5  }
0x415: {  	v33 =	vor.u32 s14, v62;
	v0 =	vmul.f32 v56, v0  }
0x416: {  	v52 =	vld [tilespmem:$0x1FFD0];
	[tilespmem:v54+s31+$0x0] =	vst.idx.msk $0xffff, v3;
	v3 =	vor.u32 v50, v57  }
0x417: {  	v54 =	vld [tilespmem:$0x1FF80];
	[tilespmem:v1+s31+$0x0] =	vst.idx.msk $0xffff, v0  }
0x418: {  	v0 =	vld.idx.msk [tilespmem:v8+s24+$0x0], $0xffff  }
0x419: {  	v1 =	vld.idx.msk [tilespmem:v59+s31+$0x0], $0xffff  }
0x41a: {  	v4 =	vld.idx.msk [tilespmem:v33+s24+$0x0], $0xffff  }
0x41b: {  	v35 =	vld.idx.msk [tilespmem:v3+s31+$0x0], $0xffff;
	_ =	sdelay $0x1  }
0x41c: {  	v7 =	vor.u32 v52, v51  }
0x41d: {  	v8 =	vor.u32 v50, v7  }
0x41e: {  	v53 =	vor.u32 v2, v7;
	v1 =	vmul.f32 v1, v4  }
0x41f: {  	v6 =	vor.u32 s14, v54;
	v0 =	vmul.f32 v35, v0  }
0x420: {  	[tilespmem:v59+s31+$0x0] =	vst.idx.msk $0xffff, v1;
	v1 =	vor.u32 s14, v9  }
0x421: {  	v55 =	vld [tilespmem:$0x1FFC0];
	[tilespmem:v3+s31+$0x0] =	vst.idx.msk $0xffff, v0  }
0x422: {  	v0 =	vld.idx.msk [tilespmem:v8+s31+$0x0], $0xffff  }
0x423: {  	v3 =	vld.idx.msk [tilespmem:v53+s31+$0x0], $0xffff  }
0x424: {  	v5 =	vld.idx.msk [tilespmem:v6+s24+$0x0], $0xffff  }
0x425: {  	v1 =	vld.idx.msk [tilespmem:v1+s24+$0x0], $0xffff;
	_ =	sdelay $0x2  }
0x426: {  	v56 =	vor.u32 s14, v10;
	v6 =	vor.u32 v55, v51  }
0x427: {  	v57 =	vor.u32 v2, v6;
	v3 =	vmul.f32 v3, v5  }
0x428: {  	v0 =	vmul.f32 v0, v1;
	v1 =	vor.u32 s14, v31  }
0x429: {  	[tilespmem:v53+s31+$0x0] =	vst.idx.msk $0xffff, v3;
	v3 =	vor.u32 v50, v6  }
0x42a: {  	[tilespmem:v8+s31+$0x0] =	vst.idx.msk $0xffff, v0  }
0x42b: {  	v0 =	vld.idx.msk [tilespmem:v56+s24+$0x0], $0xffff  }
0x42c: {  	v4 =	vld.idx.msk [tilespmem:v57+s31+$0x0], $0xffff  }
0x42d: {  	v1 =	vld.idx.msk [tilespmem:v1+s24+$0x0], $0xffff  }
0x42e: {  	v6 =	vld.idx.msk [tilespmem:v3+s31+$0x0], $0xffff;
	_ =	sdelay $0x3  }
0x42f: {  	v1 =	vmul.f32 v4, v1  }
0x430: {  	v59 =	vld [tilespmem:$0x1FFB0];
	v0 =	vmul.f32 v6, v0  }
0x431: {  	v26 =	vmov v62;
	v62 =	vld [tilespmem:$0x1FF40];
	[tilespmem:v57+s31+$0x0] =	vst.idx.msk $0xffff, v1  }
0x432: {  	[tilespmem:v3+s31+$0x0] =	vst.idx.msk $0xffff, v0;
	v0 =	vld [tilespmem:$0x1FEA0];
	_ =	sdelay $0x2  }
0x433: {  	v7 =	vor.u32 v59, v51;
	v8 =	vor.u32 s14, v32  }
0x434: {  	v29 =	vmov v21;
	v14 =	vmov v54;
	v54 =	vor.u32 v2, v7  }
0x435: {  	v42 =	vmovc v18;
	v21 =	vmovc v52;
	v4 =	vor.u32 s14, v62;
	v18 =	vmov v0;
	v52 =	vor.u32 v0, v51;
	v0 =	vld [tilespmem:$0x1FE90];
	_ =	sdelay $0x1  }
0x436: {  	v39 =	vmov v30;
	v30 =	vmov v9;
	v9 =	vld [tilespmem:$0x1FDD0]  }
0x437: {  	v12 =	vmov v43;
	v20 =	vmov v55;
	v55 =	vld.idx.msk [tilespmem:v8+s24+$0x0], $0xffff  }
0x438: {  	v41 =	vmovc v17;
	v43 =	vmovc v19;
	v33 =	vmov v31;
	v35 =	vmov v10;
	v53 =	vor.u32 v50, v7;
	v56 =	vld.idx.msk [tilespmem:v54+s31+$0x0], $0xffff  }
0x439: {  	s15 =	simm.s32 $0x10;
	v19 =	vmovc v59;
	v31 =	vmovc v32;
	v32 =	vmov v62;
	v57 =	vld.idx.msk [tilespmem:v4+s24+$0x0], $0xffff;
	v17 =	vmov v0;
	v51 =	vor.u32 v0, v51  }
.LBB2_13:
0x43a: {  	_ =	sdelay $0x3  }
0x43b: {  	v0 =	vld.idx.msk [tilespmem:v53+s31+$0x0], $0xffff;
	_ =	sdelay $0x2  }
0x43c: {  	v1 =	vor.u32 s14, v44  }
0x43d: {  	v4 =	vor.u32 v2, v52;
	v3 =	vmul.f32 v56, v57  }
0x43e: {  	v5 =	vor.u32 s14, v9;
	v0 =	vmul.f32 v0, v55  }
0x43f: {  	[tilespmem:v54+s31+$0x0] =	vst.idx.msk $0xffff, v3;
	v3 =	vor.u32 v50, v52  }
0x440: {  	[tilespmem:v53+s31+$0x0] =	vst.idx.msk $0xffff, v0  }
0x441: {  	v0 =	vld.idx.msk [tilespmem:v1+s24+$0x0], $0xffff  }
0x442: {  	v1 =	vld.idx.msk [tilespmem:v4+s31+$0x0], $0xffff  }
0x443: {  	v5 =	vld.idx.msk [tilespmem:v5+s24+$0x0], $0xffff  }
0x444: {  	v6 =	vld.idx.msk [tilespmem:v3+s31+$0x0], $0xffff;
	_ =	sdelay $0x2  }
0x445: {  	v7 =	vor.u32 v50, v51  }
0x446: {  	v1 =	vmul.f32 v1, v5;
	v5 =	vor.u32 v2, v51  }
0x447: {  	v8 =	vor.u32 s14, v61;
	v0 =	vmul.f32 v6, v0  }
0x448: {  	v56 =	vor.u32 s14, v60;
	[tilespmem:v4+s31+$0x0] =	vst.idx.msk $0xffff, v1  }
0x449: {  	[tilespmem:v3+s31+$0x0] =	vst.idx.msk $0xffff, v0  }
0x44a: {  	v0 =	vld.idx.msk [tilespmem:v7+s31+$0x0], $0xffff  }
0x44b: {  	v1 =	vld.idx.msk [tilespmem:v5+s31+$0x0], $0xffff  }
0x44c: {  	v3 =	vld.idx.msk [tilespmem:v8+s24+$0x0], $0xffff  }
0x44d: {  	v4 =	vld.idx.msk [tilespmem:v56+s24+$0x0], $0xffff  }
0x44e: {  	s4 =	smov.u32 s15  }
0x44f: {  	s14 =	smov.u32 s4  }
0x450: {  	v60 =	vld [tilespmem:$0x1FEF0];
	v57 =	vmov s14  }
0x451: {  	v59 =	vmov v9;
	v61 =	vld [tilespmem:$0x1FE70];
	v9 =	vor.u32 s14, v63;
	v6 =	vshll.u32 v57, $0x5  }
0x452: {  	v0 =	vmul.f32 v0, v3;
	v3 =	vor.u32 v58, v6;
	v1 =	vmul.f32 v1, v4  }
0x453: {  	v4 =	vor.u32 v2, v3  }
0x454: {  	v8 =	vor.u32 s14, v13;
	[tilespmem:v5+s31+$0x0] =	vst.idx.msk $0xffff, v1;
	v1 =	vld [tilespmem:$0x1FE50]  }
0x455: {  	v10 =	vor.u32 v23, v6;
	v44 =	vor.u32 v60, v6;
	v3 =	vor.u32 v50, v3  }
0x456: {  	v62 =	vor.u32 v61, v6;
	v63 =	vor.u32 v27, v6;
	[tilespmem:v7+s31+$0x0] =	vst.idx.msk $0xffff, v0  }
0x457: {  	v61 =	vor.u32 v34, v6;
	v60 =	vor.u32 v25, v6;
	v57 =	vor.u32 v11, v6;
	v0 =	vld.idx.msk [tilespmem:v9+s24+$0x0], $0xffff  }
0x458: {  	v55 =	vor.u32 v21, v6;
	v54 =	vor.u32 v20, v6;
	v53 =	vor.u32 v19, v6;
	v5 =	vld.idx.msk [tilespmem:v4+s31+$0x0], $0xffff  }
0x459: {  	v52 =	vor.u32 v18, v6;
	v51 =	vor.u32 v17, v6;
	v58 =	vor.u32 v1, v6;
	v1 =	vld.idx.msk [tilespmem:v8+s24+$0x0], $0xffff  }
0x45a: {  	v56 =	vor.u32 v22, v6;
	v9 =	vmov v59;
	v59 =	vor.u32 v24, v6;
	v6 =	vld.idx.msk [tilespmem:v3+s31+$0x0], $0xffff;
	_ =	sdelay $0x3  }
0x45b: {  	v1 =	vmul.f32 v5, v1;
	v5 =	vld [tilespmem:$0x1FED0]  }
0x45c: {  	v0 =	vmul.f32 v6, v0;
	v6 =	vld [tilespmem:$0x1FEC0];
	_ =	sdelay $0x1  }
0x45d: {  	v7 =	vor.u32 v50, v10  }
0x45e: {  	v8 =	vor.u32 v2, v10  }
0x45f: {  	v5 =	vor.u32 s14, v5  }
0x460: {  	[tilespmem:v4+s31+$0x0] =	vst.idx.msk $0xffff, v1;
	v6 =	vor.u32 s14, v6  }
0x461: {  	[tilespmem:v3+s31+$0x0] =	vst.idx.msk $0xffff, v0  }
0x462: {  	v0 =	vld.idx.msk [tilespmem:v7+s31+$0x0], $0xffff  }
0x463: {  	v4 =	vld.idx.msk [tilespmem:v8+s31+$0x0], $0xffff  }
0x464: {  	v1 =	vld.idx.msk [tilespmem:v5+s24+$0x0], $0xffff  }
0x465: {  	v3 =	vld.idx.msk [tilespmem:v6+s24+$0x0], $0xffff;
	_ =	sdelay $0x4  }
0x466: {  	v0 =	vmul.f32 v0, v1;
	v1 =	vld [tilespmem:$0x1FEE0];
	v3 =	vmul.f32 v4, v3;
	_ =	sdelay $0x1  }
0x467: {  	[tilespmem:v8+s31+$0x0] =	vst.idx.msk $0xffff, v3;
	v3 =	vld [tilespmem:$0x1FF00];
	_ =	sdelay $0x2  }
0x468: {  	v1 =	vor.u32 s14, v1  }
0x469: {  	v4 =	vor.u32 v2, v44  }
0x46a: {  	v3 =	vor.u32 s14, v3  }
0x46b: {  	v5 =	vor.u32 v50, v44  }
0x46c: {  	[tilespmem:v7+s31+$0x0] =	vst.idx.msk $0xffff, v0  }
0x46d: {  	v0 =	vld.idx.msk [tilespmem:v1+s24+$0x0], $0xffff  }
0x46e: {  	v1 =	vld.idx.msk [tilespmem:v4+s31+$0x0], $0xffff  }
0x46f: {  	v3 =	vld.idx.msk [tilespmem:v3+s24+$0x0], $0xffff  }
0x470: {  	v6 =	vld.idx.msk [tilespmem:v5+s31+$0x0], $0xffff;
	_ =	sdelay $0x3  }
0x471: {  	v1 =	vmul.f32 v1, v3  }
0x472: {  	v0 =	vmul.f32 v6, v0;
	v6 =	vor.u32 v50, v62;
	v3 =	vor.u32 v2, v62;
	v62 =	vld [tilespmem:$0x1FF10]  }
0x473: {  	[tilespmem:v4+s31+$0x0] =	vst.idx.msk $0xffff, v1;
	v1 =	vld [tilespmem:$0x1FF20];
	_ =	sdelay $0x3  }
0x474: {  	v7 =	vor.u32 s14, v62  }
0x475: {  	v1 =	vor.u32 s14, v1  }
0x476: {  	[tilespmem:v5+s31+$0x0] =	vst.idx.msk $0xffff, v0  }
0x477: {  	v0 =	vld.idx.msk [tilespmem:v6+s31+$0x0], $0xffff  }
0x478: {  	v4 =	vld.idx.msk [tilespmem:v3+s31+$0x0], $0xffff  }
0x479: {  	v5 =	vld.idx.msk [tilespmem:v7+s24+$0x0], $0xffff  }
0x47a: {  	v1 =	vld.idx.msk [tilespmem:v1+s24+$0x0], $0xffff;
	_ =	sdelay $0x2  }
0x47b: {  	v7 =	vor.u32 s14, v36  }
0x47c: {  	v4 =	vmul.f32 v4, v5;
	v5 =	vor.u32 v2, v63  }
0x47d: {  	v0 =	vmul.f32 v0, v1;
	v1 =	vor.u32 s14, v16  }
0x47e: {  	[tilespmem:v3+s31+$0x0] =	vst.idx.msk $0xffff, v4;
	v3 =	vor.u32 v50, v63  }
0x47f: {  	[tilespmem:v6+s31+$0x0] =	vst.idx.msk $0xffff, v0  }
0x480: {  	v0 =	vld.idx.msk [tilespmem:v7+s24+$0x0], $0xffff  }
0x481: {  	v4 =	vld.idx.msk [tilespmem:v5+s31+$0x0], $0xffff  }
0x482: {  	v1 =	vld.idx.msk [tilespmem:v1+s24+$0x0], $0xffff  }
0x483: {  	v6 =	vld.idx.msk [tilespmem:v3+s31+$0x0], $0xffff;
	_ =	sdelay $0x2  }
0x484: {  	v7 =	vor.u32 s14, v28  }
0x485: {  	v1 =	vmul.f32 v4, v1;
	v4 =	vor.u32 v2, v61  }
0x486: {  	v0 =	vmul.f32 v6, v0;
	v6 =	vor.u32 s14, v38  }
0x487: {  	[tilespmem:v5+s31+$0x0] =	vst.idx.msk $0xffff, v1;
	v1 =	vor.u32 v50, v61  }
0x488: {  	[tilespmem:v3+s31+$0x0] =	vst.idx.msk $0xffff, v0  }
0x489: {  	v0 =	vld.idx.msk [tilespmem:v7+s24+$0x0], $0xffff  }
0x48a: {  	v3 =	vld.idx.msk [tilespmem:v4+s31+$0x0], $0xffff  }
0x48b: {  	v5 =	vld.idx.msk [tilespmem:v6+s24+$0x0], $0xffff  }
0x48c: {  	v62 =	vld.idx.msk [tilespmem:v1+s31+$0x0], $0xffff;
	_ =	sdelay $0x2  }
0x48d: {  	v7 =	vor.u32 s14, v41  }
0x48e: {  	v3 =	vmul.f32 v3, v5;
	v5 =	vor.u32 v2, v60  }
0x48f: {  	v6 =	vor.u32 s14, v39;
	v0 =	vmul.f32 v62, v0  }
0x490: {  	[tilespmem:v4+s31+$0x0] =	vst.idx.msk $0xffff, v3;
	v3 =	vor.u32 v50, v60  }
0x491: {  	[tilespmem:v1+s31+$0x0] =	vst.idx.msk $0xffff, v0  }
0x492: {  	v0 =	vld.idx.msk [tilespmem:v7+s24+$0x0], $0xffff  }
0x493: {  	v1 =	vld.idx.msk [tilespmem:v5+s31+$0x0], $0xffff  }
0x494: {  	v4 =	vld.idx.msk [tilespmem:v6+s24+$0x0], $0xffff  }
0x495: {  	v62 =	vld.idx.msk [tilespmem:v3+s31+$0x0], $0xffff;
	_ =	sdelay $0x2  }
0x496: {  	v7 =	vor.u32 v50, v59  }
0x497: {  	v1 =	vmul.f32 v1, v4;
	v4 =	vor.u32 v2, v59  }
0x498: {  	v59 =	vor.u32 s14, v42;
	v0 =	vmul.f32 v62, v0  }
0x499: {  	[tilespmem:v5+s31+$0x0] =	vst.idx.msk $0xffff, v1;
	v1 =	vor.u32 s14, v12  }
0x49a: {  	[tilespmem:v3+s31+$0x0] =	vst.idx.msk $0xffff, v0  }
0x49b: {  	v0 =	vld.idx.msk [tilespmem:v7+s31+$0x0], $0xffff  }
0x49c: {  	v3 =	vld.idx.msk [tilespmem:v4+s31+$0x0], $0xffff  }
0x49d: {  	v5 =	vld.idx.msk [tilespmem:v59+s24+$0x0], $0xffff  }
0x49e: {  	v1 =	vld.idx.msk [tilespmem:v1+s24+$0x0], $0xffff;
	_ =	sdelay $0x2  }
0x49f: {  	v62 =	vor.u32 s14, v15  }
0x4a0: {  	v3 =	vmul.f32 v3, v5;
	v5 =	vor.u32 v2, v58  }
0x4a1: {  	v0 =	vmul.f32 v0, v1;
	v1 =	vor.u32 s14, v43  }
0x4a2: {  	[tilespmem:v4+s31+$0x0] =	vst.idx.msk $0xffff, v3;
	v3 =	vor.u32 v50, v58  }
0x4a3: {  	[tilespmem:v7+s31+$0x0] =	vst.idx.msk $0xffff, v0  }
0x4a4: {  	v0 =	vld.idx.msk [tilespmem:v62+s24+$0x0], $0xffff  }
0x4a5: {  	v4 =	vld.idx.msk [tilespmem:v5+s31+$0x0], $0xffff  }
0x4a6: {  	v1 =	vld.idx.msk [tilespmem:v1+s24+$0x0], $0xffff  }
0x4a7: {  	v62 =	vld.idx.msk [tilespmem:v3+s31+$0x0], $0xffff;
	_ =	sdelay $0x2  }
0x4a8: {  	v59 =	vor.u32 s14, v37  }
0x4a9: {  	v1 =	vmul.f32 v4, v1;
	v4 =	vor.u32 v2, v57  }
0x4aa: {  	v0 =	vmul.f32 v62, v0;
	v62 =	vor.u32 s14, v40  }
0x4ab: {  	[tilespmem:v5+s31+$0x0] =	vst.idx.msk $0xffff, v1;
	v1 =	vor.u32 v50, v57  }
0x4ac: {  	[tilespmem:v3+s31+$0x0] =	vst.idx.msk $0xffff, v0  }
0x4ad: {  	v0 =	vld.idx.msk [tilespmem:v59+s24+$0x0], $0xffff  }
0x4ae: {  	v3 =	vld.idx.msk [tilespmem:v4+s31+$0x0], $0xffff  }
0x4af: {  	v5 =	vld.idx.msk [tilespmem:v62+s24+$0x0], $0xffff  }
0x4b0: {  	v57 =	vld.idx.msk [tilespmem:v1+s31+$0x0], $0xffff;
	_ =	sdelay $0x2  }
0x4b1: {  	v59 =	vor.u32 s14, v29  }
0x4b2: {  	v3 =	vmul.f32 v3, v5;
	v5 =	vor.u32 v2, v56  }
0x4b3: {  	v62 =	vor.u32 s14, v26;
	v0 =	vmul.f32 v57, v0  }
0x4b4: {  	[tilespmem:v4+s31+$0x0] =	vst.idx.msk $0xffff, v3;
	v3 =	vor.u32 v50, v56  }
0x4b5: {  	[tilespmem:v1+s31+$0x0] =	vst.idx.msk $0xffff, v0  }
0x4b6: {  	v0 =	vld.idx.msk [tilespmem:v59+s24+$0x0], $0xffff  }
0x4b7: {  	v1 =	vld.idx.msk [tilespmem:v5+s31+$0x0], $0xffff  }
0x4b8: {  	v4 =	vld.idx.msk [tilespmem:v62+s24+$0x0], $0xffff  }
0x4b9: {  	v57 =	vld.idx.msk [tilespmem:v3+s31+$0x0], $0xffff;
	_ =	sdelay $0x2  }
0x4ba: {  	v59 =	vor.u32 v50, v55  }
0x4bb: {  	v62 =	vor.u32 v2, v55;
	v1 =	vmul.f32 v1, v4  }
0x4bc: {  	v55 =	vor.u32 s14, v14;
	v0 =	vmul.f32 v57, v0  }
0x4bd: {  	[tilespmem:v5+s31+$0x0] =	vst.idx.msk $0xffff, v1;
	v1 =	vor.u32 s14, v30  }
0x4be: {  	[tilespmem:v3+s31+$0x0] =	vst.idx.msk $0xffff, v0  }
0x4bf: {  	v0 =	vld.idx.msk [tilespmem:v59+s31+$0x0], $0xffff  }
0x4c0: {  	v3 =	vld.idx.msk [tilespmem:v62+s31+$0x0], $0xffff  }
0x4c1: {  	v5 =	vld.idx.msk [tilespmem:v55+s24+$0x0], $0xffff  }
0x4c2: {  	v1 =	vld.idx.msk [tilespmem:v1+s24+$0x0], $0xffff;
	_ =	sdelay $0x2  }
0x4c3: {  	v56 =	vor.u32 s14, v35  }
0x4c4: {  	v3 =	vmul.f32 v3, v5;
	v5 =	vor.u32 v2, v54  }
0x4c5: {  	v0 =	vmul.f32 v0, v1;
	v1 =	vor.u32 s14, v33  }
0x4c6: {  	[tilespmem:v62+s31+$0x0] =	vst.idx.msk $0xffff, v3;
	v3 =	vor.u32 v50, v54  }
0x4c7: {  	[tilespmem:v59+s31+$0x0] =	vst.idx.msk $0xffff, v0  }
0x4c8: {  	v0 =	vld.idx.msk [tilespmem:v56+s24+$0x0], $0xffff  }
0x4c9: {  	v4 =	vld.idx.msk [tilespmem:v5+s31+$0x0], $0xffff  }
0x4ca: {  	v1 =	vld.idx.msk [tilespmem:v1+s24+$0x0], $0xffff  }
0x4cb: {  	v57 =	vld.idx.msk [tilespmem:v3+s31+$0x0], $0xffff;
	_ =	sdelay $0x2  }
0x4cc: {  	v59 =	vor.u32 s14, v31  }
0x4cd: {  	v54 =	vor.u32 v2, v53;
	v1 =	vmul.f32 v4, v1  }
0x4ce: {  	p1 =	sne.s32 s15, $0x70;
	v62 =	vor.u32 s14, v32;
	v0 =	vmul.f32 v57, v0  }
.Ltmp8:
0x4cf: {  	[tilespmem:v5+s31+$0x0] =	vst.idx.msk $0xffff, v1;
	(pc) =	sbr.rel @p1 .LBB2_13-.Ltmp8, $4  }
0x4d0: {  	[tilespmem:v3+s31+$0x0] =	vst.idx.msk $0xffff, v0  }
0x4d1: {  	v55 =	vld.idx.msk [tilespmem:v59+s24+$0x0], $0xffff  }
0x4d2: {  	v44 =	vmov v49;
	v56 =	vld.idx.msk [tilespmem:v54+s31+$0x0], $0xffff  }
0x4d3: {  	s15 =	sadd.s32 $0x10, s15;
	v63 =	vmovc v46;
	v61 =	vmovc v47;
	v60 =	vmov v48;
	v58 =	vmov v45;
	v53 =	vor.u32 v50, v53;
	v57 =	vld.idx.msk [tilespmem:v62+s24+$0x0], $0xffff  }
0x4d4: {  	_ =	sdelay $0x3  }
0x4d5: {  	v0 =	vld.idx.msk [tilespmem:v53+s31+$0x0], $0xffff;
	_ =	sdelay $0x2  }
0x4d6: {  	v1 =	vor.u32 s14, v44  }
0x4d7: {  	v4 =	vor.u32 v2, v52;
	v3 =	vmul.f32 v56, v57  }
0x4d8: {  	v5 =	vor.u32 s14, v9;
	v0 =	vmul.f32 v0, v55  }
0x4d9: {  	[tilespmem:v54+s31+$0x0] =	vst.idx.msk $0xffff, v3;
	v3 =	vor.u32 v50, v52  }
0x4da: {  	[tilespmem:v53+s31+$0x0] =	vst.idx.msk $0xffff, v0  }
0x4db: {  	v0 =	vld.idx.msk [tilespmem:v1+s24+$0x0], $0xffff  }
0x4dc: {  	v1 =	vld.idx.msk [tilespmem:v4+s31+$0x0], $0xffff  }
0x4dd: {  	v5 =	vld.idx.msk [tilespmem:v5+s24+$0x0], $0xffff  }
0x4de: {  	v6 =	vld.idx.msk [tilespmem:v3+s31+$0x0], $0xffff;
	_ =	sdelay $0x2  }
0x4df: {  	v7 =	vor.u32 v50, v51  }
0x4e0: {  	v1 =	vmul.f32 v1, v5;
	v5 =	vor.u32 v2, v51  }
0x4e1: {  	v0 =	vmul.f32 v6, v0;
	v6 =	vor.u32 s14, v60  }
0x4e2: {  	v8 =	vor.u32 s14, v61;
	[tilespmem:v4+s31+$0x0] =	vst.idx.msk $0xffff, v1  }
0x4e3: {  	[tilespmem:v3+s31+$0x0] =	vst.idx.msk $0xffff, v0  }
0x4e4: {  	v0 =	vld.idx.msk [tilespmem:v7+s31+$0x0], $0xffff  }
0x4e5: {  	v1 =	vld.idx.msk [tilespmem:v5+s31+$0x0], $0xffff  }
0x4e6: {  	v3 =	vld.idx.msk [tilespmem:v6+s24+$0x0], $0xffff  }
0x4e7: {  	v4 =	vld.idx.msk [tilespmem:v8+s24+$0x0], $0xffff;
	_ =	sdelay $0x3  }
0x4e8: {  	v1 =	vmul.f32 v1, v3  }
0x4e9: {  	v0 =	vmul.f32 v0, v4  }
0x4ea: {  	[tilespmem:v5+s31+$0x0] =	vst.idx.msk $0xffff, v1  }
0x4eb: {  	[tilespmem:v7+s31+$0x0] =	vst.idx.msk $0xffff, v0  }
0x4ec: {  	[spmem:s2] =	stream.indirect.scatter.add.f32 [tilespmem:s31], [sflag:$0x7], $0x20, s23, s23, $0xb8;
	[tilespmem:$0x1D840] =	vst v63  }
0x4ed: {  	_ =	swait.ge [sflag:s22], $0x1000  }
0x4ee: {  	v4 =	vld [tilespmem:$0x1FEC0]  }
0x4ef: {  	v5 =	vld [tilespmem:$0x1FF00]  }
0x4f0: {  	v6 =	vld [tilespmem:$0x1FF10]  }
0x4f1: {  	v8 =	vld [tilespmem:$0x1FF20]  }
0x4f2: {  	v11 =	vmovc v18;
	v18 =	vmov v21;
	v21 =	vmov v25;
	v45 =	vmov v36  }
.Ltmp9:
0x4f3: {  	v59 =	vmovc v43;
	v62 =	vmovc v26;
	v9 =	vmov v30;
	v30 =	vmov v39;
	v57 =	vmov v28;
	v34 =	vld [tilespmem:$0x1FE50];
	(pc) =	sbr.rel .LBB2_15-.Ltmp9, $4  }
0x4f4: {  	v10 =	vmovc v33;
	v36 =	vmovc v42;
	v33 =	vmov v57;
	v0 =	vmov v17;
	v17 =	vmov v41;
	v3 =	vld [tilespmem:$0x1FE70]  }
0x4f5: {  	v7 =	vmovc v29;
	v1 =	vmovc v27;
	v25 =	vld [tilespmem:$0x1FEF0];
	v28 =	vmov v6;
	v43 =	vmov v4;
	v26 =	vmov v5  }
0x4f6: {  	[sflag:s22] =	ssyncset.done $0x0;
	v27 =	vld [tilespmem:$0x1FED0];
	v29 =	vmovc v8;
	v5 =	vmovc v14;
	v14 =	vmov v0;
	v4 =	vmov v35;
	v35 =	vmov v12  }
0x4f7: {  	v55 =	vld [tilespmem:$0x1FEE0];
	[sflag:s22] =	ssyncadd.s32 $0xFFFFF000;
	v6 =	vmovc v32;
	v32 =	vmovc v38;
	v38 =	vmov v59;
	v8 =	vmov v31;
	v31 =	vmov v45  }
.LBB2_16:
0x4f8: {  	_ =	sfence.sel $0x180000  }
0x4f9: {  	[bflag:$0x0] =	sbarrier.arrive $0xFFFF  }
0x4fa: {  	_ =	strace $0x90000047  }
0x4fb: {  	s0 =	stileid.u32;
	[bflag:$0x2] =	sbarrier.arrive $0xFFFF  }
0x4fc: {  	p0 =	sne.s32 s0, $0x0;
	s0 =	rddreg [dreg:$0x3]  }
0x4fd: {  	s0 =	sadd.s32 @!p0 $0x100000, s0  }
0x4fe: {  	[sflag:s0] =	ssyncadd.tile.s32 @!p0 $0x1;
	_ =	shalt  }
.Lfunc_end2:
_tile_overlayer_lowered:
.L_overlay_start_2:
0x4ff: {  	(tag) =	ssettag $0x2  }
0x500: {  	s0 =	rddreg [dreg:$0x0];
	s2 =	stileid.u32  }
0x501: {  	s1 =	rddreg [dreg:$0x1];
	p0 =	sne.s32 s2, $0x0  }
0x502: {  	s3 =	rddreg [dreg:$0x2];
	[bflag:$0x3] =	sbarrier.arrive $0xFFFF;
	s2 =	simm.s32 @!p0 $0x1C07  }
0x503: {  	[timem:s3], [sflag:s2] =	dma.local @!p0 [hbm:s0], s1  }
0x504: {  	s0 =	simm.s32 @!p0 $0x7  }
0x505: {  	_ =	swait.ge @!p0 [sflag:s0], s1  }
0x506: {  	s1 =	ssub.s32 @!p0 $0x0, s1;
	[sflag:s0] =	ssyncset.done @!p0 $0x0  }
0x507: {  	[sflag:s0] =	ssyncadd.s32 @!p0 s1  }
0x508: {  	[bflag:$0x3] =	sbarrier.arrive $0xFFFF  }
0x509: {  	_ =	shalt  }

</sc_bundles>
